<compile_context>
chip_gen: v7x
topology: tpu7x:2x2x1
jax: 0.10.2.dev20260603
libtpu: 0.0.44.dev20260713+nightly
codegen_flags: <defaults>
</compile_context>

<pallas_src>
import functools

import jax
import jax.numpy as jnp
from jax import lax
from jax.experimental import pallas as pl
from jax.experimental.pallas import tpu as pltpu
from jax.experimental.pallas import tpu_sc as plsc

MAXLEN = 200
VOCAB = 100000
EMBED_DIM = 32
BATCH = 4096

_NC = 2
_NS = 16
_NW = _NC * _NS
_LANES = 16
_BTILE = 128
_NBT = BATCH // _BTILE
_DT = EMBED_DIM // 8
_VPB = _BTILE // _LANES

def _make_kernel():
    mesh = plsc.VectorSubcoreMesh(core_axis_name="c", subcore_axis_name="s")

    @functools.partial(
        pl.kernel,
        mesh=mesh,
        compiler_params=pltpu.CompilerParams(
            use_tc_tiling_on_sc=False, needs_layout_passes=False),
        out_type=jax.ShapeDtypeStruct((MAXLEN, _DT, _NBT, 8, _BTILE),
                                      jnp.float32),
        scratch_types=[
            pltpu.VMEM((VOCAB,), jnp.float32),
            pltpu.VMEM((BATCH,), jnp.int32),
            pltpu.VMEM((2, _NBT, _BTILE), jnp.float32),
            pltpu.VMEM((MAXLEN,), jnp.float32),
            pltpu.VMEM_SHARED((MAXLEN // 4, BATCH), jnp.int32),
            pltpu.SemaphoreType.DMA,
            pltpu.SemaphoreType.DMA,
        ],
    )
    def k(xT_hbm, tokT_hbm, posT_hbm, out_hbm,
          trow_v, xcol_v, slab_v, pos_v, xsh, sem0, sem1):
        wid = lax.axis_index("s") * _NC + lax.axis_index("c")
        tr = wid // 8
        fr = wid % 8
        sems = (sem0, sem1)

        pltpu.sync_copy(tokT_hbm.at[wid], trow_v)
        pltpu.sync_copy(posT_hbm.at[wid], pos_v)

        sid = lax.axis_index("s")
        half = MAXLEN // 4

        def do_seq(s, srow, par):
            pltpu.sync_copy(xsh.at[srow], xcol_v)
            pv = plsc.load_gather(pos_v, [jnp.full((_LANES,), s, jnp.int32)])
            buf = slab_v.at[par]

            @plsc.parallel_loop(0, _NBT, 1, unroll=4)
            def gather_body(j):
                for u in range(_VPB):
                    idx16 = xcol_v[pl.ds(j * _BTILE + u * _LANES, _LANES)]
                    vals = plsc.load_gather(trow_v, [idx16])
                    buf[j, pl.ds(u * _LANES, _LANES)] = vals + pv
            pltpu.async_copy(buf, out_hbm.at[s, tr, :, fr, :], sems[par])

        for phase in range(4):
            @pl.when(sid < 2)
            def _():
                st = sid * 4
                pltpu.sync_copy(xT_hbm.at[pl.ds(phase * half + st, 4)],
                                xsh.at[pl.ds(st, 4)])

            @pl.when(sid >= 2)
            def _():
                st = 8 + (sid - 2) * 3
                pltpu.sync_copy(xT_hbm.at[pl.ds(phase * half + st, 3)],
                                xsh.at[pl.ds(st, 3)])

            plsc.subcore_barrier()

            def seq_pair(kk, c):
                for par in range(2):
                    @pl.when((kk > 0) | (phase > 0))
                    def _():
                        pltpu.make_async_copy(
                            slab_v.at[par], out_hbm.at[0, tr, :, fr, :],
                            sems[par]).wait()

                    do_seq(phase * half + kk * 2 + par, kk * 2 + par, par)
                return c

            lax.fori_loop(0, half // 2, seq_pair, 0)
            plsc.subcore_barrier()

        for par in range(2):
            pltpu.make_async_copy(
                slab_v.at[par], out_hbm.at[0, tr, :, fr, :],
                sems[par]).wait()

    return k


_sc_kernel = _make_kernel()


def kernel(x, token_emb, pos_emb):
    xT = x.T.astype(jnp.int32)
    tokT = token_emb.T
    posT = pos_emb.T
    out5 = _sc_kernel(xT, tokT, posT)
    return (out5.transpose(2, 4, 0, 1, 3)
            .reshape(BATCH, MAXLEN, EMBED_DIM))

# --- scband reference (transcript-rebuilt; emitter-appended) ---
"""Pipeline reference for scband-token-and-position-embedding-28467043238387 (READ-ONLY COPY).

The authoritative reference and input builder live on the scoring server;
editing this copy changes nothing except your own understanding.
"""

import jax, jax.numpy as jnp
import numpy as np

MAXLEN = 200
VOCAB_SIZE = 100000
EMBED_DIM = 32
BATCH = 4096

def setup_inputs(seed: int = 0) -> dict:
    key = jax.random.key(seed)
    k_x, k_tok, k_pos = jax.random.split(key, 3)
    x = jax.random.randint(k_x, (BATCH, MAXLEN), 0, VOCAB_SIZE, dtype=jnp.int64 if jax.config.jax_enable_x64 else jnp.int32)
    token_emb = jax.random.normal(k_tok, (VOCAB_SIZE, EMBED_DIM), dtype=jnp.float32) * 0.05
    pos_emb = jax.random.normal(k_pos, (MAXLEN, EMBED_DIM), dtype=jnp.float32) * 0.05
    return {"x": x, "token_emb": token_emb, "pos_emb": pos_emb}

def reference(x, token_emb, pos_emb):
    seq_len = x.shape[-1]
    positions = jnp.arange(0, seq_len)
    pos = jnp.take(pos_emb, positions, axis=0)  # [seq_len, d]
    tok = jnp.take(token_emb, x, axis=0)        # [B, seq_len, d]
    return tok + pos[None, :, :]

if __name__ == "__main__":
    import jax
    _d = setup_inputs()
    print(jax.jit(kernel)(*tuple(_d.values())))

</pallas_src>

<mosaic_0001>
#map = affine_map<(d0, d1) -> (0, 0)>
#map1 = affine_map<(d0, d1) -> (0, 0, 0, 0, 0)>
module attributes {stable_mosaic.version = 14 : i64} {
  func.func @k(%arg0: i32, %arg1: i32, %arg2: memref<200x4096xi32, #tpu.memory_space<hbm>>, %arg3: memref<32x100000xf32, #tpu.memory_space<hbm>>, %arg4: memref<32x200xf32, #tpu.memory_space<hbm>>, %arg5: memref<200x4x32x8x128xf32, #tpu.memory_space<hbm>>, %arg6: memref<100000xf32, #tpu.memory_space<vmem>>, %arg7: memref<4096xi32, #tpu.memory_space<vmem>>, %arg8: memref<2x32x128xf32, #tpu.memory_space<vmem>>, %arg9: memref<200xf32, #tpu.memory_space<vmem>>, %arg10: memref<50x4096xi32, #tpu.memory_space<vmem_shared>>, %arg11: memref<!tpu.dma_semaphore, #tpu.memory_space<semaphore_mem>>, %arg12: memref<!tpu.dma_semaphore, #tpu.memory_space<semaphore_mem>>) attributes {dimension_semantics = [#tpu.dimension_semantics<core_parallel>, #tpu.dimension_semantics<subcore_parallel>], iteration_bounds = array<i64: 2, 16>, scalar_prefetch = 0 : i64, scratch_operands = 7 : i64, tpu.core_type = #tpu.core_type<sc_vector_subcore>, window_params = [{transform_indices = #map}, {transform_indices = #map}, {transform_indices = #map}, {transform_indices = #map1}]} {
    %mul3A = arith.constant 2 : i32
    %mul3A_0 = arith.muli %arg1, %mul3A : i32
    %add3A = arith.addi %mul3A_0, %arg0 : i32
    %jit3A = arith.constant 8 : i32
    %div3A = arith.divsi %add3A, %jit3A : i32
    %sign3A = arith.constant 0 : i32
    %sign3A_1 = arith.cmpi sgt, %add3A, %sign3A : i32
    %sign3A_2 = arith.extui %sign3A_1 : i1 to i32
    %sign3A_3 = arith.constant 0 : i32
    %sign3A_4 = arith.cmpi slt, %add3A, %sign3A_3 : i32
    %sign3A_5 = arith.extui %sign3A_4 : i1 to i32
    %sign3A_6 = arith.subi %sign3A_2, %sign3A_5 : i32
    %sign3A_7 = arith.constant 0 : i32
    %sign3A_8 = arith.cmpi sgt, %jit3A, %sign3A_7 : i32
    %sign3A_9 = arith.extui %sign3A_8 : i1 to i32
    %sign3A_10 = arith.constant 0 : i32
    %sign3A_11 = arith.cmpi slt, %jit3A, %sign3A_10 : i32
    %sign3A_12 = arith.extui %sign3A_11 : i1 to i32
    %sign3A_13 = arith.subi %sign3A_9, %sign3A_12 : i32
    %ne3A = arith.cmpi ne, %sign3A_6, %sign3A_13 : i32
    %rem3A = arith.remsi %add3A, %jit3A : i32
    %ne3A_14 = arith.constant 0 : i32
    %ne3A_15 = arith.cmpi ne, %rem3A, %ne3A_14 : i32
    %and3A = arith.andi %ne3A, %ne3A_15 : i1
    %sub3A = arith.constant 1 : i32
    %sub3A_16 = arith.subi %div3A, %sub3A : i32
    %select_n3A = arith.select %and3A, %sub3A_16, %div3A : i32
    %jit3A_17 = arith.constant 8 : i32
    %eq3A = arith.constant 0 : i32
    %eq3A_18 = arith.cmpi eq, %jit3A_17, %eq3A : i32
    %jit3A_19 = arith.constant 1 : i32
    %select_n3A_20 = arith.select %eq3A_18, %jit3A_19, %jit3A_17 : i32
    %rem3A_21 = arith.remsi %add3A, %select_n3A_20 : i32
    %ne3A_22 = arith.constant 0 : i32
    %ne3A_23 = arith.cmpi ne, %rem3A_21, %ne3A_22 : i32
    %lt3A = arith.constant 0 : i32
    %lt3A_24 = arith.cmpi slt, %rem3A_21, %lt3A : i32
    %lt3A_25 = arith.constant 0 : i32
    %lt3A_26 = arith.cmpi slt, %select_n3A_20, %lt3A_25 : i32
    %ne3A_27 = arith.xori %lt3A_24, %lt3A_26 : i1
    %and3A_28 = arith.andi %ne3A_27, %ne3A_23 : i1
    %add3A_29 = arith.addi %rem3A_21, %select_n3A_20 : i32
    %select_n3A_30 = arith.select %and3A_28, %add3A_29, %rem3A_21 : i32
    "tpu.region"() ({
      %run_scoped3A = tpu.sem_alloc : memref<!tpu.dma_semaphore, #tpu.memory_space<semaphore_mem>>
      %dma_start3A = arith.constant 0 : i32
      %dma_start3A_133 = tpu.memref_slice %arg3[%add3A, %dma_start3A] : memref<32x100000xf32, #tpu.memory_space<hbm>> -> memref<1x100000xf32, #tpu.memory_space<hbm>>
      %dma_start3A_134 = tpu.memref_squeeze %dma_start3A_133 : memref<1x100000xf32, #tpu.memory_space<hbm>> -> memref<100000xf32, #tpu.memory_space<hbm>>
      %dma_start3A_135 = arith.constant 0 : i32
      %dma_start3A_136 = tpu.memref_slice %arg3[%add3A, %dma_start3A_135] : memref<32x100000xf32, #tpu.memory_space<hbm>> -> memref<1x100000xf32, #tpu.memory_space<hbm>>
      %dma_start3A_137 = tpu.memref_squeeze %dma_start3A_136 : memref<1x100000xf32, #tpu.memory_space<hbm>> -> memref<100000xf32, #tpu.memory_space<hbm>>
      tpu.enqueue_dma source(%dma_start3A_137 : memref<100000xf32, #tpu.memory_space<hbm>>) target(%arg6 : memref<100000xf32, #tpu.memory_space<vmem>>) target_semaphore(%run_scoped3A : memref<!tpu.dma_semaphore, #tpu.memory_space<semaphore_mem>>)
      %dma_wait3A_138 = arith.constant 0 : i32
      %dma_wait3A_139 = tpu.memref_slice %arg3[%add3A, %dma_wait3A_138] : memref<32x100000xf32, #tpu.memory_space<hbm>> -> memref<1x100000xf32, #tpu.memory_space<hbm>>
      %dma_wait3A_140 = tpu.memref_squeeze %dma_wait3A_139 : memref<1x100000xf32, #tpu.memory_space<hbm>> -> memref<100000xf32, #tpu.memory_space<hbm>>
      %dma_wait3A_141 = arith.constant 0 : i32
      %dma_wait3A_142 = tpu.memref_slice %arg3[%add3A, %dma_wait3A_141] : memref<32x100000xf32, #tpu.memory_space<hbm>> -> memref<1x100000xf32, #tpu.memory_space<hbm>>
      %dma_wait3A_143 = tpu.memref_squeeze %dma_wait3A_142 : memref<1x100000xf32, #tpu.memory_space<hbm>> -> memref<100000xf32, #tpu.memory_space<hbm>>
      tpu.wait_dma2 semaphore(%run_scoped3A : memref<!tpu.dma_semaphore, #tpu.memory_space<semaphore_mem>>) src(%dma_wait3A_143 : memref<100000xf32, #tpu.memory_space<hbm>>) dst(%arg6 : memref<100000xf32, #tpu.memory_space<vmem>>)
      tpu.yield
    }) : () -> ()
    "tpu.region"() ({
      %run_scoped3A = tpu.sem_alloc : memref<!tpu.dma_semaphore, #tpu.memory_space<semaphore_mem>>
      %dma_start3A = arith.constant 0 : i32
      %dma_start3A_133 = tpu.memref_slice %arg4[%add3A, %dma_start3A] : memref<32x200xf32, #tpu.memory_space<hbm>> -> memref<1x200xf32, #tpu.memory_space<hbm>>
      %dma_start3A_134 = tpu.memref_squeeze %dma_start3A_133 : memref<1x200xf32, #tpu.memory_space<hbm>> -> memref<200xf32, #tpu.memory_space<hbm>>
      %dma_start3A_135 = arith.constant 0 : i32
      %dma_start3A_136 = tpu.memref_slice %arg4[%add3A, %dma_start3A_135] : memref<32x200xf32, #tpu.memory_space<hbm>> -> memref<1x200xf32, #tpu.memory_space<hbm>>
      %dma_start3A_137 = tpu.memref_squeeze %dma_start3A_136 : memref<1x200xf32, #tpu.memory_space<hbm>> -> memref<200xf32, #tpu.memory_space<hbm>>
      tpu.enqueue_dma source(%dma_start3A_137 : memref<200xf32, #tpu.memory_space<hbm>>) target(%arg9 : memref<200xf32, #tpu.memory_space<vmem>>) target_semaphore(%run_scoped3A : memref<!tpu.dma_semaphore, #tpu.memory_space<semaphore_mem>>)
      %dma_wait3A_138 = arith.constant 0 : i32
      %dma_wait3A_139 = tpu.memref_slice %arg4[%add3A, %dma_wait3A_138] : memref<32x200xf32, #tpu.memory_space<hbm>> -> memref<1x200xf32, #tpu.memory_space<hbm>>
      %dma_wait3A_140 = tpu.memref_squeeze %dma_wait3A_139 : memref<1x200xf32, #tpu.memory_space<hbm>> -> memref<200xf32, #tpu.memory_space<hbm>>
      %dma_wait3A_141 = arith.constant 0 : i32
      %dma_wait3A_142 = tpu.memref_slice %arg4[%add3A, %dma_wait3A_141] : memref<32x200xf32, #tpu.memory_space<hbm>> -> memref<1x200xf32, #tpu.memory_space<hbm>>
      %dma_wait3A_143 = tpu.memref_squeeze %dma_wait3A_142 : memref<1x200xf32, #tpu.memory_space<hbm>> -> memref<200xf32, #tpu.memory_space<hbm>>
      tpu.wait_dma2 semaphore(%run_scoped3A : memref<!tpu.dma_semaphore, #tpu.memory_space<semaphore_mem>>) src(%dma_wait3A_143 : memref<200xf32, #tpu.memory_space<hbm>>) dst(%arg9 : memref<200xf32, #tpu.memory_space<vmem>>)
      tpu.yield
    }) : () -> ()
    %lt3A_31 = arith.constant 2 : i32
    %lt3A_32 = arith.cmpi slt, %arg1, %lt3A_31 : i32
    %convert_element_type3A = arith.extui %lt3A_32 : i1 to i32
    %cond3A = arith.constant 0 : i32
    %cond3A_33 = arith.cmpi ne, %convert_element_type3A, %cond3A : i32
    scf.if %cond3A_33 {
      %mul3A_133 = arith.constant 4 : i32
      %mul3A_134 = arith.muli %arg1, %mul3A_133 : i32
      %add3A_135 = arith.constant 0 : i32
      %add3A_136 = arith.addi %add3A_135, %mul3A_134 : i32
      "tpu.region"() ({
        %run_scoped3A = tpu.sem_alloc : memref<!tpu.dma_semaphore, #tpu.memory_space<semaphore_mem>>
        %dma_start3A = arith.constant 0 : i32
        %dma_start3A_137 = tpu.memref_slice %arg10[%mul3A_134, %dma_start3A] : memref<50x4096xi32, #tpu.memory_space<vmem_shared>> -> memref<4x4096xi32, #tpu.memory_space<vmem_shared>>
        %dma_start3A_138 = arith.constant 0 : i32
        %dma_start3A_139 = tpu.memref_slice %arg2[%add3A_136, %dma_start3A_138] : memref<200x4096xi32, #tpu.memory_space<hbm>> -> memref<4x4096xi32, #tpu.memory_space<hbm>>
        tpu.enqueue_dma source(%dma_start3A_139 : memref<4x4096xi32, #tpu.memory_space<hbm>>) target(%dma_start3A_137 : memref<4x4096xi32, #tpu.memory_space<vmem_shared>>) target_semaphore(%run_scoped3A : memref<!tpu.dma_semaphore, #tpu.memory_space<semaphore_mem>>)
        %dma_wait3A_140 = arith.constant 0 : i32
        %dma_wait3A_141 = tpu.memref_slice %arg10[%mul3A_134, %dma_wait3A_140] : memref<50x4096xi32, #tpu.memory_space<vmem_shared>> -> memref<4x4096xi32, #tpu.memory_space<vmem_shared>>
        %dma_wait3A_142 = arith.constant 0 : i32
        %dma_wait3A_143 = tpu.memref_slice %arg2[%add3A_136, %dma_wait3A_142] : memref<200x4096xi32, #tpu.memory_space<hbm>> -> memref<4x4096xi32, #tpu.memory_space<hbm>>
        tpu.wait_dma2 semaphore(%run_scoped3A : memref<!tpu.dma_semaphore, #tpu.memory_space<semaphore_mem>>) src(%dma_wait3A_143 : memref<4x4096xi32, #tpu.memory_space<hbm>>) dst(%dma_wait3A_141 : memref<4x4096xi32, #tpu.memory_space<vmem_shared>>)
        tpu.yield
      }) : () -> ()
    } else {
    }
    %ge3A = arith.constant 2 : i32
    %ge3A_34 = arith.cmpi sge, %arg1, %ge3A : i32
    %convert_element_type3A_35 = arith.extui %ge3A_34 : i1 to i32
    %cond3A_36 = arith.constant 0 : i32
    %cond3A_37 = arith.cmpi ne, %convert_element_type3A_35, %cond3A_36 : i32
    scf.if %cond3A_37 {
      %sub3A_133 = arith.constant 2 : i32
      %sub3A_134 = arith.subi %arg1, %sub3A_133 : i32
      %mul3A_135 = arith.constant 3 : i32
      %mul3A_136 = arith.muli %sub3A_134, %mul3A_135 : i32
      %add3A_137 = arith.constant 8 : i32
      %add3A_138 = arith.addi %add3A_137, %mul3A_136 : i32
      %add3A_139 = arith.constant 0 : i32
      %add3A_140 = arith.addi %add3A_139, %add3A_138 : i32
      "tpu.region"() ({
        %run_scoped3A = tpu.sem_alloc : memref<!tpu.dma_semaphore, #tpu.memory_space<semaphore_mem>>
        %dma_start3A = arith.constant 0 : i32
        %dma_start3A_141 = tpu.memref_slice %arg10[%add3A_138, %dma_start3A] : memref<50x4096xi32, #tpu.memory_space<vmem_shared>> -> memref<3x4096xi32, #tpu.memory_space<vmem_shared>>
        %dma_start3A_142 = arith.constant 0 : i32
        %dma_start3A_143 = tpu.memref_slice %arg2[%add3A_140, %dma_start3A_142] : memref<200x4096xi32, #tpu.memory_space<hbm>> -> memref<3x4096xi32, #tpu.memory_space<hbm>>
        tpu.enqueue_dma source(%dma_start3A_143 : memref<3x4096xi32, #tpu.memory_space<hbm>>) target(%dma_start3A_141 : memref<3x4096xi32, #tpu.memory_space<vmem_shared>>) target_semaphore(%run_scoped3A : memref<!tpu.dma_semaphore, #tpu.memory_space<semaphore_mem>>)
        %dma_wait3A_144 = arith.constant 0 : i32
        %dma_wait3A_145 = tpu.memref_slice %arg10[%add3A_138, %dma_wait3A_144] : memref<50x4096xi32, #tpu.memory_space<vmem_shared>> -> memref<3x4096xi32, #tpu.memory_space<vmem_shared>>
        %dma_wait3A_146 = arith.constant 0 : i32
        %dma_wait3A_147 = tpu.memref_slice %arg2[%add3A_140, %dma_wait3A_146] : memref<200x4096xi32, #tpu.memory_space<hbm>> -> memref<3x4096xi32, #tpu.memory_space<hbm>>
        tpu.wait_dma2 semaphore(%run_scoped3A : memref<!tpu.dma_semaphore, #tpu.memory_space<semaphore_mem>>) src(%dma_wait3A_147 : memref<3x4096xi32, #tpu.memory_space<hbm>>) dst(%dma_wait3A_145 : memref<3x4096xi32, #tpu.memory_space<vmem_shared>>)
        tpu.yield
      }) : () -> ()
    } else {
    }
    %barrier3A = arith.constant 0 : index
    tpu.barrier barrier_id(%barrier3A)
    %scan3A = arith.constant 0 : i32
    %scan3A_38 = arith.constant 0 : i32
    %scan3A_39 = arith.constant 25 : i32
    %scan3A_40 = arith.addi %scan3A_38, %scan3A_39 : i32
    %scan3A_41 = arith.constant 1 : i32
    scf.for %scan3A_133 = %scan3A_38 to %scan3A_40 step %scan3A_41  : i32 {
      %gt3A = arith.constant 0 : i32
      %gt3A_134 = arith.cmpi sgt, %scan3A_133, %gt3A : i32
      %or3A = arith.constant false
      %or3A_135 = arith.ori %gt3A_134, %or3A : i1
      %convert_element_type3A_136 = arith.extui %or3A_135 : i1 to i32
      %cond3A_137 = arith.constant 0 : i32
      %cond3A_138 = arith.cmpi ne, %convert_element_type3A_136, %cond3A_137 : i32
      scf.if %cond3A_138 {
        %dma_wait3A_208 = arith.constant 0 : i32
        %dma_wait3A_209 = arith.constant 0 : i32
        %dma_wait3A_210 = arith.constant 0 : i32
        %dma_wait3A_211 = arith.constant 0 : i32
        %dma_wait3A_212 = tpu.memref_slice %arg8[%dma_wait3A_208, %dma_wait3A_210, %dma_wait3A_211] : memref<2x32x128xf32, #tpu.memory_space<vmem>> -> memref<1x32x128xf32, #tpu.memory_space<vmem>>
        %dma_wait3A_213 = tpu.memref_squeeze %dma_wait3A_212 : memref<1x32x128xf32, #tpu.memory_space<vmem>> -> memref<32x128xf32, #tpu.memory_space<vmem>>
        %dma_wait3A_214 = arith.constant 0 : i32
        %dma_wait3A_215 = arith.constant 0 : i32
        %dma_wait3A_216 = tpu.memref_slice %arg5[%dma_wait3A_209, %select_n3A, %dma_wait3A_214, %select_n3A_30, %dma_wait3A_215] : memref<200x4x32x8x128xf32, #tpu.memory_space<hbm>> -> memref<1x1x32x1x128xf32, #tpu.memory_space<hbm>>
        %dma_wait3A_217 = tpu.memref_squeeze %dma_wait3A_216 : memref<1x1x32x1x128xf32, #tpu.memory_space<hbm>> -> memref<32x128xf32, #tpu.memory_space<hbm>>
        %dma_wait3A_218 = arith.constant 0 : i32
        %dma_wait3A_219 = arith.constant 0 : i32
        %dma_wait3A_220 = tpu.memref_slice %arg5[%dma_wait3A_209, %select_n3A, %dma_wait3A_218, %select_n3A_30, %dma_wait3A_219] : memref<200x4x32x8x128xf32, #tpu.memory_space<hbm>> -> memref<1x1x32x1x128xf32, #tpu.memory_space<hbm>>
        %dma_wait3A_221 = tpu.memref_squeeze %dma_wait3A_220 : memref<1x1x32x1x128xf32, #tpu.memory_space<hbm>> -> memref<32x128xf32, #tpu.memory_space<hbm>>
        %dma_wait3A_222 = arith.constant 0 : i32
        %dma_wait3A_223 = arith.constant 0 : i32
        %dma_wait3A_224 = tpu.memref_slice %arg8[%dma_wait3A_208, %dma_wait3A_222, %dma_wait3A_223] : memref<2x32x128xf32, #tpu.memory_space<vmem>> -> memref<1x32x128xf32, #tpu.memory_space<vmem>>
        %dma_wait3A_225 = tpu.memref_squeeze %dma_wait3A_224 : memref<1x32x128xf32, #tpu.memory_space<vmem>> -> memref<32x128xf32, #tpu.memory_space<vmem>>
        tpu.wait_dma2 semaphore(%arg11 : memref<!tpu.dma_semaphore, #tpu.memory_space<semaphore_mem>>) src(%dma_wait3A_225 : memref<32x128xf32, #tpu.memory_space<vmem>>) dst(%dma_wait3A_221 : memref<32x128xf32, #tpu.memory_space<hbm>>)
      } else {
      }
      %mul3A_139 = arith.constant 2 : i32
      %mul3A_140 = arith.muli %scan3A_133, %mul3A_139 : i32
      %add3A_141 = arith.constant 0 : i32
      %add3A_142 = arith.addi %add3A_141, %mul3A_140 : i32
      %add3A_143 = arith.constant 0 : i32
      %add3A_144 = arith.addi %add3A_142, %add3A_143 : i32
      %mul3A_145 = arith.constant 2 : i32
      %mul3A_146 = arith.muli %scan3A_133, %mul3A_145 : i32
      %add3A_147 = arith.constant 0 : i32
      %add3A_148 = arith.addi %mul3A_146, %add3A_147 : i32
      "tpu.region"() ({
        %run_scoped3A = tpu.sem_alloc : memref<!tpu.dma_semaphore, #tpu.memory_space<semaphore_mem>>
        %dma_start3A_208 = arith.constant 0 : i32
        %dma_start3A_209 = tpu.memref_slice %arg10[%add3A_148, %dma_start3A_208] : memref<50x4096xi32, #tpu.memory_space<vmem_shared>> -> memref<1x4096xi32, #tpu.memory_space<vmem_shared>>
        %dma_start3A_210 = tpu.memref_squeeze %dma_start3A_209 : memref<1x4096xi32, #tpu.memory_space<vmem_shared>> -> memref<4096xi32, #tpu.memory_space<vmem_shared>>
        %dma_start3A_211 = arith.constant 0 : i32
        %dma_start3A_212 = tpu.memref_slice %arg10[%add3A_148, %dma_start3A_211] : memref<50x4096xi32, #tpu.memory_space<vmem_shared>> -> memref<1x4096xi32, #tpu.memory_space<vmem_shared>>
        %dma_start3A_213 = tpu.memref_squeeze %dma_start3A_212 : memref<1x4096xi32, #tpu.memory_space<vmem_shared>> -> memref<4096xi32, #tpu.memory_space<vmem_shared>>
        tpu.enqueue_dma source(%dma_start3A_213 : memref<4096xi32, #tpu.memory_space<vmem_shared>>) target(%arg7 : memref<4096xi32, #tpu.memory_space<vmem>>) target_semaphore(%run_scoped3A : memref<!tpu.dma_semaphore, #tpu.memory_space<semaphore_mem>>)
        %dma_wait3A_214 = arith.constant 0 : i32
        %dma_wait3A_215 = tpu.memref_slice %arg10[%add3A_148, %dma_wait3A_214] : memref<50x4096xi32, #tpu.memory_space<vmem_shared>> -> memref<1x4096xi32, #tpu.memory_space<vmem_shared>>
        %dma_wait3A_216 = tpu.memref_squeeze %dma_wait3A_215 : memref<1x4096xi32, #tpu.memory_space<vmem_shared>> -> memref<4096xi32, #tpu.memory_space<vmem_shared>>
        %dma_wait3A_217 = arith.constant 0 : i32
        %dma_wait3A_218 = tpu.memref_slice %arg10[%add3A_148, %dma_wait3A_217] : memref<50x4096xi32, #tpu.memory_space<vmem_shared>> -> memref<1x4096xi32, #tpu.memory_space<vmem_shared>>
        %dma_wait3A_219 = tpu.memref_squeeze %dma_wait3A_218 : memref<1x4096xi32, #tpu.memory_space<vmem_shared>> -> memref<4096xi32, #tpu.memory_space<vmem_shared>>
        tpu.wait_dma2 semaphore(%run_scoped3A : memref<!tpu.dma_semaphore, #tpu.memory_space<semaphore_mem>>) src(%dma_wait3A_219 : memref<4096xi32, #tpu.memory_space<vmem_shared>>) dst(%arg7 : memref<4096xi32, #tpu.memory_space<vmem>>)
        tpu.yield
      }) : () -> ()
      %broadcast_in_dim3A = vector.broadcast %add3A_144 : i32 to vector<16xi32>
      %gather3A = tpu.vector_load_idx %arg9[%broadcast_in_dim3A] : memref<200xf32, #tpu.memory_space<vmem>>[vector<16xi32>], vector<16xf32>,
      %parallel_loop3A = arith.constant 0 : i32
      %parallel_loop3A_149 = arith.constant 32 : i32
      %parallel_loop3A_150 = arith.constant 1 : i32
      %parallel_loop3A_151 = arith.constant 0 : i32
      scf.for %parallel_loop3A_208 = %parallel_loop3A to %parallel_loop3A_149 step %parallel_loop3A_150  : i32 {
        %parallel_loop3A_209 = arith.constant 128 : i32
        %parallel_loop3A_210 = arith.muli %parallel_loop3A_208, %parallel_loop3A_209 : i32
        %parallel_loop3A_211 = arith.constant 0 : i32
        %parallel_loop3A_212 = arith.addi %parallel_loop3A_210, %parallel_loop3A_211 : i32
        %parallel_loop3A_213 = arith.index_cast %parallel_loop3A_212 : i32 to index
        %parallel_loop3A_214 = tpu.vector_load %arg7[%parallel_loop3A_213] {strides = array<i32>} : memref<4096xi32, #tpu.memory_space<vmem>>, vector<16xi32>,
        %parallel_loop3A_215 = tpu.vector_load_idx %arg6[%parallel_loop3A_214] : memref<100000xf32, #tpu.memory_space<vmem>>[vector<16xi32>], vector<16xf32>,
        %parallel_loop3A_216 = arith.addf %parallel_loop3A_215, %gather3A : vector<16xf32>
        %parallel_loop3A_217 = arith.constant 0 : i32
        %parallel_loop3A_218 = arith.constant 0 : i32
        %parallel_loop3A_219 = tpu.memref_slice %arg8[%parallel_loop3A_151, %parallel_loop3A_217, %parallel_loop3A_218] : memref<2x32x128xf32, #tpu.memory_space<vmem>> -> memref<1x32x128xf32, #tpu.memory_space<vmem>>
        %parallel_loop3A_220 = tpu.memref_squeeze %parallel_loop3A_219 : memref<1x32x128xf32, #tpu.memory_space<vmem>> -> memref<32x128xf32, #tpu.memory_space<vmem>>
        %parallel_loop3A_221 = arith.index_cast %parallel_loop3A_208 : i32 to index
        %parallel_loop3A_222 = arith.constant 0 : index
        %parallel_loop3A_223 = tpu.vector_load %parallel_loop3A_220[%parallel_loop3A_221, %parallel_loop3A_222] {strides = array<i32>} : memref<32x128xf32, #tpu.memory_space<vmem>>, vector<16xf32>,
        tpu.vector_store %parallel_loop3A_220[%parallel_loop3A_221, %parallel_loop3A_222], %parallel_loop3A_216 {strides = array<i32>} : memref<32x128xf32, #tpu.memory_space<vmem>>, vector<16xf32>,
        %parallel_loop3A_224 = arith.constant 128 : i32
        %parallel_loop3A_225 = arith.muli %parallel_loop3A_208, %parallel_loop3A_224 : i32
        %parallel_loop3A_226 = arith.constant 16 : i32
        %parallel_loop3A_227 = arith.addi %parallel_loop3A_225, %parallel_loop3A_226 : i32
        %parallel_loop3A_228 = arith.index_cast %parallel_loop3A_227 : i32 to index
        %parallel_loop3A_229 = tpu.vector_load %arg7[%parallel_loop3A_228] {strides = array<i32>} : memref<4096xi32, #tpu.memory_space<vmem>>, vector<16xi32>,
        %parallel_loop3A_230 = tpu.vector_load_idx %arg6[%parallel_loop3A_229] : memref<100000xf32, #tpu.memory_space<vmem>>[vector<16xi32>], vector<16xf32>,
        %parallel_loop3A_231 = arith.addf %parallel_loop3A_230, %gather3A : vector<16xf32>
        %parallel_loop3A_232 = arith.constant 0 : i32
        %parallel_loop3A_233 = arith.constant 0 : i32
        %parallel_loop3A_234 = tpu.memref_slice %arg8[%parallel_loop3A_151, %parallel_loop3A_232, %parallel_loop3A_233] : memref<2x32x128xf32, #tpu.memory_space<vmem>> -> memref<1x32x128xf32, #tpu.memory_space<vmem>>
        %parallel_loop3A_235 = tpu.memref_squeeze %parallel_loop3A_234 : memref<1x32x128xf32, #tpu.memory_space<vmem>> -> memref<32x128xf32, #tpu.memory_space<vmem>>
        %parallel_loop3A_236 = arith.index_cast %parallel_loop3A_208 : i32 to index
        %parallel_loop3A_237 = arith.constant 16 : index
        %parallel_loop3A_238 = tpu.vector_load %parallel_loop3A_235[%parallel_loop3A_236, %parallel_loop3A_237] {strides = array<i32>} : memref<32x128xf32, #tpu.memory_space<vmem>>, vector<16xf32>,
        tpu.vector_store %parallel_loop3A_235[%parallel_loop3A_236, %parallel_loop3A_237], %parallel_loop3A_231 {strides = array<i32>} : memref<32x128xf32, #tpu.memory_space<vmem>>, vector<16xf32>,
        %parallel_loop3A_239 = arith.constant 128 : i32
        %parallel_loop3A_240 = arith.muli %parallel_loop3A_208, %parallel_loop3A_239 : i32
        %parallel_loop3A_241 = arith.constant 32 : i32
        %parallel_loop3A_242 = arith.addi %parallel_loop3A_240, %parallel_loop3A_241 : i32
        %parallel_loop3A_243 = arith.index_cast %parallel_loop3A_242 : i32 to index
        %parallel_loop3A_244 = tpu.vector_load %arg7[%parallel_loop3A_243] {strides = array<i32>} : memref<4096xi32, #tpu.memory_space<vmem>>, vector<16xi32>,
        %parallel_loop3A_245 = tpu.vector_load_idx %arg6[%parallel_loop3A_244] : memref<100000xf32, #tpu.memory_space<vmem>>[vector<16xi32>], vector<16xf32>,
        %parallel_loop3A_246 = arith.addf %parallel_loop3A_245, %gather3A : vector<16xf32>
        %parallel_loop3A_247 = arith.constant 0 : i32
        %parallel_loop3A_248 = arith.constant 0 : i32
        %parallel_loop3A_249 = tpu.memref_slice %arg8[%parallel_loop3A_151, %parallel_loop3A_247, %parallel_loop3A_248] : memref<2x32x128xf32, #tpu.memory_space<vmem>> -> memref<1x32x128xf32, #tpu.memory_space<vmem>>
        %parallel_loop3A_250 = tpu.memref_squeeze %parallel_loop3A_249 : memref<1x32x128xf32, #tpu.memory_space<vmem>> -> memref<32x128xf32, #tpu.memory_space<vmem>>
        %parallel_loop3A_251 = arith.index_cast %parallel_loop3A_208 : i32 to index
        %parallel_loop3A_252 = arith.constant 32 : index
        %parallel_loop3A_253 = tpu.vector_load %parallel_loop3A_250[%parallel_loop3A_251, %parallel_loop3A_252] {strides = array<i32>} : memref<32x128xf32, #tpu.memory_space<vmem>>, vector<16xf32>,
        tpu.vector_store %parallel_loop3A_250[%parallel_loop3A_251, %parallel_loop3A_252], %parallel_loop3A_246 {strides = array<i32>} : memref<32x128xf32, #tpu.memory_space<vmem>>, vector<16xf32>,
        %parallel_loop3A_254 = arith.constant 128 : i32
        %parallel_loop3A_255 = arith.muli %parallel_loop3A_208, %parallel_loop3A_254 : i32
        %parallel_loop3A_256 = arith.constant 48 : i32
        %parallel_loop3A_257 = arith.addi %parallel_loop3A_255, %parallel_loop3A_256 : i32
        %parallel_loop3A_258 = arith.index_cast %parallel_loop3A_257 : i32 to index
        %parallel_loop3A_259 = tpu.vector_load %arg7[%parallel_loop3A_258] {strides = array<i32>} : memref<4096xi32, #tpu.memory_space<vmem>>, vector<16xi32>,
        %parallel_loop3A_260 = tpu.vector_load_idx %arg6[%parallel_loop3A_259] : memref<100000xf32, #tpu.memory_space<vmem>>[vector<16xi32>], vector<16xf32>,
        %parallel_loop3A_261 = arith.addf %parallel_loop3A_260, %gather3A : vector<16xf32>
        %parallel_loop3A_262 = arith.constant 0 : i32
        %parallel_loop3A_263 = arith.constant 0 : i32
        %parallel_loop3A_264 = tpu.memref_slice %arg8[%parallel_loop3A_151, %parallel_loop3A_262, %parallel_loop3A_263] : memref<2x32x128xf32, #tpu.memory_space<vmem>> -> memref<1x32x128xf32, #tpu.memory_space<vmem>>
        %parallel_loop3A_265 = tpu.memref_squeeze %parallel_loop3A_264 : memref<1x32x128xf32, #tpu.memory_space<vmem>> -> memref<32x128xf32, #tpu.memory_space<vmem>>
        %parallel_loop3A_266 = arith.index_cast %parallel_loop3A_208 : i32 to index
        %parallel_loop3A_267 = arith.constant 48 : index
        %parallel_loop3A_268 = tpu.vector_load %parallel_loop3A_265[%parallel_loop3A_266, %parallel_loop3A_267] {strides = array<i32>} : memref<32x128xf32, #tpu.memory_space<vmem>>, vector<16xf32>,
        tpu.vector_store %parallel_loop3A_265[%parallel_loop3A_266, %parallel_loop3A_267], %parallel_loop3A_261 {strides = array<i32>} : memref<32x128xf32, #tpu.memory_space<vmem>>, vector<16xf32>,
        %parallel_loop3A_269 = arith.constant 128 : i32
        %parallel_loop3A_270 = arith.muli %parallel_loop3A_208, %parallel_loop3A_269 : i32
        %parallel_loop3A_271 = arith.constant 64 : i32
        %parallel_loop3A_272 = arith.addi %parallel_loop3A_270, %parallel_loop3A_271 : i32
        %parallel_loop3A_273 = arith.index_cast %parallel_loop3A_272 : i32 to index
        %parallel_loop3A_274 = tpu.vector_load %arg7[%parallel_loop3A_273] {strides = array<i32>} : memref<4096xi32, #tpu.memory_space<vmem>>, vector<16xi32>,
        %parallel_loop3A_275 = tpu.vector_load_idx %arg6[%parallel_loop3A_274] : memref<100000xf32, #tpu.memory_space<vmem>>[vector<16xi32>], vector<16xf32>,
        %parallel_loop3A_276 = arith.addf %parallel_loop3A_275, %gather3A : vector<16xf32>
        %parallel_loop3A_277 = arith.constant 0 : i32
        %parallel_loop3A_278 = arith.constant 0 : i32
        %parallel_loop3A_279 = tpu.memref_slice %arg8[%parallel_loop3A_151, %parallel_loop3A_277, %parallel_loop3A_278] : memref<2x32x128xf32, #tpu.memory_space<vmem>> -> memref<1x32x128xf32, #tpu.memory_space<vmem>>
        %parallel_loop3A_280 = tpu.memref_squeeze %parallel_loop3A_279 : memref<1x32x128xf32, #tpu.memory_space<vmem>> -> memref<32x128xf32, #tpu.memory_space<vmem>>
        %parallel_loop3A_281 = arith.index_cast %parallel_loop3A_208 : i32 to index
        %parallel_loop3A_282 = arith.constant 64 : index
        %parallel_loop3A_283 = tpu.vector_load %parallel_loop3A_280[%parallel_loop3A_281, %parallel_loop3A_282] {strides = array<i32>} : memref<32x128xf32, #tpu.memory_space<vmem>>, vector<16xf32>,
        tpu.vector_store %parallel_loop3A_280[%parallel_loop3A_281, %parallel_loop3A_282], %parallel_loop3A_276 {strides = array<i32>} : memref<32x128xf32, #tpu.memory_space<vmem>>, vector<16xf32>,
        %parallel_loop3A_284 = arith.constant 128 : i32
        %parallel_loop3A_285 = arith.muli %parallel_loop3A_208, %parallel_loop3A_284 : i32
        %parallel_loop3A_286 = arith.constant 80 : i32
        %parallel_loop3A_287 = arith.addi %parallel_loop3A_285, %parallel_loop3A_286 : i32
        %parallel_loop3A_288 = arith.index_cast %parallel_loop3A_287 : i32 to index
        %parallel_loop3A_289 = tpu.vector_load %arg7[%parallel_loop3A_288] {strides = array<i32>} : memref<4096xi32, #tpu.memory_space<vmem>>, vector<16xi32>,
        %parallel_loop3A_290 = tpu.vector_load_idx %arg6[%parallel_loop3A_289] : memref<100000xf32, #tpu.memory_space<vmem>>[vector<16xi32>], vector<16xf32>,
        %parallel_loop3A_291 = arith.addf %parallel_loop3A_290, %gather3A : vector<16xf32>
        %parallel_loop3A_292 = arith.constant 0 : i32
        %parallel_loop3A_293 = arith.constant 0 : i32
        %parallel_loop3A_294 = tpu.memref_slice %arg8[%parallel_loop3A_151, %parallel_loop3A_292, %parallel_loop3A_293] : memref<2x32x128xf32, #tpu.memory_space<vmem>> -> memref<1x32x128xf32, #tpu.memory_space<vmem>>
        %parallel_loop3A_295 = tpu.memref_squeeze %parallel_loop3A_294 : memref<1x32x128xf32, #tpu.memory_space<vmem>> -> memref<32x128xf32, #tpu.memory_space<vmem>>
        %parallel_loop3A_296 = arith.index_cast %parallel_loop3A_208 : i32 to index
        %parallel_loop3A_297 = arith.constant 80 : index
        %parallel_loop3A_298 = tpu.vector_load %parallel_loop3A_295[%parallel_loop3A_296, %parallel_loop3A_297] {strides = array<i32>} : memref<32x128xf32, #tpu.memory_space<vmem>>, vector<16xf32>,
        tpu.vector_store %parallel_loop3A_295[%parallel_loop3A_296, %parallel_loop3A_297], %parallel_loop3A_291 {strides = array<i32>} : memref<32x128xf32, #tpu.memory_space<vmem>>, vector<16xf32>,
        %parallel_loop3A_299 = arith.constant 128 : i32
        %parallel_loop3A_300 = arith.muli %parallel_loop3A_208, %parallel_loop3A_299 : i32
        %parallel_loop3A_301 = arith.constant 96 : i32
        %parallel_loop3A_302 = arith.addi %parallel_loop3A_300, %parallel_loop3A_301 : i32
        %parallel_loop3A_303 = arith.index_cast %parallel_loop3A_302 : i32 to index
        %parallel_loop3A_304 = tpu.vector_load %arg7[%parallel_loop3A_303] {strides = array<i32>} : memref<4096xi32, #tpu.memory_space<vmem>>, vector<16xi32>,
        %parallel_loop3A_305 = tpu.vector_load_idx %arg6[%parallel_loop3A_304] : memref<100000xf32, #tpu.memory_space<vmem>>[vector<16xi32>], vector<16xf32>,
        %parallel_loop3A_306 = arith.addf %parallel_loop3A_305, %gather3A : vector<16xf32>
        %parallel_loop3A_307 = arith.constant 0 : i32
        %parallel_loop3A_308 = arith.constant 0 : i32
        %parallel_loop3A_309 = tpu.memref_slice %arg8[%parallel_loop3A_151, %parallel_loop3A_307, %parallel_loop3A_308] : memref<2x32x128xf32, #tpu.memory_space<vmem>> -> memref<1x32x128xf32, #tpu.memory_space<vmem>>
        %parallel_loop3A_310 = tpu.memref_squeeze %parallel_loop3A_309 : memref<1x32x128xf32, #tpu.memory_space<vmem>> -> memref<32x128xf32, #tpu.memory_space<vmem>>
        %parallel_loop3A_311 = arith.index_cast %parallel_loop3A_208 : i32 to index
        %parallel_loop3A_312 = arith.constant 96 : index
        %parallel_loop3A_313 = tpu.vector_load %parallel_loop3A_310[%parallel_loop3A_311, %parallel_loop3A_312] {strides = array<i32>} : memref<32x128xf32, #tpu.memory_space<vmem>>, vector<16xf32>,
        tpu.vector_store %parallel_loop3A_310[%parallel_loop3A_311, %parallel_loop3A_312], %parallel_loop3A_306 {strides = array<i32>} : memref<32x128xf32, #tpu.memory_space<vmem>>, vector<16xf32>,
        %parallel_loop3A_314 = arith.constant 128 : i32
        %parallel_loop3A_315 = arith.muli %parallel_loop3A_208, %parallel_loop3A_314 : i32
        %parallel_loop3A_316 = arith.constant 112 : i32
        %parallel_loop3A_317 = arith.addi %parallel_loop3A_315, %parallel_loop3A_316 : i32
        %parallel_loop3A_318 = arith.index_cast %parallel_loop3A_317 : i32 to index
        %parallel_loop3A_319 = tpu.vector_load %arg7[%parallel_loop3A_318] {strides = array<i32>} : memref<4096xi32, #tpu.memory_space<vmem>>, vector<16xi32>,
        %parallel_loop3A_320 = tpu.vector_load_idx %arg6[%parallel_loop3A_319] : memref<100000xf32, #tpu.memory_space<vmem>>[vector<16xi32>], vector<16xf32>,
        %parallel_loop3A_321 = arith.addf %parallel_loop3A_320, %gather3A : vector<16xf32>
        %parallel_loop3A_322 = arith.constant 0 : i32
        %parallel_loop3A_323 = arith.constant 0 : i32
        %parallel_loop3A_324 = tpu.memref_slice %arg8[%parallel_loop3A_151, %parallel_loop3A_322, %parallel_loop3A_323] : memref<2x32x128xf32, #tpu.memory_space<vmem>> -> memref<1x32x128xf32, #tpu.memory_space<vmem>>
        %parallel_loop3A_325 = tpu.memref_squeeze %parallel_loop3A_324 : memref<1x32x128xf32, #tpu.memory_space<vmem>> -> memref<32x128xf32, #tpu.memory_space<vmem>>
        %parallel_loop3A_326 = arith.index_cast %parallel_loop3A_208 : i32 to index
        %parallel_loop3A_327 = arith.constant 112 : index
        %parallel_loop3A_328 = tpu.vector_load %parallel_loop3A_325[%parallel_loop3A_326, %parallel_loop3A_327] {strides = array<i32>} : memref<32x128xf32, #tpu.memory_space<vmem>>, vector<16xf32>,
        tpu.vector_store %parallel_loop3A_325[%parallel_loop3A_326, %parallel_loop3A_327], %parallel_loop3A_321 {strides = array<i32>} : memref<32x128xf32, #tpu.memory_space<vmem>>, vector<16xf32>,
      } {sc.loop_unroll_factor = 4 : i64, sc.parallel_access}
      %dma_start3A = arith.constant 0 : i32
      %dma_start3A_152 = arith.constant 0 : i32
      %dma_start3A_153 = arith.constant 0 : i32
      %dma_start3A_154 = tpu.memref_slice %arg8[%dma_start3A, %dma_start3A_152, %dma_start3A_153] : memref<2x32x128xf32, #tpu.memory_space<vmem>> -> memref<1x32x128xf32, #tpu.memory_space<vmem>>
      %dma_start3A_155 = tpu.memref_squeeze %dma_start3A_154 : memref<1x32x128xf32, #tpu.memory_space<vmem>> -> memref<32x128xf32, #tpu.memory_space<vmem>>
      %dma_start3A_156 = arith.constant 0 : i32
      %dma_start3A_157 = arith.constant 0 : i32
      %dma_start3A_158 = tpu.memref_slice %arg5[%add3A_144, %select_n3A, %dma_start3A_156, %select_n3A_30, %dma_start3A_157] : memref<200x4x32x8x128xf32, #tpu.memory_space<hbm>> -> memref<1x1x32x1x128xf32, #tpu.memory_space<hbm>>
      %dma_start3A_159 = tpu.memref_squeeze %dma_start3A_158 : memref<1x1x32x1x128xf32, #tpu.memory_space<hbm>> -> memref<32x128xf32, #tpu.memory_space<hbm>>
      %dma_start3A_160 = arith.constant 0 : i32
      %dma_start3A_161 = arith.constant 0 : i32
      %dma_start3A_162 = tpu.memref_slice %arg5[%add3A_144, %select_n3A, %dma_start3A_160, %select_n3A_30, %dma_start3A_161] : memref<200x4x32x8x128xf32, #tpu.memory_space<hbm>> -> memref<1x1x32x1x128xf32, #tpu.memory_space<hbm>>
      %dma_start3A_163 = tpu.memref_squeeze %dma_start3A_162 : memref<1x1x32x1x128xf32, #tpu.memory_space<hbm>> -> memref<32x128xf32, #tpu.memory_space<hbm>>
      %dma_start3A_164 = arith.constant 0 : i32
      %dma_start3A_165 = arith.constant 0 : i32
      %dma_start3A_166 = tpu.memref_slice %arg8[%dma_start3A, %dma_start3A_164, %dma_start3A_165] : memref<2x32x128xf32, #tpu.memory_space<vmem>> -> memref<1x32x128xf32, #tpu.memory_space<vmem>>
      %dma_start3A_167 = tpu.memref_squeeze %dma_start3A_166 : memref<1x32x128xf32, #tpu.memory_space<vmem>> -> memref<32x128xf32, #tpu.memory_space<vmem>>
      tpu.enqueue_dma source(%dma_start3A_167 : memref<32x128xf32, #tpu.memory_space<vmem>>) target(%dma_start3A_163 : memref<32x128xf32, #tpu.memory_space<hbm>>) target_semaphore(%arg11 : memref<!tpu.dma_semaphore, #tpu.memory_space<semaphore_mem>>)
      %gt3A_168 = arith.constant 0 : i32
      %gt3A_169 = arith.cmpi sgt, %scan3A_133, %gt3A_168 : i32
      %or3A_170 = arith.constant false
      %or3A_171 = arith.ori %gt3A_169, %or3A_170 : i1
      %convert_element_type3A_172 = arith.extui %or3A_171 : i1 to i32
      %cond3A_173 = arith.constant 0 : i32
      %cond3A_174 = arith.cmpi ne, %convert_element_type3A_172, %cond3A_173 : i32
      scf.if %cond3A_174 {
        %dma_wait3A_208 = arith.constant 1 : i32
        %dma_wait3A_209 = arith.constant 0 : i32
        %dma_wait3A_210 = arith.constant 0 : i32
        %dma_wait3A_211 = arith.constant 0 : i32
        %dma_wait3A_212 = tpu.memref_slice %arg8[%dma_wait3A_208, %dma_wait3A_210, %dma_wait3A_211] : memref<2x32x128xf32, #tpu.memory_space<vmem>> -> memref<1x32x128xf32, #tpu.memory_space<vmem>>
        %dma_wait3A_213 = tpu.memref_squeeze %dma_wait3A_212 : memref<1x32x128xf32, #tpu.memory_space<vmem>> -> memref<32x128xf32, #tpu.memory_space<vmem>>
        %dma_wait3A_214 = arith.constant 0 : i32
        %dma_wait3A_215 = arith.constant 0 : i32
        %dma_wait3A_216 = tpu.memref_slice %arg5[%dma_wait3A_209, %select_n3A, %dma_wait3A_214, %select_n3A_30, %dma_wait3A_215] : memref<200x4x32x8x128xf32, #tpu.memory_space<hbm>> -> memref<1x1x32x1x128xf32, #tpu.memory_space<hbm>>
        %dma_wait3A_217 = tpu.memref_squeeze %dma_wait3A_216 : memref<1x1x32x1x128xf32, #tpu.memory_space<hbm>> -> memref<32x128xf32, #tpu.memory_space<hbm>>
        %dma_wait3A_218 = arith.constant 0 : i32
        %dma_wait3A_219 = arith.constant 0 : i32
        %dma_wait3A_220 = tpu.memref_slice %arg5[%dma_wait3A_209, %select_n3A, %dma_wait3A_218, %select_n3A_30, %dma_wait3A_219] : memref<200x4x32x8x128xf32, #tpu.memory_space<hbm>> -> memref<1x1x32x1x128xf32, #tpu.memory_space<hbm>>
        %dma_wait3A_221 = tpu.memref_squeeze %dma_wait3A_220 : memref<1x1x32x1x128xf32, #tpu.memory_space<hbm>> -> memref<32x128xf32, #tpu.memory_space<hbm>>
        %dma_wait3A_222 = arith.constant 0 : i32
        %dma_wait3A_223 = arith.constant 0 : i32
        %dma_wait3A_224 = tpu.memref_slice %arg8[%dma_wait3A_208, %dma_wait3A_222, %dma_wait3A_223] : memref<2x32x128xf32, #tpu.memory_space<vmem>> -> memref<1x32x128xf32, #tpu.memory_space<vmem>>
        %dma_wait3A_225 = tpu.memref_squeeze %dma_wait3A_224 : memref<1x32x128xf32, #tpu.memory_space<vmem>> -> memref<32x128xf32, #tpu.memory_space<vmem>>
        tpu.wait_dma2 semaphore(%arg12 : memref<!tpu.dma_semaphore, #tpu.memory_space<semaphore_mem>>) src(%dma_wait3A_225 : memref<32x128xf32, #tpu.memory_space<vmem>>) dst(%dma_wait3A_221 : memref<32x128xf32, #tpu.memory_space<hbm>>)
      } else {
      }
      %mul3A_175 = arith.constant 2 : i32
      %mul3A_176 = arith.muli %scan3A_133, %mul3A_175 : i32
      %add3A_177 = arith.constant 0 : i32
      %add3A_178 = arith.addi %add3A_177, %mul3A_176 : i32
      %add3A_179 = arith.constant 1 : i32
      %add3A_180 = arith.addi %add3A_178, %add3A_179 : i32
      %mul3A_181 = arith.constant 2 : i32
      %mul3A_182 = arith.muli %scan3A_133, %mul3A_181 : i32
      %add3A_183 = arith.constant 1 : i32
      %add3A_184 = arith.addi %mul3A_182, %add3A_183 : i32
      "tpu.region"() ({
        %run_scoped3A = tpu.sem_alloc : memref<!tpu.dma_semaphore, #tpu.memory_space<semaphore_mem>>
        %dma_start3A_208 = arith.constant 0 : i32
        %dma_start3A_209 = tpu.memref_slice %arg10[%add3A_184, %dma_start3A_208] : memref<50x4096xi32, #tpu.memory_space<vmem_shared>> -> memref<1x4096xi32, #tpu.memory_space<vmem_shared>>
        %dma_start3A_210 = tpu.memref_squeeze %dma_start3A_209 : memref<1x4096xi32, #tpu.memory_space<vmem_shared>> -> memref<4096xi32, #tpu.memory_space<vmem_shared>>
        %dma_start3A_211 = arith.constant 0 : i32
        %dma_start3A_212 = tpu.memref_slice %arg10[%add3A_184, %dma_start3A_211] : memref<50x4096xi32, #tpu.memory_space<vmem_shared>> -> memref<1x4096xi32, #tpu.memory_space<vmem_shared>>
        %dma_start3A_213 = tpu.memref_squeeze %dma_start3A_212 : memref<1x4096xi32, #tpu.memory_space<vmem_shared>> -> memref<4096xi32, #tpu.memory_space<vmem_shared>>
        tpu.enqueue_dma source(%dma_start3A_213 : memref<4096xi32, #tpu.memory_space<vmem_shared>>) target(%arg7 : memref<4096xi32, #tpu.memory_space<vmem>>) target_semaphore(%run_scoped3A : memref<!tpu.dma_semaphore, #tpu.memory_space<semaphore_mem>>)
        %dma_wait3A_214 = arith.constant 0 : i32
        %dma_wait3A_215 = tpu.memref_slice %arg10[%add3A_184, %dma_wait3A_214] : memref<50x4096xi32, #tpu.memory_space<vmem_shared>> -> memref<1x4096xi32, #tpu.memory_space<vmem_shared>>
        %dma_wait3A_216 = tpu.memref_squeeze %dma_wait3A_215 : memref<1x4096xi32, #tpu.memory_space<vmem_shared>> -> memref<4096xi32, #tpu.memory_space<vmem_shared>>
        %dma_wait3A_217 = arith.constant 0 : i32
        %dma_wait3A_218 = tpu.memref_slice %arg10[%add3A_184, %dma_wait3A_217] : memref<50x4096xi32, #tpu.memory_space<vmem_shared>> -> memref<1x4096xi32, #tpu.memory_space<vmem_shared>>
        %dma_wait3A_219 = tpu.memref_squeeze %dma_wait3A_218 : memref<1x4096xi32, #tpu.memory_space<vmem_shared>> -> memref<4096xi32, #tpu.memory_space<vmem_shared>>
        tpu.wait_dma2 semaphore(%run_scoped3A : memref<!tpu.dma_semaphore, #tpu.memory_space<semaphore_mem>>) src(%dma_wait3A_219 : memref<4096xi32, #tpu.memory_space<vmem_shared>>) dst(%arg7 : memref<4096xi32, #tpu.memory_space<vmem>>)
        tpu.yield
      }) : () -> ()
      %broadcast_in_dim3A_185 = vector.broadcast %add3A_180 : i32 to vector<16xi32>
      %gather3A_186 = tpu.vector_load_idx %arg9[%broadcast_in_dim3A_185] : memref<200xf32, #tpu.memory_space<vmem>>[vector<16xi32>], vector<16xf32>,
      %parallel_loop3A_187 = arith.constant 0 : i32
      %parallel_loop3A_188 = arith.constant 32 : i32
      %parallel_loop3A_189 = arith.constant 1 : i32
      %parallel_loop3A_190 = arith.constant 1 : i32
      scf.for %parallel_loop3A_208 = %parallel_loop3A_187 to %parallel_loop3A_188 step %parallel_loop3A_189  : i32 {
        %parallel_loop3A_209 = arith.constant 128 : i32
        %parallel_loop3A_210 = arith.muli %parallel_loop3A_208, %parallel_loop3A_209 : i32
        %parallel_loop3A_211 = arith.constant 0 : i32
        %parallel_loop3A_212 = arith.addi %parallel_loop3A_210, %parallel_loop3A_211 : i32
        %parallel_loop3A_213 = arith.index_cast %parallel_loop3A_212 : i32 to index
        %parallel_loop3A_214 = tpu.vector_load %arg7[%parallel_loop3A_213] {strides = array<i32>} : memref<4096xi32, #tpu.memory_space<vmem>>, vector<16xi32>,
        %parallel_loop3A_215 = tpu.vector_load_idx %arg6[%parallel_loop3A_214] : memref<100000xf32, #tpu.memory_space<vmem>>[vector<16xi32>], vector<16xf32>,
        %parallel_loop3A_216 = arith.addf %parallel_loop3A_215, %gather3A_186 : vector<16xf32>
        %parallel_loop3A_217 = arith.constant 0 : i32
        %parallel_loop3A_218 = arith.constant 0 : i32
        %parallel_loop3A_219 = tpu.memref_slice %arg8[%parallel_loop3A_190, %parallel_loop3A_217, %parallel_loop3A_218] : memref<2x32x128xf32, #tpu.memory_space<vmem>> -> memref<1x32x128xf32, #tpu.memory_space<vmem>>
        %parallel_loop3A_220 = tpu.memref_squeeze %parallel_loop3A_219 : memref<1x32x128xf32, #tpu.memory_space<vmem>> -> memref<32x128xf32, #tpu.memory_space<vmem>>
        %parallel_loop3A_221 = arith.index_cast %parallel_loop3A_208 : i32 to index
        %parallel_loop3A_222 = arith.constant 0 : index
        %parallel_loop3A_223 = tpu.vector_load %parallel_loop3A_220[%parallel_loop3A_221, %parallel_loop3A_222] {strides = array<i32>} : memref<32x128xf32, #tpu.memory_space<vmem>>, vector<16xf32>,
        tpu.vector_store %parallel_loop3A_220[%parallel_loop3A_221, %parallel_loop3A_222], %parallel_loop3A_216 {strides = array<i32>} : memref<32x128xf32, #tpu.memory_space<vmem>>, vector<16xf32>,
        %parallel_loop3A_224 = arith.constant 128 : i32
        %parallel_loop3A_225 = arith.muli %parallel_loop3A_208, %parallel_loop3A_224 : i32
        %parallel_loop3A_226 = arith.constant 16 : i32
        %parallel_loop3A_227 = arith.addi %parallel_loop3A_225, %parallel_loop3A_226 : i32
        %parallel_loop3A_228 = arith.index_cast %parallel_loop3A_227 : i32 to index
        %parallel_loop3A_229 = tpu.vector_load %arg7[%parallel_loop3A_228] {strides = array<i32>} : memref<4096xi32, #tpu.memory_space<vmem>>, vector<16xi32>,
        %parallel_loop3A_230 = tpu.vector_load_idx %arg6[%parallel_loop3A_229] : memref<100000xf32, #tpu.memory_space<vmem>>[vector<16xi32>], vector<16xf32>,
        %parallel_loop3A_231 = arith.addf %parallel_loop3A_230, %gather3A_186 : vector<16xf32>
        %parallel_loop3A_232 = arith.constant 0 : i32
        %parallel_loop3A_233 = arith.constant 0 : i32
        %parallel_loop3A_234 = tpu.memref_slice %arg8[%parallel_loop3A_190, %parallel_loop3A_232, %parallel_loop3A_233] : memref<2x32x128xf32, #tpu.memory_space<vmem>> -> memref<1x32x128xf32, #tpu.memory_space<vmem>>
        %parallel_loop3A_235 = tpu.memref_squeeze %parallel_loop3A_234 : memref<1x32x128xf32, #tpu.memory_space<vmem>> -> memref<32x128xf32, #tpu.memory_space<vmem>>
        %parallel_loop3A_236 = arith.index_cast %parallel_loop3A_208 : i32 to index
        %parallel_loop3A_237 = arith.constant 16 : index
        %parallel_loop3A_238 = tpu.vector_load %parallel_loop3A_235[%parallel_loop3A_236, %parallel_loop3A_237] {strides = array<i32>} : memref<32x128xf32, #tpu.memory_space<vmem>>, vector<16xf32>,
        tpu.vector_store %parallel_loop3A_235[%parallel_loop3A_236, %parallel_loop3A_237], %parallel_loop3A_231 {strides = array<i32>} : memref<32x128xf32, #tpu.memory_space<vmem>>, vector<16xf32>,
        %parallel_loop3A_239 = arith.constant 128 : i32
        %parallel_loop3A_240 = arith.muli %parallel_loop3A_208, %parallel_loop3A_239 : i32
        %parallel_loop3A_241 = arith.constant 32 : i32
        %parallel_loop3A_242 = arith.addi %parallel_loop3A_240, %parallel_loop3A_241 : i32
        %parallel_loop3A_243 = arith.index_cast %parallel_loop3A_242 : i32 to index
        %parallel_loop3A_244 = tpu.vector_load %arg7[%parallel_loop3A_243] {strides = array<i32>} : memref<4096xi32, #tpu.memory_space<vmem>>, vector<16xi32>,
        %parallel_loop3A_245 = tpu.vector_load_idx %arg6[%parallel_loop3A_244] : memref<100000xf32, #tpu.memory_space<vmem>>[vector<16xi32>], vector<16xf32>,
        %parallel_loop3A_246 = arith.addf %parallel_loop3A_245, %gather3A_186 : vector<16xf32>
        %parallel_loop3A_247 = arith.constant 0 : i32
        %parallel_loop3A_248 = arith.constant 0 : i32
        %parallel_loop3A_249 = tpu.memref_slice %arg8[%parallel_loop3A_190, %parallel_loop3A_247, %parallel_loop3A_248] : memref<2x32x128xf32, #tpu.memory_space<vmem>> -> memref<1x32x128xf32, #tpu.memory_space<vmem>>
        %parallel_loop3A_250 = tpu.memref_squeeze %parallel_loop3A_249 : memref<1x32x128xf32, #tpu.memory_space<vmem>> -> memref<32x128xf32, #tpu.memory_space<vmem>>
        %parallel_loop3A_251 = arith.index_cast %parallel_loop3A_208 : i32 to index
        %parallel_loop3A_252 = arith.constant 32 : index
        %parallel_loop3A_253 = tpu.vector_load %parallel_loop3A_250[%parallel_loop3A_251, %parallel_loop3A_252] {strides = array<i32>} : memref<32x128xf32, #tpu.memory_space<vmem>>, vector<16xf32>,
        tpu.vector_store %parallel_loop3A_250[%parallel_loop3A_251, %parallel_loop3A_252], %parallel_loop3A_246 {strides = array<i32>} : memref<32x128xf32, #tpu.memory_space<vmem>>, vector<16xf32>,
        %parallel_loop3A_254 = arith.constant 128 : i32
        %parallel_loop3A_255 = arith.muli %parallel_loop3A_208, %parallel_loop3A_254 : i32
        %parallel_loop3A_256 = arith.constant 48 : i32
        %parallel_loop3A_257 = arith.addi %parallel_loop3A_255, %parallel_loop3A_256 : i32
        %parallel_loop3A_258 = arith.index_cast %parallel_loop3A_257 : i32 to index
        %parallel_loop3A_259 = tpu.vector_load %arg7[%parallel_loop3A_258] {strides = array<i32>} : memref<4096xi32, #tpu.memory_space<vmem>>, vector<16xi32>,
        %parallel_loop3A_260 = tpu.vector_load_idx %arg6[%parallel_loop3A_259] : memref<100000xf32, #tpu.memory_space<vmem>>[vector<16xi32>], vector<16xf32>,
        %parallel_loop3A_261 = arith.addf %parallel_loop3A_260, %gather3A_186 : vector<16xf32>
        %parallel_loop3A_262 = arith.constant 0 : i32
        %parallel_loop3A_263 = arith.constant 0 : i32
        %parallel_loop3A_264 = tpu.memref_slice %arg8[%parallel_loop3A_190, %parallel_loop3A_262, %parallel_loop3A_263] : memref<2x32x128xf32, #tpu.memory_space<vmem>> -> memref<1x32x128xf32, #tpu.memory_space<vmem>>
        %parallel_loop3A_265 = tpu.memref_squeeze %parallel_loop3A_264 : memref<1x32x128xf32, #tpu.memory_space<vmem>> -> memref<32x128xf32, #tpu.memory_space<vmem>>
        %parallel_loop3A_266 = arith.index_cast %parallel_loop3A_208 : i32 to index
        %parallel_loop3A_267 = arith.constant 48 : index
        %parallel_loop3A_268 = tpu.vector_load %parallel_loop3A_265[%parallel_loop3A_266, %parallel_loop3A_267] {strides = array<i32>} : memref<32x128xf32, #tpu.memory_space<vmem>>, vector<16xf32>,
        tpu.vector_store %parallel_loop3A_265[%parallel_loop3A_266, %parallel_loop3A_267], %parallel_loop3A_261 {strides = array<i32>} : memref<32x128xf32, #tpu.memory_space<vmem>>, vector<16xf32>,
        %parallel_loop3A_269 = arith.constant 128 : i32
        %parallel_loop3A_270 = arith.muli %parallel_loop3A_208, %parallel_loop3A_269 : i32
        %parallel_loop3A_271 = arith.constant 64 : i32
        %parallel_loop3A_272 = arith.addi %parallel_loop3A_270, %parallel_loop3A_271 : i32
        %parallel_loop3A_273 = arith.index_cast %parallel_loop3A_272 : i32 to index
        %parallel_loop3A_274 = tpu.vector_load %arg7[%parallel_loop3A_273] {strides = array<i32>} : memref<4096xi32, #tpu.memory_space<vmem>>, vector<16xi32>,
        %parallel_loop3A_275 = tpu.vector_load_idx %arg6[%parallel_loop3A_274] : memref<100000xf32, #tpu.memory_space<vmem>>[vector<16xi32>], vector<16xf32>,
        %parallel_loop3A_276 = arith.addf %parallel_loop3A_275, %gather3A_186 : vector<16xf32>
        %parallel_loop3A_277 = arith.constant 0 : i32
        %parallel_loop3A_278 = arith.constant 0 : i32
        %parallel_loop3A_279 = tpu.memref_slice %arg8[%parallel_loop3A_190, %parallel_loop3A_277, %parallel_loop3A_278] : memref<2x32x128xf32, #tpu.memory_space<vmem>> -> memref<1x32x128xf32, #tpu.memory_space<vmem>>
        %parallel_loop3A_280 = tpu.memref_squeeze %parallel_loop3A_279 : memref<1x32x128xf32, #tpu.memory_space<vmem>> -> memref<32x128xf32, #tpu.memory_space<vmem>>
        %parallel_loop3A_281 = arith.index_cast %parallel_loop3A_208 : i32 to index
        %parallel_loop3A_282 = arith.constant 64 : index
        %parallel_loop3A_283 = tpu.vector_load %parallel_loop3A_280[%parallel_loop3A_281, %parallel_loop3A_282] {strides = array<i32>} : memref<32x128xf32, #tpu.memory_space<vmem>>, vector<16xf32>,
        tpu.vector_store %parallel_loop3A_280[%parallel_loop3A_281, %parallel_loop3A_282], %parallel_loop3A_276 {strides = array<i32>} : memref<32x128xf32, #tpu.memory_space<vmem>>, vector<16xf32>,
        %parallel_loop3A_284 = arith.constant 128 : i32
        %parallel_loop3A_285 = arith.muli %parallel_loop3A_208, %parallel_loop3A_284 : i32
        %parallel_loop3A_286 = arith.constant 80 : i32
        %parallel_loop3A_287 = arith.addi %parallel_loop3A_285, %parallel_loop3A_286 : i32
        %parallel_loop3A_288 = arith.index_cast %parallel_loop3A_287 : i32 to index
        %parallel_loop3A_289 = tpu.vector_load %arg7[%parallel_loop3A_288] {strides = array<i32>} : memref<4096xi32, #tpu.memory_space<vmem>>, vector<16xi32>,
        %parallel_loop3A_290 = tpu.vector_load_idx %arg6[%parallel_loop3A_289] : memref<100000xf32, #tpu.memory_space<vmem>>[vector<16xi32>], vector<16xf32>,
        %parallel_loop3A_291 = arith.addf %parallel_loop3A_290, %gather3A_186 : vector<16xf32>
        %parallel_loop3A_292 = arith.constant 0 : i32
        %parallel_loop3A_293 = arith.constant 0 : i32
        %parallel_loop3A_294 = tpu.memref_slice %arg8[%parallel_loop3A_190, %parallel_loop3A_292, %parallel_loop3A_293] : memref<2x32x128xf32, #tpu.memory_space<vmem>> -> memref<1x32x128xf32, #tpu.memory_space<vmem>>
        %parallel_loop3A_295 = tpu.memref_squeeze %parallel_loop3A_294 : memref<1x32x128xf32, #tpu.memory_space<vmem>> -> memref<32x128xf32, #tpu.memory_space<vmem>>
        %parallel_loop3A_296 = arith.index_cast %parallel_loop3A_208 : i32 to index
        %parallel_loop3A_297 = arith.constant 80 : index
        %parallel_loop3A_298 = tpu.vector_load %parallel_loop3A_295[%parallel_loop3A_296, %parallel_loop3A_297] {strides = array<i32>} : memref<32x128xf32, #tpu.memory_space<vmem>>, vector<16xf32>,
        tpu.vector_store %parallel_loop3A_295[%parallel_loop3A_296, %parallel_loop3A_297], %parallel_loop3A_291 {strides = array<i32>} : memref<32x128xf32, #tpu.memory_space<vmem>>, vector<16xf32>,
        %parallel_loop3A_299 = arith.constant 128 : i32
        %parallel_loop3A_300 = arith.muli %parallel_loop3A_208, %parallel_loop3A_299 : i32
        %parallel_loop3A_301 = arith.constant 96 : i32
        %parallel_loop3A_302 = arith.addi %parallel_loop3A_300, %parallel_loop3A_301 : i32
        %parallel_loop3A_303 = arith.index_cast %parallel_loop3A_302 : i32 to index
        %parallel_loop3A_304 = tpu.vector_load %arg7[%parallel_loop3A_303] {strides = array<i32>} : memref<4096xi32, #tpu.memory_space<vmem>>, vector<16xi32>,
        %parallel_loop3A_305 = tpu.vector_load_idx %arg6[%parallel_loop3A_304] : memref<100000xf32, #tpu.memory_space<vmem>>[vector<16xi32>], vector<16xf32>,
        %parallel_loop3A_306 = arith.addf %parallel_loop3A_305, %gather3A_186 : vector<16xf32>
        %parallel_loop3A_307 = arith.constant 0 : i32
        %parallel_loop3A_308 = arith.constant 0 : i32
        %parallel_loop3A_309 = tpu.memref_slice %arg8[%parallel_loop3A_190, %parallel_loop3A_307, %parallel_loop3A_308] : memref<2x32x128xf32, #tpu.memory_space<vmem>> -> memref<1x32x128xf32, #tpu.memory_space<vmem>>
        %parallel_loop3A_310 = tpu.memref_squeeze %parallel_loop3A_309 : memref<1x32x128xf32, #tpu.memory_space<vmem>> -> memref<32x128xf32, #tpu.memory_space<vmem>>
        %parallel_loop3A_311 = arith.index_cast %parallel_loop3A_208 : i32 to index
        %parallel_loop3A_312 = arith.constant 96 : index
        %parallel_loop3A_313 = tpu.vector_load %parallel_loop3A_310[%parallel_loop3A_311, %parallel_loop3A_312] {strides = array<i32>} : memref<32x128xf32, #tpu.memory_space<vmem>>, vector<16xf32>,
        tpu.vector_store %parallel_loop3A_310[%parallel_loop3A_311, %parallel_loop3A_312], %parallel_loop3A_306 {strides = array<i32>} : memref<32x128xf32, #tpu.memory_space<vmem>>, vector<16xf32>,
        %parallel_loop3A_314 = arith.constant 128 : i32
        %parallel_loop3A_315 = arith.muli %parallel_loop3A_208, %parallel_loop3A_314 : i32
        %parallel_loop3A_316 = arith.constant 112 : i32
        %parallel_loop3A_317 = arith.addi %parallel_loop3A_315, %parallel_loop3A_316 : i32
        %parallel_loop3A_318 = arith.index_cast %parallel_loop3A_317 : i32 to index
        %parallel_loop3A_319 = tpu.vector_load %arg7[%parallel_loop3A_318] {strides = array<i32>} : memref<4096xi32, #tpu.memory_space<vmem>>, vector<16xi32>,
        %parallel_loop3A_320 = tpu.vector_load_idx %arg6[%parallel_loop3A_319] : memref<100000xf32, #tpu.memory_space<vmem>>[vector<16xi32>], vector<16xf32>,
        %parallel_loop3A_321 = arith.addf %parallel_loop3A_320, %gather3A_186 : vector<16xf32>
        %parallel_loop3A_322 = arith.constant 0 : i32
        %parallel_loop3A_323 = arith.constant 0 : i32
        %parallel_loop3A_324 = tpu.memref_slice %arg8[%parallel_loop3A_190, %parallel_loop3A_322, %parallel_loop3A_323] : memref<2x32x128xf32, #tpu.memory_space<vmem>> -> memref<1x32x128xf32, #tpu.memory_space<vmem>>
        %parallel_loop3A_325 = tpu.memref_squeeze %parallel_loop3A_324 : memref<1x32x128xf32, #tpu.memory_space<vmem>> -> memref<32x128xf32, #tpu.memory_space<vmem>>
        %parallel_loop3A_326 = arith.index_cast %parallel_loop3A_208 : i32 to index
        %parallel_loop3A_327 = arith.constant 112 : index
        %parallel_loop3A_328 = tpu.vector_load %parallel_loop3A_325[%parallel_loop3A_326, %parallel_loop3A_327] {strides = array<i32>} : memref<32x128xf32, #tpu.memory_space<vmem>>, vector<16xf32>,
        tpu.vector_store %parallel_loop3A_325[%parallel_loop3A_326, %parallel_loop3A_327], %parallel_loop3A_321 {strides = array<i32>} : memref<32x128xf32, #tpu.memory_space<vmem>>, vector<16xf32>,
      } {sc.loop_unroll_factor = 4 : i64, sc.parallel_access}
      %dma_start3A_191 = arith.constant 1 : i32
      %dma_start3A_192 = arith.constant 0 : i32
      %dma_start3A_193 = arith.constant 0 : i32
      %dma_start3A_194 = tpu.memref_slice %arg8[%dma_start3A_191, %dma_start3A_192, %dma_start3A_193] : memref<2x32x128xf32, #tpu.memory_space<vmem>> -> memref<1x32x128xf32, #tpu.memory_space<vmem>>
      %dma_start3A_195 = tpu.memref_squeeze %dma_start3A_194 : memref<1x32x128xf32, #tpu.memory_space<vmem>> -> memref<32x128xf32, #tpu.memory_space<vmem>>
      %dma_start3A_196 = arith.constant 0 : i32
      %dma_start3A_197 = arith.constant 0 : i32
      %dma_start3A_198 = tpu.memref_slice %arg5[%add3A_180, %select_n3A, %dma_start3A_196, %select_n3A_30, %dma_start3A_197] : memref<200x4x32x8x128xf32, #tpu.memory_space<hbm>> -> memref<1x1x32x1x128xf32, #tpu.memory_space<hbm>>
      %dma_start3A_199 = tpu.memref_squeeze %dma_start3A_198 : memref<1x1x32x1x128xf32, #tpu.memory_space<hbm>> -> memref<32x128xf32, #tpu.memory_space<hbm>>
      %dma_start3A_200 = arith.constant 0 : i32
      %dma_start3A_201 = arith.constant 0 : i32
      %dma_start3A_202 = tpu.memref_slice %arg5[%add3A_180, %select_n3A, %dma_start3A_200, %select_n3A_30, %dma_start3A_201] : memref<200x4x32x8x128xf32, #tpu.memory_space<hbm>> -> memref<1x1x32x1x128xf32, #tpu.memory_space<hbm>>
      %dma_start3A_203 = tpu.memref_squeeze %dma_start3A_202 : memref<1x1x32x1x128xf32, #tpu.memory_space<hbm>> -> memref<32x128xf32, #tpu.memory_space<hbm>>
      %dma_start3A_204 = arith.constant 0 : i32
      %dma_start3A_205 = arith.constant 0 : i32
      %dma_start3A_206 = tpu.memref_slice %arg8[%dma_start3A_191, %dma_start3A_204, %dma_start3A_205] : memref<2x32x128xf32, #tpu.memory_space<vmem>> -> memref<1x32x128xf32, #tpu.memory_space<vmem>>
      %dma_start3A_207 = tpu.memref_squeeze %dma_start3A_206 : memref<1x32x128xf32, #tpu.memory_space<vmem>> -> memref<32x128xf32, #tpu.memory_space<vmem>>
      tpu.enqueue_dma source(%dma_start3A_207 : memref<32x128xf32, #tpu.memory_space<vmem>>) target(%dma_start3A_203 : memref<32x128xf32, #tpu.memory_space<hbm>>) target_semaphore(%arg12 : memref<!tpu.dma_semaphore, #tpu.memory_space<semaphore_mem>>)
    }
    %scan3A_42 = arith.constant 25 : i32
    %barrier3A_43 = arith.constant 0 : index
    tpu.barrier barrier_id(%barrier3A_43)
    %lt3A_44 = arith.constant 2 : i32
    %lt3A_45 = arith.cmpi slt, %arg1, %lt3A_44 : i32
    %convert_element_type3A_46 = arith.extui %lt3A_45 : i1 to i32
    %cond3A_47 = arith.constant 0 : i32
    %cond3A_48 = arith.cmpi ne, %convert_element_type3A_46, %cond3A_47 : i32
    scf.if %cond3A_48 {
      %mul3A_133 = arith.constant 4 : i32
      %mul3A_134 = arith.muli %arg1, %mul3A_133 : i32
      %add3A_135 = arith.constant 50 : i32
      %add3A_136 = arith.addi %add3A_135, %mul3A_134 : i32
      "tpu.region"() ({
        %run_scoped3A = tpu.sem_alloc : memref<!tpu.dma_semaphore, #tpu.memory_space<semaphore_mem>>
        %dma_start3A = arith.constant 0 : i32
        %dma_start3A_137 = tpu.memref_slice %arg10[%mul3A_134, %dma_start3A] : memref<50x4096xi32, #tpu.memory_space<vmem_shared>> -> memref<4x4096xi32, #tpu.memory_space<vmem_shared>>
        %dma_start3A_138 = arith.constant 0 : i32
        %dma_start3A_139 = tpu.memref_slice %arg2[%add3A_136, %dma_start3A_138] : memref<200x4096xi32, #tpu.memory_space<hbm>> -> memref<4x4096xi32, #tpu.memory_space<hbm>>
        tpu.enqueue_dma source(%dma_start3A_139 : memref<4x4096xi32, #tpu.memory_space<hbm>>) target(%dma_start3A_137 : memref<4x4096xi32, #tpu.memory_space<vmem_shared>>) target_semaphore(%run_scoped3A : memref<!tpu.dma_semaphore, #tpu.memory_space<semaphore_mem>>)
        %dma_wait3A_140 = arith.constant 0 : i32
        %dma_wait3A_141 = tpu.memref_slice %arg10[%mul3A_134, %dma_wait3A_140] : memref<50x4096xi32, #tpu.memory_space<vmem_shared>> -> memref<4x4096xi32, #tpu.memory_space<vmem_shared>>
        %dma_wait3A_142 = arith.constant 0 : i32
        %dma_wait3A_143 = tpu.memref_slice %arg2[%add3A_136, %dma_wait3A_142] : memref<200x4096xi32, #tpu.memory_space<hbm>> -> memref<4x4096xi32, #tpu.memory_space<hbm>>
        tpu.wait_dma2 semaphore(%run_scoped3A : memref<!tpu.dma_semaphore, #tpu.memory_space<semaphore_mem>>) src(%dma_wait3A_143 : memref<4x4096xi32, #tpu.memory_space<hbm>>) dst(%dma_wait3A_141 : memref<4x4096xi32, #tpu.memory_space<vmem_shared>>)
        tpu.yield
      }) : () -> ()
    } else {
    }
    %ge3A_49 = arith.constant 2 : i32
    %ge3A_50 = arith.cmpi sge, %arg1, %ge3A_49 : i32
    %convert_element_type3A_51 = arith.extui %ge3A_50 : i1 to i32
    %cond3A_52 = arith.constant 0 : i32
    %cond3A_53 = arith.cmpi ne, %convert_element_type3A_51, %cond3A_52 : i32
    scf.if %cond3A_53 {
      %sub3A_133 = arith.constant 2 : i32
      %sub3A_134 = arith.subi %arg1, %sub3A_133 : i32
      %mul3A_135 = arith.constant 3 : i32
      %mul3A_136 = arith.muli %sub3A_134, %mul3A_135 : i32
      %add3A_137 = arith.constant 8 : i32
      %add3A_138 = arith.addi %add3A_137, %mul3A_136 : i32
      %add3A_139 = arith.constant 50 : i32
      %add3A_140 = arith.addi %add3A_139, %add3A_138 : i32
      "tpu.region"() ({
        %run_scoped3A = tpu.sem_alloc : memref<!tpu.dma_semaphore, #tpu.memory_space<semaphore_mem>>
        %dma_start3A = arith.constant 0 : i32
        %dma_start3A_141 = tpu.memref_slice %arg10[%add3A_138, %dma_start3A] : memref<50x4096xi32, #tpu.memory_space<vmem_shared>> -> memref<3x4096xi32, #tpu.memory_space<vmem_shared>>
        %dma_start3A_142 = arith.constant 0 : i32
        %dma_start3A_143 = tpu.memref_slice %arg2[%add3A_140, %dma_start3A_142] : memref<200x4096xi32, #tpu.memory_space<hbm>> -> memref<3x4096xi32, #tpu.memory_space<hbm>>
        tpu.enqueue_dma source(%dma_start3A_143 : memref<3x4096xi32, #tpu.memory_space<hbm>>) target(%dma_start3A_141 : memref<3x4096xi32, #tpu.memory_space<vmem_shared>>) target_semaphore(%run_scoped3A : memref<!tpu.dma_semaphore, #tpu.memory_space<semaphore_mem>>)
        %dma_wait3A_144 = arith.constant 0 : i32
        %dma_wait3A_145 = tpu.memref_slice %arg10[%add3A_138, %dma_wait3A_144] : memref<50x4096xi32, #tpu.memory_space<vmem_shared>> -> memref<3x4096xi32, #tpu.memory_space<vmem_shared>>
        %dma_wait3A_146 = arith.constant 0 : i32
        %dma_wait3A_147 = tpu.memref_slice %arg2[%add3A_140, %dma_wait3A_146] : memref<200x4096xi32, #tpu.memory_space<hbm>> -> memref<3x4096xi32, #tpu.memory_space<hbm>>
        tpu.wait_dma2 semaphore(%run_scoped3A : memref<!tpu.dma_semaphore, #tpu.memory_space<semaphore_mem>>) src(%dma_wait3A_147 : memref<3x4096xi32, #tpu.memory_space<hbm>>) dst(%dma_wait3A_145 : memref<3x4096xi32, #tpu.memory_space<vmem_shared>>)
        tpu.yield
      }) : () -> ()
    } else {
    }
    %barrier3A_54 = arith.constant 0 : index
    tpu.barrier barrier_id(%barrier3A_54)
    %scan3A_55 = arith.constant 0 : i32
    %scan3A_56 = arith.constant 0 : i32
    %scan3A_57 = arith.constant 25 : i32
    %scan3A_58 = arith.addi %scan3A_56, %scan3A_57 : i32
    %scan3A_59 = arith.constant 1 : i32
    scf.for %scan3A_133 = %scan3A_56 to %scan3A_58 step %scan3A_59  : i32 {
      %gt3A = arith.constant 0 : i32
      %gt3A_134 = arith.cmpi sgt, %scan3A_133, %gt3A : i32
      %or3A = arith.constant true
      %or3A_135 = arith.ori %gt3A_134, %or3A : i1
      %convert_element_type3A_136 = arith.extui %or3A_135 : i1 to i32
      %cond3A_137 = arith.constant 0 : i32
      %cond3A_138 = arith.cmpi ne, %convert_element_type3A_136, %cond3A_137 : i32
      scf.if %cond3A_138 {
        %dma_wait3A_208 = arith.constant 0 : i32
        %dma_wait3A_209 = arith.constant 0 : i32
        %dma_wait3A_210 = arith.constant 0 : i32
        %dma_wait3A_211 = arith.constant 0 : i32
        %dma_wait3A_212 = tpu.memref_slice %arg8[%dma_wait3A_208, %dma_wait3A_210, %dma_wait3A_211] : memref<2x32x128xf32, #tpu.memory_space<vmem>> -> memref<1x32x128xf32, #tpu.memory_space<vmem>>
        %dma_wait3A_213 = tpu.memref_squeeze %dma_wait3A_212 : memref<1x32x128xf32, #tpu.memory_space<vmem>> -> memref<32x128xf32, #tpu.memory_space<vmem>>
        %dma_wait3A_214 = arith.constant 0 : i32
        %dma_wait3A_215 = arith.constant 0 : i32
        %dma_wait3A_216 = tpu.memref_slice %arg5[%dma_wait3A_209, %select_n3A, %dma_wait3A_214, %select_n3A_30, %dma_wait3A_215] : memref<200x4x32x8x128xf32, #tpu.memory_space<hbm>> -> memref<1x1x32x1x128xf32, #tpu.memory_space<hbm>>
        %dma_wait3A_217 = tpu.memref_squeeze %dma_wait3A_216 : memref<1x1x32x1x128xf32, #tpu.memory_space<hbm>> -> memref<32x128xf32, #tpu.memory_space<hbm>>
        %dma_wait3A_218 = arith.constant 0 : i32
        %dma_wait3A_219 = arith.constant 0 : i32
        %dma_wait3A_220 = tpu.memref_slice %arg5[%dma_wait3A_209, %select_n3A, %dma_wait3A_218, %select_n3A_30, %dma_wait3A_219] : memref<200x4x32x8x128xf32, #tpu.memory_space<hbm>> -> memref<1x1x32x1x128xf32, #tpu.memory_space<hbm>>
        %dma_wait3A_221 = tpu.memref_squeeze %dma_wait3A_220 : memref<1x1x32x1x128xf32, #tpu.memory_space<hbm>> -> memref<32x128xf32, #tpu.memory_space<hbm>>
        %dma_wait3A_222 = arith.constant 0 : i32
        %dma_wait3A_223 = arith.constant 0 : i32
        %dma_wait3A_224 = tpu.memref_slice %arg8[%dma_wait3A_208, %dma_wait3A_222, %dma_wait3A_223] : memref<2x32x128xf32, #tpu.memory_space<vmem>> -> memref<1x32x128xf32, #tpu.memory_space<vmem>>
        %dma_wait3A_225 = tpu.memref_squeeze %dma_wait3A_224 : memref<1x32x128xf32, #tpu.memory_space<vmem>> -> memref<32x128xf32, #tpu.memory_space<vmem>>
        tpu.wait_dma2 semaphore(%arg11 : memref<!tpu.dma_semaphore, #tpu.memory_space<semaphore_mem>>) src(%dma_wait3A_225 : memref<32x128xf32, #tpu.memory_space<vmem>>) dst(%dma_wait3A_221 : memref<32x128xf32, #tpu.memory_space<hbm>>)
      } else {
      }
      %mul3A_139 = arith.constant 2 : i32
      %mul3A_140 = arith.muli %scan3A_133, %mul3A_139 : i32
      %add3A_141 = arith.constant 50 : i32
      %add3A_142 = arith.addi %add3A_141, %mul3A_140 : i32
      %add3A_143 = arith.constant 0 : i32
      %add3A_144 = arith.addi %add3A_142, %add3A_143 : i32
      %mul3A_145 = arith.constant 2 : i32
      %mul3A_146 = arith.muli %scan3A_133, %mul3A_145 : i32
      %add3A_147 = arith.constant 0 : i32
      %add3A_148 = arith.addi %mul3A_146, %add3A_147 : i32
      "tpu.region"() ({
        %run_scoped3A = tpu.sem_alloc : memref<!tpu.dma_semaphore, #tpu.memory_space<semaphore_mem>>
        %dma_start3A_208 = arith.constant 0 : i32
        %dma_start3A_209 = tpu.memref_slice %arg10[%add3A_148, %dma_start3A_208] : memref<50x4096xi32, #tpu.memory_space<vmem_shared>> -> memref<1x4096xi32, #tpu.memory_space<vmem_shared>>
        %dma_start3A_210 = tpu.memref_squeeze %dma_start3A_209 : memref<1x4096xi32, #tpu.memory_space<vmem_shared>> -> memref<4096xi32, #tpu.memory_space<vmem_shared>>
        %dma_start3A_211 = arith.constant 0 : i32
        %dma_start3A_212 = tpu.memref_slice %arg10[%add3A_148, %dma_start3A_211] : memref<50x4096xi32, #tpu.memory_space<vmem_shared>> -> memref<1x4096xi32, #tpu.memory_space<vmem_shared>>
        %dma_start3A_213 = tpu.memref_squeeze %dma_start3A_212 : memref<1x4096xi32, #tpu.memory_space<vmem_shared>> -> memref<4096xi32, #tpu.memory_space<vmem_shared>>
        tpu.enqueue_dma source(%dma_start3A_213 : memref<4096xi32, #tpu.memory_space<vmem_shared>>) target(%arg7 : memref<4096xi32, #tpu.memory_space<vmem>>) target_semaphore(%run_scoped3A : memref<!tpu.dma_semaphore, #tpu.memory_space<semaphore_mem>>)
        %dma_wait3A_214 = arith.constant 0 : i32
        %dma_wait3A_215 = tpu.memref_slice %arg10[%add3A_148, %dma_wait3A_214] : memref<50x4096xi32, #tpu.memory_space<vmem_shared>> -> memref<1x4096xi32, #tpu.memory_space<vmem_shared>>
        %dma_wait3A_216 = tpu.memref_squeeze %dma_wait3A_215 : memref<1x4096xi32, #tpu.memory_space<vmem_shared>> -> memref<4096xi32, #tpu.memory_space<vmem_shared>>
        %dma_wait3A_217 = arith.constant 0 : i32
        %dma_wait3A_218 = tpu.memref_slice %arg10[%add3A_148, %dma_wait3A_217] : memref<50x4096xi32, #tpu.memory_space<vmem_shared>> -> memref<1x4096xi32, #tpu.memory_space<vmem_shared>>
        %dma_wait3A_219 = tpu.memref_squeeze %dma_wait3A_218 : memref<1x4096xi32, #tpu.memory_space<vmem_shared>> -> memref<4096xi32, #tpu.memory_space<vmem_shared>>
        tpu.wait_dma2 semaphore(%run_scoped3A : memref<!tpu.dma_semaphore, #tpu.memory_space<semaphore_mem>>) src(%dma_wait3A_219 : memref<4096xi32, #tpu.memory_space<vmem_shared>>) dst(%arg7 : memref<4096xi32, #tpu.memory_space<vmem>>)
        tpu.yield
      }) : () -> ()
      %broadcast_in_dim3A = vector.broadcast %add3A_144 : i32 to vector<16xi32>
      %gather3A = tpu.vector_load_idx %arg9[%broadcast_in_dim3A] : memref<200xf32, #tpu.memory_space<vmem>>[vector<16xi32>], vector<16xf32>,
      %parallel_loop3A = arith.constant 0 : i32
      %parallel_loop3A_149 = arith.constant 32 : i32
      %parallel_loop3A_150 = arith.constant 1 : i32
      %parallel_loop3A_151 = arith.constant 0 : i32
      scf.for %parallel_loop3A_208 = %parallel_loop3A to %parallel_loop3A_149 step %parallel_loop3A_150  : i32 {
        %parallel_loop3A_209 = arith.constant 128 : i32
        %parallel_loop3A_210 = arith.muli %parallel_loop3A_208, %parallel_loop3A_209 : i32
        %parallel_loop3A_211 = arith.constant 0 : i32
        %parallel_loop3A_212 = arith.addi %parallel_loop3A_210, %parallel_loop3A_211 : i32
        %parallel_loop3A_213 = arith.index_cast %parallel_loop3A_212 : i32 to index
        %parallel_loop3A_214 = tpu.vector_load %arg7[%parallel_loop3A_213] {strides = array<i32>} : memref<4096xi32, #tpu.memory_space<vmem>>, vector<16xi32>,
        %parallel_loop3A_215 = tpu.vector_load_idx %arg6[%parallel_loop3A_214] : memref<100000xf32, #tpu.memory_space<vmem>>[vector<16xi32>], vector<16xf32>,
        %parallel_loop3A_216 = arith.addf %parallel_loop3A_215, %gather3A : vector<16xf32>
        %parallel_loop3A_217 = arith.constant 0 : i32
        %parallel_loop3A_218 = arith.constant 0 : i32
        %parallel_loop3A_219 = tpu.memref_slice %arg8[%parallel_loop3A_151, %parallel_loop3A_217, %parallel_loop3A_218] : memref<2x32x128xf32, #tpu.memory_space<vmem>> -> memref<1x32x128xf32, #tpu.memory_space<vmem>>
        %parallel_loop3A_220 = tpu.memref_squeeze %parallel_loop3A_219 : memref<1x32x128xf32, #tpu.memory_space<vmem>> -> memref<32x128xf32, #tpu.memory_space<vmem>>
        %parallel_loop3A_221 = arith.index_cast %parallel_loop3A_208 : i32 to index
        %parallel_loop3A_222 = arith.constant 0 : index
        %parallel_loop3A_223 = tpu.vector_load %parallel_loop3A_220[%parallel_loop3A_221, %parallel_loop3A_222] {strides = array<i32>} : memref<32x128xf32, #tpu.memory_space<vmem>>, vector<16xf32>,
        tpu.vector_store %parallel_loop3A_220[%parallel_loop3A_221, %parallel_loop3A_222], %parallel_loop3A_216 {strides = array<i32>} : memref<32x128xf32, #tpu.memory_space<vmem>>, vector<16xf32>,
        %parallel_loop3A_224 = arith.constant 128 : i32
        %parallel_loop3A_225 = arith.muli %parallel_loop3A_208, %parallel_loop3A_224 : i32
        %parallel_loop3A_226 = arith.constant 16 : i32
        %parallel_loop3A_227 = arith.addi %parallel_loop3A_225, %parallel_loop3A_226 : i32
        %parallel_loop3A_228 = arith.index_cast %parallel_loop3A_227 : i32 to index
        %parallel_loop3A_229 = tpu.vector_load %arg7[%parallel_loop3A_228] {strides = array<i32>} : memref<4096xi32, #tpu.memory_space<vmem>>, vector<16xi32>,
        %parallel_loop3A_230 = tpu.vector_load_idx %arg6[%parallel_loop3A_229] : memref<100000xf32, #tpu.memory_space<vmem>>[vector<16xi32>], vector<16xf32>,
        %parallel_loop3A_231 = arith.addf %parallel_loop3A_230, %gather3A : vector<16xf32>
        %parallel_loop3A_232 = arith.constant 0 : i32
        %parallel_loop3A_233 = arith.constant 0 : i32
        %parallel_loop3A_234 = tpu.memref_slice %arg8[%parallel_loop3A_151, %parallel_loop3A_232, %parallel_loop3A_233] : memref<2x32x128xf32, #tpu.memory_space<vmem>> -> memref<1x32x128xf32, #tpu.memory_space<vmem>>
        %parallel_loop3A_235 = tpu.memref_squeeze %parallel_loop3A_234 : memref<1x32x128xf32, #tpu.memory_space<vmem>> -> memref<32x128xf32, #tpu.memory_space<vmem>>
        %parallel_loop3A_236 = arith.index_cast %parallel_loop3A_208 : i32 to index
        %parallel_loop3A_237 = arith.constant 16 : index
        %parallel_loop3A_238 = tpu.vector_load %parallel_loop3A_235[%parallel_loop3A_236, %parallel_loop3A_237] {strides = array<i32>} : memref<32x128xf32, #tpu.memory_space<vmem>>, vector<16xf32>,
        tpu.vector_store %parallel_loop3A_235[%parallel_loop3A_236, %parallel_loop3A_237], %parallel_loop3A_231 {strides = array<i32>} : memref<32x128xf32, #tpu.memory_space<vmem>>, vector<16xf32>,
        %parallel_loop3A_239 = arith.constant 128 : i32
        %parallel_loop3A_240 = arith.muli %parallel_loop3A_208, %parallel_loop3A_239 : i32
        %parallel_loop3A_241 = arith.constant 32 : i32
        %parallel_loop3A_242 = arith.addi %parallel_loop3A_240, %parallel_loop3A_241 : i32
        %parallel_loop3A_243 = arith.index_cast %parallel_loop3A_242 : i32 to index
        %parallel_loop3A_244 = tpu.vector_load %arg7[%parallel_loop3A_243] {strides = array<i32>} : memref<4096xi32, #tpu.memory_space<vmem>>, vector<16xi32>,
        %parallel_loop3A_245 = tpu.vector_load_idx %arg6[%parallel_loop3A_244] : memref<100000xf32, #tpu.memory_space<vmem>>[vector<16xi32>], vector<16xf32>,
        %parallel_loop3A_246 = arith.addf %parallel_loop3A_245, %gather3A : vector<16xf32>
        %parallel_loop3A_247 = arith.constant 0 : i32
        %parallel_loop3A_248 = arith.constant 0 : i32
        %parallel_loop3A_249 = tpu.memref_slice %arg8[%parallel_loop3A_151, %parallel_loop3A_247, %parallel_loop3A_248] : memref<2x32x128xf32, #tpu.memory_space<vmem>> -> memref<1x32x128xf32, #tpu.memory_space<vmem>>
        %parallel_loop3A_250 = tpu.memref_squeeze %parallel_loop3A_249 : memref<1x32x128xf32, #tpu.memory_space<vmem>> -> memref<32x128xf32, #tpu.memory_space<vmem>>
        %parallel_loop3A_251 = arith.index_cast %parallel_loop3A_208 : i32 to index
        %parallel_loop3A_252 = arith.constant 32 : index
        %parallel_loop3A_253 = tpu.vector_load %parallel_loop3A_250[%parallel_loop3A_251, %parallel_loop3A_252] {strides = array<i32>} : memref<32x128xf32, #tpu.memory_space<vmem>>, vector<16xf32>,
        tpu.vector_store %parallel_loop3A_250[%parallel_loop3A_251, %parallel_loop3A_252], %parallel_loop3A_246 {strides = array<i32>} : memref<32x128xf32, #tpu.memory_space<vmem>>, vector<16xf32>,
        %parallel_loop3A_254 = arith.constant 128 : i32
        %parallel_loop3A_255 = arith.muli %parallel_loop3A_208, %parallel_loop3A_254 : i32
        %parallel_loop3A_256 = arith.constant 48 : i32
        %parallel_loop3A_257 = arith.addi %parallel_loop3A_255, %parallel_loop3A_256 : i32
        %parallel_loop3A_258 = arith.index_cast %parallel_loop3A_257 : i32 to index
        %parallel_loop3A_259 = tpu.vector_load %arg7[%parallel_loop3A_258] {strides = array<i32>} : memref<4096xi32, #tpu.memory_space<vmem>>, vector<16xi32>,
        %parallel_loop3A_260 = tpu.vector_load_idx %arg6[%parallel_loop3A_259] : memref<100000xf32, #tpu.memory_space<vmem>>[vector<16xi32>], vector<16xf32>,
        %parallel_loop3A_261 = arith.addf %parallel_loop3A_260, %gather3A : vector<16xf32>
        %parallel_loop3A_262 = arith.constant 0 : i32
        %parallel_loop3A_263 = arith.constant 0 : i32
        %parallel_loop3A_264 = tpu.memref_slice %arg8[%parallel_loop3A_151, %parallel_loop3A_262, %parallel_loop3A_263] : memref<2x32x128xf32, #tpu.memory_space<vmem>> -> memref<1x32x128xf32, #tpu.memory_space<vmem>>
        %parallel_loop3A_265 = tpu.memref_squeeze %parallel_loop3A_264 : memref<1x32x128xf32, #tpu.memory_space<vmem>> -> memref<32x128xf32, #tpu.memory_space<vmem>>
        %parallel_loop3A_266 = arith.index_cast %parallel_loop3A_208 : i32 to index
        %parallel_loop3A_267 = arith.constant 48 : index
        %parallel_loop3A_268 = tpu.vector_load %parallel_loop3A_265[%parallel_loop3A_266, %parallel_loop3A_267] {strides = array<i32>} : memref<32x128xf32, #tpu.memory_space<vmem>>, vector<16xf32>,
        tpu.vector_store %parallel_loop3A_265[%parallel_loop3A_266, %parallel_loop3A_267], %parallel_loop3A_261 {strides = array<i32>} : memref<32x128xf32, #tpu.memory_space<vmem>>, vector<16xf32>,
        %parallel_loop3A_269 = arith.constant 128 : i32
        %parallel_loop3A_270 = arith.muli %parallel_loop3A_208, %parallel_loop3A_269 : i32
        %parallel_loop3A_271 = arith.constant 64 : i32
        %parallel_loop3A_272 = arith.addi %parallel_loop3A_270, %parallel_loop3A_271 : i32
        %parallel_loop3A_273 = arith.index_cast %parallel_loop3A_272 : i32 to index
        %parallel_loop3A_274 = tpu.vector_load %arg7[%parallel_loop3A_273] {strides = array<i32>} : memref<4096xi32, #tpu.memory_space<vmem>>, vector<16xi32>,
        %parallel_loop3A_275 = tpu.vector_load_idx %arg6[%parallel_loop3A_274] : memref<100000xf32, #tpu.memory_space<vmem>>[vector<16xi32>], vector<16xf32>,
        %parallel_loop3A_276 = arith.addf %parallel_loop3A_275, %gather3A : vector<16xf32>
        %parallel_loop3A_277 = arith.constant 0 : i32
        %parallel_loop3A_278 = arith.constant 0 : i32
        %parallel_loop3A_279 = tpu.memref_slice %arg8[%parallel_loop3A_151, %parallel_loop3A_277, %parallel_loop3A_278] : memref<2x32x128xf32, #tpu.memory_space<vmem>> -> memref<1x32x128xf32, #tpu.memory_space<vmem>>
        %parallel_loop3A_280 = tpu.memref_squeeze %parallel_loop3A_279 : memref<1x32x128xf32, #tpu.memory_space<vmem>> -> memref<32x128xf32, #tpu.memory_space<vmem>>
        %parallel_loop3A_281 = arith.index_cast %parallel_loop3A_208 : i32 to index
        %parallel_loop3A_282 = arith.constant 64 : index
        %parallel_loop3A_283 = tpu.vector_load %parallel_loop3A_280[%parallel_loop3A_281, %parallel_loop3A_282] {strides = array<i32>} : memref<32x128xf32, #tpu.memory_space<vmem>>, vector<16xf32>,
        tpu.vector_store %parallel_loop3A_280[%parallel_loop3A_281, %parallel_loop3A_282], %parallel_loop3A_276 {strides = array<i32>} : memref<32x128xf32, #tpu.memory_space<vmem>>, vector<16xf32>,
        %parallel_loop3A_284 = arith.constant 128 : i32
        %parallel_loop3A_285 = arith.muli %parallel_loop3A_208, %parallel_loop3A_284 : i32
        %parallel_loop3A_286 = arith.constant 80 : i32
        %parallel_loop3A_287 = arith.addi %parallel_loop3A_285, %parallel_loop3A_286 : i32
        %parallel_loop3A_288 = arith.index_cast %parallel_loop3A_287 : i32 to index
        %parallel_loop3A_289 = tpu.vector_load %arg7[%parallel_loop3A_288] {strides = array<i32>} : memref<4096xi32, #tpu.memory_space<vmem>>, vector<16xi32>,
        %parallel_loop3A_290 = tpu.vector_load_idx %arg6[%parallel_loop3A_289] : memref<100000xf32, #tpu.memory_space<vmem>>[vector<16xi32>], vector<16xf32>,
        %parallel_loop3A_291 = arith.addf %parallel_loop3A_290, %gather3A : vector<16xf32>
        %parallel_loop3A_292 = arith.constant 0 : i32
        %parallel_loop3A_293 = arith.constant 0 : i32
        %parallel_loop3A_294 = tpu.memref_slice %arg8[%parallel_loop3A_151, %parallel_loop3A_292, %parallel_loop3A_293] : memref<2x32x128xf32, #tpu.memory_space<vmem>> -> memref<1x32x128xf32, #tpu.memory_space<vmem>>
        %parallel_loop3A_295 = tpu.memref_squeeze %parallel_loop3A_294 : memref<1x32x128xf32, #tpu.memory_space<vmem>> -> memref<32x128xf32, #tpu.memory_space<vmem>>
        %parallel_loop3A_296 = arith.index_cast %parallel_loop3A_208 : i32 to index
        %parallel_loop3A_297 = arith.constant 80 : index
        %parallel_loop3A_298 = tpu.vector_load %parallel_loop3A_295[%parallel_loop3A_296, %parallel_loop3A_297] {strides = array<i32>} : memref<32x128xf32, #tpu.memory_space<vmem>>, vector<16xf32>,
        tpu.vector_store %parallel_loop3A_295[%parallel_loop3A_296, %parallel_loop3A_297], %parallel_loop3A_291 {strides = array<i32>} : memref<32x128xf32, #tpu.memory_space<vmem>>, vector<16xf32>,
        %parallel_loop3A_299 = arith.constant 128 : i32
        %parallel_loop3A_300 = arith.muli %parallel_loop3A_208, %parallel_loop3A_299 : i32
        %parallel_loop3A_301 = arith.constant 96 : i32
        %parallel_loop3A_302 = arith.addi %parallel_loop3A_300, %parallel_loop3A_301 : i32
        %parallel_loop3A_303 = arith.index_cast %parallel_loop3A_302 : i32 to index
        %parallel_loop3A_304 = tpu.vector_load %arg7[%parallel_loop3A_303] {strides = array<i32>} : memref<4096xi32, #tpu.memory_space<vmem>>, vector<16xi32>,
        %parallel_loop3A_305 = tpu.vector_load_idx %arg6[%parallel_loop3A_304] : memref<100000xf32, #tpu.memory_space<vmem>>[vector<16xi32>], vector<16xf32>,
        %parallel_loop3A_306 = arith.addf %parallel_loop3A_305, %gather3A : vector<16xf32>
        %parallel_loop3A_307 = arith.constant 0 : i32
        %parallel_loop3A_308 = arith.constant 0 : i32
        %parallel_loop3A_309 = tpu.memref_slice %arg8[%parallel_loop3A_151, %parallel_loop3A_307, %parallel_loop3A_308] : memref<2x32x128xf32, #tpu.memory_space<vmem>> -> memref<1x32x128xf32, #tpu.memory_space<vmem>>
        %parallel_loop3A_310 = tpu.memref_squeeze %parallel_loop3A_309 : memref<1x32x128xf32, #tpu.memory_space<vmem>> -> memref<32x128xf32, #tpu.memory_space<vmem>>
        %parallel_loop3A_311 = arith.index_cast %parallel_loop3A_208 : i32 to index
        %parallel_loop3A_312 = arith.constant 96 : index
        %parallel_loop3A_313 = tpu.vector_load %parallel_loop3A_310[%parallel_loop3A_311, %parallel_loop3A_312] {strides = array<i32>} : memref<32x128xf32, #tpu.memory_space<vmem>>, vector<16xf32>,
        tpu.vector_store %parallel_loop3A_310[%parallel_loop3A_311, %parallel_loop3A_312], %parallel_loop3A_306 {strides = array<i32>} : memref<32x128xf32, #tpu.memory_space<vmem>>, vector<16xf32>,
        %parallel_loop3A_314 = arith.constant 128 : i32
        %parallel_loop3A_315 = arith.muli %parallel_loop3A_208, %parallel_loop3A_314 : i32
        %parallel_loop3A_316 = arith.constant 112 : i32
        %parallel_loop3A_317 = arith.addi %parallel_loop3A_315, %parallel_loop3A_316 : i32
        %parallel_loop3A_318 = arith.index_cast %parallel_loop3A_317 : i32 to index
        %parallel_loop3A_319 = tpu.vector_load %arg7[%parallel_loop3A_318] {strides = array<i32>} : memref<4096xi32, #tpu.memory_space<vmem>>, vector<16xi32>,
        %parallel_loop3A_320 = tpu.vector_load_idx %arg6[%parallel_loop3A_319] : memref<100000xf32, #tpu.memory_space<vmem>>[vector<16xi32>], vector<16xf32>,
        %parallel_loop3A_321 = arith.addf %parallel_loop3A_320, %gather3A : vector<16xf32>
        %parallel_loop3A_322 = arith.constant 0 : i32
        %parallel_loop3A_323 = arith.constant 0 : i32
        %parallel_loop3A_324 = tpu.memref_slice %arg8[%parallel_loop3A_151, %parallel_loop3A_322, %parallel_loop3A_323] : memref<2x32x128xf32, #tpu.memory_space<vmem>> -> memref<1x32x128xf32, #tpu.memory_space<vmem>>
        %parallel_loop3A_325 = tpu.memref_squeeze %parallel_loop3A_324 : memref<1x32x128xf32, #tpu.memory_space<vmem>> -> memref<32x128xf32, #tpu.memory_space<vmem>>
        %parallel_loop3A_326 = arith.index_cast %parallel_loop3A_208 : i32 to index
        %parallel_loop3A_327 = arith.constant 112 : index
        %parallel_loop3A_328 = tpu.vector_load %parallel_loop3A_325[%parallel_loop3A_326, %parallel_loop3A_327] {strides = array<i32>} : memref<32x128xf32, #tpu.memory_space<vmem>>, vector<16xf32>,
        tpu.vector_store %parallel_loop3A_325[%parallel_loop3A_326, %parallel_loop3A_327], %parallel_loop3A_321 {strides = array<i32>} : memref<32x128xf32, #tpu.memory_space<vmem>>, vector<16xf32>,
      } {sc.loop_unroll_factor = 4 : i64, sc.parallel_access}
      %dma_start3A = arith.constant 0 : i32
      %dma_start3A_152 = arith.constant 0 : i32
      %dma_start3A_153 = arith.constant 0 : i32
      %dma_start3A_154 = tpu.memref_slice %arg8[%dma_start3A, %dma_start3A_152, %dma_start3A_153] : memref<2x32x128xf32, #tpu.memory_space<vmem>> -> memref<1x32x128xf32, #tpu.memory_space<vmem>>
      %dma_start3A_155 = tpu.memref_squeeze %dma_start3A_154 : memref<1x32x128xf32, #tpu.memory_space<vmem>> -> memref<32x128xf32, #tpu.memory_space<vmem>>
      %dma_start3A_156 = arith.constant 0 : i32
      %dma_start3A_157 = arith.constant 0 : i32
      %dma_start3A_158 = tpu.memref_slice %arg5[%add3A_144, %select_n3A, %dma_start3A_156, %select_n3A_30, %dma_start3A_157] : memref<200x4x32x8x128xf32, #tpu.memory_space<hbm>> -> memref<1x1x32x1x128xf32, #tpu.memory_space<hbm>>
      %dma_start3A_159 = tpu.memref_squeeze %dma_start3A_158 : memref<1x1x32x1x128xf32, #tpu.memory_space<hbm>> -> memref<32x128xf32, #tpu.memory_space<hbm>>
      %dma_start3A_160 = arith.constant 0 : i32
      %dma_start3A_161 = arith.constant 0 : i32
      %dma_start3A_162 = tpu.memref_slice %arg5[%add3A_144, %select_n3A, %dma_start3A_160, %select_n3A_30, %dma_start3A_161] : memref<200x4x32x8x128xf32, #tpu.memory_space<hbm>> -> memref<1x1x32x1x128xf32, #tpu.memory_space<hbm>>
      %dma_start3A_163 = tpu.memref_squeeze %dma_start3A_162 : memref<1x1x32x1x128xf32, #tpu.memory_space<hbm>> -> memref<32x128xf32, #tpu.memory_space<hbm>>
      %dma_start3A_164 = arith.constant 0 : i32
      %dma_start3A_165 = arith.constant 0 : i32
      %dma_start3A_166 = tpu.memref_slice %arg8[%dma_start3A, %dma_start3A_164, %dma_start3A_165] : memref<2x32x128xf32, #tpu.memory_space<vmem>> -> memref<1x32x128xf32, #tpu.memory_space<vmem>>
      %dma_start3A_167 = tpu.memref_squeeze %dma_start3A_166 : memref<1x32x128xf32, #tpu.memory_space<vmem>> -> memref<32x128xf32, #tpu.memory_space<vmem>>
      tpu.enqueue_dma source(%dma_start3A_167 : memref<32x128xf32, #tpu.memory_space<vmem>>) target(%dma_start3A_163 : memref<32x128xf32, #tpu.memory_space<hbm>>) target_semaphore(%arg11 : memref<!tpu.dma_semaphore, #tpu.memory_space<semaphore_mem>>)
      %gt3A_168 = arith.constant 0 : i32
      %gt3A_169 = arith.cmpi sgt, %scan3A_133, %gt3A_168 : i32
      %or3A_170 = arith.constant true
      %or3A_171 = arith.ori %gt3A_169, %or3A_170 : i1
      %convert_element_type3A_172 = arith.extui %or3A_171 : i1 to i32
      %cond3A_173 = arith.constant 0 : i32
      %cond3A_174 = arith.cmpi ne, %convert_element_type3A_172, %cond3A_173 : i32
      scf.if %cond3A_174 {
        %dma_wait3A_208 = arith.constant 1 : i32
        %dma_wait3A_209 = arith.constant 0 : i32
        %dma_wait3A_210 = arith.constant 0 : i32
        %dma_wait3A_211 = arith.constant 0 : i32
        %dma_wait3A_212 = tpu.memref_slice %arg8[%dma_wait3A_208, %dma_wait3A_210, %dma_wait3A_211] : memref<2x32x128xf32, #tpu.memory_space<vmem>> -> memref<1x32x128xf32, #tpu.memory_space<vmem>>
        %dma_wait3A_213 = tpu.memref_squeeze %dma_wait3A_212 : memref<1x32x128xf32, #tpu.memory_space<vmem>> -> memref<32x128xf32, #tpu.memory_space<vmem>>
        %dma_wait3A_214 = arith.constant 0 : i32
        %dma_wait3A_215 = arith.constant 0 : i32
        %dma_wait3A_216 = tpu.memref_slice %arg5[%dma_wait3A_209, %select_n3A, %dma_wait3A_214, %select_n3A_30, %dma_wait3A_215] : memref<200x4x32x8x128xf32, #tpu.memory_space<hbm>> -> memref<1x1x32x1x128xf32, #tpu.memory_space<hbm>>
        %dma_wait3A_217 = tpu.memref_squeeze %dma_wait3A_216 : memref<1x1x32x1x128xf32, #tpu.memory_space<hbm>> -> memref<32x128xf32, #tpu.memory_space<hbm>>
        %dma_wait3A_218 = arith.constant 0 : i32
        %dma_wait3A_219 = arith.constant 0 : i32
        %dma_wait3A_220 = tpu.memref_slice %arg5[%dma_wait3A_209, %select_n3A, %dma_wait3A_218, %select_n3A_30, %dma_wait3A_219] : memref<200x4x32x8x128xf32, #tpu.memory_space<hbm>> -> memref<1x1x32x1x128xf32, #tpu.memory_space<hbm>>
        %dma_wait3A_221 = tpu.memref_squeeze %dma_wait3A_220 : memref<1x1x32x1x128xf32, #tpu.memory_space<hbm>> -> memref<32x128xf32, #tpu.memory_space<hbm>>
        %dma_wait3A_222 = arith.constant 0 : i32
        %dma_wait3A_223 = arith.constant 0 : i32
        %dma_wait3A_224 = tpu.memref_slice %arg8[%dma_wait3A_208, %dma_wait3A_222, %dma_wait3A_223] : memref<2x32x128xf32, #tpu.memory_space<vmem>> -> memref<1x32x128xf32, #tpu.memory_space<vmem>>
        %dma_wait3A_225 = tpu.memref_squeeze %dma_wait3A_224 : memref<1x32x128xf32, #tpu.memory_space<vmem>> -> memref<32x128xf32, #tpu.memory_space<vmem>>
        tpu.wait_dma2 semaphore(%arg12 : memref<!tpu.dma_semaphore, #tpu.memory_space<semaphore_mem>>) src(%dma_wait3A_225 : memref<32x128xf32, #tpu.memory_space<vmem>>) dst(%dma_wait3A_221 : memref<32x128xf32, #tpu.memory_space<hbm>>)
      } else {
      }
      %mul3A_175 = arith.constant 2 : i32
      %mul3A_176 = arith.muli %scan3A_133, %mul3A_175 : i32
      %add3A_177 = arith.constant 50 : i32
      %add3A_178 = arith.addi %add3A_177, %mul3A_176 : i32
      %add3A_179 = arith.constant 1 : i32
      %add3A_180 = arith.addi %add3A_178, %add3A_179 : i32
      %mul3A_181 = arith.constant 2 : i32
      %mul3A_182 = arith.muli %scan3A_133, %mul3A_181 : i32
      %add3A_183 = arith.constant 1 : i32
      %add3A_184 = arith.addi %mul3A_182, %add3A_183 : i32
      "tpu.region"() ({
        %run_scoped3A = tpu.sem_alloc : memref<!tpu.dma_semaphore, #tpu.memory_space<semaphore_mem>>
        %dma_start3A_208 = arith.constant 0 : i32
        %dma_start3A_209 = tpu.memref_slice %arg10[%add3A_184, %dma_start3A_208] : memref<50x4096xi32, #tpu.memory_space<vmem_shared>> -> memref<1x4096xi32, #tpu.memory_space<vmem_shared>>
        %dma_start3A_210 = tpu.memref_squeeze %dma_start3A_209 : memref<1x4096xi32, #tpu.memory_space<vmem_shared>> -> memref<4096xi32, #tpu.memory_space<vmem_shared>>
        %dma_start3A_211 = arith.constant 0 : i32
        %dma_start3A_212 = tpu.memref_slice %arg10[%add3A_184, %dma_start3A_211] : memref<50x4096xi32, #tpu.memory_space<vmem_shared>> -> memref<1x4096xi32, #tpu.memory_space<vmem_shared>>
        %dma_start3A_213 = tpu.memref_squeeze %dma_start3A_212 : memref<1x4096xi32, #tpu.memory_space<vmem_shared>> -> memref<4096xi32, #tpu.memory_space<vmem_shared>>
        tpu.enqueue_dma source(%dma_start3A_213 : memref<4096xi32, #tpu.memory_space<vmem_shared>>) target(%arg7 : memref<4096xi32, #tpu.memory_space<vmem>>) target_semaphore(%run_scoped3A : memref<!tpu.dma_semaphore, #tpu.memory_space<semaphore_mem>>)
        %dma_wait3A_214 = arith.constant 0 : i32
        %dma_wait3A_215 = tpu.memref_slice %arg10[%add3A_184, %dma_wait3A_214] : memref<50x4096xi32, #tpu.memory_space<vmem_shared>> -> memref<1x4096xi32, #tpu.memory_space<vmem_shared>>
        %dma_wait3A_216 = tpu.memref_squeeze %dma_wait3A_215 : memref<1x4096xi32, #tpu.memory_space<vmem_shared>> -> memref<4096xi32, #tpu.memory_space<vmem_shared>>
        %dma_wait3A_217 = arith.constant 0 : i32
        %dma_wait3A_218 = tpu.memref_slice %arg10[%add3A_184, %dma_wait3A_217] : memref<50x4096xi32, #tpu.memory_space<vmem_shared>> -> memref<1x4096xi32, #tpu.memory_space<vmem_shared>>
        %dma_wait3A_219 = tpu.memref_squeeze %dma_wait3A_218 : memref<1x4096xi32, #tpu.memory_space<vmem_shared>> -> memref<4096xi32, #tpu.memory_space<vmem_shared>>
        tpu.wait_dma2 semaphore(%run_scoped3A : memref<!tpu.dma_semaphore, #tpu.memory_space<semaphore_mem>>) src(%dma_wait3A_219 : memref<4096xi32, #tpu.memory_space<vmem_shared>>) dst(%arg7 : memref<4096xi32, #tpu.memory_space<vmem>>)
        tpu.yield
      }) : () -> ()
      %broadcast_in_dim3A_185 = vector.broadcast %add3A_180 : i32 to vector<16xi32>
      %gather3A_186 = tpu.vector_load_idx %arg9[%broadcast_in_dim3A_185] : memref<200xf32, #tpu.memory_space<vmem>>[vector<16xi32>], vector<16xf32>,
      %parallel_loop3A_187 = arith.constant 0 : i32
      %parallel_loop3A_188 = arith.constant 32 : i32
      %parallel_loop3A_189 = arith.constant 1 : i32
      %parallel_loop3A_190 = arith.constant 1 : i32
      scf.for %parallel_loop3A_208 = %parallel_loop3A_187 to %parallel_loop3A_188 step %parallel_loop3A_189  : i32 {
        %parallel_loop3A_209 = arith.constant 128 : i32
        %parallel_loop3A_210 = arith.muli %parallel_loop3A_208, %parallel_loop3A_209 : i32
        %parallel_loop3A_211 = arith.constant 0 : i32
        %parallel_loop3A_212 = arith.addi %parallel_loop3A_210, %parallel_loop3A_211 : i32
        %parallel_loop3A_213 = arith.index_cast %parallel_loop3A_212 : i32 to index
        %parallel_loop3A_214 = tpu.vector_load %arg7[%parallel_loop3A_213] {strides = array<i32>} : memref<4096xi32, #tpu.memory_space<vmem>>, vector<16xi32>,
        %parallel_loop3A_215 = tpu.vector_load_idx %arg6[%parallel_loop3A_214] : memref<100000xf32, #tpu.memory_space<vmem>>[vector<16xi32>], vector<16xf32>,
        %parallel_loop3A_216 = arith.addf %parallel_loop3A_215, %gather3A_186 : vector<16xf32>
        %parallel_loop3A_217 = arith.constant 0 : i32
        %parallel_loop3A_218 = arith.constant 0 : i32
        %parallel_loop3A_219 = tpu.memref_slice %arg8[%parallel_loop3A_190, %parallel_loop3A_217, %parallel_loop3A_218] : memref<2x32x128xf32, #tpu.memory_space<vmem>> -> memref<1x32x128xf32, #tpu.memory_space<vmem>>
        %parallel_loop3A_220 = tpu.memref_squeeze %parallel_loop3A_219 : memref<1x32x128xf32, #tpu.memory_space<vmem>> -> memref<32x128xf32, #tpu.memory_space<vmem>>
        %parallel_loop3A_221 = arith.index_cast %parallel_loop3A_208 : i32 to index
        %parallel_loop3A_222 = arith.constant 0 : index
        %parallel_loop3A_223 = tpu.vector_load %parallel_loop3A_220[%parallel_loop3A_221, %parallel_loop3A_222] {strides = array<i32>} : memref<32x128xf32, #tpu.memory_space<vmem>>, vector<16xf32>,
        tpu.vector_store %parallel_loop3A_220[%parallel_loop3A_221, %parallel_loop3A_222], %parallel_loop3A_216 {strides = array<i32>} : memref<32x128xf32, #tpu.memory_space<vmem>>, vector<16xf32>,
        %parallel_loop3A_224 = arith.constant 128 : i32
        %parallel_loop3A_225 = arith.muli %parallel_loop3A_208, %parallel_loop3A_224 : i32
        %parallel_loop3A_226 = arith.constant 16 : i32
        %parallel_loop3A_227 = arith.addi %parallel_loop3A_225, %parallel_loop3A_226 : i32
        %parallel_loop3A_228 = arith.index_cast %parallel_loop3A_227 : i32 to index
        %parallel_loop3A_229 = tpu.vector_load %arg7[%parallel_loop3A_228] {strides = array<i32>} : memref<4096xi32, #tpu.memory_space<vmem>>, vector<16xi32>,
        %parallel_loop3A_230 = tpu.vector_load_idx %arg6[%parallel_loop3A_229] : memref<100000xf32, #tpu.memory_space<vmem>>[vector<16xi32>], vector<16xf32>,
        %parallel_loop3A_231 = arith.addf %parallel_loop3A_230, %gather3A_186 : vector<16xf32>
        %parallel_loop3A_232 = arith.constant 0 : i32
        %parallel_loop3A_233 = arith.constant 0 : i32
        %parallel_loop3A_234 = tpu.memref_slice %arg8[%parallel_loop3A_190, %parallel_loop3A_232, %parallel_loop3A_233] : memref<2x32x128xf32, #tpu.memory_space<vmem>> -> memref<1x32x128xf32, #tpu.memory_space<vmem>>
        %parallel_loop3A_235 = tpu.memref_squeeze %parallel_loop3A_234 : memref<1x32x128xf32, #tpu.memory_space<vmem>> -> memref<32x128xf32, #tpu.memory_space<vmem>>
        %parallel_loop3A_236 = arith.index_cast %parallel_loop3A_208 : i32 to index
        %parallel_loop3A_237 = arith.constant 16 : index
        %parallel_loop3A_238 = tpu.vector_load %parallel_loop3A_235[%parallel_loop3A_236, %parallel_loop3A_237] {strides = array<i32>} : memref<32x128xf32, #tpu.memory_space<vmem>>, vector<16xf32>,
        tpu.vector_store %parallel_loop3A_235[%parallel_loop3A_236, %parallel_loop3A_237], %parallel_loop3A_231 {strides = array<i32>} : memref<32x128xf32, #tpu.memory_space<vmem>>, vector<16xf32>,
        %parallel_loop3A_239 = arith.constant 128 : i32
        %parallel_loop3A_240 = arith.muli %parallel_loop3A_208, %parallel_loop3A_239 : i32
        %parallel_loop3A_241 = arith.constant 32 : i32
        %parallel_loop3A_242 = arith.addi %parallel_loop3A_240, %parallel_loop3A_241 : i32
        %parallel_loop3A_243 = arith.index_cast %parallel_loop3A_242 : i32 to index
        %parallel_loop3A_244 = tpu.vector_load %arg7[%parallel_loop3A_243] {strides = array<i32>} : memref<4096xi32, #tpu.memory_space<vmem>>, vector<16xi32>,
        %parallel_loop3A_245 = tpu.vector_load_idx %arg6[%parallel_loop3A_244] : memref<100000xf32, #tpu.memory_space<vmem>>[vector<16xi32>], vector<16xf32>,
        %parallel_loop3A_246 = arith.addf %parallel_loop3A_245, %gather3A_186 : vector<16xf32>
        %parallel_loop3A_247 = arith.constant 0 : i32
        %parallel_loop3A_248 = arith.constant 0 : i32
        %parallel_loop3A_249 = tpu.memref_slice %arg8[%parallel_loop3A_190, %parallel_loop3A_247, %parallel_loop3A_248] : memref<2x32x128xf32, #tpu.memory_space<vmem>> -> memref<1x32x128xf32, #tpu.memory_space<vmem>>
        %parallel_loop3A_250 = tpu.memref_squeeze %parallel_loop3A_249 : memref<1x32x128xf32, #tpu.memory_space<vmem>> -> memref<32x128xf32, #tpu.memory_space<vmem>>
        %parallel_loop3A_251 = arith.index_cast %parallel_loop3A_208 : i32 to index
        %parallel_loop3A_252 = arith.constant 32 : index
        %parallel_loop3A_253 = tpu.vector_load %parallel_loop3A_250[%parallel_loop3A_251, %parallel_loop3A_252] {strides = array<i32>} : memref<32x128xf32, #tpu.memory_space<vmem>>, vector<16xf32>,
        tpu.vector_store %parallel_loop3A_250[%parallel_loop3A_251, %parallel_loop3A_252], %parallel_loop3A_246 {strides = array<i32>} : memref<32x128xf32, #tpu.memory_space<vmem>>, vector<16xf32>,
        %parallel_loop3A_254 = arith.constant 128 : i32
        %parallel_loop3A_255 = arith.muli %parallel_loop3A_208, %parallel_loop3A_254 : i32
        %parallel_loop3A_256 = arith.constant 48 : i32
        %parallel_loop3A_257 = arith.addi %parallel_loop3A_255, %parallel_loop3A_256 : i32
        %parallel_loop3A_258 = arith.index_cast %parallel_loop3A_257 : i32 to index
        %parallel_loop3A_259 = tpu.vector_load %arg7[%parallel_loop3A_258] {strides = array<i32>} : memref<4096xi32, #tpu.memory_space<vmem>>, vector<16xi32>,
        %parallel_loop3A_260 = tpu.vector_load_idx %arg6[%parallel_loop3A_259] : memref<100000xf32, #tpu.memory_space<vmem>>[vector<16xi32>], vector<16xf32>,
        %parallel_loop3A_261 = arith.addf %parallel_loop3A_260, %gather3A_186 : vector<16xf32>
        %parallel_loop3A_262 = arith.constant 0 : i32
        %parallel_loop3A_263 = arith.constant 0 : i32
        %parallel_loop3A_264 = tpu.memref_slice %arg8[%parallel_loop3A_190, %parallel_loop3A_262, %parallel_loop3A_263] : memref<2x32x128xf32, #tpu.memory_space<vmem>> -> memref<1x32x128xf32, #tpu.memory_space<vmem>>
        %parallel_loop3A_265 = tpu.memref_squeeze %parallel_loop3A_264 : memref<1x32x128xf32, #tpu.memory_space<vmem>> -> memref<32x128xf32, #tpu.memory_space<vmem>>
        %parallel_loop3A_266 = arith.index_cast %parallel_loop3A_208 : i32 to index
        %parallel_loop3A_267 = arith.constant 48 : index
        %parallel_loop3A_268 = tpu.vector_load %parallel_loop3A_265[%parallel_loop3A_266, %parallel_loop3A_267] {strides = array<i32>} : memref<32x128xf32, #tpu.memory_space<vmem>>, vector<16xf32>,
        tpu.vector_store %parallel_loop3A_265[%parallel_loop3A_266, %parallel_loop3A_267], %parallel_loop3A_261 {strides = array<i32>} : memref<32x128xf32, #tpu.memory_space<vmem>>, vector<16xf32>,
        %parallel_loop3A_269 = arith.constant 128 : i32
        %parallel_loop3A_270 = arith.muli %parallel_loop3A_208, %parallel_loop3A_269 : i32
        %parallel_loop3A_271 = arith.constant 64 : i32
        %parallel_loop3A_272 = arith.addi %parallel_loop3A_270, %parallel_loop3A_271 : i32
        %parallel_loop3A_273 = arith.index_cast %parallel_loop3A_272 : i32 to index
        %parallel_loop3A_274 = tpu.vector_load %arg7[%parallel_loop3A_273] {strides = array<i32>} : memref<4096xi32, #tpu.memory_space<vmem>>, vector<16xi32>,
        %parallel_loop3A_275 = tpu.vector_load_idx %arg6[%parallel_loop3A_274] : memref<100000xf32, #tpu.memory_space<vmem>>[vector<16xi32>], vector<16xf32>,
        %parallel_loop3A_276 = arith.addf %parallel_loop3A_275, %gather3A_186 : vector<16xf32>
        %parallel_loop3A_277 = arith.constant 0 : i32
        %parallel_loop3A_278 = arith.constant 0 : i32
        %parallel_loop3A_279 = tpu.memref_slice %arg8[%parallel_loop3A_190, %parallel_loop3A_277, %parallel_loop3A_278] : memref<2x32x128xf32, #tpu.memory_space<vmem>> -> memref<1x32x128xf32, #tpu.memory_space<vmem>>
        %parallel_loop3A_280 = tpu.memref_squeeze %parallel_loop3A_279 : memref<1x32x128xf32, #tpu.memory_space<vmem>> -> memref<32x128xf32, #tpu.memory_space<vmem>>
        %parallel_loop3A_281 = arith.index_cast %parallel_loop3A_208 : i32 to index
        %parallel_loop3A_282 = arith.constant 64 : index
        %parallel_loop3A_283 = tpu.vector_load %parallel_loop3A_280[%parallel_loop3A_281, %parallel_loop3A_282] {strides = array<i32>} : memref<32x128xf32, #tpu.memory_space<vmem>>, vector<16xf32>,
        tpu.vector_store %parallel_loop3A_280[%parallel_loop3A_281, %parallel_loop3A_282], %parallel_loop3A_276 {strides = array<i32>} : memref<32x128xf32, #tpu.memory_space<vmem>>, vector<16xf32>,
        %parallel_loop3A_284 = arith.constant 128 : i32
        %parallel_loop3A_285 = arith.muli %parallel_loop3A_208, %parallel_loop3A_284 : i32
        %parallel_loop3A_286 = arith.constant 80 : i32
        %parallel_loop3A_287 = arith.addi %parallel_loop3A_285, %parallel_loop3A_286 : i32
        %parallel_loop3A_288 = arith.index_cast %parallel_loop3A_287 : i32 to index
        %parallel_loop3A_289 = tpu.vector_load %arg7[%parallel_loop3A_288] {strides = array<i32>} : memref<4096xi32, #tpu.memory_space<vmem>>, vector<16xi32>,
        %parallel_loop3A_290 = tpu.vector_load_idx %arg6[%parallel_loop3A_289] : memref<100000xf32, #tpu.memory_space<vmem>>[vector<16xi32>], vector<16xf32>,
        %parallel_loop3A_291 = arith.addf %parallel_loop3A_290, %gather3A_186 : vector<16xf32>
        %parallel_loop3A_292 = arith.constant 0 : i32
        %parallel_loop3A_293 = arith.constant 0 : i32
        %parallel_loop3A_294 = tpu.memref_slice %arg8[%parallel_loop3A_190, %parallel_loop3A_292, %parallel_loop3A_293] : memref<2x32x128xf32, #tpu.memory_space<vmem>> -> memref<1x32x128xf32, #tpu.memory_space<vmem>>
        %parallel_loop3A_295 = tpu.memref_squeeze %parallel_loop3A_294 : memref<1x32x128xf32, #tpu.memory_space<vmem>> -> memref<32x128xf32, #tpu.memory_space<vmem>>
        %parallel_loop3A_296 = arith.index_cast %parallel_loop3A_208 : i32 to index
        %parallel_loop3A_297 = arith.constant 80 : index
        %parallel_loop3A_298 = tpu.vector_load %parallel_loop3A_295[%parallel_loop3A_296, %parallel_loop3A_297] {strides = array<i32>} : memref<32x128xf32, #tpu.memory_space<vmem>>, vector<16xf32>,
        tpu.vector_store %parallel_loop3A_295[%parallel_loop3A_296, %parallel_loop3A_297], %parallel_loop3A_291 {strides = array<i32>} : memref<32x128xf32, #tpu.memory_space<vmem>>, vector<16xf32>,
        %parallel_loop3A_299 = arith.constant 128 : i32
        %parallel_loop3A_300 = arith.muli %parallel_loop3A_208, %parallel_loop3A_299 : i32
        %parallel_loop3A_301 = arith.constant 96 : i32
        %parallel_loop3A_302 = arith.addi %parallel_loop3A_300, %parallel_loop3A_301 : i32
        %parallel_loop3A_303 = arith.index_cast %parallel_loop3A_302 : i32 to index
        %parallel_loop3A_304 = tpu.vector_load %arg7[%parallel_loop3A_303] {strides = array<i32>} : memref<4096xi32, #tpu.memory_space<vmem>>, vector<16xi32>,
        %parallel_loop3A_305 = tpu.vector_load_idx %arg6[%parallel_loop3A_304] : memref<100000xf32, #tpu.memory_space<vmem>>[vector<16xi32>], vector<16xf32>,
        %parallel_loop3A_306 = arith.addf %parallel_loop3A_305, %gather3A_186 : vector<16xf32>
        %parallel_loop3A_307 = arith.constant 0 : i32
        %parallel_loop3A_308 = arith.constant 0 : i32
        %parallel_loop3A_309 = tpu.memref_slice %arg8[%parallel_loop3A_190, %parallel_loop3A_307, %parallel_loop3A_308] : memref<2x32x128xf32, #tpu.memory_space<vmem>> -> memref<1x32x128xf32, #tpu.memory_space<vmem>>
        %parallel_loop3A_310 = tpu.memref_squeeze %parallel_loop3A_309 : memref<1x32x128xf32, #tpu.memory_space<vmem>> -> memref<32x128xf32, #tpu.memory_space<vmem>>
        %parallel_loop3A_311 = arith.index_cast %parallel_loop3A_208 : i32 to index
        %parallel_loop3A_312 = arith.constant 96 : index
        %parallel_loop3A_313 = tpu.vector_load %parallel_loop3A_310[%parallel_loop3A_311, %parallel_loop3A_312] {strides = array<i32>} : memref<32x128xf32, #tpu.memory_space<vmem>>, vector<16xf32>,
        tpu.vector_store %parallel_loop3A_310[%parallel_loop3A_311, %parallel_loop3A_312], %parallel_loop3A_306 {strides = array<i32>} : memref<32x128xf32, #tpu.memory_space<vmem>>, vector<16xf32>,
        %parallel_loop3A_314 = arith.constant 128 : i32
        %parallel_loop3A_315 = arith.muli %parallel_loop3A_208, %parallel_loop3A_314 : i32
        %parallel_loop3A_316 = arith.constant 112 : i32
        %parallel_loop3A_317 = arith.addi %parallel_loop3A_315, %parallel_loop3A_316 : i32
        %parallel_loop3A_318 = arith.index_cast %parallel_loop3A_317 : i32 to index
        %parallel_loop3A_319 = tpu.vector_load %arg7[%parallel_loop3A_318] {strides = array<i32>} : memref<4096xi32, #tpu.memory_space<vmem>>, vector<16xi32>,
        %parallel_loop3A_320 = tpu.vector_load_idx %arg6[%parallel_loop3A_319] : memref<100000xf32, #tpu.memory_space<vmem>>[vector<16xi32>], vector<16xf32>,
        %parallel_loop3A_321 = arith.addf %parallel_loop3A_320, %gather3A_186 : vector<16xf32>
        %parallel_loop3A_322 = arith.constant 0 : i32
        %parallel_loop3A_323 = arith.constant 0 : i32
        %parallel_loop3A_324 = tpu.memref_slice %arg8[%parallel_loop3A_190, %parallel_loop3A_322, %parallel_loop3A_323] : memref<2x32x128xf32, #tpu.memory_space<vmem>> -> memref<1x32x128xf32, #tpu.memory_space<vmem>>
        %parallel_loop3A_325 = tpu.memref_squeeze %parallel_loop3A_324 : memref<1x32x128xf32, #tpu.memory_space<vmem>> -> memref<32x128xf32, #tpu.memory_space<vmem>>
        %parallel_loop3A_326 = arith.index_cast %parallel_loop3A_208 : i32 to index
        %parallel_loop3A_327 = arith.constant 112 : index
        %parallel_loop3A_328 = tpu.vector_load %parallel_loop3A_325[%parallel_loop3A_326, %parallel_loop3A_327] {strides = array<i32>} : memref<32x128xf32, #tpu.memory_space<vmem>>, vector<16xf32>,
        tpu.vector_store %parallel_loop3A_325[%parallel_loop3A_326, %parallel_loop3A_327], %parallel_loop3A_321 {strides = array<i32>} : memref<32x128xf32, #tpu.memory_space<vmem>>, vector<16xf32>,
      } {sc.loop_unroll_factor = 4 : i64, sc.parallel_access}
      %dma_start3A_191 = arith.constant 1 : i32
      %dma_start3A_192 = arith.constant 0 : i32
      %dma_start3A_193 = arith.constant 0 : i32
      %dma_start3A_194 = tpu.memref_slice %arg8[%dma_start3A_191, %dma_start3A_192, %dma_start3A_193] : memref<2x32x128xf32, #tpu.memory_space<vmem>> -> memref<1x32x128xf32, #tpu.memory_space<vmem>>
      %dma_start3A_195 = tpu.memref_squeeze %dma_start3A_194 : memref<1x32x128xf32, #tpu.memory_space<vmem>> -> memref<32x128xf32, #tpu.memory_space<vmem>>
      %dma_start3A_196 = arith.constant 0 : i32
      %dma_start3A_197 = arith.constant 0 : i32
      %dma_start3A_198 = tpu.memref_slice %arg5[%add3A_180, %select_n3A, %dma_start3A_196, %select_n3A_30, %dma_start3A_197] : memref<200x4x32x8x128xf32, #tpu.memory_space<hbm>> -> memref<1x1x32x1x128xf32, #tpu.memory_space<hbm>>
      %dma_start3A_199 = tpu.memref_squeeze %dma_start3A_198 : memref<1x1x32x1x128xf32, #tpu.memory_space<hbm>> -> memref<32x128xf32, #tpu.memory_space<hbm>>
      %dma_start3A_200 = arith.constant 0 : i32
      %dma_start3A_201 = arith.constant 0 : i32
      %dma_start3A_202 = tpu.memref_slice %arg5[%add3A_180, %select_n3A, %dma_start3A_200, %select_n3A_30, %dma_start3A_201] : memref<200x4x32x8x128xf32, #tpu.memory_space<hbm>> -> memref<1x1x32x1x128xf32, #tpu.memory_space<hbm>>
      %dma_start3A_203 = tpu.memref_squeeze %dma_start3A_202 : memref<1x1x32x1x128xf32, #tpu.memory_space<hbm>> -> memref<32x128xf32, #tpu.memory_space<hbm>>
      %dma_start3A_204 = arith.constant 0 : i32
      %dma_start3A_205 = arith.constant 0 : i32
      %dma_start3A_206 = tpu.memref_slice %arg8[%dma_start3A_191, %dma_start3A_204, %dma_start3A_205] : memref<2x32x128xf32, #tpu.memory_space<vmem>> -> memref<1x32x128xf32, #tpu.memory_space<vmem>>
      %dma_start3A_207 = tpu.memref_squeeze %dma_start3A_206 : memref<1x32x128xf32, #tpu.memory_space<vmem>> -> memref<32x128xf32, #tpu.memory_space<vmem>>
      tpu.enqueue_dma source(%dma_start3A_207 : memref<32x128xf32, #tpu.memory_space<vmem>>) target(%dma_start3A_203 : memref<32x128xf32, #tpu.memory_space<hbm>>) target_semaphore(%arg12 : memref<!tpu.dma_semaphore, #tpu.memory_space<semaphore_mem>>)
    }
    %scan3A_60 = arith.constant 25 : i32
    %barrier3A_61 = arith.constant 0 : index
    tpu.barrier barrier_id(%barrier3A_61)
    %lt3A_62 = arith.constant 2 : i32
    %lt3A_63 = arith.cmpi slt, %arg1, %lt3A_62 : i32
    %convert_element_type3A_64 = arith.extui %lt3A_63 : i1 to i32
    %cond3A_65 = arith.constant 0 : i32
    %cond3A_66 = arith.cmpi ne, %convert_element_type3A_64, %cond3A_65 : i32
    scf.if %cond3A_66 {
      %mul3A_133 = arith.constant 4 : i32
      %mul3A_134 = arith.muli %arg1, %mul3A_133 : i32
      %add3A_135 = arith.constant 100 : i32
      %add3A_136 = arith.addi %add3A_135, %mul3A_134 : i32
      "tpu.region"() ({
        %run_scoped3A = tpu.sem_alloc : memref<!tpu.dma_semaphore, #tpu.memory_space<semaphore_mem>>
        %dma_start3A = arith.constant 0 : i32
        %dma_start3A_137 = tpu.memref_slice %arg10[%mul3A_134, %dma_start3A] : memref<50x4096xi32, #tpu.memory_space<vmem_shared>> -> memref<4x4096xi32, #tpu.memory_space<vmem_shared>>
        %dma_start3A_138 = arith.constant 0 : i32
        %dma_start3A_139 = tpu.memref_slice %arg2[%add3A_136, %dma_start3A_138] : memref<200x4096xi32, #tpu.memory_space<hbm>> -> memref<4x4096xi32, #tpu.memory_space<hbm>>
        tpu.enqueue_dma source(%dma_start3A_139 : memref<4x4096xi32, #tpu.memory_space<hbm>>) target(%dma_start3A_137 : memref<4x4096xi32, #tpu.memory_space<vmem_shared>>) target_semaphore(%run_scoped3A : memref<!tpu.dma_semaphore, #tpu.memory_space<semaphore_mem>>)
        %dma_wait3A_140 = arith.constant 0 : i32
        %dma_wait3A_141 = tpu.memref_slice %arg10[%mul3A_134, %dma_wait3A_140] : memref<50x4096xi32, #tpu.memory_space<vmem_shared>> -> memref<4x4096xi32, #tpu.memory_space<vmem_shared>>
        %dma_wait3A_142 = arith.constant 0 : i32
        %dma_wait3A_143 = tpu.memref_slice %arg2[%add3A_136, %dma_wait3A_142] : memref<200x4096xi32, #tpu.memory_space<hbm>> -> memref<4x4096xi32, #tpu.memory_space<hbm>>
        tpu.wait_dma2 semaphore(%run_scoped3A : memref<!tpu.dma_semaphore, #tpu.memory_space<semaphore_mem>>) src(%dma_wait3A_143 : memref<4x4096xi32, #tpu.memory_space<hbm>>) dst(%dma_wait3A_141 : memref<4x4096xi32, #tpu.memory_space<vmem_shared>>)
        tpu.yield
      }) : () -> ()
    } else {
    }
    %ge3A_67 = arith.constant 2 : i32
    %ge3A_68 = arith.cmpi sge, %arg1, %ge3A_67 : i32
    %convert_element_type3A_69 = arith.extui %ge3A_68 : i1 to i32
    %cond3A_70 = arith.constant 0 : i32
    %cond3A_71 = arith.cmpi ne, %convert_element_type3A_69, %cond3A_70 : i32
    scf.if %cond3A_71 {
      %sub3A_133 = arith.constant 2 : i32
      %sub3A_134 = arith.subi %arg1, %sub3A_133 : i32
      %mul3A_135 = arith.constant 3 : i32
      %mul3A_136 = arith.muli %sub3A_134, %mul3A_135 : i32
      %add3A_137 = arith.constant 8 : i32
      %add3A_138 = arith.addi %add3A_137, %mul3A_136 : i32
      %add3A_139 = arith.constant 100 : i32
      %add3A_140 = arith.addi %add3A_139, %add3A_138 : i32
      "tpu.region"() ({
        %run_scoped3A = tpu.sem_alloc : memref<!tpu.dma_semaphore, #tpu.memory_space<semaphore_mem>>
        %dma_start3A = arith.constant 0 : i32
        %dma_start3A_141 = tpu.memref_slice %arg10[%add3A_138, %dma_start3A] : memref<50x4096xi32, #tpu.memory_space<vmem_shared>> -> memref<3x4096xi32, #tpu.memory_space<vmem_shared>>
        %dma_start3A_142 = arith.constant 0 : i32
        %dma_start3A_143 = tpu.memref_slice %arg2[%add3A_140, %dma_start3A_142] : memref<200x4096xi32, #tpu.memory_space<hbm>> -> memref<3x4096xi32, #tpu.memory_space<hbm>>
        tpu.enqueue_dma source(%dma_start3A_143 : memref<3x4096xi32, #tpu.memory_space<hbm>>) target(%dma_start3A_141 : memref<3x4096xi32, #tpu.memory_space<vmem_shared>>) target_semaphore(%run_scoped3A : memref<!tpu.dma_semaphore, #tpu.memory_space<semaphore_mem>>)
        %dma_wait3A_144 = arith.constant 0 : i32
        %dma_wait3A_145 = tpu.memref_slice %arg10[%add3A_138, %dma_wait3A_144] : memref<50x4096xi32, #tpu.memory_space<vmem_shared>> -> memref<3x4096xi32, #tpu.memory_space<vmem_shared>>
        %dma_wait3A_146 = arith.constant 0 : i32
        %dma_wait3A_147 = tpu.memref_slice %arg2[%add3A_140, %dma_wait3A_146] : memref<200x4096xi32, #tpu.memory_space<hbm>> -> memref<3x4096xi32, #tpu.memory_space<hbm>>
        tpu.wait_dma2 semaphore(%run_scoped3A : memref<!tpu.dma_semaphore, #tpu.memory_space<semaphore_mem>>) src(%dma_wait3A_147 : memref<3x4096xi32, #tpu.memory_space<hbm>>) dst(%dma_wait3A_145 : memref<3x4096xi32, #tpu.memory_space<vmem_shared>>)
        tpu.yield
      }) : () -> ()
    } else {
    }
    %barrier3A_72 = arith.constant 0 : index
    tpu.barrier barrier_id(%barrier3A_72)
    %scan3A_73 = arith.constant 0 : i32
    %scan3A_74 = arith.constant 0 : i32
    %scan3A_75 = arith.constant 25 : i32
    %scan3A_76 = arith.addi %scan3A_74, %scan3A_75 : i32
    %scan3A_77 = arith.constant 1 : i32
    scf.for %scan3A_133 = %scan3A_74 to %scan3A_76 step %scan3A_77  : i32 {
      %gt3A = arith.constant 0 : i32
      %gt3A_134 = arith.cmpi sgt, %scan3A_133, %gt3A : i32
      %or3A = arith.constant true
      %or3A_135 = arith.ori %gt3A_134, %or3A : i1
      %convert_element_type3A_136 = arith.extui %or3A_135 : i1 to i32
      %cond3A_137 = arith.constant 0 : i32
      %cond3A_138 = arith.cmpi ne, %convert_element_type3A_136, %cond3A_137 : i32
      scf.if %cond3A_138 {
        %dma_wait3A_208 = arith.constant 0 : i32
        %dma_wait3A_209 = arith.constant 0 : i32
        %dma_wait3A_210 = arith.constant 0 : i32
        %dma_wait3A_211 = arith.constant 0 : i32
        %dma_wait3A_212 = tpu.memref_slice %arg8[%dma_wait3A_208, %dma_wait3A_210, %dma_wait3A_211] : memref<2x32x128xf32, #tpu.memory_space<vmem>> -> memref<1x32x128xf32, #tpu.memory_space<vmem>>
        %dma_wait3A_213 = tpu.memref_squeeze %dma_wait3A_212 : memref<1x32x128xf32, #tpu.memory_space<vmem>> -> memref<32x128xf32, #tpu.memory_space<vmem>>
        %dma_wait3A_214 = arith.constant 0 : i32
        %dma_wait3A_215 = arith.constant 0 : i32
        %dma_wait3A_216 = tpu.memref_slice %arg5[%dma_wait3A_209, %select_n3A, %dma_wait3A_214, %select_n3A_30, %dma_wait3A_215] : memref<200x4x32x8x128xf32, #tpu.memory_space<hbm>> -> memref<1x1x32x1x128xf32, #tpu.memory_space<hbm>>
        %dma_wait3A_217 = tpu.memref_squeeze %dma_wait3A_216 : memref<1x1x32x1x128xf32, #tpu.memory_space<hbm>> -> memref<32x128xf32, #tpu.memory_space<hbm>>
        %dma_wait3A_218 = arith.constant 0 : i32
        %dma_wait3A_219 = arith.constant 0 : i32
        %dma_wait3A_220 = tpu.memref_slice %arg5[%dma_wait3A_209, %select_n3A, %dma_wait3A_218, %select_n3A_30, %dma_wait3A_219] : memref<200x4x32x8x128xf32, #tpu.memory_space<hbm>> -> memref<1x1x32x1x128xf32, #tpu.memory_space<hbm>>
        %dma_wait3A_221 = tpu.memref_squeeze %dma_wait3A_220 : memref<1x1x32x1x128xf32, #tpu.memory_space<hbm>> -> memref<32x128xf32, #tpu.memory_space<hbm>>
        %dma_wait3A_222 = arith.constant 0 : i32
        %dma_wait3A_223 = arith.constant 0 : i32
        %dma_wait3A_224 = tpu.memref_slice %arg8[%dma_wait3A_208, %dma_wait3A_222, %dma_wait3A_223] : memref<2x32x128xf32, #tpu.memory_space<vmem>> -> memref<1x32x128xf32, #tpu.memory_space<vmem>>
        %dma_wait3A_225 = tpu.memref_squeeze %dma_wait3A_224 : memref<1x32x128xf32, #tpu.memory_space<vmem>> -> memref<32x128xf32, #tpu.memory_space<vmem>>
        tpu.wait_dma2 semaphore(%arg11 : memref<!tpu.dma_semaphore, #tpu.memory_space<semaphore_mem>>) src(%dma_wait3A_225 : memref<32x128xf32, #tpu.memory_space<vmem>>) dst(%dma_wait3A_221 : memref<32x128xf32, #tpu.memory_space<hbm>>)
      } else {
      }
      %mul3A_139 = arith.constant 2 : i32
      %mul3A_140 = arith.muli %scan3A_133, %mul3A_139 : i32
      %add3A_141 = arith.constant 100 : i32
      %add3A_142 = arith.addi %add3A_141, %mul3A_140 : i32
      %add3A_143 = arith.constant 0 : i32
      %add3A_144 = arith.addi %add3A_142, %add3A_143 : i32
      %mul3A_145 = arith.constant 2 : i32
      %mul3A_146 = arith.muli %scan3A_133, %mul3A_145 : i32
      %add3A_147 = arith.constant 0 : i32
      %add3A_148 = arith.addi %mul3A_146, %add3A_147 : i32
      "tpu.region"() ({
        %run_scoped3A = tpu.sem_alloc : memref<!tpu.dma_semaphore, #tpu.memory_space<semaphore_mem>>
        %dma_start3A_208 = arith.constant 0 : i32
        %dma_start3A_209 = tpu.memref_slice %arg10[%add3A_148, %dma_start3A_208] : memref<50x4096xi32, #tpu.memory_space<vmem_shared>> -> memref<1x4096xi32, #tpu.memory_space<vmem_shared>>
        %dma_start3A_210 = tpu.memref_squeeze %dma_start3A_209 : memref<1x4096xi32, #tpu.memory_space<vmem_shared>> -> memref<4096xi32, #tpu.memory_space<vmem_shared>>
        %dma_start3A_211 = arith.constant 0 : i32
        %dma_start3A_212 = tpu.memref_slice %arg10[%add3A_148, %dma_start3A_211] : memref<50x4096xi32, #tpu.memory_space<vmem_shared>> -> memref<1x4096xi32, #tpu.memory_space<vmem_shared>>
        %dma_start3A_213 = tpu.memref_squeeze %dma_start3A_212 : memref<1x4096xi32, #tpu.memory_space<vmem_shared>> -> memref<4096xi32, #tpu.memory_space<vmem_shared>>
        tpu.enqueue_dma source(%dma_start3A_213 : memref<4096xi32, #tpu.memory_space<vmem_shared>>) target(%arg7 : memref<4096xi32, #tpu.memory_space<vmem>>) target_semaphore(%run_scoped3A : memref<!tpu.dma_semaphore, #tpu.memory_space<semaphore_mem>>)
        %dma_wait3A_214 = arith.constant 0 : i32
        %dma_wait3A_215 = tpu.memref_slice %arg10[%add3A_148, %dma_wait3A_214] : memref<50x4096xi32, #tpu.memory_space<vmem_shared>> -> memref<1x4096xi32, #tpu.memory_space<vmem_shared>>
        %dma_wait3A_216 = tpu.memref_squeeze %dma_wait3A_215 : memref<1x4096xi32, #tpu.memory_space<vmem_shared>> -> memref<4096xi32, #tpu.memory_space<vmem_shared>>
        %dma_wait3A_217 = arith.constant 0 : i32
        %dma_wait3A_218 = tpu.memref_slice %arg10[%add3A_148, %dma_wait3A_217] : memref<50x4096xi32, #tpu.memory_space<vmem_shared>> -> memref<1x4096xi32, #tpu.memory_space<vmem_shared>>
        %dma_wait3A_219 = tpu.memref_squeeze %dma_wait3A_218 : memref<1x4096xi32, #tpu.memory_space<vmem_shared>> -> memref<4096xi32, #tpu.memory_space<vmem_shared>>
        tpu.wait_dma2 semaphore(%run_scoped3A : memref<!tpu.dma_semaphore, #tpu.memory_space<semaphore_mem>>) src(%dma_wait3A_219 : memref<4096xi32, #tpu.memory_space<vmem_shared>>) dst(%arg7 : memref<4096xi32, #tpu.memory_space<vmem>>)
        tpu.yield
      }) : () -> ()
      %broadcast_in_dim3A = vector.broadcast %add3A_144 : i32 to vector<16xi32>
      %gather3A = tpu.vector_load_idx %arg9[%broadcast_in_dim3A] : memref<200xf32, #tpu.memory_space<vmem>>[vector<16xi32>], vector<16xf32>,
      %parallel_loop3A = arith.constant 0 : i32
      %parallel_loop3A_149 = arith.constant 32 : i32
      %parallel_loop3A_150 = arith.constant 1 : i32
      %parallel_loop3A_151 = arith.constant 0 : i32
      scf.for %parallel_loop3A_208 = %parallel_loop3A to %parallel_loop3A_149 step %parallel_loop3A_150  : i32 {
        %parallel_loop3A_209 = arith.constant 128 : i32
        %parallel_loop3A_210 = arith.muli %parallel_loop3A_208, %parallel_loop3A_209 : i32
        %parallel_loop3A_211 = arith.constant 0 : i32
        %parallel_loop3A_212 = arith.addi %parallel_loop3A_210, %parallel_loop3A_211 : i32
        %parallel_loop3A_213 = arith.index_cast %parallel_loop3A_212 : i32 to index
        %parallel_loop3A_214 = tpu.vector_load %arg7[%parallel_loop3A_213] {strides = array<i32>} : memref<4096xi32, #tpu.memory_space<vmem>>, vector<16xi32>,
        %parallel_loop3A_215 = tpu.vector_load_idx %arg6[%parallel_loop3A_214] : memref<100000xf32, #tpu.memory_space<vmem>>[vector<16xi32>], vector<16xf32>,
        %parallel_loop3A_216 = arith.addf %parallel_loop3A_215, %gather3A : vector<16xf32>
        %parallel_loop3A_217 = arith.constant 0 : i32
        %parallel_loop3A_218 = arith.constant 0 : i32
        %parallel_loop3A_219 = tpu.memref_slice %arg8[%parallel_loop3A_151, %parallel_loop3A_217, %parallel_loop3A_218] : memref<2x32x128xf32, #tpu.memory_space<vmem>> -> memref<1x32x128xf32, #tpu.memory_space<vmem>>
        %parallel_loop3A_220 = tpu.memref_squeeze %parallel_loop3A_219 : memref<1x32x128xf32, #tpu.memory_space<vmem>> -> memref<32x128xf32, #tpu.memory_space<vmem>>
        %parallel_loop3A_221 = arith.index_cast %parallel_loop3A_208 : i32 to index
        %parallel_loop3A_222 = arith.constant 0 : index
        %parallel_loop3A_223 = tpu.vector_load %parallel_loop3A_220[%parallel_loop3A_221, %parallel_loop3A_222] {strides = array<i32>} : memref<32x128xf32, #tpu.memory_space<vmem>>, vector<16xf32>,
        tpu.vector_store %parallel_loop3A_220[%parallel_loop3A_221, %parallel_loop3A_222], %parallel_loop3A_216 {strides = array<i32>} : memref<32x128xf32, #tpu.memory_space<vmem>>, vector<16xf32>,
        %parallel_loop3A_224 = arith.constant 128 : i32
        %parallel_loop3A_225 = arith.muli %parallel_loop3A_208, %parallel_loop3A_224 : i32
        %parallel_loop3A_226 = arith.constant 16 : i32
        %parallel_loop3A_227 = arith.addi %parallel_loop3A_225, %parallel_loop3A_226 : i32
        %parallel_loop3A_228 = arith.index_cast %parallel_loop3A_227 : i32 to index
        %parallel_loop3A_229 = tpu.vector_load %arg7[%parallel_loop3A_228] {strides = array<i32>} : memref<4096xi32, #tpu.memory_space<vmem>>, vector<16xi32>,
        %parallel_loop3A_230 = tpu.vector_load_idx %arg6[%parallel_loop3A_229] : memref<100000xf32, #tpu.memory_space<vmem>>[vector<16xi32>], vector<16xf32>,
        %parallel_loop3A_231 = arith.addf %parallel_loop3A_230, %gather3A : vector<16xf32>
        %parallel_loop3A_232 = arith.constant 0 : i32
        %parallel_loop3A_233 = arith.constant 0 : i32
        %parallel_loop3A_234 = tpu.memref_slice %arg8[%parallel_loop3A_151, %parallel_loop3A_232, %parallel_loop3A_233] : memref<2x32x128xf32, #tpu.memory_space<vmem>> -> memref<1x32x128xf32, #tpu.memory_space<vmem>>
        %parallel_loop3A_235 = tpu.memref_squeeze %parallel_loop3A_234 : memref<1x32x128xf32, #tpu.memory_space<vmem>> -> memref<32x128xf32, #tpu.memory_space<vmem>>
        %parallel_loop3A_236 = arith.index_cast %parallel_loop3A_208 : i32 to index
        %parallel_loop3A_237 = arith.constant 16 : index
        %parallel_loop3A_238 = tpu.vector_load %parallel_loop3A_235[%parallel_loop3A_236, %parallel_loop3A_237] {strides = array<i32>} : memref<32x128xf32, #tpu.memory_space<vmem>>, vector<16xf32>,
        tpu.vector_store %parallel_loop3A_235[%parallel_loop3A_236, %parallel_loop3A_237], %parallel_loop3A_231 {strides = array<i32>} : memref<32x128xf32, #tpu.memory_space<vmem>>, vector<16xf32>,
        %parallel_loop3A_239 = arith.constant 128 : i32
        %parallel_loop3A_240 = arith.muli %parallel_loop3A_208, %parallel_loop3A_239 : i32
        %parallel_loop3A_241 = arith.constant 32 : i32
        %parallel_loop3A_242 = arith.addi %parallel_loop3A_240, %parallel_loop3A_241 : i32
        %parallel_loop3A_243 = arith.index_cast %parallel_loop3A_242 : i32 to index
        %parallel_loop3A_244 = tpu.vector_load %arg7[%parallel_loop3A_243] {strides = array<i32>} : memref<4096xi32, #tpu.memory_space<vmem>>, vector<16xi32>,
        %parallel_loop3A_245 = tpu.vector_load_idx %arg6[%parallel_loop3A_244] : memref<100000xf32, #tpu.memory_space<vmem>>[vector<16xi32>], vector<16xf32>,
        %parallel_loop3A_246 = arith.addf %parallel_loop3A_245, %gather3A : vector<16xf32>
        %parallel_loop3A_247 = arith.constant 0 : i32
        %parallel_loop3A_248 = arith.constant 0 : i32
        %parallel_loop3A_249 = tpu.memref_slice %arg8[%parallel_loop3A_151, %parallel_loop3A_247, %parallel_loop3A_248] : memref<2x32x128xf32, #tpu.memory_space<vmem>> -> memref<1x32x128xf32, #tpu.memory_space<vmem>>
        %parallel_loop3A_250 = tpu.memref_squeeze %parallel_loop3A_249 : memref<1x32x128xf32, #tpu.memory_space<vmem>> -> memref<32x128xf32, #tpu.memory_space<vmem>>
        %parallel_loop3A_251 = arith.index_cast %parallel_loop3A_208 : i32 to index
        %parallel_loop3A_252 = arith.constant 32 : index
        %parallel_loop3A_253 = tpu.vector_load %parallel_loop3A_250[%parallel_loop3A_251, %parallel_loop3A_252] {strides = array<i32>} : memref<32x128xf32, #tpu.memory_space<vmem>>, vector<16xf32>,
        tpu.vector_store %parallel_loop3A_250[%parallel_loop3A_251, %parallel_loop3A_252], %parallel_loop3A_246 {strides = array<i32>} : memref<32x128xf32, #tpu.memory_space<vmem>>, vector<16xf32>,
        %parallel_loop3A_254 = arith.constant 128 : i32
        %parallel_loop3A_255 = arith.muli %parallel_loop3A_208, %parallel_loop3A_254 : i32
        %parallel_loop3A_256 = arith.constant 48 : i32
        %parallel_loop3A_257 = arith.addi %parallel_loop3A_255, %parallel_loop3A_256 : i32
        %parallel_loop3A_258 = arith.index_cast %parallel_loop3A_257 : i32 to index
        %parallel_loop3A_259 = tpu.vector_load %arg7[%parallel_loop3A_258] {strides = array<i32>} : memref<4096xi32, #tpu.memory_space<vmem>>, vector<16xi32>,
        %parallel_loop3A_260 = tpu.vector_load_idx %arg6[%parallel_loop3A_259] : memref<100000xf32, #tpu.memory_space<vmem>>[vector<16xi32>], vector<16xf32>,
        %parallel_loop3A_261 = arith.addf %parallel_loop3A_260, %gather3A : vector<16xf32>
        %parallel_loop3A_262 = arith.constant 0 : i32
        %parallel_loop3A_263 = arith.constant 0 : i32
        %parallel_loop3A_264 = tpu.memref_slice %arg8[%parallel_loop3A_151, %parallel_loop3A_262, %parallel_loop3A_263] : memref<2x32x128xf32, #tpu.memory_space<vmem>> -> memref<1x32x128xf32, #tpu.memory_space<vmem>>
        %parallel_loop3A_265 = tpu.memref_squeeze %parallel_loop3A_264 : memref<1x32x128xf32, #tpu.memory_space<vmem>> -> memref<32x128xf32, #tpu.memory_space<vmem>>
        %parallel_loop3A_266 = arith.index_cast %parallel_loop3A_208 : i32 to index
        %parallel_loop3A_267 = arith.constant 48 : index
        %parallel_loop3A_268 = tpu.vector_load %parallel_loop3A_265[%parallel_loop3A_266, %parallel_loop3A_267] {strides = array<i32>} : memref<32x128xf32, #tpu.memory_space<vmem>>, vector<16xf32>,
        tpu.vector_store %parallel_loop3A_265[%parallel_loop3A_266, %parallel_loop3A_267], %parallel_loop3A_261 {strides = array<i32>} : memref<32x128xf32, #tpu.memory_space<vmem>>, vector<16xf32>,
        %parallel_loop3A_269 = arith.constant 128 : i32
        %parallel_loop3A_270 = arith.muli %parallel_loop3A_208, %parallel_loop3A_269 : i32
        %parallel_loop3A_271 = arith.constant 64 : i32
        %parallel_loop3A_272 = arith.addi %parallel_loop3A_270, %parallel_loop3A_271 : i32
        %parallel_loop3A_273 = arith.index_cast %parallel_loop3A_272 : i32 to index
        %parallel_loop3A_274 = tpu.vector_load %arg7[%parallel_loop3A_273] {strides = array<i32>} : memref<4096xi32, #tpu.memory_space<vmem>>, vector<16xi32>,
        %parallel_loop3A_275 = tpu.vector_load_idx %arg6[%parallel_loop3A_274] : memref<100000xf32, #tpu.memory_space<vmem>>[vector<16xi32>], vector<16xf32>,
        %parallel_loop3A_276 = arith.addf %parallel_loop3A_275, %gather3A : vector<16xf32>
        %parallel_loop3A_277 = arith.constant 0 : i32
        %parallel_loop3A_278 = arith.constant 0 : i32
        %parallel_loop3A_279 = tpu.memref_slice %arg8[%parallel_loop3A_151, %parallel_loop3A_277, %parallel_loop3A_278] : memref<2x32x128xf32, #tpu.memory_space<vmem>> -> memref<1x32x128xf32, #tpu.memory_space<vmem>>
        %parallel_loop3A_280 = tpu.memref_squeeze %parallel_loop3A_279 : memref<1x32x128xf32, #tpu.memory_space<vmem>> -> memref<32x128xf32, #tpu.memory_space<vmem>>
        %parallel_loop3A_281 = arith.index_cast %parallel_loop3A_208 : i32 to index
        %parallel_loop3A_282 = arith.constant 64 : index
        %parallel_loop3A_283 = tpu.vector_load %parallel_loop3A_280[%parallel_loop3A_281, %parallel_loop3A_282] {strides = array<i32>} : memref<32x128xf32, #tpu.memory_space<vmem>>, vector<16xf32>,
        tpu.vector_store %parallel_loop3A_280[%parallel_loop3A_281, %parallel_loop3A_282], %parallel_loop3A_276 {strides = array<i32>} : memref<32x128xf32, #tpu.memory_space<vmem>>, vector<16xf32>,
        %parallel_loop3A_284 = arith.constant 128 : i32
        %parallel_loop3A_285 = arith.muli %parallel_loop3A_208, %parallel_loop3A_284 : i32
        %parallel_loop3A_286 = arith.constant 80 : i32
        %parallel_loop3A_287 = arith.addi %parallel_loop3A_285, %parallel_loop3A_286 : i32
        %parallel_loop3A_288 = arith.index_cast %parallel_loop3A_287 : i32 to index
        %parallel_loop3A_289 = tpu.vector_load %arg7[%parallel_loop3A_288] {strides = array<i32>} : memref<4096xi32, #tpu.memory_space<vmem>>, vector<16xi32>,
        %parallel_loop3A_290 = tpu.vector_load_idx %arg6[%parallel_loop3A_289] : memref<100000xf32, #tpu.memory_space<vmem>>[vector<16xi32>], vector<16xf32>,
        %parallel_loop3A_291 = arith.addf %parallel_loop3A_290, %gather3A : vector<16xf32>
        %parallel_loop3A_292 = arith.constant 0 : i32
        %parallel_loop3A_293 = arith.constant 0 : i32
        %parallel_loop3A_294 = tpu.memref_slice %arg8[%parallel_loop3A_151, %parallel_loop3A_292, %parallel_loop3A_293] : memref<2x32x128xf32, #tpu.memory_space<vmem>> -> memref<1x32x128xf32, #tpu.memory_space<vmem>>
        %parallel_loop3A_295 = tpu.memref_squeeze %parallel_loop3A_294 : memref<1x32x128xf32, #tpu.memory_space<vmem>> -> memref<32x128xf32, #tpu.memory_space<vmem>>
        %parallel_loop3A_296 = arith.index_cast %parallel_loop3A_208 : i32 to index
        %parallel_loop3A_297 = arith.constant 80 : index
        %parallel_loop3A_298 = tpu.vector_load %parallel_loop3A_295[%parallel_loop3A_296, %parallel_loop3A_297] {strides = array<i32>} : memref<32x128xf32, #tpu.memory_space<vmem>>, vector<16xf32>,
        tpu.vector_store %parallel_loop3A_295[%parallel_loop3A_296, %parallel_loop3A_297], %parallel_loop3A_291 {strides = array<i32>} : memref<32x128xf32, #tpu.memory_space<vmem>>, vector<16xf32>,
        %parallel_loop3A_299 = arith.constant 128 : i32
        %parallel_loop3A_300 = arith.muli %parallel_loop3A_208, %parallel_loop3A_299 : i32
        %parallel_loop3A_301 = arith.constant 96 : i32
        %parallel_loop3A_302 = arith.addi %parallel_loop3A_300, %parallel_loop3A_301 : i32
        %parallel_loop3A_303 = arith.index_cast %parallel_loop3A_302 : i32 to index
        %parallel_loop3A_304 = tpu.vector_load %arg7[%parallel_loop3A_303] {strides = array<i32>} : memref<4096xi32, #tpu.memory_space<vmem>>, vector<16xi32>,
        %parallel_loop3A_305 = tpu.vector_load_idx %arg6[%parallel_loop3A_304] : memref<100000xf32, #tpu.memory_space<vmem>>[vector<16xi32>], vector<16xf32>,
        %parallel_loop3A_306 = arith.addf %parallel_loop3A_305, %gather3A : vector<16xf32>
        %parallel_loop3A_307 = arith.constant 0 : i32
        %parallel_loop3A_308 = arith.constant 0 : i32
        %parallel_loop3A_309 = tpu.memref_slice %arg8[%parallel_loop3A_151, %parallel_loop3A_307, %parallel_loop3A_308] : memref<2x32x128xf32, #tpu.memory_space<vmem>> -> memref<1x32x128xf32, #tpu.memory_space<vmem>>
        %parallel_loop3A_310 = tpu.memref_squeeze %parallel_loop3A_309 : memref<1x32x128xf32, #tpu.memory_space<vmem>> -> memref<32x128xf32, #tpu.memory_space<vmem>>
        %parallel_loop3A_311 = arith.index_cast %parallel_loop3A_208 : i32 to index
        %parallel_loop3A_312 = arith.constant 96 : index
        %parallel_loop3A_313 = tpu.vector_load %parallel_loop3A_310[%parallel_loop3A_311, %parallel_loop3A_312] {strides = array<i32>} : memref<32x128xf32, #tpu.memory_space<vmem>>, vector<16xf32>,
        tpu.vector_store %parallel_loop3A_310[%parallel_loop3A_311, %parallel_loop3A_312], %parallel_loop3A_306 {strides = array<i32>} : memref<32x128xf32, #tpu.memory_space<vmem>>, vector<16xf32>,
        %parallel_loop3A_314 = arith.constant 128 : i32
        %parallel_loop3A_315 = arith.muli %parallel_loop3A_208, %parallel_loop3A_314 : i32
        %parallel_loop3A_316 = arith.constant 112 : i32
        %parallel_loop3A_317 = arith.addi %parallel_loop3A_315, %parallel_loop3A_316 : i32
        %parallel_loop3A_318 = arith.index_cast %parallel_loop3A_317 : i32 to index
        %parallel_loop3A_319 = tpu.vector_load %arg7[%parallel_loop3A_318] {strides = array<i32>} : memref<4096xi32, #tpu.memory_space<vmem>>, vector<16xi32>,
        %parallel_loop3A_320 = tpu.vector_load_idx %arg6[%parallel_loop3A_319] : memref<100000xf32, #tpu.memory_space<vmem>>[vector<16xi32>], vector<16xf32>,
        %parallel_loop3A_321 = arith.addf %parallel_loop3A_320, %gather3A : vector<16xf32>
        %parallel_loop3A_322 = arith.constant 0 : i32
        %parallel_loop3A_323 = arith.constant 0 : i32
        %parallel_loop3A_324 = tpu.memref_slice %arg8[%parallel_loop3A_151, %parallel_loop3A_322, %parallel_loop3A_323] : memref<2x32x128xf32, #tpu.memory_space<vmem>> -> memref<1x32x128xf32, #tpu.memory_space<vmem>>
        %parallel_loop3A_325 = tpu.memref_squeeze %parallel_loop3A_324 : memref<1x32x128xf32, #tpu.memory_space<vmem>> -> memref<32x128xf32, #tpu.memory_space<vmem>>
        %parallel_loop3A_326 = arith.index_cast %parallel_loop3A_208 : i32 to index
        %parallel_loop3A_327 = arith.constant 112 : index
        %parallel_loop3A_328 = tpu.vector_load %parallel_loop3A_325[%parallel_loop3A_326, %parallel_loop3A_327] {strides = array<i32>} : memref<32x128xf32, #tpu.memory_space<vmem>>, vector<16xf32>,
        tpu.vector_store %parallel_loop3A_325[%parallel_loop3A_326, %parallel_loop3A_327], %parallel_loop3A_321 {strides = array<i32>} : memref<32x128xf32, #tpu.memory_space<vmem>>, vector<16xf32>,
      } {sc.loop_unroll_factor = 4 : i64, sc.parallel_access}
      %dma_start3A = arith.constant 0 : i32
      %dma_start3A_152 = arith.constant 0 : i32
      %dma_start3A_153 = arith.constant 0 : i32
      %dma_start3A_154 = tpu.memref_slice %arg8[%dma_start3A, %dma_start3A_152, %dma_start3A_153] : memref<2x32x128xf32, #tpu.memory_space<vmem>> -> memref<1x32x128xf32, #tpu.memory_space<vmem>>
      %dma_start3A_155 = tpu.memref_squeeze %dma_start3A_154 : memref<1x32x128xf32, #tpu.memory_space<vmem>> -> memref<32x128xf32, #tpu.memory_space<vmem>>
      %dma_start3A_156 = arith.constant 0 : i32
      %dma_start3A_157 = arith.constant 0 : i32
      %dma_start3A_158 = tpu.memref_slice %arg5[%add3A_144, %select_n3A, %dma_start3A_156, %select_n3A_30, %dma_start3A_157] : memref<200x4x32x8x128xf32, #tpu.memory_space<hbm>> -> memref<1x1x32x1x128xf32, #tpu.memory_space<hbm>>
      %dma_start3A_159 = tpu.memref_squeeze %dma_start3A_158 : memref<1x1x32x1x128xf32, #tpu.memory_space<hbm>> -> memref<32x128xf32, #tpu.memory_space<hbm>>
      %dma_start3A_160 = arith.constant 0 : i32
      %dma_start3A_161 = arith.constant 0 : i32
      %dma_start3A_162 = tpu.memref_slice %arg5[%add3A_144, %select_n3A, %dma_start3A_160, %select_n3A_30, %dma_start3A_161] : memref<200x4x32x8x128xf32, #tpu.memory_space<hbm>> -> memref<1x1x32x1x128xf32, #tpu.memory_space<hbm>>
      %dma_start3A_163 = tpu.memref_squeeze %dma_start3A_162 : memref<1x1x32x1x128xf32, #tpu.memory_space<hbm>> -> memref<32x128xf32, #tpu.memory_space<hbm>>
      %dma_start3A_164 = arith.constant 0 : i32
      %dma_start3A_165 = arith.constant 0 : i32
      %dma_start3A_166 = tpu.memref_slice %arg8[%dma_start3A, %dma_start3A_164, %dma_start3A_165] : memref<2x32x128xf32, #tpu.memory_space<vmem>> -> memref<1x32x128xf32, #tpu.memory_space<vmem>>
      %dma_start3A_167 = tpu.memref_squeeze %dma_start3A_166 : memref<1x32x128xf32, #tpu.memory_space<vmem>> -> memref<32x128xf32, #tpu.memory_space<vmem>>
      tpu.enqueue_dma source(%dma_start3A_167 : memref<32x128xf32, #tpu.memory_space<vmem>>) target(%dma_start3A_163 : memref<32x128xf32, #tpu.memory_space<hbm>>) target_semaphore(%arg11 : memref<!tpu.dma_semaphore, #tpu.memory_space<semaphore_mem>>)
      %gt3A_168 = arith.constant 0 : i32
      %gt3A_169 = arith.cmpi sgt, %scan3A_133, %gt3A_168 : i32
      %or3A_170 = arith.constant true
      %or3A_171 = arith.ori %gt3A_169, %or3A_170 : i1
      %convert_element_type3A_172 = arith.extui %or3A_171 : i1 to i32
      %cond3A_173 = arith.constant 0 : i32
      %cond3A_174 = arith.cmpi ne, %convert_element_type3A_172, %cond3A_173 : i32
      scf.if %cond3A_174 {
        %dma_wait3A_208 = arith.constant 1 : i32
        %dma_wait3A_209 = arith.constant 0 : i32
        %dma_wait3A_210 = arith.constant 0 : i32
        %dma_wait3A_211 = arith.constant 0 : i32
        %dma_wait3A_212 = tpu.memref_slice %arg8[%dma_wait3A_208, %dma_wait3A_210, %dma_wait3A_211] : memref<2x32x128xf32, #tpu.memory_space<vmem>> -> memref<1x32x128xf32, #tpu.memory_space<vmem>>
        %dma_wait3A_213 = tpu.memref_squeeze %dma_wait3A_212 : memref<1x32x128xf32, #tpu.memory_space<vmem>> -> memref<32x128xf32, #tpu.memory_space<vmem>>
        %dma_wait3A_214 = arith.constant 0 : i32
        %dma_wait3A_215 = arith.constant 0 : i32
        %dma_wait3A_216 = tpu.memref_slice %arg5[%dma_wait3A_209, %select_n3A, %dma_wait3A_214, %select_n3A_30, %dma_wait3A_215] : memref<200x4x32x8x128xf32, #tpu.memory_space<hbm>> -> memref<1x1x32x1x128xf32, #tpu.memory_space<hbm>>
        %dma_wait3A_217 = tpu.memref_squeeze %dma_wait3A_216 : memref<1x1x32x1x128xf32, #tpu.memory_space<hbm>> -> memref<32x128xf32, #tpu.memory_space<hbm>>
        %dma_wait3A_218 = arith.constant 0 : i32
        %dma_wait3A_219 = arith.constant 0 : i32
        %dma_wait3A_220 = tpu.memref_slice %arg5[%dma_wait3A_209, %select_n3A, %dma_wait3A_218, %select_n3A_30, %dma_wait3A_219] : memref<200x4x32x8x128xf32, #tpu.memory_space<hbm>> -> memref<1x1x32x1x128xf32, #tpu.memory_space<hbm>>
        %dma_wait3A_221 = tpu.memref_squeeze %dma_wait3A_220 : memref<1x1x32x1x128xf32, #tpu.memory_space<hbm>> -> memref<32x128xf32, #tpu.memory_space<hbm>>
        %dma_wait3A_222 = arith.constant 0 : i32
        %dma_wait3A_223 = arith.constant 0 : i32
        %dma_wait3A_224 = tpu.memref_slice %arg8[%dma_wait3A_208, %dma_wait3A_222, %dma_wait3A_223] : memref<2x32x128xf32, #tpu.memory_space<vmem>> -> memref<1x32x128xf32, #tpu.memory_space<vmem>>
        %dma_wait3A_225 = tpu.memref_squeeze %dma_wait3A_224 : memref<1x32x128xf32, #tpu.memory_space<vmem>> -> memref<32x128xf32, #tpu.memory_space<vmem>>
        tpu.wait_dma2 semaphore(%arg12 : memref<!tpu.dma_semaphore, #tpu.memory_space<semaphore_mem>>) src(%dma_wait3A_225 : memref<32x128xf32, #tpu.memory_space<vmem>>) dst(%dma_wait3A_221 : memref<32x128xf32, #tpu.memory_space<hbm>>)
      } else {
      }
      %mul3A_175 = arith.constant 2 : i32
      %mul3A_176 = arith.muli %scan3A_133, %mul3A_175 : i32
      %add3A_177 = arith.constant 100 : i32
      %add3A_178 = arith.addi %add3A_177, %mul3A_176 : i32
      %add3A_179 = arith.constant 1 : i32
      %add3A_180 = arith.addi %add3A_178, %add3A_179 : i32
      %mul3A_181 = arith.constant 2 : i32
      %mul3A_182 = arith.muli %scan3A_133, %mul3A_181 : i32
      %add3A_183 = arith.constant 1 : i32
      %add3A_184 = arith.addi %mul3A_182, %add3A_183 : i32
      "tpu.region"() ({
        %run_scoped3A = tpu.sem_alloc : memref<!tpu.dma_semaphore, #tpu.memory_space<semaphore_mem>>
        %dma_start3A_208 = arith.constant 0 : i32
        %dma_start3A_209 = tpu.memref_slice %arg10[%add3A_184, %dma_start3A_208] : memref<50x4096xi32, #tpu.memory_space<vmem_shared>> -> memref<1x4096xi32, #tpu.memory_space<vmem_shared>>
        %dma_start3A_210 = tpu.memref_squeeze %dma_start3A_209 : memref<1x4096xi32, #tpu.memory_space<vmem_shared>> -> memref<4096xi32, #tpu.memory_space<vmem_shared>>
        %dma_start3A_211 = arith.constant 0 : i32
        %dma_start3A_212 = tpu.memref_slice %arg10[%add3A_184, %dma_start3A_211] : memref<50x4096xi32, #tpu.memory_space<vmem_shared>> -> memref<1x4096xi32, #tpu.memory_space<vmem_shared>>
        %dma_start3A_213 = tpu.memref_squeeze %dma_start3A_212 : memref<1x4096xi32, #tpu.memory_space<vmem_shared>> -> memref<4096xi32, #tpu.memory_space<vmem_shared>>
        tpu.enqueue_dma source(%dma_start3A_213 : memref<4096xi32, #tpu.memory_space<vmem_shared>>) target(%arg7 : memref<4096xi32, #tpu.memory_space<vmem>>) target_semaphore(%run_scoped3A : memref<!tpu.dma_semaphore, #tpu.memory_space<semaphore_mem>>)
        %dma_wait3A_214 = arith.constant 0 : i32
        %dma_wait3A_215 = tpu.memref_slice %arg10[%add3A_184, %dma_wait3A_214] : memref<50x4096xi32, #tpu.memory_space<vmem_shared>> -> memref<1x4096xi32, #tpu.memory_space<vmem_shared>>
        %dma_wait3A_216 = tpu.memref_squeeze %dma_wait3A_215 : memref<1x4096xi32, #tpu.memory_space<vmem_shared>> -> memref<4096xi32, #tpu.memory_space<vmem_shared>>
        %dma_wait3A_217 = arith.constant 0 : i32
        %dma_wait3A_218 = tpu.memref_slice %arg10[%add3A_184, %dma_wait3A_217] : memref<50x4096xi32, #tpu.memory_space<vmem_shared>> -> memref<1x4096xi32, #tpu.memory_space<vmem_shared>>
        %dma_wait3A_219 = tpu.memref_squeeze %dma_wait3A_218 : memref<1x4096xi32, #tpu.memory_space<vmem_shared>> -> memref<4096xi32, #tpu.memory_space<vmem_shared>>
        tpu.wait_dma2 semaphore(%run_scoped3A : memref<!tpu.dma_semaphore, #tpu.memory_space<semaphore_mem>>) src(%dma_wait3A_219 : memref<4096xi32, #tpu.memory_space<vmem_shared>>) dst(%arg7 : memref<4096xi32, #tpu.memory_space<vmem>>)
        tpu.yield
      }) : () -> ()
      %broadcast_in_dim3A_185 = vector.broadcast %add3A_180 : i32 to vector<16xi32>
      %gather3A_186 = tpu.vector_load_idx %arg9[%broadcast_in_dim3A_185] : memref<200xf32, #tpu.memory_space<vmem>>[vector<16xi32>], vector<16xf32>,
      %parallel_loop3A_187 = arith.constant 0 : i32
      %parallel_loop3A_188 = arith.constant 32 : i32
      %parallel_loop3A_189 = arith.constant 1 : i32
      %parallel_loop3A_190 = arith.constant 1 : i32
      scf.for %parallel_loop3A_208 = %parallel_loop3A_187 to %parallel_loop3A_188 step %parallel_loop3A_189  : i32 {
        %parallel_loop3A_209 = arith.constant 128 : i32
        %parallel_loop3A_210 = arith.muli %parallel_loop3A_208, %parallel_loop3A_209 : i32
        %parallel_loop3A_211 = arith.constant 0 : i32
        %parallel_loop3A_212 = arith.addi %parallel_loop3A_210, %parallel_loop3A_211 : i32
        %parallel_loop3A_213 = arith.index_cast %parallel_loop3A_212 : i32 to index
        %parallel_loop3A_214 = tpu.vector_load %arg7[%parallel_loop3A_213] {strides = array<i32>} : memref<4096xi32, #tpu.memory_space<vmem>>, vector<16xi32>,
        %parallel_loop3A_215 = tpu.vector_load_idx %arg6[%parallel_loop3A_214] : memref<100000xf32, #tpu.memory_space<vmem>>[vector<16xi32>], vector<16xf32>,
        %parallel_loop3A_216 = arith.addf %parallel_loop3A_215, %gather3A_186 : vector<16xf32>
        %parallel_loop3A_217 = arith.constant 0 : i32
        %parallel_loop3A_218 = arith.constant 0 : i32
        %parallel_loop3A_219 = tpu.memref_slice %arg8[%parallel_loop3A_190, %parallel_loop3A_217, %parallel_loop3A_218] : memref<2x32x128xf32, #tpu.memory_space<vmem>> -> memref<1x32x128xf32, #tpu.memory_space<vmem>>
        %parallel_loop3A_220 = tpu.memref_squeeze %parallel_loop3A_219 : memref<1x32x128xf32, #tpu.memory_space<vmem>> -> memref<32x128xf32, #tpu.memory_space<vmem>>
        %parallel_loop3A_221 = arith.index_cast %parallel_loop3A_208 : i32 to index
        %parallel_loop3A_222 = arith.constant 0 : index
        %parallel_loop3A_223 = tpu.vector_load %parallel_loop3A_220[%parallel_loop3A_221, %parallel_loop3A_222] {strides = array<i32>} : memref<32x128xf32, #tpu.memory_space<vmem>>, vector<16xf32>,
        tpu.vector_store %parallel_loop3A_220[%parallel_loop3A_221, %parallel_loop3A_222], %parallel_loop3A_216 {strides = array<i32>} : memref<32x128xf32, #tpu.memory_space<vmem>>, vector<16xf32>,
        %parallel_loop3A_224 = arith.constant 128 : i32
        %parallel_loop3A_225 = arith.muli %parallel_loop3A_208, %parallel_loop3A_224 : i32
        %parallel_loop3A_226 = arith.constant 16 : i32
        %parallel_loop3A_227 = arith.addi %parallel_loop3A_225, %parallel_loop3A_226 : i32
        %parallel_loop3A_228 = arith.index_cast %parallel_loop3A_227 : i32 to index
        %parallel_loop3A_229 = tpu.vector_load %arg7[%parallel_loop3A_228] {strides = array<i32>} : memref<4096xi32, #tpu.memory_space<vmem>>, vector<16xi32>,
        %parallel_loop3A_230 = tpu.vector_load_idx %arg6[%parallel_loop3A_229] : memref<100000xf32, #tpu.memory_space<vmem>>[vector<16xi32>], vector<16xf32>,
        %parallel_loop3A_231 = arith.addf %parallel_loop3A_230, %gather3A_186 : vector<16xf32>
        %parallel_loop3A_232 = arith.constant 0 : i32
        %parallel_loop3A_233 = arith.constant 0 : i32
        %parallel_loop3A_234 = tpu.memref_slice %arg8[%parallel_loop3A_190, %parallel_loop3A_232, %parallel_loop3A_233] : memref<2x32x128xf32, #tpu.memory_space<vmem>> -> memref<1x32x128xf32, #tpu.memory_space<vmem>>
        %parallel_loop3A_235 = tpu.memref_squeeze %parallel_loop3A_234 : memref<1x32x128xf32, #tpu.memory_space<vmem>> -> memref<32x128xf32, #tpu.memory_space<vmem>>
        %parallel_loop3A_236 = arith.index_cast %parallel_loop3A_208 : i32 to index
        %parallel_loop3A_237 = arith.constant 16 : index
        %parallel_loop3A_238 = tpu.vector_load %parallel_loop3A_235[%parallel_loop3A_236, %parallel_loop3A_237] {strides = array<i32>} : memref<32x128xf32, #tpu.memory_space<vmem>>, vector<16xf32>,
        tpu.vector_store %parallel_loop3A_235[%parallel_loop3A_236, %parallel_loop3A_237], %parallel_loop3A_231 {strides = array<i32>} : memref<32x128xf32, #tpu.memory_space<vmem>>, vector<16xf32>,
        %parallel_loop3A_239 = arith.constant 128 : i32
        %parallel_loop3A_240 = arith.muli %parallel_loop3A_208, %parallel_loop3A_239 : i32
        %parallel_loop3A_241 = arith.constant 32 : i32
        %parallel_loop3A_242 = arith.addi %parallel_loop3A_240, %parallel_loop3A_241 : i32
        %parallel_loop3A_243 = arith.index_cast %parallel_loop3A_242 : i32 to index
        %parallel_loop3A_244 = tpu.vector_load %arg7[%parallel_loop3A_243] {strides = array<i32>} : memref<4096xi32, #tpu.memory_space<vmem>>, vector<16xi32>,
        %parallel_loop3A_245 = tpu.vector_load_idx %arg6[%parallel_loop3A_244] : memref<100000xf32, #tpu.memory_space<vmem>>[vector<16xi32>], vector<16xf32>,
        %parallel_loop3A_246 = arith.addf %parallel_loop3A_245, %gather3A_186 : vector<16xf32>
        %parallel_loop3A_247 = arith.constant 0 : i32
        %parallel_loop3A_248 = arith.constant 0 : i32
        %parallel_loop3A_249 = tpu.memref_slice %arg8[%parallel_loop3A_190, %parallel_loop3A_247, %parallel_loop3A_248] : memref<2x32x128xf32, #tpu.memory_space<vmem>> -> memref<1x32x128xf32, #tpu.memory_space<vmem>>
        %parallel_loop3A_250 = tpu.memref_squeeze %parallel_loop3A_249 : memref<1x32x128xf32, #tpu.memory_space<vmem>> -> memref<32x128xf32, #tpu.memory_space<vmem>>
        %parallel_loop3A_251 = arith.index_cast %parallel_loop3A_208 : i32 to index
        %parallel_loop3A_252 = arith.constant 32 : index
        %parallel_loop3A_253 = tpu.vector_load %parallel_loop3A_250[%parallel_loop3A_251, %parallel_loop3A_252] {strides = array<i32>} : memref<32x128xf32, #tpu.memory_space<vmem>>, vector<16xf32>,
        tpu.vector_store %parallel_loop3A_250[%parallel_loop3A_251, %parallel_loop3A_252], %parallel_loop3A_246 {strides = array<i32>} : memref<32x128xf32, #tpu.memory_space<vmem>>, vector<16xf32>,
        %parallel_loop3A_254 = arith.constant 128 : i32
        %parallel_loop3A_255 = arith.muli %parallel_loop3A_208, %parallel_loop3A_254 : i32
        %parallel_loop3A_256 = arith.constant 48 : i32
        %parallel_loop3A_257 = arith.addi %parallel_loop3A_255, %parallel_loop3A_256 : i32
        %parallel_loop3A_258 = arith.index_cast %parallel_loop3A_257 : i32 to index
        %parallel_loop3A_259 = tpu.vector_load %arg7[%parallel_loop3A_258] {strides = array<i32>} : memref<4096xi32, #tpu.memory_space<vmem>>, vector<16xi32>,
        %parallel_loop3A_260 = tpu.vector_load_idx %arg6[%parallel_loop3A_259] : memref<100000xf32, #tpu.memory_space<vmem>>[vector<16xi32>], vector<16xf32>,
        %parallel_loop3A_261 = arith.addf %parallel_loop3A_260, %gather3A_186 : vector<16xf32>
        %parallel_loop3A_262 = arith.constant 0 : i32
        %parallel_loop3A_263 = arith.constant 0 : i32
        %parallel_loop3A_264 = tpu.memref_slice %arg8[%parallel_loop3A_190, %parallel_loop3A_262, %parallel_loop3A_263] : memref<2x32x128xf32, #tpu.memory_space<vmem>> -> memref<1x32x128xf32, #tpu.memory_space<vmem>>
        %parallel_loop3A_265 = tpu.memref_squeeze %parallel_loop3A_264 : memref<1x32x128xf32, #tpu.memory_space<vmem>> -> memref<32x128xf32, #tpu.memory_space<vmem>>
        %parallel_loop3A_266 = arith.index_cast %parallel_loop3A_208 : i32 to index
        %parallel_loop3A_267 = arith.constant 48 : index
        %parallel_loop3A_268 = tpu.vector_load %parallel_loop3A_265[%parallel_loop3A_266, %parallel_loop3A_267] {strides = array<i32>} : memref<32x128xf32, #tpu.memory_space<vmem>>, vector<16xf32>,
        tpu.vector_store %parallel_loop3A_265[%parallel_loop3A_266, %parallel_loop3A_267], %parallel_loop3A_261 {strides = array<i32>} : memref<32x128xf32, #tpu.memory_space<vmem>>, vector<16xf32>,
        %parallel_loop3A_269 = arith.constant 128 : i32
        %parallel_loop3A_270 = arith.muli %parallel_loop3A_208, %parallel_loop3A_269 : i32
        %parallel_loop3A_271 = arith.constant 64 : i32
        %parallel_loop3A_272 = arith.addi %parallel_loop3A_270, %parallel_loop3A_271 : i32
        %parallel_loop3A_273 = arith.index_cast %parallel_loop3A_272 : i32 to index
        %parallel_loop3A_274 = tpu.vector_load %arg7[%parallel_loop3A_273] {strides = array<i32>} : memref<4096xi32, #tpu.memory_space<vmem>>, vector<16xi32>,
        %parallel_loop3A_275 = tpu.vector_load_idx %arg6[%parallel_loop3A_274] : memref<100000xf32, #tpu.memory_space<vmem>>[vector<16xi32>], vector<16xf32>,
        %parallel_loop3A_276 = arith.addf %parallel_loop3A_275, %gather3A_186 : vector<16xf32>
        %parallel_loop3A_277 = arith.constant 0 : i32
        %parallel_loop3A_278 = arith.constant 0 : i32
        %parallel_loop3A_279 = tpu.memref_slice %arg8[%parallel_loop3A_190, %parallel_loop3A_277, %parallel_loop3A_278] : memref<2x32x128xf32, #tpu.memory_space<vmem>> -> memref<1x32x128xf32, #tpu.memory_space<vmem>>
        %parallel_loop3A_280 = tpu.memref_squeeze %parallel_loop3A_279 : memref<1x32x128xf32, #tpu.memory_space<vmem>> -> memref<32x128xf32, #tpu.memory_space<vmem>>
        %parallel_loop3A_281 = arith.index_cast %parallel_loop3A_208 : i32 to index
        %parallel_loop3A_282 = arith.constant 64 : index
        %parallel_loop3A_283 = tpu.vector_load %parallel_loop3A_280[%parallel_loop3A_281, %parallel_loop3A_282] {strides = array<i32>} : memref<32x128xf32, #tpu.memory_space<vmem>>, vector<16xf32>,
        tpu.vector_store %parallel_loop3A_280[%parallel_loop3A_281, %parallel_loop3A_282], %parallel_loop3A_276 {strides = array<i32>} : memref<32x128xf32, #tpu.memory_space<vmem>>, vector<16xf32>,
        %parallel_loop3A_284 = arith.constant 128 : i32
        %parallel_loop3A_285 = arith.muli %parallel_loop3A_208, %parallel_loop3A_284 : i32
        %parallel_loop3A_286 = arith.constant 80 : i32
        %parallel_loop3A_287 = arith.addi %parallel_loop3A_285, %parallel_loop3A_286 : i32
        %parallel_loop3A_288 = arith.index_cast %parallel_loop3A_287 : i32 to index
        %parallel_loop3A_289 = tpu.vector_load %arg7[%parallel_loop3A_288] {strides = array<i32>} : memref<4096xi32, #tpu.memory_space<vmem>>, vector<16xi32>,
        %parallel_loop3A_290 = tpu.vector_load_idx %arg6[%parallel_loop3A_289] : memref<100000xf32, #tpu.memory_space<vmem>>[vector<16xi32>], vector<16xf32>,
        %parallel_loop3A_291 = arith.addf %parallel_loop3A_290, %gather3A_186 : vector<16xf32>
        %parallel_loop3A_292 = arith.constant 0 : i32
        %parallel_loop3A_293 = arith.constant 0 : i32
        %parallel_loop3A_294 = tpu.memref_slice %arg8[%parallel_loop3A_190, %parallel_loop3A_292, %parallel_loop3A_293] : memref<2x32x128xf32, #tpu.memory_space<vmem>> -> memref<1x32x128xf32, #tpu.memory_space<vmem>>
        %parallel_loop3A_295 = tpu.memref_squeeze %parallel_loop3A_294 : memref<1x32x128xf32, #tpu.memory_space<vmem>> -> memref<32x128xf32, #tpu.memory_space<vmem>>
        %parallel_loop3A_296 = arith.index_cast %parallel_loop3A_208 : i32 to index
        %parallel_loop3A_297 = arith.constant 80 : index
        %parallel_loop3A_298 = tpu.vector_load %parallel_loop3A_295[%parallel_loop3A_296, %parallel_loop3A_297] {strides = array<i32>} : memref<32x128xf32, #tpu.memory_space<vmem>>, vector<16xf32>,
        tpu.vector_store %parallel_loop3A_295[%parallel_loop3A_296, %parallel_loop3A_297], %parallel_loop3A_291 {strides = array<i32>} : memref<32x128xf32, #tpu.memory_space<vmem>>, vector<16xf32>,
        %parallel_loop3A_299 = arith.constant 128 : i32
        %parallel_loop3A_300 = arith.muli %parallel_loop3A_208, %parallel_loop3A_299 : i32
        %parallel_loop3A_301 = arith.constant 96 : i32
        %parallel_loop3A_302 = arith.addi %parallel_loop3A_300, %parallel_loop3A_301 : i32
        %parallel_loop3A_303 = arith.index_cast %parallel_loop3A_302 : i32 to index
        %parallel_loop3A_304 = tpu.vector_load %arg7[%parallel_loop3A_303] {strides = array<i32>} : memref<4096xi32, #tpu.memory_space<vmem>>, vector<16xi32>,
        %parallel_loop3A_305 = tpu.vector_load_idx %arg6[%parallel_loop3A_304] : memref<100000xf32, #tpu.memory_space<vmem>>[vector<16xi32>], vector<16xf32>,
        %parallel_loop3A_306 = arith.addf %parallel_loop3A_305, %gather3A_186 : vector<16xf32>
        %parallel_loop3A_307 = arith.constant 0 : i32
        %parallel_loop3A_308 = arith.constant 0 : i32
        %parallel_loop3A_309 = tpu.memref_slice %arg8[%parallel_loop3A_190, %parallel_loop3A_307, %parallel_loop3A_308] : memref<2x32x128xf32, #tpu.memory_space<vmem>> -> memref<1x32x128xf32, #tpu.memory_space<vmem>>
        %parallel_loop3A_310 = tpu.memref_squeeze %parallel_loop3A_309 : memref<1x32x128xf32, #tpu.memory_space<vmem>> -> memref<32x128xf32, #tpu.memory_space<vmem>>
        %parallel_loop3A_311 = arith.index_cast %parallel_loop3A_208 : i32 to index
        %parallel_loop3A_312 = arith.constant 96 : index
        %parallel_loop3A_313 = tpu.vector_load %parallel_loop3A_310[%parallel_loop3A_311, %parallel_loop3A_312] {strides = array<i32>} : memref<32x128xf32, #tpu.memory_space<vmem>>, vector<16xf32>,
        tpu.vector_store %parallel_loop3A_310[%parallel_loop3A_311, %parallel_loop3A_312], %parallel_loop3A_306 {strides = array<i32>} : memref<32x128xf32, #tpu.memory_space<vmem>>, vector<16xf32>,
        %parallel_loop3A_314 = arith.constant 128 : i32
        %parallel_loop3A_315 = arith.muli %parallel_loop3A_208, %parallel_loop3A_314 : i32
        %parallel_loop3A_316 = arith.constant 112 : i32
        %parallel_loop3A_317 = arith.addi %parallel_loop3A_315, %parallel_loop3A_316 : i32
        %parallel_loop3A_318 = arith.index_cast %parallel_loop3A_317 : i32 to index
        %parallel_loop3A_319 = tpu.vector_load %arg7[%parallel_loop3A_318] {strides = array<i32>} : memref<4096xi32, #tpu.memory_space<vmem>>, vector<16xi32>,
        %parallel_loop3A_320 = tpu.vector_load_idx %arg6[%parallel_loop3A_319] : memref<100000xf32, #tpu.memory_space<vmem>>[vector<16xi32>], vector<16xf32>,
        %parallel_loop3A_321 = arith.addf %parallel_loop3A_320, %gather3A_186 : vector<16xf32>
        %parallel_loop3A_322 = arith.constant 0 : i32
        %parallel_loop3A_323 = arith.constant 0 : i32
        %parallel_loop3A_324 = tpu.memref_slice %arg8[%parallel_loop3A_190, %parallel_loop3A_322, %parallel_loop3A_323] : memref<2x32x128xf32, #tpu.memory_space<vmem>> -> memref<1x32x128xf32, #tpu.memory_space<vmem>>
        %parallel_loop3A_325 = tpu.memref_squeeze %parallel_loop3A_324 : memref<1x32x128xf32, #tpu.memory_space<vmem>> -> memref<32x128xf32, #tpu.memory_space<vmem>>
        %parallel_loop3A_326 = arith.index_cast %parallel_loop3A_208 : i32 to index
        %parallel_loop3A_327 = arith.constant 112 : index
        %parallel_loop3A_328 = tpu.vector_load %parallel_loop3A_325[%parallel_loop3A_326, %parallel_loop3A_327] {strides = array<i32>} : memref<32x128xf32, #tpu.memory_space<vmem>>, vector<16xf32>,
        tpu.vector_store %parallel_loop3A_325[%parallel_loop3A_326, %parallel_loop3A_327], %parallel_loop3A_321 {strides = array<i32>} : memref<32x128xf32, #tpu.memory_space<vmem>>, vector<16xf32>,
      } {sc.loop_unroll_factor = 4 : i64, sc.parallel_access}
      %dma_start3A_191 = arith.constant 1 : i32
      %dma_start3A_192 = arith.constant 0 : i32
      %dma_start3A_193 = arith.constant 0 : i32
      %dma_start3A_194 = tpu.memref_slice %arg8[%dma_start3A_191, %dma_start3A_192, %dma_start3A_193] : memref<2x32x128xf32, #tpu.memory_space<vmem>> -> memref<1x32x128xf32, #tpu.memory_space<vmem>>
      %dma_start3A_195 = tpu.memref_squeeze %dma_start3A_194 : memref<1x32x128xf32, #tpu.memory_space<vmem>> -> memref<32x128xf32, #tpu.memory_space<vmem>>
      %dma_start3A_196 = arith.constant 0 : i32
      %dma_start3A_197 = arith.constant 0 : i32
      %dma_start3A_198 = tpu.memref_slice %arg5[%add3A_180, %select_n3A, %dma_start3A_196, %select_n3A_30, %dma_start3A_197] : memref<200x4x32x8x128xf32, #tpu.memory_space<hbm>> -> memref<1x1x32x1x128xf32, #tpu.memory_space<hbm>>
      %dma_start3A_199 = tpu.memref_squeeze %dma_start3A_198 : memref<1x1x32x1x128xf32, #tpu.memory_space<hbm>> -> memref<32x128xf32, #tpu.memory_space<hbm>>
      %dma_start3A_200 = arith.constant 0 : i32
      %dma_start3A_201 = arith.constant 0 : i32
      %dma_start3A_202 = tpu.memref_slice %arg5[%add3A_180, %select_n3A, %dma_start3A_200, %select_n3A_30, %dma_start3A_201] : memref<200x4x32x8x128xf32, #tpu.memory_space<hbm>> -> memref<1x1x32x1x128xf32, #tpu.memory_space<hbm>>
      %dma_start3A_203 = tpu.memref_squeeze %dma_start3A_202 : memref<1x1x32x1x128xf32, #tpu.memory_space<hbm>> -> memref<32x128xf32, #tpu.memory_space<hbm>>
      %dma_start3A_204 = arith.constant 0 : i32
      %dma_start3A_205 = arith.constant 0 : i32
      %dma_start3A_206 = tpu.memref_slice %arg8[%dma_start3A_191, %dma_start3A_204, %dma_start3A_205] : memref<2x32x128xf32, #tpu.memory_space<vmem>> -> memref<1x32x128xf32, #tpu.memory_space<vmem>>
      %dma_start3A_207 = tpu.memref_squeeze %dma_start3A_206 : memref<1x32x128xf32, #tpu.memory_space<vmem>> -> memref<32x128xf32, #tpu.memory_space<vmem>>
      tpu.enqueue_dma source(%dma_start3A_207 : memref<32x128xf32, #tpu.memory_space<vmem>>) target(%dma_start3A_203 : memref<32x128xf32, #tpu.memory_space<hbm>>) target_semaphore(%arg12 : memref<!tpu.dma_semaphore, #tpu.memory_space<semaphore_mem>>)
    }
    %scan3A_78 = arith.constant 25 : i32
    %barrier3A_79 = arith.constant 0 : index
    tpu.barrier barrier_id(%barrier3A_79)
    %lt3A_80 = arith.constant 2 : i32
    %lt3A_81 = arith.cmpi slt, %arg1, %lt3A_80 : i32
    %convert_element_type3A_82 = arith.extui %lt3A_81 : i1 to i32
    %cond3A_83 = arith.constant 0 : i32
    %cond3A_84 = arith.cmpi ne, %convert_element_type3A_82, %cond3A_83 : i32
    scf.if %cond3A_84 {
      %mul3A_133 = arith.constant 4 : i32
      %mul3A_134 = arith.muli %arg1, %mul3A_133 : i32
      %add3A_135 = arith.constant 150 : i32
      %add3A_136 = arith.addi %add3A_135, %mul3A_134 : i32
      "tpu.region"() ({
        %run_scoped3A = tpu.sem_alloc : memref<!tpu.dma_semaphore, #tpu.memory_space<semaphore_mem>>
        %dma_start3A = arith.constant 0 : i32
        %dma_start3A_137 = tpu.memref_slice %arg10[%mul3A_134, %dma_start3A] : memref<50x4096xi32, #tpu.memory_space<vmem_shared>> -> memref<4x4096xi32, #tpu.memory_space<vmem_shared>>
        %dma_start3A_138 = arith.constant 0 : i32
        %dma_start3A_139 = tpu.memref_slice %arg2[%add3A_136, %dma_start3A_138] : memref<200x4096xi32, #tpu.memory_space<hbm>> -> memref<4x4096xi32, #tpu.memory_space<hbm>>
        tpu.enqueue_dma source(%dma_start3A_139 : memref<4x4096xi32, #tpu.memory_space<hbm>>) target(%dma_start3A_137 : memref<4x4096xi32, #tpu.memory_space<vmem_shared>>) target_semaphore(%run_scoped3A : memref<!tpu.dma_semaphore, #tpu.memory_space<semaphore_mem>>)
        %dma_wait3A_140 = arith.constant 0 : i32
        %dma_wait3A_141 = tpu.memref_slice %arg10[%mul3A_134, %dma_wait3A_140] : memref<50x4096xi32, #tpu.memory_space<vmem_shared>> -> memref<4x4096xi32, #tpu.memory_space<vmem_shared>>
        %dma_wait3A_142 = arith.constant 0 : i32
        %dma_wait3A_143 = tpu.memref_slice %arg2[%add3A_136, %dma_wait3A_142] : memref<200x4096xi32, #tpu.memory_space<hbm>> -> memref<4x4096xi32, #tpu.memory_space<hbm>>
        tpu.wait_dma2 semaphore(%run_scoped3A : memref<!tpu.dma_semaphore, #tpu.memory_space<semaphore_mem>>) src(%dma_wait3A_143 : memref<4x4096xi32, #tpu.memory_space<hbm>>) dst(%dma_wait3A_141 : memref<4x4096xi32, #tpu.memory_space<vmem_shared>>)
        tpu.yield
      }) : () -> ()
    } else {
    }
    %ge3A_85 = arith.constant 2 : i32
    %ge3A_86 = arith.cmpi sge, %arg1, %ge3A_85 : i32
    %convert_element_type3A_87 = arith.extui %ge3A_86 : i1 to i32
    %cond3A_88 = arith.constant 0 : i32
    %cond3A_89 = arith.cmpi ne, %convert_element_type3A_87, %cond3A_88 : i32
    scf.if %cond3A_89 {
      %sub3A_133 = arith.constant 2 : i32
      %sub3A_134 = arith.subi %arg1, %sub3A_133 : i32
      %mul3A_135 = arith.constant 3 : i32
      %mul3A_136 = arith.muli %sub3A_134, %mul3A_135 : i32
      %add3A_137 = arith.constant 8 : i32
      %add3A_138 = arith.addi %add3A_137, %mul3A_136 : i32
      %add3A_139 = arith.constant 150 : i32
      %add3A_140 = arith.addi %add3A_139, %add3A_138 : i32
      "tpu.region"() ({
        %run_scoped3A = tpu.sem_alloc : memref<!tpu.dma_semaphore, #tpu.memory_space<semaphore_mem>>
        %dma_start3A = arith.constant 0 : i32
        %dma_start3A_141 = tpu.memref_slice %arg10[%add3A_138, %dma_start3A] : memref<50x4096xi32, #tpu.memory_space<vmem_shared>> -> memref<3x4096xi32, #tpu.memory_space<vmem_shared>>
        %dma_start3A_142 = arith.constant 0 : i32
        %dma_start3A_143 = tpu.memref_slice %arg2[%add3A_140, %dma_start3A_142] : memref<200x4096xi32, #tpu.memory_space<hbm>> -> memref<3x4096xi32, #tpu.memory_space<hbm>>
        tpu.enqueue_dma source(%dma_start3A_143 : memref<3x4096xi32, #tpu.memory_space<hbm>>) target(%dma_start3A_141 : memref<3x4096xi32, #tpu.memory_space<vmem_shared>>) target_semaphore(%run_scoped3A : memref<!tpu.dma_semaphore, #tpu.memory_space<semaphore_mem>>)
        %dma_wait3A_144 = arith.constant 0 : i32
        %dma_wait3A_145 = tpu.memref_slice %arg10[%add3A_138, %dma_wait3A_144] : memref<50x4096xi32, #tpu.memory_space<vmem_shared>> -> memref<3x4096xi32, #tpu.memory_space<vmem_shared>>
        %dma_wait3A_146 = arith.constant 0 : i32
        %dma_wait3A_147 = tpu.memref_slice %arg2[%add3A_140, %dma_wait3A_146] : memref<200x4096xi32, #tpu.memory_space<hbm>> -> memref<3x4096xi32, #tpu.memory_space<hbm>>
        tpu.wait_dma2 semaphore(%run_scoped3A : memref<!tpu.dma_semaphore, #tpu.memory_space<semaphore_mem>>) src(%dma_wait3A_147 : memref<3x4096xi32, #tpu.memory_space<hbm>>) dst(%dma_wait3A_145 : memref<3x4096xi32, #tpu.memory_space<vmem_shared>>)
        tpu.yield
      }) : () -> ()
    } else {
    }
    %barrier3A_90 = arith.constant 0 : index
    tpu.barrier barrier_id(%barrier3A_90)
    %scan3A_91 = arith.constant 0 : i32
    %scan3A_92 = arith.constant 0 : i32
    %scan3A_93 = arith.constant 25 : i32
    %scan3A_94 = arith.addi %scan3A_92, %scan3A_93 : i32
    %scan3A_95 = arith.constant 1 : i32
    scf.for %scan3A_133 = %scan3A_92 to %scan3A_94 step %scan3A_95  : i32 {
      %gt3A = arith.constant 0 : i32
      %gt3A_134 = arith.cmpi sgt, %scan3A_133, %gt3A : i32
      %or3A = arith.constant true
      %or3A_135 = arith.ori %gt3A_134, %or3A : i1
      %convert_element_type3A_136 = arith.extui %or3A_135 : i1 to i32
      %cond3A_137 = arith.constant 0 : i32
      %cond3A_138 = arith.cmpi ne, %convert_element_type3A_136, %cond3A_137 : i32
      scf.if %cond3A_138 {
        %dma_wait3A_208 = arith.constant 0 : i32
        %dma_wait3A_209 = arith.constant 0 : i32
        %dma_wait3A_210 = arith.constant 0 : i32
        %dma_wait3A_211 = arith.constant 0 : i32
        %dma_wait3A_212 = tpu.memref_slice %arg8[%dma_wait3A_208, %dma_wait3A_210, %dma_wait3A_211] : memref<2x32x128xf32, #tpu.memory_space<vmem>> -> memref<1x32x128xf32, #tpu.memory_space<vmem>>
        %dma_wait3A_213 = tpu.memref_squeeze %dma_wait3A_212 : memref<1x32x128xf32, #tpu.memory_space<vmem>> -> memref<32x128xf32, #tpu.memory_space<vmem>>
        %dma_wait3A_214 = arith.constant 0 : i32
        %dma_wait3A_215 = arith.constant 0 : i32
        %dma_wait3A_216 = tpu.memref_slice %arg5[%dma_wait3A_209, %select_n3A, %dma_wait3A_214, %select_n3A_30, %dma_wait3A_215] : memref<200x4x32x8x128xf32, #tpu.memory_space<hbm>> -> memref<1x1x32x1x128xf32, #tpu.memory_space<hbm>>
        %dma_wait3A_217 = tpu.memref_squeeze %dma_wait3A_216 : memref<1x1x32x1x128xf32, #tpu.memory_space<hbm>> -> memref<32x128xf32, #tpu.memory_space<hbm>>
        %dma_wait3A_218 = arith.constant 0 : i32
        %dma_wait3A_219 = arith.constant 0 : i32
        %dma_wait3A_220 = tpu.memref_slice %arg5[%dma_wait3A_209, %select_n3A, %dma_wait3A_218, %select_n3A_30, %dma_wait3A_219] : memref<200x4x32x8x128xf32, #tpu.memory_space<hbm>> -> memref<1x1x32x1x128xf32, #tpu.memory_space<hbm>>
        %dma_wait3A_221 = tpu.memref_squeeze %dma_wait3A_220 : memref<1x1x32x1x128xf32, #tpu.memory_space<hbm>> -> memref<32x128xf32, #tpu.memory_space<hbm>>
        %dma_wait3A_222 = arith.constant 0 : i32
        %dma_wait3A_223 = arith.constant 0 : i32
        %dma_wait3A_224 = tpu.memref_slice %arg8[%dma_wait3A_208, %dma_wait3A_222, %dma_wait3A_223] : memref<2x32x128xf32, #tpu.memory_space<vmem>> -> memref<1x32x128xf32, #tpu.memory_space<vmem>>
        %dma_wait3A_225 = tpu.memref_squeeze %dma_wait3A_224 : memref<1x32x128xf32, #tpu.memory_space<vmem>> -> memref<32x128xf32, #tpu.memory_space<vmem>>
        tpu.wait_dma2 semaphore(%arg11 : memref<!tpu.dma_semaphore, #tpu.memory_space<semaphore_mem>>) src(%dma_wait3A_225 : memref<32x128xf32, #tpu.memory_space<vmem>>) dst(%dma_wait3A_221 : memref<32x128xf32, #tpu.memory_space<hbm>>)
      } else {
      }
      %mul3A_139 = arith.constant 2 : i32
      %mul3A_140 = arith.muli %scan3A_133, %mul3A_139 : i32
      %add3A_141 = arith.constant 150 : i32
      %add3A_142 = arith.addi %add3A_141, %mul3A_140 : i32
      %add3A_143 = arith.constant 0 : i32
      %add3A_144 = arith.addi %add3A_142, %add3A_143 : i32
      %mul3A_145 = arith.constant 2 : i32
      %mul3A_146 = arith.muli %scan3A_133, %mul3A_145 : i32
      %add3A_147 = arith.constant 0 : i32
      %add3A_148 = arith.addi %mul3A_146, %add3A_147 : i32
      "tpu.region"() ({
        %run_scoped3A = tpu.sem_alloc : memref<!tpu.dma_semaphore, #tpu.memory_space<semaphore_mem>>
        %dma_start3A_208 = arith.constant 0 : i32
        %dma_start3A_209 = tpu.memref_slice %arg10[%add3A_148, %dma_start3A_208] : memref<50x4096xi32, #tpu.memory_space<vmem_shared>> -> memref<1x4096xi32, #tpu.memory_space<vmem_shared>>
        %dma_start3A_210 = tpu.memref_squeeze %dma_start3A_209 : memref<1x4096xi32, #tpu.memory_space<vmem_shared>> -> memref<4096xi32, #tpu.memory_space<vmem_shared>>
        %dma_start3A_211 = arith.constant 0 : i32
        %dma_start3A_212 = tpu.memref_slice %arg10[%add3A_148, %dma_start3A_211] : memref<50x4096xi32, #tpu.memory_space<vmem_shared>> -> memref<1x4096xi32, #tpu.memory_space<vmem_shared>>
        %dma_start3A_213 = tpu.memref_squeeze %dma_start3A_212 : memref<1x4096xi32, #tpu.memory_space<vmem_shared>> -> memref<4096xi32, #tpu.memory_space<vmem_shared>>
        tpu.enqueue_dma source(%dma_start3A_213 : memref<4096xi32, #tpu.memory_space<vmem_shared>>) target(%arg7 : memref<4096xi32, #tpu.memory_space<vmem>>) target_semaphore(%run_scoped3A : memref<!tpu.dma_semaphore, #tpu.memory_space<semaphore_mem>>)
        %dma_wait3A_214 = arith.constant 0 : i32
        %dma_wait3A_215 = tpu.memref_slice %arg10[%add3A_148, %dma_wait3A_214] : memref<50x4096xi32, #tpu.memory_space<vmem_shared>> -> memref<1x4096xi32, #tpu.memory_space<vmem_shared>>
        %dma_wait3A_216 = tpu.memref_squeeze %dma_wait3A_215 : memref<1x4096xi32, #tpu.memory_space<vmem_shared>> -> memref<4096xi32, #tpu.memory_space<vmem_shared>>
        %dma_wait3A_217 = arith.constant 0 : i32
        %dma_wait3A_218 = tpu.memref_slice %arg10[%add3A_148, %dma_wait3A_217] : memref<50x4096xi32, #tpu.memory_space<vmem_shared>> -> memref<1x4096xi32, #tpu.memory_space<vmem_shared>>
        %dma_wait3A_219 = tpu.memref_squeeze %dma_wait3A_218 : memref<1x4096xi32, #tpu.memory_space<vmem_shared>> -> memref<4096xi32, #tpu.memory_space<vmem_shared>>
        tpu.wait_dma2 semaphore(%run_scoped3A : memref<!tpu.dma_semaphore, #tpu.memory_space<semaphore_mem>>) src(%dma_wait3A_219 : memref<4096xi32, #tpu.memory_space<vmem_shared>>) dst(%arg7 : memref<4096xi32, #tpu.memory_space<vmem>>)
        tpu.yield
      }) : () -> ()
      %broadcast_in_dim3A = vector.broadcast %add3A_144 : i32 to vector<16xi32>
      %gather3A = tpu.vector_load_idx %arg9[%broadcast_in_dim3A] : memref<200xf32, #tpu.memory_space<vmem>>[vector<16xi32>], vector<16xf32>,
      %parallel_loop3A = arith.constant 0 : i32
      %parallel_loop3A_149 = arith.constant 32 : i32
      %parallel_loop3A_150 = arith.constant 1 : i32
      %parallel_loop3A_151 = arith.constant 0 : i32
      scf.for %parallel_loop3A_208 = %parallel_loop3A to %parallel_loop3A_149 step %parallel_loop3A_150  : i32 {
        %parallel_loop3A_209 = arith.constant 128 : i32
        %parallel_loop3A_210 = arith.muli %parallel_loop3A_208, %parallel_loop3A_209 : i32
        %parallel_loop3A_211 = arith.constant 0 : i32
        %parallel_loop3A_212 = arith.addi %parallel_loop3A_210, %parallel_loop3A_211 : i32
        %parallel_loop3A_213 = arith.index_cast %parallel_loop3A_212 : i32 to index
        %parallel_loop3A_214 = tpu.vector_load %arg7[%parallel_loop3A_213] {strides = array<i32>} : memref<4096xi32, #tpu.memory_space<vmem>>, vector<16xi32>,
        %parallel_loop3A_215 = tpu.vector_load_idx %arg6[%parallel_loop3A_214] : memref<100000xf32, #tpu.memory_space<vmem>>[vector<16xi32>], vector<16xf32>,
        %parallel_loop3A_216 = arith.addf %parallel_loop3A_215, %gather3A : vector<16xf32>
        %parallel_loop3A_217 = arith.constant 0 : i32
        %parallel_loop3A_218 = arith.constant 0 : i32
        %parallel_loop3A_219 = tpu.memref_slice %arg8[%parallel_loop3A_151, %parallel_loop3A_217, %parallel_loop3A_218] : memref<2x32x128xf32, #tpu.memory_space<vmem>> -> memref<1x32x128xf32, #tpu.memory_space<vmem>>
        %parallel_loop3A_220 = tpu.memref_squeeze %parallel_loop3A_219 : memref<1x32x128xf32, #tpu.memory_space<vmem>> -> memref<32x128xf32, #tpu.memory_space<vmem>>
        %parallel_loop3A_221 = arith.index_cast %parallel_loop3A_208 : i32 to index
        %parallel_loop3A_222 = arith.constant 0 : index
        %parallel_loop3A_223 = tpu.vector_load %parallel_loop3A_220[%parallel_loop3A_221, %parallel_loop3A_222] {strides = array<i32>} : memref<32x128xf32, #tpu.memory_space<vmem>>, vector<16xf32>,
        tpu.vector_store %parallel_loop3A_220[%parallel_loop3A_221, %parallel_loop3A_222], %parallel_loop3A_216 {strides = array<i32>} : memref<32x128xf32, #tpu.memory_space<vmem>>, vector<16xf32>,
        %parallel_loop3A_224 = arith.constant 128 : i32
        %parallel_loop3A_225 = arith.muli %parallel_loop3A_208, %parallel_loop3A_224 : i32
        %parallel_loop3A_226 = arith.constant 16 : i32
        %parallel_loop3A_227 = arith.addi %parallel_loop3A_225, %parallel_loop3A_226 : i32
        %parallel_loop3A_228 = arith.index_cast %parallel_loop3A_227 : i32 to index
        %parallel_loop3A_229 = tpu.vector_load %arg7[%parallel_loop3A_228] {strides = array<i32>} : memref<4096xi32, #tpu.memory_space<vmem>>, vector<16xi32>,
        %parallel_loop3A_230 = tpu.vector_load_idx %arg6[%parallel_loop3A_229] : memref<100000xf32, #tpu.memory_space<vmem>>[vector<16xi32>], vector<16xf32>,
        %parallel_loop3A_231 = arith.addf %parallel_loop3A_230, %gather3A : vector<16xf32>
        %parallel_loop3A_232 = arith.constant 0 : i32
        %parallel_loop3A_233 = arith.constant 0 : i32
        %parallel_loop3A_234 = tpu.memref_slice %arg8[%parallel_loop3A_151, %parallel_loop3A_232, %parallel_loop3A_233] : memref<2x32x128xf32, #tpu.memory_space<vmem>> -> memref<1x32x128xf32, #tpu.memory_space<vmem>>
        %parallel_loop3A_235 = tpu.memref_squeeze %parallel_loop3A_234 : memref<1x32x128xf32, #tpu.memory_space<vmem>> -> memref<32x128xf32, #tpu.memory_space<vmem>>
        %parallel_loop3A_236 = arith.index_cast %parallel_loop3A_208 : i32 to index
        %parallel_loop3A_237 = arith.constant 16 : index
        %parallel_loop3A_238 = tpu.vector_load %parallel_loop3A_235[%parallel_loop3A_236, %parallel_loop3A_237] {strides = array<i32>} : memref<32x128xf32, #tpu.memory_space<vmem>>, vector<16xf32>,
        tpu.vector_store %parallel_loop3A_235[%parallel_loop3A_236, %parallel_loop3A_237], %parallel_loop3A_231 {strides = array<i32>} : memref<32x128xf32, #tpu.memory_space<vmem>>, vector<16xf32>,
        %parallel_loop3A_239 = arith.constant 128 : i32
        %parallel_loop3A_240 = arith.muli %parallel_loop3A_208, %parallel_loop3A_239 : i32
        %parallel_loop3A_241 = arith.constant 32 : i32
        %parallel_loop3A_242 = arith.addi %parallel_loop3A_240, %parallel_loop3A_241 : i32
        %parallel_loop3A_243 = arith.index_cast %parallel_loop3A_242 : i32 to index
        %parallel_loop3A_244 = tpu.vector_load %arg7[%parallel_loop3A_243] {strides = array<i32>} : memref<4096xi32, #tpu.memory_space<vmem>>, vector<16xi32>,
        %parallel_loop3A_245 = tpu.vector_load_idx %arg6[%parallel_loop3A_244] : memref<100000xf32, #tpu.memory_space<vmem>>[vector<16xi32>], vector<16xf32>,
        %parallel_loop3A_246 = arith.addf %parallel_loop3A_245, %gather3A : vector<16xf32>
        %parallel_loop3A_247 = arith.constant 0 : i32
        %parallel_loop3A_248 = arith.constant 0 : i32
        %parallel_loop3A_249 = tpu.memref_slice %arg8[%parallel_loop3A_151, %parallel_loop3A_247, %parallel_loop3A_248] : memref<2x32x128xf32, #tpu.memory_space<vmem>> -> memref<1x32x128xf32, #tpu.memory_space<vmem>>
        %parallel_loop3A_250 = tpu.memref_squeeze %parallel_loop3A_249 : memref<1x32x128xf32, #tpu.memory_space<vmem>> -> memref<32x128xf32, #tpu.memory_space<vmem>>
        %parallel_loop3A_251 = arith.index_cast %parallel_loop3A_208 : i32 to index
        %parallel_loop3A_252 = arith.constant 32 : index
        %parallel_loop3A_253 = tpu.vector_load %parallel_loop3A_250[%parallel_loop3A_251, %parallel_loop3A_252] {strides = array<i32>} : memref<32x128xf32, #tpu.memory_space<vmem>>, vector<16xf32>,
        tpu.vector_store %parallel_loop3A_250[%parallel_loop3A_251, %parallel_loop3A_252], %parallel_loop3A_246 {strides = array<i32>} : memref<32x128xf32, #tpu.memory_space<vmem>>, vector<16xf32>,
        %parallel_loop3A_254 = arith.constant 128 : i32
        %parallel_loop3A_255 = arith.muli %parallel_loop3A_208, %parallel_loop3A_254 : i32
        %parallel_loop3A_256 = arith.constant 48 : i32
        %parallel_loop3A_257 = arith.addi %parallel_loop3A_255, %parallel_loop3A_256 : i32
        %parallel_loop3A_258 = arith.index_cast %parallel_loop3A_257 : i32 to index
        %parallel_loop3A_259 = tpu.vector_load %arg7[%parallel_loop3A_258] {strides = array<i32>} : memref<4096xi32, #tpu.memory_space<vmem>>, vector<16xi32>,
        %parallel_loop3A_260 = tpu.vector_load_idx %arg6[%parallel_loop3A_259] : memref<100000xf32, #tpu.memory_space<vmem>>[vector<16xi32>], vector<16xf32>,
        %parallel_loop3A_261 = arith.addf %parallel_loop3A_260, %gather3A : vector<16xf32>
        %parallel_loop3A_262 = arith.constant 0 : i32
        %parallel_loop3A_263 = arith.constant 0 : i32
        %parallel_loop3A_264 = tpu.memref_slice %arg8[%parallel_loop3A_151, %parallel_loop3A_262, %parallel_loop3A_263] : memref<2x32x128xf32, #tpu.memory_space<vmem>> -> memref<1x32x128xf32, #tpu.memory_space<vmem>>
        %parallel_loop3A_265 = tpu.memref_squeeze %parallel_loop3A_264 : memref<1x32x128xf32, #tpu.memory_space<vmem>> -> memref<32x128xf32, #tpu.memory_space<vmem>>
        %parallel_loop3A_266 = arith.index_cast %parallel_loop3A_208 : i32 to index
        %parallel_loop3A_267 = arith.constant 48 : index
        %parallel_loop3A_268 = tpu.vector_load %parallel_loop3A_265[%parallel_loop3A_266, %parallel_loop3A_267] {strides = array<i32>} : memref<32x128xf32, #tpu.memory_space<vmem>>, vector<16xf32>,
        tpu.vector_store %parallel_loop3A_265[%parallel_loop3A_266, %parallel_loop3A_267], %parallel_loop3A_261 {strides = array<i32>} : memref<32x128xf32, #tpu.memory_space<vmem>>, vector<16xf32>,
        %parallel_loop3A_269 = arith.constant 128 : i32
        %parallel_loop3A_270 = arith.muli %parallel_loop3A_208, %parallel_loop3A_269 : i32
        %parallel_loop3A_271 = arith.constant 64 : i32
        %parallel_loop3A_272 = arith.addi %parallel_loop3A_270, %parallel_loop3A_271 : i32
        %parallel_loop3A_273 = arith.index_cast %parallel_loop3A_272 : i32 to index
        %parallel_loop3A_274 = tpu.vector_load %arg7[%parallel_loop3A_273] {strides = array<i32>} : memref<4096xi32, #tpu.memory_space<vmem>>, vector<16xi32>,
        %parallel_loop3A_275 = tpu.vector_load_idx %arg6[%parallel_loop3A_274] : memref<100000xf32, #tpu.memory_space<vmem>>[vector<16xi32>], vector<16xf32>,
        %parallel_loop3A_276 = arith.addf %parallel_loop3A_275, %gather3A : vector<16xf32>
        %parallel_loop3A_277 = arith.constant 0 : i32
        %parallel_loop3A_278 = arith.constant 0 : i32
        %parallel_loop3A_279 = tpu.memref_slice %arg8[%parallel_loop3A_151, %parallel_loop3A_277, %parallel_loop3A_278] : memref<2x32x128xf32, #tpu.memory_space<vmem>> -> memref<1x32x128xf32, #tpu.memory_space<vmem>>
        %parallel_loop3A_280 = tpu.memref_squeeze %parallel_loop3A_279 : memref<1x32x128xf32, #tpu.memory_space<vmem>> -> memref<32x128xf32, #tpu.memory_space<vmem>>
        %parallel_loop3A_281 = arith.index_cast %parallel_loop3A_208 : i32 to index
        %parallel_loop3A_282 = arith.constant 64 : index
        %parallel_loop3A_283 = tpu.vector_load %parallel_loop3A_280[%parallel_loop3A_281, %parallel_loop3A_282] {strides = array<i32>} : memref<32x128xf32, #tpu.memory_space<vmem>>, vector<16xf32>,
        tpu.vector_store %parallel_loop3A_280[%parallel_loop3A_281, %parallel_loop3A_282], %parallel_loop3A_276 {strides = array<i32>} : memref<32x128xf32, #tpu.memory_space<vmem>>, vector<16xf32>,
        %parallel_loop3A_284 = arith.constant 128 : i32
        %parallel_loop3A_285 = arith.muli %parallel_loop3A_208, %parallel_loop3A_284 : i32
        %parallel_loop3A_286 = arith.constant 80 : i32
        %parallel_loop3A_287 = arith.addi %parallel_loop3A_285, %parallel_loop3A_286 : i32
        %parallel_loop3A_288 = arith.index_cast %parallel_loop3A_287 : i32 to index
        %parallel_loop3A_289 = tpu.vector_load %arg7[%parallel_loop3A_288] {strides = array<i32>} : memref<4096xi32, #tpu.memory_space<vmem>>, vector<16xi32>,
        %parallel_loop3A_290 = tpu.vector_load_idx %arg6[%parallel_loop3A_289] : memref<100000xf32, #tpu.memory_space<vmem>>[vector<16xi32>], vector<16xf32>,
        %parallel_loop3A_291 = arith.addf %parallel_loop3A_290, %gather3A : vector<16xf32>
        %parallel_loop3A_292 = arith.constant 0 : i32
        %parallel_loop3A_293 = arith.constant 0 : i32
        %parallel_loop3A_294 = tpu.memref_slice %arg8[%parallel_loop3A_151, %parallel_loop3A_292, %parallel_loop3A_293] : memref<2x32x128xf32, #tpu.memory_space<vmem>> -> memref<1x32x128xf32, #tpu.memory_space<vmem>>
        %parallel_loop3A_295 = tpu.memref_squeeze %parallel_loop3A_294 : memref<1x32x128xf32, #tpu.memory_space<vmem>> -> memref<32x128xf32, #tpu.memory_space<vmem>>
        %parallel_loop3A_296 = arith.index_cast %parallel_loop3A_208 : i32 to index
        %parallel_loop3A_297 = arith.constant 80 : index
        %parallel_loop3A_298 = tpu.vector_load %parallel_loop3A_295[%parallel_loop3A_296, %parallel_loop3A_297] {strides = array<i32>} : memref<32x128xf32, #tpu.memory_space<vmem>>, vector<16xf32>,
        tpu.vector_store %parallel_loop3A_295[%parallel_loop3A_296, %parallel_loop3A_297], %parallel_loop3A_291 {strides = array<i32>} : memref<32x128xf32, #tpu.memory_space<vmem>>, vector<16xf32>,
        %parallel_loop3A_299 = arith.constant 128 : i32
        %parallel_loop3A_300 = arith.muli %parallel_loop3A_208, %parallel_loop3A_299 : i32
        %parallel_loop3A_301 = arith.constant 96 : i32
        %parallel_loop3A_302 = arith.addi %parallel_loop3A_300, %parallel_loop3A_301 : i32
        %parallel_loop3A_303 = arith.index_cast %parallel_loop3A_302 : i32 to index
        %parallel_loop3A_304 = tpu.vector_load %arg7[%parallel_loop3A_303] {strides = array<i32>} : memref<4096xi32, #tpu.memory_space<vmem>>, vector<16xi32>,
        %parallel_loop3A_305 = tpu.vector_load_idx %arg6[%parallel_loop3A_304] : memref<100000xf32, #tpu.memory_space<vmem>>[vector<16xi32>], vector<16xf32>,
        %parallel_loop3A_306 = arith.addf %parallel_loop3A_305, %gather3A : vector<16xf32>
        %parallel_loop3A_307 = arith.constant 0 : i32
        %parallel_loop3A_308 = arith.constant 0 : i32
        %parallel_loop3A_309 = tpu.memref_slice %arg8[%parallel_loop3A_151, %parallel_loop3A_307, %parallel_loop3A_308] : memref<2x32x128xf32, #tpu.memory_space<vmem>> -> memref<1x32x128xf32, #tpu.memory_space<vmem>>
        %parallel_loop3A_310 = tpu.memref_squeeze %parallel_loop3A_309 : memref<1x32x128xf32, #tpu.memory_space<vmem>> -> memref<32x128xf32, #tpu.memory_space<vmem>>
        %parallel_loop3A_311 = arith.index_cast %parallel_loop3A_208 : i32 to index
        %parallel_loop3A_312 = arith.constant 96 : index
        %parallel_loop3A_313 = tpu.vector_load %parallel_loop3A_310[%parallel_loop3A_311, %parallel_loop3A_312] {strides = array<i32>} : memref<32x128xf32, #tpu.memory_space<vmem>>, vector<16xf32>,
        tpu.vector_store %parallel_loop3A_310[%parallel_loop3A_311, %parallel_loop3A_312], %parallel_loop3A_306 {strides = array<i32>} : memref<32x128xf32, #tpu.memory_space<vmem>>, vector<16xf32>,
        %parallel_loop3A_314 = arith.constant 128 : i32
        %parallel_loop3A_315 = arith.muli %parallel_loop3A_208, %parallel_loop3A_314 : i32
        %parallel_loop3A_316 = arith.constant 112 : i32
        %parallel_loop3A_317 = arith.addi %parallel_loop3A_315, %parallel_loop3A_316 : i32
        %parallel_loop3A_318 = arith.index_cast %parallel_loop3A_317 : i32 to index
        %parallel_loop3A_319 = tpu.vector_load %arg7[%parallel_loop3A_318] {strides = array<i32>} : memref<4096xi32, #tpu.memory_space<vmem>>, vector<16xi32>,
        %parallel_loop3A_320 = tpu.vector_load_idx %arg6[%parallel_loop3A_319] : memref<100000xf32, #tpu.memory_space<vmem>>[vector<16xi32>], vector<16xf32>,
        %parallel_loop3A_321 = arith.addf %parallel_loop3A_320, %gather3A : vector<16xf32>
        %parallel_loop3A_322 = arith.constant 0 : i32
        %parallel_loop3A_323 = arith.constant 0 : i32
        %parallel_loop3A_324 = tpu.memref_slice %arg8[%parallel_loop3A_151, %parallel_loop3A_322, %parallel_loop3A_323] : memref<2x32x128xf32, #tpu.memory_space<vmem>> -> memref<1x32x128xf32, #tpu.memory_space<vmem>>
        %parallel_loop3A_325 = tpu.memref_squeeze %parallel_loop3A_324 : memref<1x32x128xf32, #tpu.memory_space<vmem>> -> memref<32x128xf32, #tpu.memory_space<vmem>>
        %parallel_loop3A_326 = arith.index_cast %parallel_loop3A_208 : i32 to index
        %parallel_loop3A_327 = arith.constant 112 : index
        %parallel_loop3A_328 = tpu.vector_load %parallel_loop3A_325[%parallel_loop3A_326, %parallel_loop3A_327] {strides = array<i32>} : memref<32x128xf32, #tpu.memory_space<vmem>>, vector<16xf32>,
        tpu.vector_store %parallel_loop3A_325[%parallel_loop3A_326, %parallel_loop3A_327], %parallel_loop3A_321 {strides = array<i32>} : memref<32x128xf32, #tpu.memory_space<vmem>>, vector<16xf32>,
      } {sc.loop_unroll_factor = 4 : i64, sc.parallel_access}
      %dma_start3A = arith.constant 0 : i32
      %dma_start3A_152 = arith.constant 0 : i32
      %dma_start3A_153 = arith.constant 0 : i32
      %dma_start3A_154 = tpu.memref_slice %arg8[%dma_start3A, %dma_start3A_152, %dma_start3A_153] : memref<2x32x128xf32, #tpu.memory_space<vmem>> -> memref<1x32x128xf32, #tpu.memory_space<vmem>>
      %dma_start3A_155 = tpu.memref_squeeze %dma_start3A_154 : memref<1x32x128xf32, #tpu.memory_space<vmem>> -> memref<32x128xf32, #tpu.memory_space<vmem>>
      %dma_start3A_156 = arith.constant 0 : i32
      %dma_start3A_157 = arith.constant 0 : i32
      %dma_start3A_158 = tpu.memref_slice %arg5[%add3A_144, %select_n3A, %dma_start3A_156, %select_n3A_30, %dma_start3A_157] : memref<200x4x32x8x128xf32, #tpu.memory_space<hbm>> -> memref<1x1x32x1x128xf32, #tpu.memory_space<hbm>>
      %dma_start3A_159 = tpu.memref_squeeze %dma_start3A_158 : memref<1x1x32x1x128xf32, #tpu.memory_space<hbm>> -> memref<32x128xf32, #tpu.memory_space<hbm>>
      %dma_start3A_160 = arith.constant 0 : i32
      %dma_start3A_161 = arith.constant 0 : i32
      %dma_start3A_162 = tpu.memref_slice %arg5[%add3A_144, %select_n3A, %dma_start3A_160, %select_n3A_30, %dma_start3A_161] : memref<200x4x32x8x128xf32, #tpu.memory_space<hbm>> -> memref<1x1x32x1x128xf32, #tpu.memory_space<hbm>>
      %dma_start3A_163 = tpu.memref_squeeze %dma_start3A_162 : memref<1x1x32x1x128xf32, #tpu.memory_space<hbm>> -> memref<32x128xf32, #tpu.memory_space<hbm>>
      %dma_start3A_164 = arith.constant 0 : i32
      %dma_start3A_165 = arith.constant 0 : i32
      %dma_start3A_166 = tpu.memref_slice %arg8[%dma_start3A, %dma_start3A_164, %dma_start3A_165] : memref<2x32x128xf32, #tpu.memory_space<vmem>> -> memref<1x32x128xf32, #tpu.memory_space<vmem>>
      %dma_start3A_167 = tpu.memref_squeeze %dma_start3A_166 : memref<1x32x128xf32, #tpu.memory_space<vmem>> -> memref<32x128xf32, #tpu.memory_space<vmem>>
      tpu.enqueue_dma source(%dma_start3A_167 : memref<32x128xf32, #tpu.memory_space<vmem>>) target(%dma_start3A_163 : memref<32x128xf32, #tpu.memory_space<hbm>>) target_semaphore(%arg11 : memref<!tpu.dma_semaphore, #tpu.memory_space<semaphore_mem>>)
      %gt3A_168 = arith.constant 0 : i32
      %gt3A_169 = arith.cmpi sgt, %scan3A_133, %gt3A_168 : i32
      %or3A_170 = arith.constant true
      %or3A_171 = arith.ori %gt3A_169, %or3A_170 : i1
      %convert_element_type3A_172 = arith.extui %or3A_171 : i1 to i32
      %cond3A_173 = arith.constant 0 : i32
      %cond3A_174 = arith.cmpi ne, %convert_element_type3A_172, %cond3A_173 : i32
      scf.if %cond3A_174 {
        %dma_wait3A_208 = arith.constant 1 : i32
        %dma_wait3A_209 = arith.constant 0 : i32
        %dma_wait3A_210 = arith.constant 0 : i32
        %dma_wait3A_211 = arith.constant 0 : i32
        %dma_wait3A_212 = tpu.memref_slice %arg8[%dma_wait3A_208, %dma_wait3A_210, %dma_wait3A_211] : memref<2x32x128xf32, #tpu.memory_space<vmem>> -> memref<1x32x128xf32, #tpu.memory_space<vmem>>
        %dma_wait3A_213 = tpu.memref_squeeze %dma_wait3A_212 : memref<1x32x128xf32, #tpu.memory_space<vmem>> -> memref<32x128xf32, #tpu.memory_space<vmem>>
        %dma_wait3A_214 = arith.constant 0 : i32
        %dma_wait3A_215 = arith.constant 0 : i32
        %dma_wait3A_216 = tpu.memref_slice %arg5[%dma_wait3A_209, %select_n3A, %dma_wait3A_214, %select_n3A_30, %dma_wait3A_215] : memref<200x4x32x8x128xf32, #tpu.memory_space<hbm>> -> memref<1x1x32x1x128xf32, #tpu.memory_space<hbm>>
        %dma_wait3A_217 = tpu.memref_squeeze %dma_wait3A_216 : memref<1x1x32x1x128xf32, #tpu.memory_space<hbm>> -> memref<32x128xf32, #tpu.memory_space<hbm>>
        %dma_wait3A_218 = arith.constant 0 : i32
        %dma_wait3A_219 = arith.constant 0 : i32
        %dma_wait3A_220 = tpu.memref_slice %arg5[%dma_wait3A_209, %select_n3A, %dma_wait3A_218, %select_n3A_30, %dma_wait3A_219] : memref<200x4x32x8x128xf32, #tpu.memory_space<hbm>> -> memref<1x1x32x1x128xf32, #tpu.memory_space<hbm>>
        %dma_wait3A_221 = tpu.memref_squeeze %dma_wait3A_220 : memref<1x1x32x1x128xf32, #tpu.memory_space<hbm>> -> memref<32x128xf32, #tpu.memory_space<hbm>>
        %dma_wait3A_222 = arith.constant 0 : i32
        %dma_wait3A_223 = arith.constant 0 : i32
        %dma_wait3A_224 = tpu.memref_slice %arg8[%dma_wait3A_208, %dma_wait3A_222, %dma_wait3A_223] : memref<2x32x128xf32, #tpu.memory_space<vmem>> -> memref<1x32x128xf32, #tpu.memory_space<vmem>>
        %dma_wait3A_225 = tpu.memref_squeeze %dma_wait3A_224 : memref<1x32x128xf32, #tpu.memory_space<vmem>> -> memref<32x128xf32, #tpu.memory_space<vmem>>
        tpu.wait_dma2 semaphore(%arg12 : memref<!tpu.dma_semaphore, #tpu.memory_space<semaphore_mem>>) src(%dma_wait3A_225 : memref<32x128xf32, #tpu.memory_space<vmem>>) dst(%dma_wait3A_221 : memref<32x128xf32, #tpu.memory_space<hbm>>)
      } else {
      }
      %mul3A_175 = arith.constant 2 : i32
      %mul3A_176 = arith.muli %scan3A_133, %mul3A_175 : i32
      %add3A_177 = arith.constant 150 : i32
      %add3A_178 = arith.addi %add3A_177, %mul3A_176 : i32
      %add3A_179 = arith.constant 1 : i32
      %add3A_180 = arith.addi %add3A_178, %add3A_179 : i32
      %mul3A_181 = arith.constant 2 : i32
      %mul3A_182 = arith.muli %scan3A_133, %mul3A_181 : i32
      %add3A_183 = arith.constant 1 : i32
      %add3A_184 = arith.addi %mul3A_182, %add3A_183 : i32
      "tpu.region"() ({
        %run_scoped3A = tpu.sem_alloc : memref<!tpu.dma_semaphore, #tpu.memory_space<semaphore_mem>>
        %dma_start3A_208 = arith.constant 0 : i32
        %dma_start3A_209 = tpu.memref_slice %arg10[%add3A_184, %dma_start3A_208] : memref<50x4096xi32, #tpu.memory_space<vmem_shared>> -> memref<1x4096xi32, #tpu.memory_space<vmem_shared>>
        %dma_start3A_210 = tpu.memref_squeeze %dma_start3A_209 : memref<1x4096xi32, #tpu.memory_space<vmem_shared>> -> memref<4096xi32, #tpu.memory_space<vmem_shared>>
        %dma_start3A_211 = arith.constant 0 : i32
        %dma_start3A_212 = tpu.memref_slice %arg10[%add3A_184, %dma_start3A_211] : memref<50x4096xi32, #tpu.memory_space<vmem_shared>> -> memref<1x4096xi32, #tpu.memory_space<vmem_shared>>
        %dma_start3A_213 = tpu.memref_squeeze %dma_start3A_212 : memref<1x4096xi32, #tpu.memory_space<vmem_shared>> -> memref<4096xi32, #tpu.memory_space<vmem_shared>>
        tpu.enqueue_dma source(%dma_start3A_213 : memref<4096xi32, #tpu.memory_space<vmem_shared>>) target(%arg7 : memref<4096xi32, #tpu.memory_space<vmem>>) target_semaphore(%run_scoped3A : memref<!tpu.dma_semaphore, #tpu.memory_space<semaphore_mem>>)
        %dma_wait3A_214 = arith.constant 0 : i32
        %dma_wait3A_215 = tpu.memref_slice %arg10[%add3A_184, %dma_wait3A_214] : memref<50x4096xi32, #tpu.memory_space<vmem_shared>> -> memref<1x4096xi32, #tpu.memory_space<vmem_shared>>
        %dma_wait3A_216 = tpu.memref_squeeze %dma_wait3A_215 : memref<1x4096xi32, #tpu.memory_space<vmem_shared>> -> memref<4096xi32, #tpu.memory_space<vmem_shared>>
        %dma_wait3A_217 = arith.constant 0 : i32
        %dma_wait3A_218 = tpu.memref_slice %arg10[%add3A_184, %dma_wait3A_217] : memref<50x4096xi32, #tpu.memory_space<vmem_shared>> -> memref<1x4096xi32, #tpu.memory_space<vmem_shared>>
        %dma_wait3A_219 = tpu.memref_squeeze %dma_wait3A_218 : memref<1x4096xi32, #tpu.memory_space<vmem_shared>> -> memref<4096xi32, #tpu.memory_space<vmem_shared>>
        tpu.wait_dma2 semaphore(%run_scoped3A : memref<!tpu.dma_semaphore, #tpu.memory_space<semaphore_mem>>) src(%dma_wait3A_219 : memref<4096xi32, #tpu.memory_space<vmem_shared>>) dst(%arg7 : memref<4096xi32, #tpu.memory_space<vmem>>)
        tpu.yield
      }) : () -> ()
      %broadcast_in_dim3A_185 = vector.broadcast %add3A_180 : i32 to vector<16xi32>
      %gather3A_186 = tpu.vector_load_idx %arg9[%broadcast_in_dim3A_185] : memref<200xf32, #tpu.memory_space<vmem>>[vector<16xi32>], vector<16xf32>,
      %parallel_loop3A_187 = arith.constant 0 : i32
      %parallel_loop3A_188 = arith.constant 32 : i32
      %parallel_loop3A_189 = arith.constant 1 : i32
      %parallel_loop3A_190 = arith.constant 1 : i32
      scf.for %parallel_loop3A_208 = %parallel_loop3A_187 to %parallel_loop3A_188 step %parallel_loop3A_189  : i32 {
        %parallel_loop3A_209 = arith.constant 128 : i32
        %parallel_loop3A_210 = arith.muli %parallel_loop3A_208, %parallel_loop3A_209 : i32
        %parallel_loop3A_211 = arith.constant 0 : i32
        %parallel_loop3A_212 = arith.addi %parallel_loop3A_210, %parallel_loop3A_211 : i32
        %parallel_loop3A_213 = arith.index_cast %parallel_loop3A_212 : i32 to index
        %parallel_loop3A_214 = tpu.vector_load %arg7[%parallel_loop3A_213] {strides = array<i32>} : memref<4096xi32, #tpu.memory_space<vmem>>, vector<16xi32>,
        %parallel_loop3A_215 = tpu.vector_load_idx %arg6[%parallel_loop3A_214] : memref<100000xf32, #tpu.memory_space<vmem>>[vector<16xi32>], vector<16xf32>,
        %parallel_loop3A_216 = arith.addf %parallel_loop3A_215, %gather3A_186 : vector<16xf32>
        %parallel_loop3A_217 = arith.constant 0 : i32
        %parallel_loop3A_218 = arith.constant 0 : i32
        %parallel_loop3A_219 = tpu.memref_slice %arg8[%parallel_loop3A_190, %parallel_loop3A_217, %parallel_loop3A_218] : memref<2x32x128xf32, #tpu.memory_space<vmem>> -> memref<1x32x128xf32, #tpu.memory_space<vmem>>
        %parallel_loop3A_220 = tpu.memref_squeeze %parallel_loop3A_219 : memref<1x32x128xf32, #tpu.memory_space<vmem>> -> memref<32x128xf32, #tpu.memory_space<vmem>>
        %parallel_loop3A_221 = arith.index_cast %parallel_loop3A_208 : i32 to index
        %parallel_loop3A_222 = arith.constant 0 : index
        %parallel_loop3A_223 = tpu.vector_load %parallel_loop3A_220[%parallel_loop3A_221, %parallel_loop3A_222] {strides = array<i32>} : memref<32x128xf32, #tpu.memory_space<vmem>>, vector<16xf32>,
        tpu.vector_store %parallel_loop3A_220[%parallel_loop3A_221, %parallel_loop3A_222], %parallel_loop3A_216 {strides = array<i32>} : memref<32x128xf32, #tpu.memory_space<vmem>>, vector<16xf32>,
        %parallel_loop3A_224 = arith.constant 128 : i32
        %parallel_loop3A_225 = arith.muli %parallel_loop3A_208, %parallel_loop3A_224 : i32
        %parallel_loop3A_226 = arith.constant 16 : i32
        %parallel_loop3A_227 = arith.addi %parallel_loop3A_225, %parallel_loop3A_226 : i32
        %parallel_loop3A_228 = arith.index_cast %parallel_loop3A_227 : i32 to index
        %parallel_loop3A_229 = tpu.vector_load %arg7[%parallel_loop3A_228] {strides = array<i32>} : memref<4096xi32, #tpu.memory_space<vmem>>, vector<16xi32>,
        %parallel_loop3A_230 = tpu.vector_load_idx %arg6[%parallel_loop3A_229] : memref<100000xf32, #tpu.memory_space<vmem>>[vector<16xi32>], vector<16xf32>,
        %parallel_loop3A_231 = arith.addf %parallel_loop3A_230, %gather3A_186 : vector<16xf32>
        %parallel_loop3A_232 = arith.constant 0 : i32
        %parallel_loop3A_233 = arith.constant 0 : i32
        %parallel_loop3A_234 = tpu.memref_slice %arg8[%parallel_loop3A_190, %parallel_loop3A_232, %parallel_loop3A_233] : memref<2x32x128xf32, #tpu.memory_space<vmem>> -> memref<1x32x128xf32, #tpu.memory_space<vmem>>
        %parallel_loop3A_235 = tpu.memref_squeeze %parallel_loop3A_234 : memref<1x32x128xf32, #tpu.memory_space<vmem>> -> memref<32x128xf32, #tpu.memory_space<vmem>>
        %parallel_loop3A_236 = arith.index_cast %parallel_loop3A_208 : i32 to index
        %parallel_loop3A_237 = arith.constant 16 : index
        %parallel_loop3A_238 = tpu.vector_load %parallel_loop3A_235[%parallel_loop3A_236, %parallel_loop3A_237] {strides = array<i32>} : memref<32x128xf32, #tpu.memory_space<vmem>>, vector<16xf32>,
        tpu.vector_store %parallel_loop3A_235[%parallel_loop3A_236, %parallel_loop3A_237], %parallel_loop3A_231 {strides = array<i32>} : memref<32x128xf32, #tpu.memory_space<vmem>>, vector<16xf32>,
        %parallel_loop3A_239 = arith.constant 128 : i32
        %parallel_loop3A_240 = arith.muli %parallel_loop3A_208, %parallel_loop3A_239 : i32
        %parallel_loop3A_241 = arith.constant 32 : i32
        %parallel_loop3A_242 = arith.addi %parallel_loop3A_240, %parallel_loop3A_241 : i32
        %parallel_loop3A_243 = arith.index_cast %parallel_loop3A_242 : i32 to index
        %parallel_loop3A_244 = tpu.vector_load %arg7[%parallel_loop3A_243] {strides = array<i32>} : memref<4096xi32, #tpu.memory_space<vmem>>, vector<16xi32>,
        %parallel_loop3A_245 = tpu.vector_load_idx %arg6[%parallel_loop3A_244] : memref<100000xf32, #tpu.memory_space<vmem>>[vector<16xi32>], vector<16xf32>,
        %parallel_loop3A_246 = arith.addf %parallel_loop3A_245, %gather3A_186 : vector<16xf32>
        %parallel_loop3A_247 = arith.constant 0 : i32
        %parallel_loop3A_248 = arith.constant 0 : i32
        %parallel_loop3A_249 = tpu.memref_slice %arg8[%parallel_loop3A_190, %parallel_loop3A_247, %parallel_loop3A_248] : memref<2x32x128xf32, #tpu.memory_space<vmem>> -> memref<1x32x128xf32, #tpu.memory_space<vmem>>
        %parallel_loop3A_250 = tpu.memref_squeeze %parallel_loop3A_249 : memref<1x32x128xf32, #tpu.memory_space<vmem>> -> memref<32x128xf32, #tpu.memory_space<vmem>>
        %parallel_loop3A_251 = arith.index_cast %parallel_loop3A_208 : i32 to index
        %parallel_loop3A_252 = arith.constant 32 : index
        %parallel_loop3A_253 = tpu.vector_load %parallel_loop3A_250[%parallel_loop3A_251, %parallel_loop3A_252] {strides = array<i32>} : memref<32x128xf32, #tpu.memory_space<vmem>>, vector<16xf32>,
        tpu.vector_store %parallel_loop3A_250[%parallel_loop3A_251, %parallel_loop3A_252], %parallel_loop3A_246 {strides = array<i32>} : memref<32x128xf32, #tpu.memory_space<vmem>>, vector<16xf32>,
        %parallel_loop3A_254 = arith.constant 128 : i32
        %parallel_loop3A_255 = arith.muli %parallel_loop3A_208, %parallel_loop3A_254 : i32
        %parallel_loop3A_256 = arith.constant 48 : i32
        %parallel_loop3A_257 = arith.addi %parallel_loop3A_255, %parallel_loop3A_256 : i32
        %parallel_loop3A_258 = arith.index_cast %parallel_loop3A_257 : i32 to index
        %parallel_loop3A_259 = tpu.vector_load %arg7[%parallel_loop3A_258] {strides = array<i32>} : memref<4096xi32, #tpu.memory_space<vmem>>, vector<16xi32>,
        %parallel_loop3A_260 = tpu.vector_load_idx %arg6[%parallel_loop3A_259] : memref<100000xf32, #tpu.memory_space<vmem>>[vector<16xi32>], vector<16xf32>,
        %parallel_loop3A_261 = arith.addf %parallel_loop3A_260, %gather3A_186 : vector<16xf32>
        %parallel_loop3A_262 = arith.constant 0 : i32
        %parallel_loop3A_263 = arith.constant 0 : i32
        %parallel_loop3A_264 = tpu.memref_slice %arg8[%parallel_loop3A_190, %parallel_loop3A_262, %parallel_loop3A_263] : memref<2x32x128xf32, #tpu.memory_space<vmem>> -> memref<1x32x128xf32, #tpu.memory_space<vmem>>
        %parallel_loop3A_265 = tpu.memref_squeeze %parallel_loop3A_264 : memref<1x32x128xf32, #tpu.memory_space<vmem>> -> memref<32x128xf32, #tpu.memory_space<vmem>>
        %parallel_loop3A_266 = arith.index_cast %parallel_loop3A_208 : i32 to index
        %parallel_loop3A_267 = arith.constant 48 : index
        %parallel_loop3A_268 = tpu.vector_load %parallel_loop3A_265[%parallel_loop3A_266, %parallel_loop3A_267] {strides = array<i32>} : memref<32x128xf32, #tpu.memory_space<vmem>>, vector<16xf32>,
        tpu.vector_store %parallel_loop3A_265[%parallel_loop3A_266, %parallel_loop3A_267], %parallel_loop3A_261 {strides = array<i32>} : memref<32x128xf32, #tpu.memory_space<vmem>>, vector<16xf32>,
        %parallel_loop3A_269 = arith.constant 128 : i32
        %parallel_loop3A_270 = arith.muli %parallel_loop3A_208, %parallel_loop3A_269 : i32
        %parallel_loop3A_271 = arith.constant 64 : i32
        %parallel_loop3A_272 = arith.addi %parallel_loop3A_270, %parallel_loop3A_271 : i32
        %parallel_loop3A_273 = arith.index_cast %parallel_loop3A_272 : i32 to index
        %parallel_loop3A_274 = tpu.vector_load %arg7[%parallel_loop3A_273] {strides = array<i32>} : memref<4096xi32, #tpu.memory_space<vmem>>, vector<16xi32>,
        %parallel_loop3A_275 = tpu.vector_load_idx %arg6[%parallel_loop3A_274] : memref<100000xf32, #tpu.memory_space<vmem>>[vector<16xi32>], vector<16xf32>,
        %parallel_loop3A_276 = arith.addf %parallel_loop3A_275, %gather3A_186 : vector<16xf32>
        %parallel_loop3A_277 = arith.constant 0 : i32
        %parallel_loop3A_278 = arith.constant 0 : i32
        %parallel_loop3A_279 = tpu.memref_slice %arg8[%parallel_loop3A_190, %parallel_loop3A_277, %parallel_loop3A_278] : memref<2x32x128xf32, #tpu.memory_space<vmem>> -> memref<1x32x128xf32, #tpu.memory_space<vmem>>
        %parallel_loop3A_280 = tpu.memref_squeeze %parallel_loop3A_279 : memref<1x32x128xf32, #tpu.memory_space<vmem>> -> memref<32x128xf32, #tpu.memory_space<vmem>>
        %parallel_loop3A_281 = arith.index_cast %parallel_loop3A_208 : i32 to index
        %parallel_loop3A_282 = arith.constant 64 : index
        %parallel_loop3A_283 = tpu.vector_load %parallel_loop3A_280[%parallel_loop3A_281, %parallel_loop3A_282] {strides = array<i32>} : memref<32x128xf32, #tpu.memory_space<vmem>>, vector<16xf32>,
        tpu.vector_store %parallel_loop3A_280[%parallel_loop3A_281, %parallel_loop3A_282], %parallel_loop3A_276 {strides = array<i32>} : memref<32x128xf32, #tpu.memory_space<vmem>>, vector<16xf32>,
        %parallel_loop3A_284 = arith.constant 128 : i32
        %parallel_loop3A_285 = arith.muli %parallel_loop3A_208, %parallel_loop3A_284 : i32
        %parallel_loop3A_286 = arith.constant 80 : i32
        %parallel_loop3A_287 = arith.addi %parallel_loop3A_285, %parallel_loop3A_286 : i32
        %parallel_loop3A_288 = arith.index_cast %parallel_loop3A_287 : i32 to index
        %parallel_loop3A_289 = tpu.vector_load %arg7[%parallel_loop3A_288] {strides = array<i32>} : memref<4096xi32, #tpu.memory_space<vmem>>, vector<16xi32>,
        %parallel_loop3A_290 = tpu.vector_load_idx %arg6[%parallel_loop3A_289] : memref<100000xf32, #tpu.memory_space<vmem>>[vector<16xi32>], vector<16xf32>,
        %parallel_loop3A_291 = arith.addf %parallel_loop3A_290, %gather3A_186 : vector<16xf32>
        %parallel_loop3A_292 = arith.constant 0 : i32
        %parallel_loop3A_293 = arith.constant 0 : i32
        %parallel_loop3A_294 = tpu.memref_slice %arg8[%parallel_loop3A_190, %parallel_loop3A_292, %parallel_loop3A_293] : memref<2x32x128xf32, #tpu.memory_space<vmem>> -> memref<1x32x128xf32, #tpu.memory_space<vmem>>
        %parallel_loop3A_295 = tpu.memref_squeeze %parallel_loop3A_294 : memref<1x32x128xf32, #tpu.memory_space<vmem>> -> memref<32x128xf32, #tpu.memory_space<vmem>>
        %parallel_loop3A_296 = arith.index_cast %parallel_loop3A_208 : i32 to index
        %parallel_loop3A_297 = arith.constant 80 : index
        %parallel_loop3A_298 = tpu.vector_load %parallel_loop3A_295[%parallel_loop3A_296, %parallel_loop3A_297] {strides = array<i32>} : memref<32x128xf32, #tpu.memory_space<vmem>>, vector<16xf32>,
        tpu.vector_store %parallel_loop3A_295[%parallel_loop3A_296, %parallel_loop3A_297], %parallel_loop3A_291 {strides = array<i32>} : memref<32x128xf32, #tpu.memory_space<vmem>>, vector<16xf32>,
        %parallel_loop3A_299 = arith.constant 128 : i32
        %parallel_loop3A_300 = arith.muli %parallel_loop3A_208, %parallel_loop3A_299 : i32
        %parallel_loop3A_301 = arith.constant 96 : i32
        %parallel_loop3A_302 = arith.addi %parallel_loop3A_300, %parallel_loop3A_301 : i32
        %parallel_loop3A_303 = arith.index_cast %parallel_loop3A_302 : i32 to index
        %parallel_loop3A_304 = tpu.vector_load %arg7[%parallel_loop3A_303] {strides = array<i32>} : memref<4096xi32, #tpu.memory_space<vmem>>, vector<16xi32>,
        %parallel_loop3A_305 = tpu.vector_load_idx %arg6[%parallel_loop3A_304] : memref<100000xf32, #tpu.memory_space<vmem>>[vector<16xi32>], vector<16xf32>,
        %parallel_loop3A_306 = arith.addf %parallel_loop3A_305, %gather3A_186 : vector<16xf32>
        %parallel_loop3A_307 = arith.constant 0 : i32
        %parallel_loop3A_308 = arith.constant 0 : i32
        %parallel_loop3A_309 = tpu.memref_slice %arg8[%parallel_loop3A_190, %parallel_loop3A_307, %parallel_loop3A_308] : memref<2x32x128xf32, #tpu.memory_space<vmem>> -> memref<1x32x128xf32, #tpu.memory_space<vmem>>
        %parallel_loop3A_310 = tpu.memref_squeeze %parallel_loop3A_309 : memref<1x32x128xf32, #tpu.memory_space<vmem>> -> memref<32x128xf32, #tpu.memory_space<vmem>>
        %parallel_loop3A_311 = arith.index_cast %parallel_loop3A_208 : i32 to index
        %parallel_loop3A_312 = arith.constant 96 : index
        %parallel_loop3A_313 = tpu.vector_load %parallel_loop3A_310[%parallel_loop3A_311, %parallel_loop3A_312] {strides = array<i32>} : memref<32x128xf32, #tpu.memory_space<vmem>>, vector<16xf32>,
        tpu.vector_store %parallel_loop3A_310[%parallel_loop3A_311, %parallel_loop3A_312], %parallel_loop3A_306 {strides = array<i32>} : memref<32x128xf32, #tpu.memory_space<vmem>>, vector<16xf32>,
        %parallel_loop3A_314 = arith.constant 128 : i32
        %parallel_loop3A_315 = arith.muli %parallel_loop3A_208, %parallel_loop3A_314 : i32
        %parallel_loop3A_316 = arith.constant 112 : i32
        %parallel_loop3A_317 = arith.addi %parallel_loop3A_315, %parallel_loop3A_316 : i32
        %parallel_loop3A_318 = arith.index_cast %parallel_loop3A_317 : i32 to index
        %parallel_loop3A_319 = tpu.vector_load %arg7[%parallel_loop3A_318] {strides = array<i32>} : memref<4096xi32, #tpu.memory_space<vmem>>, vector<16xi32>,
        %parallel_loop3A_320 = tpu.vector_load_idx %arg6[%parallel_loop3A_319] : memref<100000xf32, #tpu.memory_space<vmem>>[vector<16xi32>], vector<16xf32>,
        %parallel_loop3A_321 = arith.addf %parallel_loop3A_320, %gather3A_186 : vector<16xf32>
        %parallel_loop3A_322 = arith.constant 0 : i32
        %parallel_loop3A_323 = arith.constant 0 : i32
        %parallel_loop3A_324 = tpu.memref_slice %arg8[%parallel_loop3A_190, %parallel_loop3A_322, %parallel_loop3A_323] : memref<2x32x128xf32, #tpu.memory_space<vmem>> -> memref<1x32x128xf32, #tpu.memory_space<vmem>>
        %parallel_loop3A_325 = tpu.memref_squeeze %parallel_loop3A_324 : memref<1x32x128xf32, #tpu.memory_space<vmem>> -> memref<32x128xf32, #tpu.memory_space<vmem>>
        %parallel_loop3A_326 = arith.index_cast %parallel_loop3A_208 : i32 to index
        %parallel_loop3A_327 = arith.constant 112 : index
        %parallel_loop3A_328 = tpu.vector_load %parallel_loop3A_325[%parallel_loop3A_326, %parallel_loop3A_327] {strides = array<i32>} : memref<32x128xf32, #tpu.memory_space<vmem>>, vector<16xf32>,
        tpu.vector_store %parallel_loop3A_325[%parallel_loop3A_326, %parallel_loop3A_327], %parallel_loop3A_321 {strides = array<i32>} : memref<32x128xf32, #tpu.memory_space<vmem>>, vector<16xf32>,
      } {sc.loop_unroll_factor = 4 : i64, sc.parallel_access}
      %dma_start3A_191 = arith.constant 1 : i32
      %dma_start3A_192 = arith.constant 0 : i32
      %dma_start3A_193 = arith.constant 0 : i32
      %dma_start3A_194 = tpu.memref_slice %arg8[%dma_start3A_191, %dma_start3A_192, %dma_start3A_193] : memref<2x32x128xf32, #tpu.memory_space<vmem>> -> memref<1x32x128xf32, #tpu.memory_space<vmem>>
      %dma_start3A_195 = tpu.memref_squeeze %dma_start3A_194 : memref<1x32x128xf32, #tpu.memory_space<vmem>> -> memref<32x128xf32, #tpu.memory_space<vmem>>
      %dma_start3A_196 = arith.constant 0 : i32
      %dma_start3A_197 = arith.constant 0 : i32
      %dma_start3A_198 = tpu.memref_slice %arg5[%add3A_180, %select_n3A, %dma_start3A_196, %select_n3A_30, %dma_start3A_197] : memref<200x4x32x8x128xf32, #tpu.memory_space<hbm>> -> memref<1x1x32x1x128xf32, #tpu.memory_space<hbm>>
      %dma_start3A_199 = tpu.memref_squeeze %dma_start3A_198 : memref<1x1x32x1x128xf32, #tpu.memory_space<hbm>> -> memref<32x128xf32, #tpu.memory_space<hbm>>
      %dma_start3A_200 = arith.constant 0 : i32
      %dma_start3A_201 = arith.constant 0 : i32
      %dma_start3A_202 = tpu.memref_slice %arg5[%add3A_180, %select_n3A, %dma_start3A_200, %select_n3A_30, %dma_start3A_201] : memref<200x4x32x8x128xf32, #tpu.memory_space<hbm>> -> memref<1x1x32x1x128xf32, #tpu.memory_space<hbm>>
      %dma_start3A_203 = tpu.memref_squeeze %dma_start3A_202 : memref<1x1x32x1x128xf32, #tpu.memory_space<hbm>> -> memref<32x128xf32, #tpu.memory_space<hbm>>
      %dma_start3A_204 = arith.constant 0 : i32
      %dma_start3A_205 = arith.constant 0 : i32
      %dma_start3A_206 = tpu.memref_slice %arg8[%dma_start3A_191, %dma_start3A_204, %dma_start3A_205] : memref<2x32x128xf32, #tpu.memory_space<vmem>> -> memref<1x32x128xf32, #tpu.memory_space<vmem>>
      %dma_start3A_207 = tpu.memref_squeeze %dma_start3A_206 : memref<1x32x128xf32, #tpu.memory_space<vmem>> -> memref<32x128xf32, #tpu.memory_space<vmem>>
      tpu.enqueue_dma source(%dma_start3A_207 : memref<32x128xf32, #tpu.memory_space<vmem>>) target(%dma_start3A_203 : memref<32x128xf32, #tpu.memory_space<hbm>>) target_semaphore(%arg12 : memref<!tpu.dma_semaphore, #tpu.memory_space<semaphore_mem>>)
    }
    %scan3A_96 = arith.constant 25 : i32
    %barrier3A_97 = arith.constant 0 : index
    tpu.barrier barrier_id(%barrier3A_97)
    %dma_wait3A = arith.constant 0 : i32
    %dma_wait3A_98 = arith.constant 0 : i32
    %dma_wait3A_99 = arith.constant 0 : i32
    %dma_wait3A_100 = arith.constant 0 : i32
    %dma_wait3A_101 = tpu.memref_slice %arg8[%dma_wait3A, %dma_wait3A_99, %dma_wait3A_100] : memref<2x32x128xf32, #tpu.memory_space<vmem>> -> memref<1x32x128xf32, #tpu.memory_space<vmem>>
    %dma_wait3A_102 = tpu.memref_squeeze %dma_wait3A_101 : memref<1x32x128xf32, #tpu.memory_space<vmem>> -> memref<32x128xf32, #tpu.memory_space<vmem>>
    %dma_wait3A_103 = arith.constant 0 : i32
    %dma_wait3A_104 = arith.constant 0 : i32
    %dma_wait3A_105 = tpu.memref_slice %arg5[%dma_wait3A_98, %select_n3A, %dma_wait3A_103, %select_n3A_30, %dma_wait3A_104] : memref<200x4x32x8x128xf32, #tpu.memory_space<hbm>> -> memref<1x1x32x1x128xf32, #tpu.memory_space<hbm>>
    %dma_wait3A_106 = tpu.memref_squeeze %dma_wait3A_105 : memref<1x1x32x1x128xf32, #tpu.memory_space<hbm>> -> memref<32x128xf32, #tpu.memory_space<hbm>>
    %dma_wait3A_107 = arith.constant 0 : i32
    %dma_wait3A_108 = arith.constant 0 : i32
    %dma_wait3A_109 = tpu.memref_slice %arg5[%dma_wait3A_98, %select_n3A, %dma_wait3A_107, %select_n3A_30, %dma_wait3A_108] : memref<200x4x32x8x128xf32, #tpu.memory_space<hbm>> -> memref<1x1x32x1x128xf32, #tpu.memory_space<hbm>>
    %dma_wait3A_110 = tpu.memref_squeeze %dma_wait3A_109 : memref<1x1x32x1x128xf32, #tpu.memory_space<hbm>> -> memref<32x128xf32, #tpu.memory_space<hbm>>
    %dma_wait3A_111 = arith.constant 0 : i32
    %dma_wait3A_112 = arith.constant 0 : i32
    %dma_wait3A_113 = tpu.memref_slice %arg8[%dma_wait3A, %dma_wait3A_111, %dma_wait3A_112] : memref<2x32x128xf32, #tpu.memory_space<vmem>> -> memref<1x32x128xf32, #tpu.memory_space<vmem>>
    %dma_wait3A_114 = tpu.memref_squeeze %dma_wait3A_113 : memref<1x32x128xf32, #tpu.memory_space<vmem>> -> memref<32x128xf32, #tpu.memory_space<vmem>>
    tpu.wait_dma2 semaphore(%arg11 : memref<!tpu.dma_semaphore, #tpu.memory_space<semaphore_mem>>) src(%dma_wait3A_114 : memref<32x128xf32, #tpu.memory_space<vmem>>) dst(%dma_wait3A_110 : memref<32x128xf32, #tpu.memory_space<hbm>>)
    %dma_wait3A_115 = arith.constant 1 : i32
    %dma_wait3A_116 = arith.constant 0 : i32
    %dma_wait3A_117 = arith.constant 0 : i32
    %dma_wait3A_118 = arith.constant 0 : i32
    %dma_wait3A_119 = tpu.memref_slice %arg8[%dma_wait3A_115, %dma_wait3A_117, %dma_wait3A_118] : memref<2x32x128xf32, #tpu.memory_space<vmem>> -> memref<1x32x128xf32, #tpu.memory_space<vmem>>
    %dma_wait3A_120 = tpu.memref_squeeze %dma_wait3A_119 : memref<1x32x128xf32, #tpu.memory_space<vmem>> -> memref<32x128xf32, #tpu.memory_space<vmem>>
    %dma_wait3A_121 = arith.constant 0 : i32
    %dma_wait3A_122 = arith.constant 0 : i32
    %dma_wait3A_123 = tpu.memref_slice %arg5[%dma_wait3A_116, %select_n3A, %dma_wait3A_121, %select_n3A_30, %dma_wait3A_122] : memref<200x4x32x8x128xf32, #tpu.memory_space<hbm>> -> memref<1x1x32x1x128xf32, #tpu.memory_space<hbm>>
    %dma_wait3A_124 = tpu.memref_squeeze %dma_wait3A_123 : memref<1x1x32x1x128xf32, #tpu.memory_space<hbm>> -> memref<32x128xf32, #tpu.memory_space<hbm>>
    %dma_wait3A_125 = arith.constant 0 : i32
    %dma_wait3A_126 = arith.constant 0 : i32
    %dma_wait3A_127 = tpu.memref_slice %arg5[%dma_wait3A_116, %select_n3A, %dma_wait3A_125, %select_n3A_30, %dma_wait3A_126] : memref<200x4x32x8x128xf32, #tpu.memory_space<hbm>> -> memref<1x1x32x1x128xf32, #tpu.memory_space<hbm>>
    %dma_wait3A_128 = tpu.memref_squeeze %dma_wait3A_127 : memref<1x1x32x1x128xf32, #tpu.memory_space<hbm>> -> memref<32x128xf32, #tpu.memory_space<hbm>>
    %dma_wait3A_129 = arith.constant 0 : i32
    %dma_wait3A_130 = arith.constant 0 : i32
    %dma_wait3A_131 = tpu.memref_slice %arg8[%dma_wait3A_115, %dma_wait3A_129, %dma_wait3A_130] : memref<2x32x128xf32, #tpu.memory_space<vmem>> -> memref<1x32x128xf32, #tpu.memory_space<vmem>>
    %dma_wait3A_132 = tpu.memref_squeeze %dma_wait3A_131 : memref<1x32x128xf32, #tpu.memory_space<vmem>> -> memref<32x128xf32, #tpu.memory_space<vmem>>
    tpu.wait_dma2 semaphore(%arg12 : memref<!tpu.dma_semaphore, #tpu.memory_space<semaphore_mem>>) src(%dma_wait3A_132 : memref<32x128xf32, #tpu.memory_space<vmem>>) dst(%dma_wait3A_128 : memref<32x128xf32, #tpu.memory_space<hbm>>)
    return
  }
}

</mosaic_0001>

<sc_bundles>
// kernel: kernel.3.cloned.1.call-start
scs
__scs_entry_jumppad:
0x0: {  	(pc) =	sbr.rel $0x88, $3  }
0x1: {  	(tag) =	ssettag $0x0;
	lr =	simm.s32 $0x1  }
0x2: {  	[smem:$0x3F9E] =	sst lr;
	_ =	strace $0xD0000000  }
0x3: {  	_ = 	snop  }
0x4: {  	_ = 	snop  }
0x5: {  	_ = 	snop  }
0x6: {  	_ = 	snop  }
0x7: {  	_ = 	snop  }
__scs_overlays_trampoline_lowered:
0x8: {  	[smem:$0x3FAD] =	sst s0  }
0x9: {  	[smem:$0x3FAE] =	sst s1  }
0xa: {  	[smem:$0x3FAF] =	sst s2  }
0xb: {  	[smem:$0x3FB0] =	sst s3  }
0xc: {  	[smem:$0x3FB1] =	sst s4  }
0xd: {  	[smem:$0x3FB2] =	sst s5  }
0xe: {  	[smem:$0x3FB3] =	sst s6  }
0xf: {  	[smem:$0x3FB4] =	sst s7  }
0x10: {  	[smem:$0x3FB5] =	sst s8  }
0x11: {  	[smem:$0x3FB6] =	sst s9;
	s0 =	simm.s32 @!p0 $0x0  }
0x12: {  	s1 =	sld [smem:$0x3F9C];
	s0 =	simm.s32 @p0 $0x1  }
0x13: {  	[smem:$0x3FB7] =	sst s0;
	s0 =	simm.s32 @!p1 $0x0  }
0x14: {  	s2 =	sld [smem:$0x3F9B];
	s0 =	simm.s32 @p1 $0x1  }
0x15: {  	[smem:$0x3FB8] =	sst s0;
	s0 =	simm.s32 @!p2 $0x0  }
0x16: {  	s3 =	sld [smem:$0x3FDB];
	s0 =	simm.s32 @p2 $0x1  }
0x17: {  	s4 =	simm.s32 $0x1BF5;
	[smem:$0x3FBA] =	sst s0  }
0x18: {  	s0 =	sld [smem:$0x3F9D];
	_ =	swait.ge [sflag:s4], $0x0  }
0x19: {  	s7 =	sld [smem:$0x3F9E]  }
0x1a: {  	s8 =	sadd.s32 $0xFFFFE003, lr  }
0x1b: {  	s9 =	sadd.s32 $0xFFFFFEF7, lr;
	s5 =	simm.s32 $0xFFFFFFFF;
	p2 =	slt.u32 s8, $0xFFFFF086  }
0x1c: {  	p1 =	slt.u32 s9, $0xF7A;
	s5 =	simm.s32 @!p2 $0x0  }
0x1d: {  	s5 =	simm.s32 @p1 $0x1;
	p0 =	seq.s32 s7, s2  }
0x1e: {  	s7 =	smul.u32 @!p0 $0xF7A, s2;
	p2 =	seq.s32 @!p0 s5, $0x0  }
0x1f: {  	s9 =	smul.u32 $0xF7A, s1;
	s8 =	simm.s32 @!p0 $0x1BF5;
	p2 =	por !p2, p0  }
0x20: {  	[sflag:s8] =	ssyncset.s32 @!p0 $0xFFFFF086;
	s6 =	sadd.s32 @!p0 s3, s7;
	s7 =	simm.s32 @!p0 $0x108  }
0x21: {  	s3 =	sadd.s32 s3, s9;
	s6 =	sadd.s32 @!p0 $0x88, s6;
	s7 =	simm.s32 @p2 $0x1082  }
0x22: {  	[simem:s7], [sflag:s8] =	dma.local @!p0 [hbm:s6], $0xF7A  }
0x23: {  	s9 =	sor.u32 $0xD0000000, s2;
	s6 =	simm.s32 $0x108;
	_ =	swait.ge @!p0 [sflag:s8], $0x0  }
0x24: {  	s3 =	sadd.s32 $0x88, s3;
	s6 =	simm.s32 @!p1 $0x1082;
	[sflag:s4] =	ssyncset.s32 $0xFFFFF086  }
0x25: {  	[simem:s6], [sflag:s4] =	dma.local [hbm:s3], $0xF7A  }
0x26: {  	[smem:$0x3F9E] =	sst s1;
	(tag) =	ssettag s2;
	_ =	strace s9  }
0x27: {  	s1 =	sld [smem:$0x3FAE]  }
0x28: {  	s2 =	sld [smem:$0x3FAF]  }
0x29: {  	s4 =	sld [smem:$0x3FB1]  }
0x2a: {  	p0 =	seq.s32 s5, $0x0;
	s5 =	sld [smem:$0x3FB2]  }
0x2b: {  	s6 =	sld [smem:$0x3FB3]  }
0x2c: {  	s7 =	sld [smem:$0x3FB4]  }
0x2d: {  	s3 =	simm.s32 $0x108;
	s8 =	sld [smem:$0x3FB5]  }
0x2e: {  	s3 =	simm.s32 @!p0 $0x1082;
	s9 =	sld [smem:$0x3FB6]  }
0x2f: {  	lr =	sadd.s32 s0, s3;
	s0 =	sld [smem:$0x3FAD]  }
0x30: {  	s3 =	sld [smem:$0x3FB0]  }
0x31: {  	[smem:$0x3FB9] =	sst s10  }
0x32: {  	s10 =	sld [smem:$0x3FB7];
	_ =	sdelay $0x3  }
0x33: {  	p0 =	seq.s32 s10, $0x1;
	s10 =	sld [smem:$0x3FB9];
	_ =	sdelay $0x3  }
0x34: {  	[smem:$0x3FB9] =	sst s10  }
0x35: {  	s10 =	sld [smem:$0x3FB8];
	_ =	sdelay $0x3  }
0x36: {  	p1 =	seq.s32 s10, $0x1;
	s10 =	sld [smem:$0x3FB9];
	_ =	sdelay $0x3  }
0x37: {  	[smem:$0x3FB9] =	sst s10  }
0x38: {  	s10 =	sld [smem:$0x3FBA]  }
0x39: {  	_ = 	snop;
	(pc) =	sbr.ind lr, $3  }
0x3a: {  	_ = 	snop  }
0x3b: {  	_ = 	snop  }
0x3c: {  	p2 =	seq.s32 s10, $0x1;
	s10 =	sld [smem:$0x3FB9]  }
0x3d: {  	_ =	shalt  }
0x3e: {  	_ =	shalt  }
0x3f: {  	_ =	shalt  }
0x40: {  	_ =	shalt  }
0x41: {  	_ =	shalt  }
0x42: {  	_ =	shalt  }
0x43: {  	_ =	shalt  }
0x44: {  	_ =	shalt  }
0x45: {  	_ =	shalt  }
0x46: {  	_ =	shalt  }
0x47: {  	_ =	shalt  }
0x48: {  	_ =	shalt  }
0x49: {  	_ =	shalt  }
0x4a: {  	_ =	shalt  }
0x4b: {  	_ =	shalt  }
0x4c: {  	_ =	shalt  }
0x4d: {  	_ =	shalt  }
0x4e: {  	_ =	shalt  }
0x4f: {  	_ =	shalt  }
0x50: {  	_ =	shalt  }
0x51: {  	_ =	shalt  }
0x52: {  	_ =	shalt  }
0x53: {  	_ =	shalt  }
0x54: {  	_ =	shalt  }
0x55: {  	_ =	shalt  }
0x56: {  	_ =	shalt  }
0x57: {  	_ =	shalt  }
0x58: {  	_ =	shalt  }
0x59: {  	_ =	shalt  }
0x5a: {  	_ =	shalt  }
0x5b: {  	_ =	shalt  }
0x5c: {  	_ =	shalt  }
0x5d: {  	_ =	shalt  }
0x5e: {  	_ =	shalt  }
0x5f: {  	_ =	shalt  }
0x60: {  	_ =	shalt  }
0x61: {  	_ =	shalt  }
0x62: {  	_ =	shalt  }
0x63: {  	_ =	shalt  }
0x64: {  	_ =	shalt  }
0x65: {  	_ =	shalt  }
0x66: {  	_ =	shalt  }
0x67: {  	_ =	shalt  }
0x68: {  	_ =	shalt  }
0x69: {  	_ =	shalt  }
0x6a: {  	_ =	shalt  }
0x6b: {  	_ =	shalt  }
0x6c: {  	_ =	shalt  }
0x6d: {  	_ =	shalt  }
0x6e: {  	_ =	shalt  }
0x6f: {  	_ =	shalt  }
0x70: {  	_ =	shalt  }
0x71: {  	_ =	shalt  }
0x72: {  	_ =	shalt  }
0x73: {  	_ =	shalt  }
0x74: {  	_ =	shalt  }
0x75: {  	_ =	shalt  }
0x76: {  	_ =	shalt  }
0x77: {  	_ =	shalt  }
0x78: {  	_ =	shalt  }
0x79: {  	_ =	shalt  }
0x7a: {  	_ =	shalt  }
0x7b: {  	_ =	shalt  }
0x7c: {  	_ =	shalt  }
0x7d: {  	_ =	shalt  }
0x7e: {  	_ =	shalt  }
0x7f: {  	_ =	shalt  }
0x80: {  	_ =	shalt  }
0x81: {  	_ =	shalt  }
0x82: {  	_ =	shalt  }
0x83: {  	_ =	shalt  }
0x84: {  	_ =	shalt  }
0x85: {  	_ =	shalt  }
0x86: {  	_ =	shalt  }
0x87: {  	_ =	shalt  }
.Lfunc_end0:
.L_simem_size_0:
called_computation_lowered:
.L_overlay_start_0:
0x88: {  	s2 =	sld [smem:$0x3FD9]  }
0x89: {  	s3 =	sld [smem:$0x3FFE];
	_ =	sdelay $0x1  }
0x8a: {  	s1 =	srdreg.scid  }
0x8b: {  	s0 =	sand.u32 $0x1, s1  }
0x8c: {  	s17 =	sshll.u32 s0, $0xA;
	s2 =	sadd.s32 s3, s2  }
0x8d: {  	s2 =	sadd.s32 s2, s17  }
0x8e: {  	[smem:$0x3FC5] =	sst s2  }
0x8f: {  	_ = 	snop  }
0x90: {  	s2 =	sld [smem:$0x3FD0];
	(tm) =	ssettm $0x1  }
0x91: {  	s18 =	sld [smem:$0x3FFB];
	_ =	sdelay $0x3  }
0x92: {  	_ =	strace s18  }
0x93: {  	s3 =	sld [smem:$0x3FFC];
	_ =	sdelay $0x3  }
0x94: {  	_ =	strace s3  }
0x95: {  	s3 =	sld [smem:$0x3FFD];
	_ =	sdelay $0x3  }
0x96: {  	_ =	strace s3  }
0x97: {  	_ =	strace $0x8FFFFFFF  }
0x98: {  	s19 =	sld [smem:$0x3FDB];
	_ =	sdelay $0x1  }
0x99: {  	s4 =	simm.s32 $_scs_section_size  }
0x9a: {  	s5 =	simm.s32 $_size__tile_overlayer_lowered;
	s6 =	simm.s32 $_tile_overlayer_lowered  }
0x9b: {  	s22 =	simm.s32 $0x1BFF;
	s21 =	sshll.u32 s6, $0x1;
	s3 =	sadd.s32 s4, s19  }
0x9c: {  	s7 =	simm.s32 $0x0;
	s20 =	sshll.u32 s5, $0x1;
	s5 =	sadd.s32 s21, s3  }
0x9d: {  	[timem:s7], [sflag:s22] =	dma.local [hbm:s5], s20  }
0x9e: {  	_ =	swait.ge [sflag:s22], s20  }
0x9f: {  	s4 =	ssub.s32 $0x0, s20;
	[sflag:s22] =	ssyncset.done $0x0  }
0xa0: {  	[sflag:s22] =	ssyncadd.s32 s4;
	_ =	sdelay $0x1  }
0xa1: {  	s23 =	simm.s32 $0x1B8B  }
0xa2: {  	_ =	swait.ge [sflag:s23], $0x1  }
0xa3: {  	[sflag:s23] =	ssyncset.done $0x0  }
0xa4: {  	s25 =	simm.s32 $0x1B8E;
	s24 =	sld [smem:$0x3FFE];
	[sflag:s23] =	ssyncadd.s32 $0xFFFFFFFF  }
0xa5: {  	s26 =	simm.s32 $execute0_lowered;
	[smem:$0x3FD2] =	sst s25  }
0xa6: {  	s5 =	sshll.u32 s26, $0x1;
	_ =	strace $0x80000046;
	[dreg:$0x1] =	wrdreg $0xFFFFFFFF  }
0xa7: {  	s28 =	simm.s32 $_size_execute0_lowered;
	s3 =	sadd.s32 s3, s5;
	[dreg:$0x0] =	wrdreg $0x0  }
0xa8: {  	s5 =	sshll.u32 s28, $0x1;
	[dreg:$0x2] =	wrdreg s3  }
0xa9: {  	[dreg:$0x3] =	wrdreg s5  }
0xaa: {  	[dreg:$0x4] =	wrdreg $0xC0  }
0xab: {  	_ =	task [dreg:s7], $0x5FFFF  }
0xac: {  	[dreg:$0x1] =	wrdreg $0xFFFFFFFF  }
0xad: {  	[dreg:$0x0] =	wrdreg $0x60  }
0xae: {  	[dreg:$0x2] =	wrdreg s24  }
0xaf: {  	[dreg:$0x3] =	wrdreg s2  }
0xb0: {  	[dreg:$0x4] =	wrdreg $0x1B7680  }
0xb1: {  	[dreg:$0x5] =	wrdreg $0x9  }
0xb2: {  	_ =	task.clear_ibuf [dreg:s7], $0x6FFFF;
	_ =	strace $0x90000046  }
0xb3: {  	s29 =	simm.s32 $0x9;
	_ =	strace $0x80000048  }
0xb4: {  	_ =	swait.ge [sflag:s29], $0x1  }
0xb5: {  	[sflag:s29] =	ssyncadd.s32 $0xFFFFFFFF  }
0xb6: {  	_ =	strace $0x90000048  }
0xb7: {  	_ =	sfence  }
0xb8: {  	s30 =	sld [smem:$0x0];
	_ =	sdelay $0x2  }
0xb9: {  	s31 =	sshll.u32 s1, $0xD;
	s1 =	sshrl.u32 s1, $0x2  }
0xba: {  	s3 =	sand.u32 $0x4000, s31;
	s1 =	sadd.s32 s1, s30  }
0xbb: {  	s0 =	sor.u32 s3, s0;
	s1 =	sshll.u32 s1, $0x11  }
0xbc: {  	s0 =	sor.u32 s1, s0  }
0xbd: {  	s0 =	sadd.s32 $0x8F2B, s0  }
0xbe: {  	[sflag:s0] =	ssyncadd.remote.s32 $0x1  }
0xbf: {  	_ =	sfence.sel $0xFFFF  }
0xc0: {  	[dreg:$0x0] =	wrdreg $0xFFFFFFFF;
	(pc) =	sbr.abs _section_cstart, $3  }
0xc1: {  	[dreg:$0x1] =	wrdreg $0xFFFFFFFF  }
0xc2: {  	_ =	task.clear_ibuf [dreg:s7], $0x2FFFF;
	_ =	strace $0x9FFFFFFF  }
0xc3: {  	(tm) =	ssettm $0x7FFFFFFF  }
tec
execute0_lowered:
.L_overlay_start_1:
0x0: {  	(tag) =	ssettag $0x1  }
0x1: {  	s0 =	rddreg [dreg:$0x0]  }
0x2: {  	s2 =	rddreg [dreg:$0x1];
	s1 =	srdreg.scid  }
0x3: {  	s12 =	stileid.u32;
	s3 =	rddreg [dreg:$0x2];
	s4 =	simm.s32 $0x0  }
0x4: {  	s28 =	simm.s32 $0x1A6A0;
	s29 =	simm.s32 $0x1;
	s30 =	simm.s32 $0x2  }
0x5: {  	s31 =	simm.s32 $0x0;
	s1 =	sand.u32 $0x1, s1;
	s5 =	sshll.u32 s12, $0x1  }
0x6: {  	[smem:$0x7FF] =	sst s4;
	s9 =	sadd.s32 $0x800, s0;
	s10 =	smul.u32 $0x3000, s12  }
0x7: {  	s11 =	sshll.u32 s12, $0xE;
	s15 =	sshll.u32 s12, $0xB;
	s18 =	sshll.u32 s12, $0xD  }
0x8: {  	s5 =	sor.u32 s1, s5;
	s13 =	sadd.s32 s11, s3;
	s11 =	smul.u32 $0xC000, s12  }
0x9: {  	p0 =	sgt.u32 s12, $0x1;
	s1 =	ssub.s32 $0x2, s1;
	s6 =	smul.u32 $0x30D4, s5  }
0xa: {  	_ =	strace $0x80000047;
	s7 =	smul.u32 $0x19, s5;
	s8 =	sshrl.u32 s1, $0x1  }
0xb: {  	[dreg:$0x6] =	wrdreg s13;
	s14 =	sadd.s32 $0x2000, s10;
	s5 =	sshll.u32 s5, $0x7  }
0xc: {  	s21 =	sshrl.u32 s10, $0x3;
	s1 =	ssub.s32 s1, s8;
	s16 =	sshrl.u32 s14, $0x3  }
0xd: {  	s8 =	sadd.s32 s9, s15;
	s19 =	sshrl.u32 s11, $0x2;
	s5 =	sor.u32 s5, s18  }
0xe: {  	s23 =	sadd.s32 s9, s21;
	s6 =	sadd.s32 s6, s0;
	s17 =	sadd.s32 s9, s16  }
0xf: {  	s0 =	sadd.s32 s7, s0;
	s22 =	sadd.s32 $0x6400, s8;
	[dreg:$0x7] =	wrdreg s17  }
0x10: {  	s20 =	sadd.s32 s19, s3;
	s7 =	sadd.s32 $0x6800, s23;
	[dreg:$0x8] =	wrdreg s22  }
0x11: {  	s24 =	sadd.s32 $0xC800, s8;
	s25 =	sadd.s32 $0xCC00, s23;
	[dreg:$0xa] =	wrdreg s7  }
0x12: {  	s26 =	sadd.s32 $0x12C00, s8;
	s18 =	sand.u32 $0x18380, s5;
	[dreg:$0xb] =	wrdreg s24  }
0x13: {  	s19 =	simm.s32 $0x3;
	s6 =	sadd.s32 $0x19800, s6;
	[dreg:$0xc] =	wrdreg s25  }
0x14: {  	s0 =	sadd.s32 $0x400, s0;
	[dreg:$0xd] =	wrdreg s26;
	s17 =	smax.u32 s1, $0x1  }
0x15: {  	s1 =	sshll.u32 @p0 s12, $0x6;
	s24 =	simm.s32 $0x80;
	[dreg:$0x4] =	wrdreg s6  }
0x16: {  	s25 =	simm.s32 $0x400;
	s26 =	simm.s32 $0x196A0;
	[dreg:$0x5] =	wrdreg s0  }
0x17: {  	s0 =	sadd.s32 s14, s3;
	s6 =	sadd.s32 $0x2000, s20;
	s20 =	simm.s32 $0x1B6A0  }
0x18: {  	s21 =	sor.u32 @p0 $0x1C03, s1;
	[dreg:$0x9] =	wrdreg s6;
	s6 =	sadd.s32 $0x13000, s23  }
0x19: {  	s22 =	sshrl.u32 @p0 s0, $0x3;
	s23 =	simm.s32 $0x186A0;
	[dreg:$0xe] =	wrdreg s6  }
.LBB2_1:
0x1a: {  	s0 =	rddreg [dreg:$0x4]  }
0x1b: {  	[tilespmem:s4], [sflag:$0x3] =	stream.linear.gather [hbm4b:s0+s4], $0x186A0, $0x38;
	[tilespmem:$0x1E968] =	vst v63  }
0x1c: {  	_ =	swait.ge [sflag:s19], $0x186A0  }
0x1d: {  	[sflag:s19] =	ssyncset.done $0x0  }
0x1e: {  	s16 =	rddreg [dreg:$0x5];
	[sflag:s19] =	ssyncadd.s32 $0xFFFE7960  }
0x1f: {  	[tilespmem:s20], [sflag:$0x3] =	stream.linear.gather [hbm4b:s16+s4], $0xC8, $0x38;
	[tilespmem:$0x1E968] =	vst v63  }
0x20: {  	_ =	swait.ge [sflag:s19], $0xC8  }
0x21: {  	[sflag:s19] =	ssyncset.done $0x0  }
0x22: {  	s0 =	rddreg [dreg:$0x7];
	[sflag:s19] =	ssyncadd.s32 $0xFFFFFF38  }
0x23: {  	[spmem:s22], [sflag:s21] =	dma.local @p0 [hbm:s0], $0x600  }
0x24: {  	s0 =	simm.s32 @p0 $0x3  }
0x25: {  	_ =	swait.ge @p0 [sflag:s0], $0x600  }
0x26: {  	s1 =	stileid.u32;
	[sflag:s0] =	ssyncset.done @p0 $0x0  }
0x27: {  	s1 =	sshll.u32 @!p0 s1, $0x6;
	[sflag:s0] =	ssyncadd.s32 @p0 $0xFFFFFA00;
	s0 =	rddreg [dreg:$0x6]  }
0x28: {  	s5 =	simm.s32 @!p0 $0x3;
	s1 =	sor.u32 @!p0 $0x1C03, s1;
	s0 =	sshrl.u32 @!p0 s0, $0x3  }
0x29: {  	[spmem:s0], [sflag:s1] =	dma.local @!p0 [hbm:s8], $0x800  }
0x2a: {  	_ =	swait.ge @!p0 [sflag:s5], $0x800  }
0x2b: {  	[sflag:s5] =	ssyncset.done @!p0 $0x0  }
0x2c: {  	[sflag:s5] =	ssyncadd.s32 @!p0 $0xFFFFF800  }
0x2d: {  	s5 =	simm.s32 $0x0;
	[bflag:$0x0] =	sbarrier.arrive $0xFFFF  }
.LBB2_2:
0x2e: {  	p1 =	seq.s32 s5, $0x0  }
0x2f: {  	s6 =	simm.s32 @!p1 $0x1  }
0x30: {  	s7 =	sshll.u32 s5, $0xD;
	_ =	swait.ge @!p1 [sflag:s6], $0x1000  }
0x31: {  	s7 =	sand.u32 $0x3FFFE000, s7;
	[sflag:s6] =	ssyncset.done @!p1 $0x0  }
0x32: {  	s16 =	sadd.s32 s7, s3;
	[sflag:s6] =	ssyncadd.s32 @!p1 $0xFFFFF000  }
0x33: {  	[tilespmem:s23], [sflag:$0x3] =	stream.linear.gather [spmem:s16], $0x1000, $0x38;
	[tilespmem:$0x1E968] =	vst v63  }
0x34: {  	_ =	swait.ge [sflag:s19], $0x1000  }
0x35: {  	[sflag:s19] =	ssyncset.done $0x0  }
0x36: {  	s11 =	simm.s32 $0x187A0;
	s6 =	sshll.u32 s5, $0x1;
	[sflag:s19] =	ssyncadd.s32 $0xFFFFF000  }
0x37: {  	v0 =	vmov s6;
	v1 =	vld [tilespmem:s11+$0x80]  }
0x38: {  	v0 =	vbroadcast v0, $0x0;
	v2 =	vld [tilespmem:s11+$0xFFFFFF80];
	_ =	sdelay $0x1  }
0x39: {  	v4 =	vld [tilespmem:s11+$0xFFFFFF00]  }
0x3a: {  	v3 =	vld [tilespmem:s11+$0x0];
	_ =	sdelay $0x2  }
0x3b: {  	v0 =	vld.idx.msk [tilespmem:v0+s20+$0x0], $0xffff  }
0x3c: {  	v1 =	vld.idx.msk [tilespmem:v1+s4+$0x0], $0xffff  }
0x3d: {  	v2 =	vld.idx.msk [tilespmem:v2+s4+$0x0], $0xffff;
	_ =	sdelay $0x1  }
0x3e: {  	v4 =	vld.idx.msk [tilespmem:v4+s4+$0x0], $0xffff  }
0x3f: {  	v3 =	vld.idx.msk [tilespmem:v3+s4+$0x0], $0xffff  }
0x40: {  	v1 =	vadd.f32 v1, v0  }
0x41: {  	s7 =	simm.s32 $0x197A0;
	v2 =	vadd.f32 v2, v0  }
0x42: {  	[tilespmem:s7+$0x80] =	vst v1  }
0x43: {  	v1 =	vadd.f32 v4, v0;
	[tilespmem:s7+$0xFFFFFF80] =	vst v2;
	v2 =	vld [tilespmem:s11+$0x90]  }
0x44: {  	v3 =	vadd.f32 v3, v0;
	v4 =	vld [tilespmem:s11+$0xFFFFFF90]  }
0x45: {  	[tilespmem:s7+$0xFFFFFF00] =	vst v1  }
0x46: {  	[tilespmem:s7+$0x0] =	vst v3;
	v3 =	vld [tilespmem:s11+$0xFFFFFF10];
	_ =	sdelay $0x2  }
0x47: {  	v1 =	vld [tilespmem:s11+$0x10];
	_ =	sdelay $0x1  }
0x48: {  	v2 =	vld.idx.msk [tilespmem:v2+s4+$0x0], $0xffff  }
0x49: {  	v4 =	vld.idx.msk [tilespmem:v4+s4+$0x0], $0xffff;
	_ =	sdelay $0x1  }
0x4a: {  	v3 =	vld.idx.msk [tilespmem:v3+s4+$0x0], $0xffff;
	_ =	sdelay $0x1  }
0x4b: {  	v2 =	vadd.f32 v2, v0  }
0x4c: {  	v1 =	vld.idx.msk [tilespmem:v1+s4+$0x0], $0xffff;
	v4 =	vadd.f32 v4, v0  }
0x4d: {  	[tilespmem:s7+$0x90] =	vst v2  }
0x4e: {  	v2 =	vadd.f32 v3, v0;
	[tilespmem:s7+$0xFFFFFF90] =	vst v4;
	v3 =	vld [tilespmem:s11+$0xA0]  }
0x4f: {  	v4 =	vld [tilespmem:s11+$0xFFFFFFA0];
	_ =	sdelay $0x1  }
0x50: {  	v1 =	vadd.f32 v1, v0;
	_ =	sdelay $0x1  }
0x51: {  	[tilespmem:s7+$0x10] =	vst v1  }
0x52: {  	[tilespmem:s7+$0xFFFFFF10] =	vst v2;
	v1 =	vld [tilespmem:s11+$0x20]  }
0x53: {  	v2 =	vld [tilespmem:s11+$0xFFFFFF20]  }
0x54: {  	v3 =	vld.idx.msk [tilespmem:v3+s4+$0x0], $0xffff  }
0x55: {  	v4 =	vld.idx.msk [tilespmem:v4+s4+$0x0], $0xffff;
	_ =	sdelay $0x3  }
0x56: {  	v3 =	vadd.f32 v3, v0  }
0x57: {  	v1 =	vld.idx.msk [tilespmem:v1+s4+$0x0], $0xffff;
	v4 =	vadd.f32 v4, v0  }
0x58: {  	v2 =	vld.idx.msk [tilespmem:v2+s4+$0x0], $0xffff;
	[tilespmem:s7+$0xA0] =	vst v3  }
0x59: {  	[tilespmem:s7+$0xFFFFFFA0] =	vst v4;
	v3 =	vld [tilespmem:s11+$0xB0]  }
0x5a: {  	s9 =	simm.s32 $0x189A0;
	v4 =	vld [tilespmem:s11+$0xFFFFFFB0]  }
0x5b: {  	v5 =	vld [tilespmem:s9+$0x80]  }
0x5c: {  	v6 =	vld [tilespmem:s9+$0xFFFFFF80];
	v1 =	vadd.f32 v1, v0  }
0x5d: {  	v7 =	vld [tilespmem:s9+$0x0];
	v2 =	vadd.f32 v2, v0  }
0x5e: {  	v8 =	vld [tilespmem:s9+$0xFFFFFF00];
	[tilespmem:s7+$0x20] =	vst v1  }
0x5f: {  	[tilespmem:s7+$0xFFFFFF20] =	vst v2;
	v1 =	vld [tilespmem:s11+$0x30]  }
0x60: {  	v2 =	vld [tilespmem:s11+$0xFFFFFF30]  }
0x61: {  	v3 =	vld.idx.msk [tilespmem:v3+s4+$0x0], $0xffff  }
0x62: {  	v4 =	vld.idx.msk [tilespmem:v4+s4+$0x0], $0xffff  }
0x63: {  	v5 =	vld.idx.msk [tilespmem:v5+s4+$0x0], $0xffff  }
0x64: {  	v6 =	vld.idx.msk [tilespmem:v6+s4+$0x0], $0xffff  }
0x65: {  	v7 =	vld.idx.msk [tilespmem:v7+s4+$0x0], $0xffff  }
0x66: {  	v8 =	vld.idx.msk [tilespmem:v8+s4+$0x0], $0xffff;
	v3 =	vadd.f32 v3, v0  }
0x67: {  	v1 =	vld.idx.msk [tilespmem:v1+s4+$0x0], $0xffff;
	v4 =	vadd.f32 v4, v0  }
0x68: {  	v5 =	vadd.f32 v5, v0;
	v2 =	vld.idx.msk [tilespmem:v2+s4+$0x0], $0xffff;
	[tilespmem:s7+$0xB0] =	vst v3  }
0x69: {  	s10 =	simm.s32 $0x199A0;
	v6 =	vadd.f32 v6, v0;
	[tilespmem:s7+$0xFFFFFFB0] =	vst v4;
	v3 =	vld [tilespmem:s11+$0xC0]  }
0x6a: {  	v7 =	vadd.f32 v7, v0;
	[tilespmem:s10+$0x80] =	vst v5;
	v4 =	vld [tilespmem:s11+$0xFFFFFFC0]  }
0x6b: {  	v5 =	vadd.f32 v8, v0;
	[tilespmem:s10+$0xFFFFFF80] =	vst v6  }
0x6c: {  	[tilespmem:s10+$0x0] =	vst v7;
	v1 =	vadd.f32 v1, v0  }
0x6d: {  	v6 =	vld [tilespmem:s9+$0x90];
	[tilespmem:s10+$0xFFFFFF00] =	vst v5;
	v2 =	vadd.f32 v2, v0  }
0x6e: {  	v7 =	vld [tilespmem:s9+$0xFFFFFF10];
	[tilespmem:s7+$0x30] =	vst v1  }
0x6f: {  	[tilespmem:s7+$0xFFFFFF30] =	vst v2;
	v1 =	vld [tilespmem:s11+$0x40]  }
0x70: {  	v2 =	vld [tilespmem:s11+$0xFFFFFF40]  }
0x71: {  	v3 =	vld.idx.msk [tilespmem:v3+s4+$0x0], $0xffff  }
0x72: {  	v4 =	vld.idx.msk [tilespmem:v4+s4+$0x0], $0xffff  }
0x73: {  	v8 =	vld [tilespmem:s9+$0xFFFFFF90]  }
0x74: {  	v5 =	vld [tilespmem:s9+$0x10]  }
0x75: {  	v6 =	vld.idx.msk [tilespmem:v6+s4+$0x0], $0xffff  }
0x76: {  	v7 =	vld.idx.msk [tilespmem:v7+s4+$0x0], $0xffff;
	v3 =	vadd.f32 v3, v0  }
0x77: {  	v1 =	vld.idx.msk [tilespmem:v1+s4+$0x0], $0xffff;
	v4 =	vadd.f32 v4, v0  }
0x78: {  	v2 =	vld.idx.msk [tilespmem:v2+s4+$0x0], $0xffff;
	[tilespmem:s7+$0xC0] =	vst v3  }
0x79: {  	[tilespmem:s7+$0xFFFFFFC0] =	vst v4;
	v3 =	vld [tilespmem:s11+$0xD0]  }
0x7a: {  	v4 =	vld [tilespmem:s11+$0xFFFFFFD0]  }
0x7b: {  	v8 =	vld.idx.msk [tilespmem:v8+s4+$0x0], $0xffff;
	v6 =	vadd.f32 v6, v0  }
0x7c: {  	v5 =	vld.idx.msk [tilespmem:v5+s4+$0x0], $0xffff;
	v1 =	vadd.f32 v1, v0  }
0x7d: {  	[tilespmem:s10+$0x90] =	vst v6;
	v2 =	vadd.f32 v2, v0  }
0x7e: {  	v6 =	vadd.f32 v7, v0;
	v7 =	vld [tilespmem:s9+$0xA0];
	[tilespmem:s7+$0x40] =	vst v1  }
0x7f: {  	[tilespmem:s7+$0xFFFFFF40] =	vst v2;
	v1 =	vld [tilespmem:s11+$0x50]  }
0x80: {  	v8 =	vadd.f32 v8, v0;
	v2 =	vld [tilespmem:s11+$0xFFFFFF50]  }
0x81: {  	v5 =	vadd.f32 v5, v0;
	v3 =	vld.idx.msk [tilespmem:v3+s4+$0x0], $0xffff  }
0x82: {  	[tilespmem:s10+$0xFFFFFF90] =	vst v8;
	v4 =	vld.idx.msk [tilespmem:v4+s4+$0x0], $0xffff  }
0x83: {  	v8 =	vld [tilespmem:s9+$0xFFFFFFA0];
	[tilespmem:s10+$0x10] =	vst v5  }
0x84: {  	[tilespmem:s10+$0xFFFFFF10] =	vst v6;
	v5 =	vld [tilespmem:s9+$0x20]  }
0x85: {  	v6 =	vld [tilespmem:s9+$0xFFFFFF20]  }
0x86: {  	v7 =	vld.idx.msk [tilespmem:v7+s4+$0x0], $0xffff;
	v3 =	vadd.f32 v3, v0  }
0x87: {  	v1 =	vld.idx.msk [tilespmem:v1+s4+$0x0], $0xffff;
	v4 =	vadd.f32 v4, v0  }
0x88: {  	v2 =	vld.idx.msk [tilespmem:v2+s4+$0x0], $0xffff;
	[tilespmem:s7+$0xD0] =	vst v3  }
0x89: {  	[tilespmem:s7+$0xFFFFFFD0] =	vst v4;
	v3 =	vld [tilespmem:s11+$0xE0]  }
0x8a: {  	v4 =	vld [tilespmem:s11+$0xFFFFFFE0]  }
0x8b: {  	v8 =	vld.idx.msk [tilespmem:v8+s4+$0x0], $0xffff;
	v7 =	vadd.f32 v7, v0  }
0x8c: {  	v5 =	vld.idx.msk [tilespmem:v5+s4+$0x0], $0xffff;
	v1 =	vadd.f32 v1, v0  }
0x8d: {  	v6 =	vld.idx.msk [tilespmem:v6+s4+$0x0], $0xffff;
	[tilespmem:s10+$0xA0] =	vst v7;
	v2 =	vadd.f32 v2, v0  }
0x8e: {  	v7 =	vld [tilespmem:s9+$0xB0];
	[tilespmem:s7+$0x50] =	vst v1  }
0x8f: {  	[tilespmem:s7+$0xFFFFFF50] =	vst v2;
	v1 =	vld [tilespmem:s11+$0x60]  }
0x90: {  	v8 =	vadd.f32 v8, v0;
	v2 =	vld [tilespmem:s11+$0xFFFFFF60]  }
0x91: {  	v5 =	vadd.f32 v5, v0;
	v3 =	vld.idx.msk [tilespmem:v3+s4+$0x0], $0xffff  }
0x92: {  	v6 =	vadd.f32 v6, v0;
	[tilespmem:s10+$0xFFFFFFA0] =	vst v8;
	v4 =	vld.idx.msk [tilespmem:v4+s4+$0x0], $0xffff  }
0x93: {  	v9 =	vld [tilespmem:s9+$0xFFFFFFB0];
	[tilespmem:s10+$0x20] =	vst v5  }
0x94: {  	[tilespmem:s10+$0xFFFFFF20] =	vst v6;
	v5 =	vld [tilespmem:s9+$0x30]  }
0x95: {  	v10 =	vld [tilespmem:s9+$0xFFFFFF30]  }
0x96: {  	v3 =	vadd.f32 v3, v0  }
0x97: {  	v1 =	vld.idx.msk [tilespmem:v1+s4+$0x0], $0xffff;
	v4 =	vadd.f32 v4, v0  }
0x98: {  	v2 =	vld.idx.msk [tilespmem:v2+s4+$0x0], $0xffff;
	[tilespmem:s7+$0xE0] =	vst v3  }
0x99: {  	[tilespmem:s7+$0xFFFFFFE0] =	vst v4;
	v4 =	vld [tilespmem:s11+$0xF0]  }
0x9a: {  	v8 =	vld.idx.msk [tilespmem:v7+s4+$0x0], $0xffff  }
0x9b: {  	v6 =	vld.idx.msk [tilespmem:v9+s4+$0x0], $0xffff  }
0x9c: {  	v5 =	vld.idx.msk [tilespmem:v5+s4+$0x0], $0xffff;
	v1 =	vadd.f32 v1, v0  }
0x9d: {  	v7 =	vld.idx.msk [tilespmem:v10+s4+$0x0], $0xffff;
	v3 =	vadd.f32 v2, v0  }
0x9e: {  	v2 =	vld [tilespmem:s11+$0xFFFFFFF0];
	[tilespmem:s7+$0x60] =	vst v1  }
0x9f: {  	[tilespmem:s7+$0xFFFFFF60] =	vst v3;
	v1 =	vld [tilespmem:s11+$0x70]  }
0xa0: {  	v3 =	vld [tilespmem:s11+$0xFFFFFF70]  }
0xa1: {  	s12 =	simm.s32 $0x4;
	s13 =	simm.s32 $0x18BA0;
	s11 =	simm.s32 $0x199A0;
	v4 =	vld.idx.msk [tilespmem:v4+s4+$0x0], $0xffff  }
.LBB2_3:
0xa2: {  	v9 =	vld [tilespmem:s13+$0x80];
	s12 =	sadd.s32 $0x4, s12  }
0xa3: {  	v8 =	vadd.f32 v8, v0;
	v10 =	vld [tilespmem:s13+$0xFFFFFF80];
	p2 =	slt.u32 s12, $0x1C  }
0xa4: {  	v6 =	vadd.f32 v6, v0;
	v11 =	vld [tilespmem:s13+$0x0]  }
0xa5: {  	v5 =	vadd.f32 v5, v0;
	v12 =	vld [tilespmem:s13+$0xFFFFFF00];
	[tilespmem:s10+$0xB0] =	vst v8  }
0xa6: {  	v7 =	vadd.f32 v7, v0;
	[tilespmem:s10+$0xFFFFFFB0] =	vst v6;
	v6 =	vld [tilespmem:s9+$0xC0]  }
0xa7: {  	v4 =	vadd.f32 v4, v0;
	v8 =	vld [tilespmem:s9+$0xFFFFFFC0];
	[tilespmem:s10+$0x30] =	vst v5  }
0xa8: {  	[tilespmem:s10+$0xFFFFFF30] =	vst v7;
	v5 =	vld [tilespmem:s9+$0x40]  }
0xa9: {  	v7 =	vld [tilespmem:s9+$0xFFFFFF40];
	[tilespmem:s7+$0xF0] =	vst v4  }
0xaa: {  	v4 =	vld.idx.msk [tilespmem:v9+s4+$0x0], $0xffff  }
0xab: {  	v9 =	vld.idx.msk [tilespmem:v10+s4+$0x0], $0xffff  }
0xac: {  	v10 =	vld.idx.msk [tilespmem:v11+s4+$0x0], $0xffff  }
0xad: {  	v11 =	vld.idx.msk [tilespmem:v12+s4+$0x0], $0xffff  }
0xae: {  	v6 =	vld.idx.msk [tilespmem:v6+s4+$0x0], $0xffff  }
0xaf: {  	v8 =	vld.idx.msk [tilespmem:v8+s4+$0x0], $0xffff  }
0xb0: {  	v4 =	vadd.f32 v4, v0;
	v5 =	vld.idx.msk [tilespmem:v5+s4+$0x0], $0xffff  }
0xb1: {  	s10 =	sadd.s32 $0x200, s10;
	v9 =	vadd.f32 v9, v0;
	v7 =	vld.idx.msk [tilespmem:v7+s4+$0x0], $0xffff  }
0xb2: {  	v10 =	vadd.f32 v10, v0;
	[tilespmem:s10+$0x80] =	vst v4;
	v3 =	vld.idx.msk [tilespmem:v3+s4+$0x0], $0xffff  }
0xb3: {  	v4 =	vadd.f32 v11, v0;
	[tilespmem:s10+$0xFFFFFF80] =	vst v9;
	v9 =	vld [tilespmem:s13+$0x90]  }
0xb4: {  	v6 =	vadd.f32 v6, v0;
	v11 =	vld [tilespmem:s13+$0xFFFFFF90];
	[tilespmem:s10+$0x0] =	vst v10  }
0xb5: {  	v8 =	vadd.f32 v8, v0;
	[tilespmem:s10+$0xFFFFFF00] =	vst v4;
	v4 =	vld [tilespmem:s13+$0x10]  }
0xb6: {  	v5 =	vadd.f32 v5, v0;
	v10 =	vld [tilespmem:s13+$0xFFFFFF10];
	[tilespmem:s11+$0xC0] =	vst v6  }
0xb7: {  	v6 =	vadd.f32 v7, v0;
	[tilespmem:s11+$0xFFFFFFC0] =	vst v8;
	v7 =	vld [tilespmem:s9+$0xD0]  }
0xb8: {  	v3 =	vadd.f32 v3, v0;
	v8 =	vld [tilespmem:s9+$0xFFFFFFD0];
	[tilespmem:s11+$0x40] =	vst v5  }
0xb9: {  	[tilespmem:s11+$0xFFFFFF40] =	vst v6;
	v5 =	vld [tilespmem:s9+$0x50]  }
0xba: {  	v6 =	vld [tilespmem:s9+$0xFFFFFF50];
	[tilespmem:s7+$0xFFFFFF70] =	vst v3  }
0xbb: {  	v3 =	vld.idx.msk [tilespmem:v9+s4+$0x0], $0xffff  }
0xbc: {  	v9 =	vld.idx.msk [tilespmem:v11+s4+$0x0], $0xffff  }
0xbd: {  	v4 =	vld.idx.msk [tilespmem:v4+s4+$0x0], $0xffff  }
0xbe: {  	v10 =	vld.idx.msk [tilespmem:v10+s4+$0x0], $0xffff  }
0xbf: {  	v7 =	vld.idx.msk [tilespmem:v7+s4+$0x0], $0xffff  }
0xc0: {  	v8 =	vld.idx.msk [tilespmem:v8+s4+$0x0], $0xffff  }
0xc1: {  	v3 =	vadd.f32 v3, v0;
	v5 =	vld.idx.msk [tilespmem:v5+s4+$0x0], $0xffff  }
0xc2: {  	v9 =	vadd.f32 v9, v0;
	v6 =	vld.idx.msk [tilespmem:v6+s4+$0x0], $0xffff  }
0xc3: {  	v4 =	vadd.f32 v4, v0;
	[tilespmem:s10+$0x90] =	vst v3;
	v2 =	vld.idx.msk [tilespmem:v2+s4+$0x0], $0xffff  }
0xc4: {  	v3 =	vadd.f32 v10, v0;
	[tilespmem:s10+$0xFFFFFF90] =	vst v9;
	v9 =	vld [tilespmem:s13+$0xA0]  }
0xc5: {  	v10 =	vld [tilespmem:s13+$0xFFFFFFA0];
	[tilespmem:s10+$0x10] =	vst v4;
	v4 =	vadd.f32 v7, v0  }
0xc6: {  	v7 =	vadd.f32 v8, v0;
	[tilespmem:s10+$0xFFFFFF10] =	vst v3;
	v3 =	vld [tilespmem:s13+$0x20]  }
0xc7: {  	v5 =	vadd.f32 v5, v0;
	v8 =	vld [tilespmem:s13+$0xFFFFFF20];
	[tilespmem:s11+$0xD0] =	vst v4  }
0xc8: {  	v4 =	vadd.f32 v6, v0;
	[tilespmem:s11+$0xFFFFFFD0] =	vst v7;
	v6 =	vld [tilespmem:s9+$0xE0]  }
0xc9: {  	v2 =	vadd.f32 v2, v0;
	v7 =	vld [tilespmem:s9+$0xFFFFFFE0];
	[tilespmem:s11+$0x50] =	vst v5  }
0xca: {  	[tilespmem:s11+$0xFFFFFF50] =	vst v4;
	v4 =	vld [tilespmem:s9+$0x60]  }
0xcb: {  	v5 =	vld [tilespmem:s9+$0xFFFFFF60];
	[tilespmem:s7+$0xFFFFFFF0] =	vst v2  }
0xcc: {  	v2 =	vld.idx.msk [tilespmem:v9+s4+$0x0], $0xffff  }
0xcd: {  	v9 =	vld.idx.msk [tilespmem:v10+s4+$0x0], $0xffff  }
0xce: {  	v3 =	vld.idx.msk [tilespmem:v3+s4+$0x0], $0xffff  }
0xcf: {  	v8 =	vld.idx.msk [tilespmem:v8+s4+$0x0], $0xffff  }
0xd0: {  	v6 =	vld.idx.msk [tilespmem:v6+s4+$0x0], $0xffff  }
0xd1: {  	v7 =	vld.idx.msk [tilespmem:v7+s4+$0x0], $0xffff  }
0xd2: {  	v2 =	vadd.f32 v2, v0;
	v4 =	vld.idx.msk [tilespmem:v4+s4+$0x0], $0xffff  }
0xd3: {  	v9 =	vadd.f32 v9, v0;
	v5 =	vld.idx.msk [tilespmem:v5+s4+$0x0], $0xffff  }
0xd4: {  	v3 =	vadd.f32 v3, v0;
	[tilespmem:s10+$0xA0] =	vst v2;
	v1 =	vld.idx.msk [tilespmem:v1+s4+$0x0], $0xffff  }
0xd5: {  	v2 =	vadd.f32 v8, v0;
	[tilespmem:s10+$0xFFFFFFA0] =	vst v9;
	v8 =	vld [tilespmem:s13+$0xB0]  }
0xd6: {  	v9 =	vld [tilespmem:s13+$0xFFFFFFB0];
	[tilespmem:s10+$0x20] =	vst v3;
	v3 =	vadd.f32 v6, v0  }
0xd7: {  	[tilespmem:s10+$0xFFFFFF20] =	vst v2;
	v10 =	vld [tilespmem:s13+$0x30];
	v2 =	vadd.f32 v7, v0  }
0xd8: {  	v4 =	vadd.f32 v4, v0;
	v7 =	vld [tilespmem:s13+$0xFFFFFF30];
	[tilespmem:s11+$0xE0] =	vst v3  }
0xd9: {  	v3 =	vadd.f32 v5, v0;
	[tilespmem:s11+$0xFFFFFFE0] =	vst v2;
	v11 =	vld [tilespmem:s9+$0xF0]  }
0xda: {  	v2 =	vld [tilespmem:s9+$0xFFFFFFF0];
	[tilespmem:s11+$0x60] =	vst v4;
	v4 =	vadd.f32 v1, v0  }
0xdb: {  	[tilespmem:s11+$0xFFFFFF60] =	vst v3;
	v1 =	vld [tilespmem:s9+$0x70]  }
0xdc: {  	v3 =	vld [tilespmem:s9+$0xFFFFFF70];
	[tilespmem:s7+$0x70] =	vst v4;
	s7 =	smov.u32 s11;
	s11 =	smov.u32 s10;
	s9 =	smov.u32 s13  }
.Ltmp0:
0xdd: {  	v8 =	vld.idx.msk [tilespmem:v8+s4+$0x0], $0xffff;
	(pc) =	sbr.rel @p2 .LBB2_3-.Ltmp0, $4  }
0xde: {  	v6 =	vld.idx.msk [tilespmem:v9+s4+$0x0], $0xffff  }
0xdf: {  	v5 =	vld.idx.msk [tilespmem:v10+s4+$0x0], $0xffff  }
0xe0: {  	v7 =	vld.idx.msk [tilespmem:v7+s4+$0x0], $0xffff  }
0xe1: {  	s13 =	sadd.s32 $0x200, s13;
	v4 =	vld.idx.msk [tilespmem:v11+s4+$0x0], $0xffff  }
0xe2: {  	v8 =	vadd.f32 v8, v0;
	_ =	sdelay $0x1  }
0xe3: {  	v6 =	vadd.f32 v6, v0;
	[tilespmem:s10+$0xB0] =	vst v8  }
0xe4: {  	v7 =	vadd.f32 v7, v0;
	v8 =	vld [tilespmem:s9+$0xC0]  }
0xe5: {  	v5 =	vadd.f32 v5, v0;
	[tilespmem:s10+$0xFFFFFFB0] =	vst v6  }
0xe6: {  	[tilespmem:s10+$0xFFFFFF30] =	vst v7;
	v7 =	vld [tilespmem:s9+$0xFFFFFFC0]  }
0xe7: {  	[tilespmem:s10+$0x30] =	vst v5;
	v6 =	vld [tilespmem:s9+$0xFFFFFF40]  }
0xe8: {  	v5 =	vld [tilespmem:s9+$0x40];
	_ =	sdelay $0x3  }
0xe9: {  	v8 =	vld.idx.msk [tilespmem:v8+s4+$0x0], $0xffff;
	_ =	sdelay $0x1  }
0xea: {  	v7 =	vld.idx.msk [tilespmem:v7+s4+$0x0], $0xffff  }
0xeb: {  	v6 =	vld.idx.msk [tilespmem:v6+s4+$0x0], $0xffff  }
0xec: {  	v5 =	vld.idx.msk [tilespmem:v5+s4+$0x0], $0xffff  }
0xed: {  	v8 =	vadd.f32 v8, v0;
	_ =	sdelay $0x1  }
0xee: {  	v7 =	vadd.f32 v7, v0;
	[tilespmem:s11+$0xC0] =	vst v8  }
0xef: {  	v6 =	vadd.f32 v6, v0;
	v8 =	vld [tilespmem:s9+$0xD0]  }
0xf0: {  	v5 =	vadd.f32 v5, v0;
	[tilespmem:s11+$0xFFFFFFC0] =	vst v7  }
0xf1: {  	[tilespmem:s11+$0xFFFFFF40] =	vst v6;
	v7 =	vld [tilespmem:s9+$0xFFFFFFD0]  }
0xf2: {  	[tilespmem:s11+$0x40] =	vst v5;
	v6 =	vld [tilespmem:s9+$0xFFFFFF50]  }
0xf3: {  	v5 =	vld [tilespmem:s9+$0x50];
	_ =	sdelay $0x3  }
0xf4: {  	v8 =	vld.idx.msk [tilespmem:v8+s4+$0x0], $0xffff;
	_ =	sdelay $0x1  }
0xf5: {  	v7 =	vld.idx.msk [tilespmem:v7+s4+$0x0], $0xffff  }
0xf6: {  	v6 =	vld.idx.msk [tilespmem:v6+s4+$0x0], $0xffff  }
0xf7: {  	v5 =	vld.idx.msk [tilespmem:v5+s4+$0x0], $0xffff  }
0xf8: {  	v8 =	vadd.f32 v8, v0;
	_ =	sdelay $0x1  }
0xf9: {  	v7 =	vadd.f32 v7, v0;
	[tilespmem:s11+$0xD0] =	vst v8  }
0xfa: {  	v6 =	vadd.f32 v6, v0;
	v8 =	vld [tilespmem:s9+$0xE0]  }
0xfb: {  	v5 =	vadd.f32 v5, v0;
	[tilespmem:s11+$0xFFFFFFD0] =	vst v7  }
0xfc: {  	[tilespmem:s11+$0xFFFFFF50] =	vst v6;
	v7 =	vld [tilespmem:s9+$0xFFFFFFE0]  }
0xfd: {  	[tilespmem:s11+$0x50] =	vst v5;
	v6 =	vld [tilespmem:s9+$0xFFFFFF60]  }
0xfe: {  	v5 =	vld [tilespmem:s9+$0x60];
	_ =	sdelay $0x3  }
0xff: {  	v8 =	vld.idx.msk [tilespmem:v8+s4+$0x0], $0xffff;
	_ =	sdelay $0x1  }
0x100: {  	v7 =	vld.idx.msk [tilespmem:v7+s4+$0x0], $0xffff  }
0x101: {  	v6 =	vld.idx.msk [tilespmem:v6+s4+$0x0], $0xffff  }
0x102: {  	v5 =	vld.idx.msk [tilespmem:v5+s4+$0x0], $0xffff  }
0x103: {  	v8 =	vadd.f32 v8, v0;
	_ =	sdelay $0x1  }
0x104: {  	v7 =	vadd.f32 v7, v0;
	[tilespmem:s11+$0xE0] =	vst v8  }
0x105: {  	v6 =	vadd.f32 v6, v0;
	v8 =	vld [tilespmem:s9+$0xF0]  }
0x106: {  	v5 =	vadd.f32 v5, v0;
	[tilespmem:s11+$0xFFFFFFE0] =	vst v7  }
0x107: {  	[tilespmem:s11+$0xFFFFFF60] =	vst v6;
	v7 =	vld [tilespmem:s9+$0xFFFFFFF0]  }
0x108: {  	[tilespmem:s11+$0x60] =	vst v5;
	v6 =	vld [tilespmem:s9+$0xFFFFFF70]  }
0x109: {  	v5 =	vld [tilespmem:s9+$0x70];
	_ =	sdelay $0x1  }
0x10a: {  	v2 =	vld.idx.msk [tilespmem:v2+s4+$0x0], $0xffff  }
0x10b: {  	v3 =	vld.idx.msk [tilespmem:v3+s4+$0x0], $0xffff  }
0x10c: {  	v8 =	vld.idx.msk [tilespmem:v8+s4+$0x0], $0xffff  }
0x10d: {  	v1 =	vld.idx.msk [tilespmem:v1+s4+$0x0], $0xffff  }
0x10e: {  	v4 =	vadd.f32 v4, v0;
	v7 =	vld.idx.msk [tilespmem:v7+s4+$0x0], $0xffff  }
0x10f: {  	v2 =	vadd.f32 v2, v0;
	v6 =	vld.idx.msk [tilespmem:v6+s4+$0x0], $0xffff  }
0x110: {  	v3 =	vadd.f32 v3, v0;
	[tilespmem:s7+$0xF0] =	vst v4;
	v4 =	vld.idx.msk [tilespmem:v5+s4+$0x0], $0xffff  }
0x111: {  	[tilespmem:s7+$0xFFFFFFF0] =	vst v2;
	v2 =	vadd.f32 v8, v0  }
0x112: {  	v1 =	vadd.f32 v1, v0;
	[tilespmem:s7+$0xFFFFFF70] =	vst v3  }
0x113: {  	[tilespmem:s11+$0xF0] =	vst v2;
	v2 =	vadd.f32 v7, v0  }
0x114: {  	s13 =	sshll.u32 s5, $0x12;
	[tilespmem:s7+$0x70] =	vst v1;
	v1 =	vadd.f32 v6, v0  }
0x115: {  	s7 =	sor.u32 s18, s13;
	v0 =	vadd.f32 v4, v0;
	[tilespmem:s11+$0xFFFFFFF0] =	vst v2  }
0x116: {  	s7 =	sshrl.u32 s7, $0x3;
	[tilespmem:s11+$0xFFFFFF70] =	vst v1  }
0x117: {  	s7 =	sadd.s32 s2, s7;
	[tilespmem:s11+$0x70] =	vst v0  }
0x118: {  	[hbm4b:s7+s24] =	stream.strided.scatter [tilespmem:s26], [sflag:$0x1], $0x1000, s25, s24, $0x38;
	[tilespmem:$0x1E968] =	vst v63  }
0x119: {  	s6 =	sor.u32 $0x1, s6;
	s7 =	simm.s32 @!p1 $0x2  }
0x11a: {  	s14 =	sshll.u32 s6, $0xC;
	_ =	swait.ge @!p1 [sflag:s7], $0x1000  }
0x11b: {  	s9 =	sand.u32 $0x3FFFF000, s14;
	[sflag:s7] =	ssyncset.done @!p1 $0x0  }
0x11c: {  	s15 =	sadd.s32 s9, s3;
	[sflag:s7] =	ssyncadd.s32 @!p1 $0xFFFFF000  }
0x11d: {  	[tilespmem:s23], [sflag:$0x3] =	stream.linear.gather [spmem:s15], $0x1000, $0x38;
	[tilespmem:$0x1E968] =	vst v63  }
0x11e: {  	_ =	swait.ge [sflag:s19], $0x1000  }
0x11f: {  	[sflag:s19] =	ssyncset.done $0x0  }
0x120: {  	s16 =	simm.s32 $0x187A0;
	[sflag:s19] =	ssyncadd.s32 $0xFFFFF000  }
0x121: {  	v1 =	vld [tilespmem:s16+$0x80]  }
0x122: {  	v2 =	vld [tilespmem:s16+$0xFFFFFF80]  }
0x123: {  	v0 =	vmov s6  }
0x124: {  	v4 =	vld [tilespmem:s16+$0xFFFFFF00]  }
0x125: {  	v3 =	vld [tilespmem:s16+$0x0];
	_ =	sdelay $0x2  }
0x126: {  	v0 =	vld.idx.msk [tilespmem:v0+s20+$0x0], $0xffff  }
0x127: {  	v1 =	vld.idx.msk [tilespmem:v1+s4+$0x0], $0xffff  }
0x128: {  	v2 =	vld.idx.msk [tilespmem:v2+s4+$0x0], $0xffff;
	_ =	sdelay $0x1  }
0x129: {  	v4 =	vld.idx.msk [tilespmem:v4+s4+$0x0], $0xffff  }
0x12a: {  	v3 =	vld.idx.msk [tilespmem:v3+s4+$0x0], $0xffff  }
0x12b: {  	v1 =	vadd.f32 v1, v0  }
0x12c: {  	s7 =	simm.s32 $0x1A890;
	v2 =	vadd.f32 v2, v0  }
0x12d: {  	[tilespmem:s7+$0xFFFFFF90] =	vst v1  }
0x12e: {  	v1 =	vadd.f32 v4, v0;
	[tilespmem:s7+$0xFFFFFE90] =	vst v2;
	v2 =	vld [tilespmem:s16+$0x90]  }
0x12f: {  	v3 =	vadd.f32 v3, v0;
	v4 =	vld [tilespmem:s16+$0xFFFFFF90]  }
0x130: {  	[tilespmem:s7+$0xFFFFFE10] =	vst v1  }
0x131: {  	[tilespmem:s7+$0xFFFFFF10] =	vst v3;
	v3 =	vld [tilespmem:s16+$0xFFFFFF10];
	_ =	sdelay $0x2  }
0x132: {  	v1 =	vld [tilespmem:s16+$0x10];
	_ =	sdelay $0x1  }
0x133: {  	v2 =	vld.idx.msk [tilespmem:v2+s4+$0x0], $0xffff  }
0x134: {  	v4 =	vld.idx.msk [tilespmem:v4+s4+$0x0], $0xffff;
	_ =	sdelay $0x1  }
0x135: {  	v3 =	vld.idx.msk [tilespmem:v3+s4+$0x0], $0xffff;
	_ =	sdelay $0x1  }
0x136: {  	v2 =	vadd.f32 v2, v0  }
0x137: {  	v1 =	vld.idx.msk [tilespmem:v1+s4+$0x0], $0xffff;
	v4 =	vadd.f32 v4, v0  }
0x138: {  	[tilespmem:s7+$0xFFFFFFA0] =	vst v2  }
0x139: {  	v2 =	vadd.f32 v3, v0;
	[tilespmem:s7+$0xFFFFFEA0] =	vst v4;
	v3 =	vld [tilespmem:s16+$0xA0]  }
0x13a: {  	v4 =	vld [tilespmem:s16+$0xFFFFFFA0];
	_ =	sdelay $0x1  }
0x13b: {  	v1 =	vadd.f32 v1, v0;
	_ =	sdelay $0x1  }
0x13c: {  	[tilespmem:s7+$0xFFFFFF20] =	vst v1  }
0x13d: {  	[tilespmem:s7+$0xFFFFFE20] =	vst v2;
	v1 =	vld [tilespmem:s16+$0x20]  }
0x13e: {  	v2 =	vld [tilespmem:s16+$0xFFFFFF20]  }
0x13f: {  	v3 =	vld.idx.msk [tilespmem:v3+s4+$0x0], $0xffff  }
0x140: {  	v4 =	vld.idx.msk [tilespmem:v4+s4+$0x0], $0xffff;
	_ =	sdelay $0x3  }
0x141: {  	v3 =	vadd.f32 v3, v0  }
0x142: {  	v1 =	vld.idx.msk [tilespmem:v1+s4+$0x0], $0xffff;
	v4 =	vadd.f32 v4, v0  }
0x143: {  	v2 =	vld.idx.msk [tilespmem:v2+s4+$0x0], $0xffff;
	[tilespmem:s7+$0xFFFFFFB0] =	vst v3  }
0x144: {  	[tilespmem:s7+$0xFFFFFEB0] =	vst v4;
	v3 =	vld [tilespmem:s16+$0xB0]  }
0x145: {  	s9 =	simm.s32 $0x189A0;
	v4 =	vld [tilespmem:s16+$0xFFFFFFB0]  }
0x146: {  	v5 =	vld [tilespmem:s9+$0x80]  }
0x147: {  	v6 =	vld [tilespmem:s9+$0xFFFFFF80];
	v1 =	vadd.f32 v1, v0  }
0x148: {  	v7 =	vld [tilespmem:s9+$0x0];
	v2 =	vadd.f32 v2, v0  }
0x149: {  	v8 =	vld [tilespmem:s9+$0xFFFFFF00];
	[tilespmem:s7+$0xFFFFFF30] =	vst v1  }
0x14a: {  	[tilespmem:s7+$0xFFFFFE30] =	vst v2;
	v1 =	vld [tilespmem:s16+$0x30]  }
0x14b: {  	v2 =	vld [tilespmem:s16+$0xFFFFFF30]  }
0x14c: {  	v3 =	vld.idx.msk [tilespmem:v3+s4+$0x0], $0xffff  }
0x14d: {  	v4 =	vld.idx.msk [tilespmem:v4+s4+$0x0], $0xffff  }
0x14e: {  	v5 =	vld.idx.msk [tilespmem:v5+s4+$0x0], $0xffff  }
0x14f: {  	v6 =	vld.idx.msk [tilespmem:v6+s4+$0x0], $0xffff  }
0x150: {  	v7 =	vld.idx.msk [tilespmem:v7+s4+$0x0], $0xffff  }
0x151: {  	v8 =	vld.idx.msk [tilespmem:v8+s4+$0x0], $0xffff;
	v3 =	vadd.f32 v3, v0  }
0x152: {  	v1 =	vld.idx.msk [tilespmem:v1+s4+$0x0], $0xffff;
	v4 =	vadd.f32 v4, v0  }
0x153: {  	v5 =	vadd.f32 v5, v0;
	v2 =	vld.idx.msk [tilespmem:v2+s4+$0x0], $0xffff;
	[tilespmem:s7+$0xFFFFFFC0] =	vst v3  }
0x154: {  	s10 =	simm.s32 $0x1AA90;
	v6 =	vadd.f32 v6, v0;
	[tilespmem:s7+$0xFFFFFEC0] =	vst v4;
	v3 =	vld [tilespmem:s16+$0xC0]  }
0x155: {  	v7 =	vadd.f32 v7, v0;
	[tilespmem:s10+$0xFFFFFF90] =	vst v5;
	v4 =	vld [tilespmem:s16+$0xFFFFFFC0]  }
0x156: {  	v5 =	vadd.f32 v8, v0;
	[tilespmem:s10+$0xFFFFFE90] =	vst v6  }
0x157: {  	[tilespmem:s10+$0xFFFFFF10] =	vst v7;
	v1 =	vadd.f32 v1, v0  }
0x158: {  	v6 =	vld [tilespmem:s9+$0x90];
	[tilespmem:s10+$0xFFFFFE10] =	vst v5;
	v2 =	vadd.f32 v2, v0  }
0x159: {  	v7 =	vld [tilespmem:s9+$0xFFFFFF10];
	[tilespmem:s7+$0xFFFFFF40] =	vst v1  }
0x15a: {  	[tilespmem:s7+$0xFFFFFE40] =	vst v2;
	v1 =	vld [tilespmem:s16+$0x40]  }
0x15b: {  	v2 =	vld [tilespmem:s16+$0xFFFFFF40]  }
0x15c: {  	v3 =	vld.idx.msk [tilespmem:v3+s4+$0x0], $0xffff  }
0x15d: {  	v4 =	vld.idx.msk [tilespmem:v4+s4+$0x0], $0xffff  }
0x15e: {  	v8 =	vld [tilespmem:s9+$0xFFFFFF90]  }
0x15f: {  	v5 =	vld [tilespmem:s9+$0x10]  }
0x160: {  	v6 =	vld.idx.msk [tilespmem:v6+s4+$0x0], $0xffff  }
0x161: {  	v7 =	vld.idx.msk [tilespmem:v7+s4+$0x0], $0xffff;
	v3 =	vadd.f32 v3, v0  }
0x162: {  	v1 =	vld.idx.msk [tilespmem:v1+s4+$0x0], $0xffff;
	v4 =	vadd.f32 v4, v0  }
0x163: {  	v2 =	vld.idx.msk [tilespmem:v2+s4+$0x0], $0xffff;
	[tilespmem:s7+$0xFFFFFFD0] =	vst v3  }
0x164: {  	[tilespmem:s7+$0xFFFFFED0] =	vst v4;
	v3 =	vld [tilespmem:s16+$0xD0]  }
0x165: {  	v4 =	vld [tilespmem:s16+$0xFFFFFFD0]  }
0x166: {  	v8 =	vld.idx.msk [tilespmem:v8+s4+$0x0], $0xffff;
	v6 =	vadd.f32 v6, v0  }
0x167: {  	v5 =	vld.idx.msk [tilespmem:v5+s4+$0x0], $0xffff;
	v1 =	vadd.f32 v1, v0  }
0x168: {  	[tilespmem:s10+$0xFFFFFFA0] =	vst v6;
	v2 =	vadd.f32 v2, v0  }
0x169: {  	v6 =	vadd.f32 v7, v0;
	v7 =	vld [tilespmem:s9+$0xA0];
	[tilespmem:s7+$0xFFFFFF50] =	vst v1  }
0x16a: {  	[tilespmem:s7+$0xFFFFFE50] =	vst v2;
	v1 =	vld [tilespmem:s16+$0x50]  }
0x16b: {  	v8 =	vadd.f32 v8, v0;
	v2 =	vld [tilespmem:s16+$0xFFFFFF50]  }
0x16c: {  	v5 =	vadd.f32 v5, v0;
	v3 =	vld.idx.msk [tilespmem:v3+s4+$0x0], $0xffff  }
0x16d: {  	[tilespmem:s10+$0xFFFFFEA0] =	vst v8;
	v4 =	vld.idx.msk [tilespmem:v4+s4+$0x0], $0xffff  }
0x16e: {  	v8 =	vld [tilespmem:s9+$0xFFFFFFA0];
	[tilespmem:s10+$0xFFFFFF20] =	vst v5  }
0x16f: {  	[tilespmem:s10+$0xFFFFFE20] =	vst v6;
	v5 =	vld [tilespmem:s9+$0x20]  }
0x170: {  	v6 =	vld [tilespmem:s9+$0xFFFFFF20]  }
0x171: {  	v7 =	vld.idx.msk [tilespmem:v7+s4+$0x0], $0xffff;
	v3 =	vadd.f32 v3, v0  }
0x172: {  	v1 =	vld.idx.msk [tilespmem:v1+s4+$0x0], $0xffff;
	v4 =	vadd.f32 v4, v0  }
0x173: {  	v2 =	vld.idx.msk [tilespmem:v2+s4+$0x0], $0xffff;
	[tilespmem:s7+$0xFFFFFFE0] =	vst v3  }
0x174: {  	[tilespmem:s7+$0xFFFFFEE0] =	vst v4;
	v3 =	vld [tilespmem:s16+$0xE0]  }
0x175: {  	v4 =	vld [tilespmem:s16+$0xFFFFFFE0]  }
0x176: {  	v8 =	vld.idx.msk [tilespmem:v8+s4+$0x0], $0xffff;
	v7 =	vadd.f32 v7, v0  }
0x177: {  	v5 =	vld.idx.msk [tilespmem:v5+s4+$0x0], $0xffff;
	v1 =	vadd.f32 v1, v0  }
0x178: {  	v6 =	vld.idx.msk [tilespmem:v6+s4+$0x0], $0xffff;
	[tilespmem:s10+$0xFFFFFFB0] =	vst v7;
	v2 =	vadd.f32 v2, v0  }
0x179: {  	v7 =	vld [tilespmem:s9+$0xB0];
	[tilespmem:s7+$0xFFFFFF60] =	vst v1  }
0x17a: {  	[tilespmem:s7+$0xFFFFFE60] =	vst v2;
	v1 =	vld [tilespmem:s16+$0x60]  }
0x17b: {  	v8 =	vadd.f32 v8, v0;
	v2 =	vld [tilespmem:s16+$0xFFFFFF60]  }
0x17c: {  	v5 =	vadd.f32 v5, v0;
	v3 =	vld.idx.msk [tilespmem:v3+s4+$0x0], $0xffff  }
0x17d: {  	v6 =	vadd.f32 v6, v0;
	[tilespmem:s10+$0xFFFFFEB0] =	vst v8;
	v4 =	vld.idx.msk [tilespmem:v4+s4+$0x0], $0xffff  }
0x17e: {  	v9 =	vld [tilespmem:s9+$0xFFFFFFB0];
	[tilespmem:s10+$0xFFFFFF30] =	vst v5  }
0x17f: {  	[tilespmem:s10+$0xFFFFFE30] =	vst v6;
	v5 =	vld [tilespmem:s9+$0x30]  }
0x180: {  	v10 =	vld [tilespmem:s9+$0xFFFFFF30]  }
0x181: {  	v3 =	vadd.f32 v3, v0  }
0x182: {  	v1 =	vld.idx.msk [tilespmem:v1+s4+$0x0], $0xffff;
	v4 =	vadd.f32 v4, v0  }
0x183: {  	v2 =	vld.idx.msk [tilespmem:v2+s4+$0x0], $0xffff;
	[tilespmem:s7+$0xFFFFFFF0] =	vst v3  }
0x184: {  	[tilespmem:s7+$0xFFFFFEF0] =	vst v4;
	v4 =	vld [tilespmem:s16+$0xF0]  }
0x185: {  	v8 =	vld.idx.msk [tilespmem:v7+s4+$0x0], $0xffff  }
0x186: {  	v6 =	vld.idx.msk [tilespmem:v9+s4+$0x0], $0xffff  }
0x187: {  	v5 =	vld.idx.msk [tilespmem:v5+s4+$0x0], $0xffff;
	v1 =	vadd.f32 v1, v0  }
0x188: {  	v7 =	vld.idx.msk [tilespmem:v10+s4+$0x0], $0xffff;
	v3 =	vadd.f32 v2, v0  }
0x189: {  	v2 =	vld [tilespmem:s16+$0xFFFFFFF0];
	[tilespmem:s7+$0xFFFFFF70] =	vst v1  }
0x18a: {  	[tilespmem:s7+$0xFFFFFE70] =	vst v3;
	v1 =	vld [tilespmem:s16+$0x70]  }
0x18b: {  	v3 =	vld [tilespmem:s16+$0xFFFFFF70]  }
0x18c: {  	s12 =	simm.s32 $0x4;
	s13 =	simm.s32 $0x18BA0;
	s11 =	simm.s32 $0x1AA90;
	v4 =	vld.idx.msk [tilespmem:v4+s4+$0x0], $0xffff  }
.LBB2_5:
0x18d: {  	v9 =	vld [tilespmem:s13+$0x80];
	s12 =	sadd.s32 $0x4, s12  }
0x18e: {  	v8 =	vadd.f32 v8, v0;
	v10 =	vld [tilespmem:s13+$0xFFFFFF80];
	p1 =	slt.u32 s12, $0x1C  }
0x18f: {  	v6 =	vadd.f32 v6, v0;
	v11 =	vld [tilespmem:s13+$0x0]  }
0x190: {  	v5 =	vadd.f32 v5, v0;
	v12 =	vld [tilespmem:s13+$0xFFFFFF00];
	[tilespmem:s10+$0xFFFFFFC0] =	vst v8  }
0x191: {  	v7 =	vadd.f32 v7, v0;
	[tilespmem:s10+$0xFFFFFEC0] =	vst v6;
	v6 =	vld [tilespmem:s9+$0xC0]  }
0x192: {  	v4 =	vadd.f32 v4, v0;
	v8 =	vld [tilespmem:s9+$0xFFFFFFC0];
	[tilespmem:s10+$0xFFFFFF40] =	vst v5  }
0x193: {  	[tilespmem:s10+$0xFFFFFE40] =	vst v7;
	v5 =	vld [tilespmem:s9+$0x40]  }
0x194: {  	v7 =	vld [tilespmem:s9+$0xFFFFFF40];
	[tilespmem:s7+$0x0] =	vst v4  }
0x195: {  	v4 =	vld.idx.msk [tilespmem:v9+s4+$0x0], $0xffff  }
0x196: {  	v9 =	vld.idx.msk [tilespmem:v10+s4+$0x0], $0xffff  }
0x197: {  	v10 =	vld.idx.msk [tilespmem:v11+s4+$0x0], $0xffff  }
0x198: {  	v11 =	vld.idx.msk [tilespmem:v12+s4+$0x0], $0xffff  }
0x199: {  	v6 =	vld.idx.msk [tilespmem:v6+s4+$0x0], $0xffff  }
0x19a: {  	v8 =	vld.idx.msk [tilespmem:v8+s4+$0x0], $0xffff  }
0x19b: {  	v4 =	vadd.f32 v4, v0;
	v5 =	vld.idx.msk [tilespmem:v5+s4+$0x0], $0xffff  }
0x19c: {  	s10 =	sadd.s32 $0x200, s10;
	v9 =	vadd.f32 v9, v0;
	v7 =	vld.idx.msk [tilespmem:v7+s4+$0x0], $0xffff  }
0x19d: {  	v10 =	vadd.f32 v10, v0;
	[tilespmem:s10+$0xFFFFFF90] =	vst v4;
	v3 =	vld.idx.msk [tilespmem:v3+s4+$0x0], $0xffff  }
0x19e: {  	v4 =	vadd.f32 v11, v0;
	[tilespmem:s10+$0xFFFFFE90] =	vst v9;
	v9 =	vld [tilespmem:s13+$0x90]  }
0x19f: {  	v6 =	vadd.f32 v6, v0;
	v11 =	vld [tilespmem:s13+$0xFFFFFF90];
	[tilespmem:s10+$0xFFFFFF10] =	vst v10  }
0x1a0: {  	v8 =	vadd.f32 v8, v0;
	[tilespmem:s10+$0xFFFFFE10] =	vst v4;
	v4 =	vld [tilespmem:s13+$0x10]  }
0x1a1: {  	v5 =	vadd.f32 v5, v0;
	v10 =	vld [tilespmem:s13+$0xFFFFFF10];
	[tilespmem:s11+$0xFFFFFFD0] =	vst v6  }
0x1a2: {  	v6 =	vadd.f32 v7, v0;
	[tilespmem:s11+$0xFFFFFED0] =	vst v8;
	v7 =	vld [tilespmem:s9+$0xD0]  }
0x1a3: {  	v3 =	vadd.f32 v3, v0;
	v8 =	vld [tilespmem:s9+$0xFFFFFFD0];
	[tilespmem:s11+$0xFFFFFF50] =	vst v5  }
0x1a4: {  	[tilespmem:s11+$0xFFFFFE50] =	vst v6;
	v5 =	vld [tilespmem:s9+$0x50]  }
0x1a5: {  	v6 =	vld [tilespmem:s9+$0xFFFFFF50];
	[tilespmem:s7+$0xFFFFFE80] =	vst v3  }
0x1a6: {  	v3 =	vld.idx.msk [tilespmem:v9+s4+$0x0], $0xffff  }
0x1a7: {  	v9 =	vld.idx.msk [tilespmem:v11+s4+$0x0], $0xffff  }
0x1a8: {  	v4 =	vld.idx.msk [tilespmem:v4+s4+$0x0], $0xffff  }
0x1a9: {  	v10 =	vld.idx.msk [tilespmem:v10+s4+$0x0], $0xffff  }
0x1aa: {  	v7 =	vld.idx.msk [tilespmem:v7+s4+$0x0], $0xffff  }
0x1ab: {  	v8 =	vld.idx.msk [tilespmem:v8+s4+$0x0], $0xffff  }
0x1ac: {  	v3 =	vadd.f32 v3, v0;
	v5 =	vld.idx.msk [tilespmem:v5+s4+$0x0], $0xffff  }
0x1ad: {  	v9 =	vadd.f32 v9, v0;
	v6 =	vld.idx.msk [tilespmem:v6+s4+$0x0], $0xffff  }
0x1ae: {  	v4 =	vadd.f32 v4, v0;
	[tilespmem:s10+$0xFFFFFFA0] =	vst v3;
	v2 =	vld.idx.msk [tilespmem:v2+s4+$0x0], $0xffff  }
0x1af: {  	v3 =	vadd.f32 v10, v0;
	[tilespmem:s10+$0xFFFFFEA0] =	vst v9;
	v9 =	vld [tilespmem:s13+$0xA0]  }
0x1b0: {  	v10 =	vld [tilespmem:s13+$0xFFFFFFA0];
	[tilespmem:s10+$0xFFFFFF20] =	vst v4;
	v4 =	vadd.f32 v7, v0  }
0x1b1: {  	v7 =	vadd.f32 v8, v0;
	[tilespmem:s10+$0xFFFFFE20] =	vst v3;
	v3 =	vld [tilespmem:s13+$0x20]  }
0x1b2: {  	v5 =	vadd.f32 v5, v0;
	v8 =	vld [tilespmem:s13+$0xFFFFFF20];
	[tilespmem:s11+$0xFFFFFFE0] =	vst v4  }
0x1b3: {  	v4 =	vadd.f32 v6, v0;
	[tilespmem:s11+$0xFFFFFEE0] =	vst v7;
	v6 =	vld [tilespmem:s9+$0xE0]  }
0x1b4: {  	v2 =	vadd.f32 v2, v0;
	v7 =	vld [tilespmem:s9+$0xFFFFFFE0];
	[tilespmem:s11+$0xFFFFFF60] =	vst v5  }
0x1b5: {  	[tilespmem:s11+$0xFFFFFE60] =	vst v4;
	v4 =	vld [tilespmem:s9+$0x60]  }
0x1b6: {  	v5 =	vld [tilespmem:s9+$0xFFFFFF60];
	[tilespmem:s7+$0xFFFFFF00] =	vst v2  }
0x1b7: {  	v2 =	vld.idx.msk [tilespmem:v9+s4+$0x0], $0xffff  }
0x1b8: {  	v9 =	vld.idx.msk [tilespmem:v10+s4+$0x0], $0xffff  }
0x1b9: {  	v3 =	vld.idx.msk [tilespmem:v3+s4+$0x0], $0xffff  }
0x1ba: {  	v8 =	vld.idx.msk [tilespmem:v8+s4+$0x0], $0xffff  }
0x1bb: {  	v6 =	vld.idx.msk [tilespmem:v6+s4+$0x0], $0xffff  }
0x1bc: {  	v7 =	vld.idx.msk [tilespmem:v7+s4+$0x0], $0xffff  }
0x1bd: {  	v2 =	vadd.f32 v2, v0;
	v4 =	vld.idx.msk [tilespmem:v4+s4+$0x0], $0xffff  }
0x1be: {  	v9 =	vadd.f32 v9, v0;
	v5 =	vld.idx.msk [tilespmem:v5+s4+$0x0], $0xffff  }
0x1bf: {  	v3 =	vadd.f32 v3, v0;
	[tilespmem:s10+$0xFFFFFFB0] =	vst v2;
	v1 =	vld.idx.msk [tilespmem:v1+s4+$0x0], $0xffff  }
0x1c0: {  	v2 =	vadd.f32 v8, v0;
	[tilespmem:s10+$0xFFFFFEB0] =	vst v9;
	v8 =	vld [tilespmem:s13+$0xB0]  }
0x1c1: {  	v9 =	vld [tilespmem:s13+$0xFFFFFFB0];
	[tilespmem:s10+$0xFFFFFF30] =	vst v3;
	v3 =	vadd.f32 v6, v0  }
0x1c2: {  	[tilespmem:s10+$0xFFFFFE30] =	vst v2;
	v10 =	vld [tilespmem:s13+$0x30];
	v2 =	vadd.f32 v7, v0  }
0x1c3: {  	v4 =	vadd.f32 v4, v0;
	v7 =	vld [tilespmem:s13+$0xFFFFFF30];
	[tilespmem:s11+$0xFFFFFFF0] =	vst v3  }
0x1c4: {  	v3 =	vadd.f32 v5, v0;
	[tilespmem:s11+$0xFFFFFEF0] =	vst v2;
	v11 =	vld [tilespmem:s9+$0xF0]  }
0x1c5: {  	v2 =	vld [tilespmem:s9+$0xFFFFFFF0];
	[tilespmem:s11+$0xFFFFFF70] =	vst v4;
	v4 =	vadd.f32 v1, v0  }
0x1c6: {  	[tilespmem:s11+$0xFFFFFE70] =	vst v3;
	v1 =	vld [tilespmem:s9+$0x70]  }
0x1c7: {  	v3 =	vld [tilespmem:s9+$0xFFFFFF70];
	[tilespmem:s7+$0xFFFFFF80] =	vst v4;
	s7 =	smov.u32 s11;
	s11 =	smov.u32 s10;
	s9 =	smov.u32 s13  }
.Ltmp1:
0x1c8: {  	v8 =	vld.idx.msk [tilespmem:v8+s4+$0x0], $0xffff;
	(pc) =	sbr.rel @p1 .LBB2_5-.Ltmp1, $4  }
0x1c9: {  	v6 =	vld.idx.msk [tilespmem:v9+s4+$0x0], $0xffff  }
0x1ca: {  	v5 =	vld.idx.msk [tilespmem:v10+s4+$0x0], $0xffff  }
0x1cb: {  	v7 =	vld.idx.msk [tilespmem:v7+s4+$0x0], $0xffff  }
0x1cc: {  	s13 =	sadd.s32 $0x200, s13;
	v4 =	vld.idx.msk [tilespmem:v11+s4+$0x0], $0xffff  }
0x1cd: {  	v8 =	vadd.f32 v8, v0  }
0x1ce: {  	v6 =	vadd.f32 v6, v0  }
0x1cf: {  	[tilespmem:s10+$0xFFFFFFC0] =	vst v8;
	v5 =	vadd.f32 v5, v0  }
0x1d0: {  	v7 =	vadd.f32 v7, v0;
	v8 =	vld [tilespmem:s9+$0xC0];
	[tilespmem:s10+$0xFFFFFEC0] =	vst v6  }
0x1d1: {  	v58 =	vld [tilespmem:s9+$0xFFFFFFC0];
	[tilespmem:s10+$0xFFFFFF40] =	vst v5  }
0x1d2: {  	[tilespmem:s10+$0xFFFFFE40] =	vst v7;
	v5 =	vld [tilespmem:s9+$0x40]  }
0x1d3: {  	v57 =	vld [tilespmem:s9+$0xFFFFFF40];
	_ =	sdelay $0x4  }
0x1d4: {  	v8 =	vld.idx.msk [tilespmem:v8+s4+$0x0], $0xffff  }
0x1d5: {  	v7 =	vld.idx.msk [tilespmem:v58+s4+$0x0], $0xffff  }
0x1d6: {  	v5 =	vld.idx.msk [tilespmem:v5+s4+$0x0], $0xffff  }
0x1d7: {  	v6 =	vld.idx.msk [tilespmem:v57+s4+$0x0], $0xffff;
	_ =	sdelay $0x1  }
0x1d8: {  	v8 =	vadd.f32 v8, v0  }
0x1d9: {  	v7 =	vadd.f32 v7, v0  }
0x1da: {  	[tilespmem:s11+$0xFFFFFFD0] =	vst v8;
	v5 =	vadd.f32 v5, v0  }
0x1db: {  	v6 =	vadd.f32 v6, v0;
	v8 =	vld [tilespmem:s9+$0xD0];
	[tilespmem:s11+$0xFFFFFED0] =	vst v7  }
0x1dc: {  	v7 =	vld [tilespmem:s9+$0xFFFFFFD0];
	[tilespmem:s11+$0xFFFFFF50] =	vst v5  }
0x1dd: {  	[tilespmem:s11+$0xFFFFFE50] =	vst v6;
	v5 =	vld [tilespmem:s9+$0x50]  }
0x1de: {  	v6 =	vld [tilespmem:s9+$0xFFFFFF50];
	_ =	sdelay $0x4  }
0x1df: {  	v8 =	vld.idx.msk [tilespmem:v8+s4+$0x0], $0xffff  }
0x1e0: {  	v7 =	vld.idx.msk [tilespmem:v7+s4+$0x0], $0xffff  }
0x1e1: {  	v5 =	vld.idx.msk [tilespmem:v5+s4+$0x0], $0xffff  }
0x1e2: {  	v6 =	vld.idx.msk [tilespmem:v6+s4+$0x0], $0xffff;
	_ =	sdelay $0x1  }
0x1e3: {  	v8 =	vadd.f32 v8, v0  }
0x1e4: {  	v7 =	vadd.f32 v7, v0  }
0x1e5: {  	[tilespmem:s11+$0xFFFFFFE0] =	vst v8;
	v5 =	vadd.f32 v5, v0  }
0x1e6: {  	v6 =	vadd.f32 v6, v0;
	v8 =	vld [tilespmem:s9+$0xE0];
	[tilespmem:s11+$0xFFFFFEE0] =	vst v7  }
0x1e7: {  	v7 =	vld [tilespmem:s9+$0xFFFFFFE0];
	[tilespmem:s11+$0xFFFFFF60] =	vst v5  }
0x1e8: {  	[tilespmem:s11+$0xFFFFFE60] =	vst v6;
	v5 =	vld [tilespmem:s9+$0x60]  }
0x1e9: {  	v6 =	vld [tilespmem:s9+$0xFFFFFF60];
	_ =	sdelay $0x4  }
0x1ea: {  	v8 =	vld.idx.msk [tilespmem:v8+s4+$0x0], $0xffff  }
0x1eb: {  	v7 =	vld.idx.msk [tilespmem:v7+s4+$0x0], $0xffff  }
0x1ec: {  	v5 =	vld.idx.msk [tilespmem:v5+s4+$0x0], $0xffff  }
0x1ed: {  	v6 =	vld.idx.msk [tilespmem:v6+s4+$0x0], $0xffff;
	_ =	sdelay $0x1  }
0x1ee: {  	v8 =	vadd.f32 v8, v0  }
0x1ef: {  	v7 =	vadd.f32 v7, v0  }
0x1f0: {  	[tilespmem:s11+$0xFFFFFFF0] =	vst v8;
	v5 =	vadd.f32 v5, v0  }
0x1f1: {  	v6 =	vadd.f32 v6, v0;
	v8 =	vld [tilespmem:s9+$0xF0];
	[tilespmem:s11+$0xFFFFFEF0] =	vst v7  }
0x1f2: {  	v7 =	vld [tilespmem:s9+$0xFFFFFFF0];
	[tilespmem:s11+$0xFFFFFF70] =	vst v5  }
0x1f3: {  	[tilespmem:s11+$0xFFFFFE70] =	vst v6;
	v5 =	vld [tilespmem:s9+$0x70]  }
0x1f4: {  	v6 =	vld [tilespmem:s9+$0xFFFFFF70];
	_ =	sdelay $0x1  }
0x1f5: {  	v3 =	vld.idx.msk [tilespmem:v3+s4+$0x0], $0xffff  }
0x1f6: {  	v2 =	vld.idx.msk [tilespmem:v2+s4+$0x0], $0xffff  }
0x1f7: {  	v1 =	vld.idx.msk [tilespmem:v1+s4+$0x0], $0xffff  }
0x1f8: {  	v8 =	vld.idx.msk [tilespmem:v8+s4+$0x0], $0xffff  }
0x1f9: {  	v4 =	vadd.f32 v4, v0;
	v7 =	vld.idx.msk [tilespmem:v7+s4+$0x0], $0xffff  }
0x1fa: {  	v3 =	vadd.f32 v3, v0;
	v59 =	vld.idx.msk [tilespmem:v5+s4+$0x0], $0xffff  }
0x1fb: {  	v2 =	vadd.f32 v2, v0;
	[tilespmem:s7+$0x0] =	vst v4;
	v6 =	vld.idx.msk [tilespmem:v6+s4+$0x0], $0xffff  }
0x1fc: {  	v1 =	vadd.f32 v1, v0;
	[tilespmem:s7+$0xFFFFFE80] =	vst v3  }
0x1fd: {  	s5 =	sadd.s32 $0x1, s5;
	[tilespmem:s7+$0xFFFFFF00] =	vst v2;
	v60 =	vadd.f32 v8, v0  }
0x1fe: {  	p1 =	sne.s32 s5, $0x19;
	[tilespmem:s7+$0xFFFFFF80] =	vst v1;
	v62 =	vadd.f32 v7, v0  }
.Ltmp2:
0x1ff: {  	s6 =	sshll.u32 s6, $0x11;
	[tilespmem:s11+$0x0] =	vst v60;
	v63 =	vadd.f32 v59, v0;
	(pc) =	sbr.rel @p1 .LBB2_2-.Ltmp2, $4  }
0x200: {  	s6 =	sor.u32 s18, s6;
	v61 =	vadd.f32 v6, v0;
	[tilespmem:s11+$0xFFFFFF00] =	vst v62  }
0x201: {  	s6 =	sshrl.u32 s6, $0x3;
	[tilespmem:s11+$0xFFFFFF80] =	vst v63  }
0x202: {  	s6 =	sadd.s32 s2, s6;
	[tilespmem:s11+$0xFFFFFE80] =	vst v61  }
0x203: {  	[hbm4b:s6+s24] =	stream.strided.scatter [tilespmem:s28], [sflag:$0x2], $0x1000, s25, s24, $0x38;
	[tilespmem:$0x1E968] =	vst v63  }
0x204: {  	[bflag:$0x0] =	sbarrier.arrive $0xFFFF  }
0x205: {  	s5 =	rddreg [dreg:$0x9]  }
0x206: {  	s6 =	rddreg [dreg:$0xa];
	s5 =	sshrl.u32 @p0 s5, $0x3  }
0x207: {  	[spmem:s5], [sflag:s21] =	dma.local @p0 [hbm:s6], $0x600  }
0x208: {  	s6 =	simm.s32 @p0 $0x3  }
0x209: {  	_ =	swait.ge @p0 [sflag:s6], $0x600  }
0x20a: {  	[sflag:s6] =	ssyncset.done @p0 $0x0  }
0x20b: {  	[sflag:s6] =	ssyncadd.s32 @p0 $0xFFFFFA00;
	s6 =	rddreg [dreg:$0x8]  }
0x20c: {  	[spmem:s0], [sflag:s1] =	dma.local @!p0 [hbm:s6], $0x800  }
0x20d: {  	s6 =	simm.s32 @!p0 $0x3  }
0x20e: {  	_ =	swait.ge @!p0 [sflag:s6], $0x800  }
0x20f: {  	[sflag:s6] =	ssyncset.done @!p0 $0x0  }
0x210: {  	[sflag:s6] =	ssyncadd.s32 @!p0 $0xFFFFF800  }
0x211: {  	s6 =	simm.s32 $0x0;
	[bflag:$0x0] =	sbarrier.arrive $0xFFFF  }
.LBB2_8:
0x212: {  	_ =	swait.ge [sflag:s29], $0x1000;
	s7 =	sshll.u32 s6, $0xD  }
0x213: {  	[sflag:s29] =	ssyncset.done $0x0;
	s7 =	sand.u32 $0x3FFFE000, s7  }
0x214: {  	[sflag:s29] =	ssyncadd.s32 $0xFFFFF000;
	s9 =	sadd.s32 s7, s3  }
0x215: {  	[tilespmem:s23], [sflag:$0x3] =	stream.linear.gather [spmem:s9], $0x1000, $0x38;
	[tilespmem:$0x1E968] =	vst v63  }
0x216: {  	_ =	swait.ge [sflag:s19], $0x1000  }
0x217: {  	s7 =	sshll.u32 s6, $0x1;
	[sflag:s19] =	ssyncset.done $0x0  }
0x218: {  	s14 =	simm.s32 $0x187A0;
	s10 =	sadd.s32 $0x32, s7;
	[sflag:s19] =	ssyncadd.s32 $0xFFFFF000  }
0x219: {  	v0 =	vmov s10;
	v1 =	vld [tilespmem:s14+$0x80]  }
0x21a: {  	v0 =	vbroadcast v0, $0x0;
	v2 =	vld [tilespmem:s14+$0xFFFFFF80];
	_ =	sdelay $0x1  }
0x21b: {  	v4 =	vld [tilespmem:s14+$0xFFFFFF00]  }
0x21c: {  	v3 =	vld [tilespmem:s14+$0x0];
	_ =	sdelay $0x2  }
0x21d: {  	v0 =	vld.idx.msk [tilespmem:v0+s20+$0x0], $0xffff  }
0x21e: {  	v1 =	vld.idx.msk [tilespmem:v1+s4+$0x0], $0xffff  }
0x21f: {  	v2 =	vld.idx.msk [tilespmem:v2+s4+$0x0], $0xffff;
	_ =	sdelay $0x1  }
0x220: {  	v4 =	vld.idx.msk [tilespmem:v4+s4+$0x0], $0xffff  }
0x221: {  	v3 =	vld.idx.msk [tilespmem:v3+s4+$0x0], $0xffff  }
0x222: {  	v1 =	vadd.f32 v1, v0  }
0x223: {  	s11 =	simm.s32 $0x197A0;
	v2 =	vadd.f32 v2, v0  }
0x224: {  	[tilespmem:s11+$0x80] =	vst v1  }
0x225: {  	v1 =	vadd.f32 v4, v0;
	[tilespmem:s11+$0xFFFFFF80] =	vst v2;
	v2 =	vld [tilespmem:s14+$0x90]  }
0x226: {  	v3 =	vadd.f32 v3, v0;
	v4 =	vld [tilespmem:s14+$0xFFFFFF90]  }
0x227: {  	[tilespmem:s11+$0xFFFFFF00] =	vst v1  }
0x228: {  	[tilespmem:s11+$0x0] =	vst v3;
	v3 =	vld [tilespmem:s14+$0xFFFFFF10];
	_ =	sdelay $0x2  }
0x229: {  	v1 =	vld [tilespmem:s14+$0x10];
	_ =	sdelay $0x1  }
0x22a: {  	v2 =	vld.idx.msk [tilespmem:v2+s4+$0x0], $0xffff  }
0x22b: {  	v4 =	vld.idx.msk [tilespmem:v4+s4+$0x0], $0xffff;
	_ =	sdelay $0x1  }
0x22c: {  	v3 =	vld.idx.msk [tilespmem:v3+s4+$0x0], $0xffff;
	_ =	sdelay $0x1  }
0x22d: {  	v2 =	vadd.f32 v2, v0  }
0x22e: {  	v1 =	vld.idx.msk [tilespmem:v1+s4+$0x0], $0xffff;
	v4 =	vadd.f32 v4, v0  }
0x22f: {  	[tilespmem:s11+$0x90] =	vst v2  }
0x230: {  	v2 =	vadd.f32 v3, v0;
	[tilespmem:s11+$0xFFFFFF90] =	vst v4;
	v3 =	vld [tilespmem:s14+$0xA0]  }
0x231: {  	v4 =	vld [tilespmem:s14+$0xFFFFFFA0];
	_ =	sdelay $0x1  }
0x232: {  	v1 =	vadd.f32 v1, v0;
	_ =	sdelay $0x1  }
0x233: {  	[tilespmem:s11+$0x10] =	vst v1  }
0x234: {  	[tilespmem:s11+$0xFFFFFF10] =	vst v2;
	v1 =	vld [tilespmem:s14+$0x20]  }
0x235: {  	v2 =	vld [tilespmem:s14+$0xFFFFFF20]  }
0x236: {  	v3 =	vld.idx.msk [tilespmem:v3+s4+$0x0], $0xffff  }
0x237: {  	v4 =	vld.idx.msk [tilespmem:v4+s4+$0x0], $0xffff;
	_ =	sdelay $0x3  }
0x238: {  	v3 =	vadd.f32 v3, v0  }
0x239: {  	v1 =	vld.idx.msk [tilespmem:v1+s4+$0x0], $0xffff;
	v4 =	vadd.f32 v4, v0  }
0x23a: {  	v2 =	vld.idx.msk [tilespmem:v2+s4+$0x0], $0xffff;
	[tilespmem:s11+$0xA0] =	vst v3  }
0x23b: {  	[tilespmem:s11+$0xFFFFFFA0] =	vst v4;
	v3 =	vld [tilespmem:s14+$0xB0]  }
0x23c: {  	s12 =	simm.s32 $0x189A0;
	v4 =	vld [tilespmem:s14+$0xFFFFFFB0]  }
0x23d: {  	v5 =	vld [tilespmem:s12+$0x80]  }
0x23e: {  	v6 =	vld [tilespmem:s12+$0xFFFFFF80];
	v1 =	vadd.f32 v1, v0  }
0x23f: {  	v7 =	vld [tilespmem:s12+$0x0];
	v2 =	vadd.f32 v2, v0  }
0x240: {  	v8 =	vld [tilespmem:s12+$0xFFFFFF00];
	[tilespmem:s11+$0x20] =	vst v1  }
0x241: {  	[tilespmem:s11+$0xFFFFFF20] =	vst v2;
	v1 =	vld [tilespmem:s14+$0x30]  }
0x242: {  	v2 =	vld [tilespmem:s14+$0xFFFFFF30]  }
0x243: {  	v3 =	vld.idx.msk [tilespmem:v3+s4+$0x0], $0xffff  }
0x244: {  	v4 =	vld.idx.msk [tilespmem:v4+s4+$0x0], $0xffff  }
0x245: {  	v5 =	vld.idx.msk [tilespmem:v5+s4+$0x0], $0xffff  }
0x246: {  	v6 =	vld.idx.msk [tilespmem:v6+s4+$0x0], $0xffff  }
0x247: {  	v7 =	vld.idx.msk [tilespmem:v7+s4+$0x0], $0xffff  }
0x248: {  	v8 =	vld.idx.msk [tilespmem:v8+s4+$0x0], $0xffff;
	v3 =	vadd.f32 v3, v0  }
0x249: {  	v1 =	vld.idx.msk [tilespmem:v1+s4+$0x0], $0xffff;
	v4 =	vadd.f32 v4, v0  }
0x24a: {  	v5 =	vadd.f32 v5, v0;
	v2 =	vld.idx.msk [tilespmem:v2+s4+$0x0], $0xffff;
	[tilespmem:s11+$0xB0] =	vst v3  }
0x24b: {  	s13 =	simm.s32 $0x199A0;
	v6 =	vadd.f32 v6, v0;
	[tilespmem:s11+$0xFFFFFFB0] =	vst v4;
	v3 =	vld [tilespmem:s14+$0xC0]  }
0x24c: {  	v7 =	vadd.f32 v7, v0;
	[tilespmem:s13+$0x80] =	vst v5;
	v4 =	vld [tilespmem:s14+$0xFFFFFFC0]  }
0x24d: {  	v5 =	vadd.f32 v8, v0;
	[tilespmem:s13+$0xFFFFFF80] =	vst v6  }
0x24e: {  	[tilespmem:s13+$0x0] =	vst v7;
	v1 =	vadd.f32 v1, v0  }
0x24f: {  	v6 =	vld [tilespmem:s12+$0x90];
	[tilespmem:s13+$0xFFFFFF00] =	vst v5;
	v2 =	vadd.f32 v2, v0  }
0x250: {  	v7 =	vld [tilespmem:s12+$0xFFFFFF10];
	[tilespmem:s11+$0x30] =	vst v1  }
0x251: {  	[tilespmem:s11+$0xFFFFFF30] =	vst v2;
	v1 =	vld [tilespmem:s14+$0x40]  }
0x252: {  	v2 =	vld [tilespmem:s14+$0xFFFFFF40]  }
0x253: {  	v3 =	vld.idx.msk [tilespmem:v3+s4+$0x0], $0xffff  }
0x254: {  	v4 =	vld.idx.msk [tilespmem:v4+s4+$0x0], $0xffff  }
0x255: {  	v8 =	vld [tilespmem:s12+$0xFFFFFF90]  }
0x256: {  	v5 =	vld [tilespmem:s12+$0x10]  }
0x257: {  	v6 =	vld.idx.msk [tilespmem:v6+s4+$0x0], $0xffff  }
0x258: {  	v7 =	vld.idx.msk [tilespmem:v7+s4+$0x0], $0xffff;
	v3 =	vadd.f32 v3, v0  }
0x259: {  	v1 =	vld.idx.msk [tilespmem:v1+s4+$0x0], $0xffff;
	v4 =	vadd.f32 v4, v0  }
0x25a: {  	v2 =	vld.idx.msk [tilespmem:v2+s4+$0x0], $0xffff;
	[tilespmem:s11+$0xC0] =	vst v3  }
0x25b: {  	[tilespmem:s11+$0xFFFFFFC0] =	vst v4;
	v3 =	vld [tilespmem:s14+$0xD0]  }
0x25c: {  	v4 =	vld [tilespmem:s14+$0xFFFFFFD0]  }
0x25d: {  	v8 =	vld.idx.msk [tilespmem:v8+s4+$0x0], $0xffff;
	v6 =	vadd.f32 v6, v0  }
0x25e: {  	v5 =	vld.idx.msk [tilespmem:v5+s4+$0x0], $0xffff;
	v1 =	vadd.f32 v1, v0  }
0x25f: {  	[tilespmem:s13+$0x90] =	vst v6;
	v2 =	vadd.f32 v2, v0  }
0x260: {  	v6 =	vadd.f32 v7, v0;
	v7 =	vld [tilespmem:s12+$0xA0];
	[tilespmem:s11+$0x40] =	vst v1  }
0x261: {  	[tilespmem:s11+$0xFFFFFF40] =	vst v2;
	v1 =	vld [tilespmem:s14+$0x50]  }
0x262: {  	v8 =	vadd.f32 v8, v0;
	v2 =	vld [tilespmem:s14+$0xFFFFFF50]  }
0x263: {  	v5 =	vadd.f32 v5, v0;
	v3 =	vld.idx.msk [tilespmem:v3+s4+$0x0], $0xffff  }
0x264: {  	[tilespmem:s13+$0xFFFFFF90] =	vst v8;
	v4 =	vld.idx.msk [tilespmem:v4+s4+$0x0], $0xffff  }
0x265: {  	v8 =	vld [tilespmem:s12+$0xFFFFFFA0];
	[tilespmem:s13+$0x10] =	vst v5  }
0x266: {  	[tilespmem:s13+$0xFFFFFF10] =	vst v6;
	v5 =	vld [tilespmem:s12+$0x20]  }
0x267: {  	v6 =	vld [tilespmem:s12+$0xFFFFFF20]  }
0x268: {  	v7 =	vld.idx.msk [tilespmem:v7+s4+$0x0], $0xffff;
	v3 =	vadd.f32 v3, v0  }
0x269: {  	v1 =	vld.idx.msk [tilespmem:v1+s4+$0x0], $0xffff;
	v4 =	vadd.f32 v4, v0  }
0x26a: {  	v2 =	vld.idx.msk [tilespmem:v2+s4+$0x0], $0xffff;
	[tilespmem:s11+$0xD0] =	vst v3  }
0x26b: {  	[tilespmem:s11+$0xFFFFFFD0] =	vst v4;
	v3 =	vld [tilespmem:s14+$0xE0]  }
0x26c: {  	v4 =	vld [tilespmem:s14+$0xFFFFFFE0]  }
0x26d: {  	v8 =	vld.idx.msk [tilespmem:v8+s4+$0x0], $0xffff;
	v7 =	vadd.f32 v7, v0  }
0x26e: {  	v5 =	vld.idx.msk [tilespmem:v5+s4+$0x0], $0xffff;
	v1 =	vadd.f32 v1, v0  }
0x26f: {  	v6 =	vld.idx.msk [tilespmem:v6+s4+$0x0], $0xffff;
	[tilespmem:s13+$0xA0] =	vst v7;
	v2 =	vadd.f32 v2, v0  }
0x270: {  	v7 =	vld [tilespmem:s12+$0xB0];
	[tilespmem:s11+$0x50] =	vst v1  }
0x271: {  	[tilespmem:s11+$0xFFFFFF50] =	vst v2;
	v1 =	vld [tilespmem:s14+$0x60]  }
0x272: {  	v8 =	vadd.f32 v8, v0;
	v2 =	vld [tilespmem:s14+$0xFFFFFF60]  }
0x273: {  	v5 =	vadd.f32 v5, v0;
	v3 =	vld.idx.msk [tilespmem:v3+s4+$0x0], $0xffff  }
0x274: {  	v6 =	vadd.f32 v6, v0;
	[tilespmem:s13+$0xFFFFFFA0] =	vst v8;
	v4 =	vld.idx.msk [tilespmem:v4+s4+$0x0], $0xffff  }
0x275: {  	v9 =	vld [tilespmem:s12+$0xFFFFFFB0];
	[tilespmem:s13+$0x20] =	vst v5  }
0x276: {  	[tilespmem:s13+$0xFFFFFF20] =	vst v6;
	v5 =	vld [tilespmem:s12+$0x30]  }
0x277: {  	v10 =	vld [tilespmem:s12+$0xFFFFFF30]  }
0x278: {  	v3 =	vadd.f32 v3, v0  }
0x279: {  	v1 =	vld.idx.msk [tilespmem:v1+s4+$0x0], $0xffff;
	v4 =	vadd.f32 v4, v0  }
0x27a: {  	v2 =	vld.idx.msk [tilespmem:v2+s4+$0x0], $0xffff;
	[tilespmem:s11+$0xE0] =	vst v3  }
0x27b: {  	[tilespmem:s11+$0xFFFFFFE0] =	vst v4;
	v4 =	vld [tilespmem:s14+$0xF0]  }
0x27c: {  	v8 =	vld.idx.msk [tilespmem:v7+s4+$0x0], $0xffff  }
0x27d: {  	v6 =	vld.idx.msk [tilespmem:v9+s4+$0x0], $0xffff  }
0x27e: {  	v5 =	vld.idx.msk [tilespmem:v5+s4+$0x0], $0xffff;
	v1 =	vadd.f32 v1, v0  }
0x27f: {  	v7 =	vld.idx.msk [tilespmem:v10+s4+$0x0], $0xffff;
	v3 =	vadd.f32 v2, v0  }
0x280: {  	v2 =	vld [tilespmem:s14+$0xFFFFFFF0];
	[tilespmem:s11+$0x60] =	vst v1  }
0x281: {  	[tilespmem:s11+$0xFFFFFF60] =	vst v3;
	v1 =	vld [tilespmem:s14+$0x70]  }
0x282: {  	v3 =	vld [tilespmem:s14+$0xFFFFFF70]  }
0x283: {  	s15 =	simm.s32 $0x4;
	s16 =	simm.s32 $0x18BA0;
	s14 =	simm.s32 $0x199A0;
	v4 =	vld.idx.msk [tilespmem:v4+s4+$0x0], $0xffff  }
.LBB2_9:
0x284: {  	v9 =	vld [tilespmem:s16+$0x80];
	s15 =	sadd.s32 $0x4, s15  }
0x285: {  	v8 =	vadd.f32 v8, v0;
	v10 =	vld [tilespmem:s16+$0xFFFFFF80];
	p1 =	slt.u32 s15, $0x1C  }
0x286: {  	v6 =	vadd.f32 v6, v0;
	v11 =	vld [tilespmem:s16+$0x0]  }
0x287: {  	v5 =	vadd.f32 v5, v0;
	v12 =	vld [tilespmem:s16+$0xFFFFFF00];
	[tilespmem:s13+$0xB0] =	vst v8  }
0x288: {  	v7 =	vadd.f32 v7, v0;
	[tilespmem:s13+$0xFFFFFFB0] =	vst v6;
	v6 =	vld [tilespmem:s12+$0xC0]  }
0x289: {  	v4 =	vadd.f32 v4, v0;
	v8 =	vld [tilespmem:s12+$0xFFFFFFC0];
	[tilespmem:s13+$0x30] =	vst v5  }
0x28a: {  	[tilespmem:s13+$0xFFFFFF30] =	vst v7;
	v5 =	vld [tilespmem:s12+$0x40]  }
0x28b: {  	v7 =	vld [tilespmem:s12+$0xFFFFFF40];
	[tilespmem:s11+$0xF0] =	vst v4  }
0x28c: {  	v4 =	vld.idx.msk [tilespmem:v9+s4+$0x0], $0xffff  }
0x28d: {  	v9 =	vld.idx.msk [tilespmem:v10+s4+$0x0], $0xffff  }
0x28e: {  	v10 =	vld.idx.msk [tilespmem:v11+s4+$0x0], $0xffff  }
0x28f: {  	v11 =	vld.idx.msk [tilespmem:v12+s4+$0x0], $0xffff  }
0x290: {  	v6 =	vld.idx.msk [tilespmem:v6+s4+$0x0], $0xffff  }
0x291: {  	v8 =	vld.idx.msk [tilespmem:v8+s4+$0x0], $0xffff  }
0x292: {  	v4 =	vadd.f32 v4, v0;
	v5 =	vld.idx.msk [tilespmem:v5+s4+$0x0], $0xffff  }
0x293: {  	s13 =	sadd.s32 $0x200, s13;
	v9 =	vadd.f32 v9, v0;
	v7 =	vld.idx.msk [tilespmem:v7+s4+$0x0], $0xffff  }
0x294: {  	v10 =	vadd.f32 v10, v0;
	[tilespmem:s13+$0x80] =	vst v4;
	v3 =	vld.idx.msk [tilespmem:v3+s4+$0x0], $0xffff  }
0x295: {  	v4 =	vadd.f32 v11, v0;
	[tilespmem:s13+$0xFFFFFF80] =	vst v9;
	v9 =	vld [tilespmem:s16+$0x90]  }
0x296: {  	v6 =	vadd.f32 v6, v0;
	v11 =	vld [tilespmem:s16+$0xFFFFFF90];
	[tilespmem:s13+$0x0] =	vst v10  }
0x297: {  	v8 =	vadd.f32 v8, v0;
	[tilespmem:s13+$0xFFFFFF00] =	vst v4;
	v4 =	vld [tilespmem:s16+$0x10]  }
0x298: {  	v5 =	vadd.f32 v5, v0;
	v10 =	vld [tilespmem:s16+$0xFFFFFF10];
	[tilespmem:s14+$0xC0] =	vst v6  }
0x299: {  	v6 =	vadd.f32 v7, v0;
	[tilespmem:s14+$0xFFFFFFC0] =	vst v8;
	v7 =	vld [tilespmem:s12+$0xD0]  }
0x29a: {  	v3 =	vadd.f32 v3, v0;
	v8 =	vld [tilespmem:s12+$0xFFFFFFD0];
	[tilespmem:s14+$0x40] =	vst v5  }
0x29b: {  	[tilespmem:s14+$0xFFFFFF40] =	vst v6;
	v5 =	vld [tilespmem:s12+$0x50]  }
0x29c: {  	v6 =	vld [tilespmem:s12+$0xFFFFFF50];
	[tilespmem:s11+$0xFFFFFF70] =	vst v3  }
0x29d: {  	v3 =	vld.idx.msk [tilespmem:v9+s4+$0x0], $0xffff  }
0x29e: {  	v9 =	vld.idx.msk [tilespmem:v11+s4+$0x0], $0xffff  }
0x29f: {  	v4 =	vld.idx.msk [tilespmem:v4+s4+$0x0], $0xffff  }
0x2a0: {  	v10 =	vld.idx.msk [tilespmem:v10+s4+$0x0], $0xffff  }
0x2a1: {  	v7 =	vld.idx.msk [tilespmem:v7+s4+$0x0], $0xffff  }
0x2a2: {  	v8 =	vld.idx.msk [tilespmem:v8+s4+$0x0], $0xffff  }
0x2a3: {  	v3 =	vadd.f32 v3, v0;
	v5 =	vld.idx.msk [tilespmem:v5+s4+$0x0], $0xffff  }
0x2a4: {  	v9 =	vadd.f32 v9, v0;
	v6 =	vld.idx.msk [tilespmem:v6+s4+$0x0], $0xffff  }
0x2a5: {  	v4 =	vadd.f32 v4, v0;
	[tilespmem:s13+$0x90] =	vst v3;
	v2 =	vld.idx.msk [tilespmem:v2+s4+$0x0], $0xffff  }
0x2a6: {  	v3 =	vadd.f32 v10, v0;
	[tilespmem:s13+$0xFFFFFF90] =	vst v9;
	v9 =	vld [tilespmem:s16+$0xA0]  }
0x2a7: {  	v10 =	vld [tilespmem:s16+$0xFFFFFFA0];
	[tilespmem:s13+$0x10] =	vst v4;
	v4 =	vadd.f32 v7, v0  }
0x2a8: {  	v7 =	vadd.f32 v8, v0;
	[tilespmem:s13+$0xFFFFFF10] =	vst v3;
	v3 =	vld [tilespmem:s16+$0x20]  }
0x2a9: {  	v5 =	vadd.f32 v5, v0;
	v8 =	vld [tilespmem:s16+$0xFFFFFF20];
	[tilespmem:s14+$0xD0] =	vst v4  }
0x2aa: {  	v4 =	vadd.f32 v6, v0;
	[tilespmem:s14+$0xFFFFFFD0] =	vst v7;
	v6 =	vld [tilespmem:s12+$0xE0]  }
0x2ab: {  	v2 =	vadd.f32 v2, v0;
	v7 =	vld [tilespmem:s12+$0xFFFFFFE0];
	[tilespmem:s14+$0x50] =	vst v5  }
0x2ac: {  	[tilespmem:s14+$0xFFFFFF50] =	vst v4;
	v4 =	vld [tilespmem:s12+$0x60]  }
0x2ad: {  	v5 =	vld [tilespmem:s12+$0xFFFFFF60];
	[tilespmem:s11+$0xFFFFFFF0] =	vst v2  }
0x2ae: {  	v2 =	vld.idx.msk [tilespmem:v9+s4+$0x0], $0xffff  }
0x2af: {  	v9 =	vld.idx.msk [tilespmem:v10+s4+$0x0], $0xffff  }
0x2b0: {  	v3 =	vld.idx.msk [tilespmem:v3+s4+$0x0], $0xffff  }
0x2b1: {  	v8 =	vld.idx.msk [tilespmem:v8+s4+$0x0], $0xffff  }
0x2b2: {  	v6 =	vld.idx.msk [tilespmem:v6+s4+$0x0], $0xffff  }
0x2b3: {  	v7 =	vld.idx.msk [tilespmem:v7+s4+$0x0], $0xffff  }
0x2b4: {  	v2 =	vadd.f32 v2, v0;
	v4 =	vld.idx.msk [tilespmem:v4+s4+$0x0], $0xffff  }
0x2b5: {  	v9 =	vadd.f32 v9, v0;
	v5 =	vld.idx.msk [tilespmem:v5+s4+$0x0], $0xffff  }
0x2b6: {  	v3 =	vadd.f32 v3, v0;
	[tilespmem:s13+$0xA0] =	vst v2;
	v1 =	vld.idx.msk [tilespmem:v1+s4+$0x0], $0xffff  }
0x2b7: {  	v2 =	vadd.f32 v8, v0;
	[tilespmem:s13+$0xFFFFFFA0] =	vst v9;
	v8 =	vld [tilespmem:s16+$0xB0]  }
0x2b8: {  	v9 =	vld [tilespmem:s16+$0xFFFFFFB0];
	[tilespmem:s13+$0x20] =	vst v3;
	v3 =	vadd.f32 v6, v0  }
0x2b9: {  	[tilespmem:s13+$0xFFFFFF20] =	vst v2;
	v10 =	vld [tilespmem:s16+$0x30];
	v2 =	vadd.f32 v7, v0  }
0x2ba: {  	v4 =	vadd.f32 v4, v0;
	v7 =	vld [tilespmem:s16+$0xFFFFFF30];
	[tilespmem:s14+$0xE0] =	vst v3  }
0x2bb: {  	v3 =	vadd.f32 v5, v0;
	[tilespmem:s14+$0xFFFFFFE0] =	vst v2;
	v11 =	vld [tilespmem:s12+$0xF0]  }
0x2bc: {  	v2 =	vld [tilespmem:s12+$0xFFFFFFF0];
	[tilespmem:s14+$0x60] =	vst v4;
	v4 =	vadd.f32 v1, v0  }
0x2bd: {  	[tilespmem:s14+$0xFFFFFF60] =	vst v3;
	v1 =	vld [tilespmem:s12+$0x70]  }
0x2be: {  	v3 =	vld [tilespmem:s12+$0xFFFFFF70];
	[tilespmem:s11+$0x70] =	vst v4;
	s11 =	smov.u32 s14;
	s14 =	smov.u32 s13;
	s12 =	smov.u32 s16  }
.Ltmp3:
0x2bf: {  	v8 =	vld.idx.msk [tilespmem:v8+s4+$0x0], $0xffff;
	(pc) =	sbr.rel @p1 .LBB2_9-.Ltmp3, $4  }
0x2c0: {  	v6 =	vld.idx.msk [tilespmem:v9+s4+$0x0], $0xffff  }
0x2c1: {  	v5 =	vld.idx.msk [tilespmem:v10+s4+$0x0], $0xffff  }
0x2c2: {  	v7 =	vld.idx.msk [tilespmem:v7+s4+$0x0], $0xffff  }
0x2c3: {  	s16 =	sadd.s32 $0x200, s16;
	v4 =	vld.idx.msk [tilespmem:v11+s4+$0x0], $0xffff  }
0x2c4: {  	v8 =	vadd.f32 v8, v0;
	_ =	sdelay $0x1  }
0x2c5: {  	v6 =	vadd.f32 v6, v0;
	[tilespmem:s13+$0xB0] =	vst v8  }
0x2c6: {  	v7 =	vadd.f32 v7, v0;
	v8 =	vld [tilespmem:s12+$0xC0]  }
0x2c7: {  	v5 =	vadd.f32 v5, v0;
	[tilespmem:s13+$0xFFFFFFB0] =	vst v6  }
0x2c8: {  	[tilespmem:s13+$0xFFFFFF30] =	vst v7;
	v7 =	vld [tilespmem:s12+$0xFFFFFFC0]  }
0x2c9: {  	[tilespmem:s13+$0x30] =	vst v5;
	v6 =	vld [tilespmem:s12+$0xFFFFFF40]  }
0x2ca: {  	v5 =	vld [tilespmem:s12+$0x40];
	_ =	sdelay $0x3  }
0x2cb: {  	v8 =	vld.idx.msk [tilespmem:v8+s4+$0x0], $0xffff;
	_ =	sdelay $0x1  }
0x2cc: {  	v7 =	vld.idx.msk [tilespmem:v7+s4+$0x0], $0xffff  }
0x2cd: {  	v6 =	vld.idx.msk [tilespmem:v6+s4+$0x0], $0xffff  }
0x2ce: {  	v5 =	vld.idx.msk [tilespmem:v5+s4+$0x0], $0xffff  }
0x2cf: {  	v8 =	vadd.f32 v8, v0;
	_ =	sdelay $0x1  }
0x2d0: {  	v7 =	vadd.f32 v7, v0;
	[tilespmem:s14+$0xC0] =	vst v8  }
0x2d1: {  	v6 =	vadd.f32 v6, v0;
	v8 =	vld [tilespmem:s12+$0xD0]  }
0x2d2: {  	v5 =	vadd.f32 v5, v0;
	[tilespmem:s14+$0xFFFFFFC0] =	vst v7  }
0x2d3: {  	[tilespmem:s14+$0xFFFFFF40] =	vst v6;
	v7 =	vld [tilespmem:s12+$0xFFFFFFD0]  }
0x2d4: {  	[tilespmem:s14+$0x40] =	vst v5;
	v6 =	vld [tilespmem:s12+$0xFFFFFF50]  }
0x2d5: {  	v5 =	vld [tilespmem:s12+$0x50];
	_ =	sdelay $0x3  }
0x2d6: {  	v8 =	vld.idx.msk [tilespmem:v8+s4+$0x0], $0xffff;
	_ =	sdelay $0x1  }
0x2d7: {  	v7 =	vld.idx.msk [tilespmem:v7+s4+$0x0], $0xffff  }
0x2d8: {  	v6 =	vld.idx.msk [tilespmem:v6+s4+$0x0], $0xffff  }
0x2d9: {  	v5 =	vld.idx.msk [tilespmem:v5+s4+$0x0], $0xffff  }
0x2da: {  	v8 =	vadd.f32 v8, v0;
	_ =	sdelay $0x1  }
0x2db: {  	v7 =	vadd.f32 v7, v0;
	[tilespmem:s14+$0xD0] =	vst v8  }
0x2dc: {  	v6 =	vadd.f32 v6, v0;
	v8 =	vld [tilespmem:s12+$0xE0]  }
0x2dd: {  	v5 =	vadd.f32 v5, v0;
	[tilespmem:s14+$0xFFFFFFD0] =	vst v7  }
0x2de: {  	[tilespmem:s14+$0xFFFFFF50] =	vst v6;
	v7 =	vld [tilespmem:s12+$0xFFFFFFE0]  }
0x2df: {  	[tilespmem:s14+$0x50] =	vst v5;
	v6 =	vld [tilespmem:s12+$0xFFFFFF60]  }
0x2e0: {  	v5 =	vld [tilespmem:s12+$0x60];
	_ =	sdelay $0x3  }
0x2e1: {  	v8 =	vld.idx.msk [tilespmem:v8+s4+$0x0], $0xffff;
	_ =	sdelay $0x1  }
0x2e2: {  	v7 =	vld.idx.msk [tilespmem:v7+s4+$0x0], $0xffff  }
0x2e3: {  	v6 =	vld.idx.msk [tilespmem:v6+s4+$0x0], $0xffff  }
0x2e4: {  	v5 =	vld.idx.msk [tilespmem:v5+s4+$0x0], $0xffff  }
0x2e5: {  	v8 =	vadd.f32 v8, v0;
	_ =	sdelay $0x1  }
0x2e6: {  	v7 =	vadd.f32 v7, v0;
	[tilespmem:s14+$0xE0] =	vst v8  }
0x2e7: {  	v6 =	vadd.f32 v6, v0;
	v8 =	vld [tilespmem:s12+$0xF0]  }
0x2e8: {  	v5 =	vadd.f32 v5, v0;
	[tilespmem:s14+$0xFFFFFFE0] =	vst v7  }
0x2e9: {  	[tilespmem:s14+$0xFFFFFF60] =	vst v6;
	v7 =	vld [tilespmem:s12+$0xFFFFFFF0]  }
0x2ea: {  	[tilespmem:s14+$0x60] =	vst v5;
	v6 =	vld [tilespmem:s12+$0xFFFFFF70]  }
0x2eb: {  	v5 =	vld [tilespmem:s12+$0x70];
	_ =	sdelay $0x1  }
0x2ec: {  	v2 =	vld.idx.msk [tilespmem:v2+s4+$0x0], $0xffff  }
0x2ed: {  	v3 =	vld.idx.msk [tilespmem:v3+s4+$0x0], $0xffff  }
0x2ee: {  	v8 =	vld.idx.msk [tilespmem:v8+s4+$0x0], $0xffff  }
0x2ef: {  	v1 =	vld.idx.msk [tilespmem:v1+s4+$0x0], $0xffff  }
0x2f0: {  	v4 =	vadd.f32 v4, v0;
	v7 =	vld.idx.msk [tilespmem:v7+s4+$0x0], $0xffff  }
0x2f1: {  	v2 =	vadd.f32 v2, v0;
	v6 =	vld.idx.msk [tilespmem:v6+s4+$0x0], $0xffff  }
0x2f2: {  	v3 =	vadd.f32 v3, v0;
	[tilespmem:s11+$0xF0] =	vst v4;
	v4 =	vld.idx.msk [tilespmem:v5+s4+$0x0], $0xffff  }
0x2f3: {  	[tilespmem:s11+$0xFFFFFFF0] =	vst v2;
	v2 =	vadd.f32 v8, v0  }
0x2f4: {  	v1 =	vadd.f32 v1, v0;
	[tilespmem:s11+$0xFFFFFF70] =	vst v3  }
0x2f5: {  	[tilespmem:s14+$0xF0] =	vst v2;
	v2 =	vadd.f32 v7, v0  }
0x2f6: {  	s10 =	sshll.u32 s10, $0x11;
	[tilespmem:s11+$0x70] =	vst v1;
	v1 =	vadd.f32 v6, v0  }
0x2f7: {  	s10 =	sor.u32 s18, s10;
	v0 =	vadd.f32 v4, v0;
	[tilespmem:s14+$0xFFFFFFF0] =	vst v2  }
0x2f8: {  	s10 =	sshrl.u32 s10, $0x3;
	[tilespmem:s14+$0xFFFFFF70] =	vst v1  }
0x2f9: {  	s10 =	sadd.s32 s2, s10;
	[tilespmem:s14+$0x70] =	vst v0  }
0x2fa: {  	[hbm4b:s10+s24] =	stream.strided.scatter [tilespmem:s26], [sflag:$0x1], $0x1000, s25, s24, $0x38;
	[tilespmem:$0x1E968] =	vst v63  }
0x2fb: {  	_ =	swait.ge [sflag:s30], $0x1000  }
0x2fc: {  	[sflag:s30] =	ssyncset.done $0x0  }
0x2fd: {  	s9 =	sadd.s32 $0x1000, s9;
	[sflag:s30] =	ssyncadd.s32 $0xFFFFF000  }
0x2fe: {  	[tilespmem:s23], [sflag:$0x3] =	stream.linear.gather [spmem:s9], $0x1000, $0x38;
	[tilespmem:$0x1E968] =	vst v63  }
0x2ff: {  	_ =	swait.ge [sflag:s19], $0x1000  }
0x300: {  	[sflag:s19] =	ssyncset.done $0x0  }
0x301: {  	s16 =	simm.s32 $0x187A0;
	[sflag:s19] =	ssyncadd.s32 $0xFFFFF000  }
0x302: {  	v1 =	vld [tilespmem:s16+$0x80]  }
0x303: {  	s7 =	sadd.s32 $0x33, s7;
	v2 =	vld [tilespmem:s16+$0xFFFFFF80]  }
0x304: {  	v0 =	vmov s7  }
0x305: {  	v4 =	vld [tilespmem:s16+$0xFFFFFF00]  }
0x306: {  	v3 =	vld [tilespmem:s16+$0x0];
	_ =	sdelay $0x2  }
0x307: {  	v0 =	vld.idx.msk [tilespmem:v0+s20+$0x0], $0xffff  }
0x308: {  	v1 =	vld.idx.msk [tilespmem:v1+s4+$0x0], $0xffff  }
0x309: {  	v2 =	vld.idx.msk [tilespmem:v2+s4+$0x0], $0xffff;
	_ =	sdelay $0x1  }
0x30a: {  	v4 =	vld.idx.msk [tilespmem:v4+s4+$0x0], $0xffff  }
0x30b: {  	v3 =	vld.idx.msk [tilespmem:v3+s4+$0x0], $0xffff  }
0x30c: {  	v1 =	vadd.f32 v1, v0  }
0x30d: {  	s9 =	simm.s32 $0x1A890;
	v2 =	vadd.f32 v2, v0  }
0x30e: {  	[tilespmem:s9+$0xFFFFFF90] =	vst v1  }
0x30f: {  	v1 =	vadd.f32 v4, v0;
	[tilespmem:s9+$0xFFFFFE90] =	vst v2;
	v2 =	vld [tilespmem:s16+$0x90]  }
0x310: {  	v3 =	vadd.f32 v3, v0;
	v4 =	vld [tilespmem:s16+$0xFFFFFF90]  }
0x311: {  	[tilespmem:s9+$0xFFFFFE10] =	vst v1  }
0x312: {  	[tilespmem:s9+$0xFFFFFF10] =	vst v3;
	v3 =	vld [tilespmem:s16+$0xFFFFFF10];
	_ =	sdelay $0x2  }
0x313: {  	v1 =	vld [tilespmem:s16+$0x10];
	_ =	sdelay $0x1  }
0x314: {  	v2 =	vld.idx.msk [tilespmem:v2+s4+$0x0], $0xffff  }
0x315: {  	v4 =	vld.idx.msk [tilespmem:v4+s4+$0x0], $0xffff;
	_ =	sdelay $0x1  }
0x316: {  	v3 =	vld.idx.msk [tilespmem:v3+s4+$0x0], $0xffff;
	_ =	sdelay $0x1  }
0x317: {  	v2 =	vadd.f32 v2, v0  }
0x318: {  	v1 =	vld.idx.msk [tilespmem:v1+s4+$0x0], $0xffff;
	v4 =	vadd.f32 v4, v0  }
0x319: {  	[tilespmem:s9+$0xFFFFFFA0] =	vst v2  }
0x31a: {  	v2 =	vadd.f32 v3, v0;
	[tilespmem:s9+$0xFFFFFEA0] =	vst v4;
	v3 =	vld [tilespmem:s16+$0xA0]  }
0x31b: {  	v4 =	vld [tilespmem:s16+$0xFFFFFFA0];
	_ =	sdelay $0x1  }
0x31c: {  	v1 =	vadd.f32 v1, v0;
	_ =	sdelay $0x1  }
0x31d: {  	[tilespmem:s9+$0xFFFFFF20] =	vst v1  }
0x31e: {  	[tilespmem:s9+$0xFFFFFE20] =	vst v2;
	v1 =	vld [tilespmem:s16+$0x20]  }
0x31f: {  	v2 =	vld [tilespmem:s16+$0xFFFFFF20]  }
0x320: {  	v3 =	vld.idx.msk [tilespmem:v3+s4+$0x0], $0xffff  }
0x321: {  	v4 =	vld.idx.msk [tilespmem:v4+s4+$0x0], $0xffff;
	_ =	sdelay $0x3  }
0x322: {  	v3 =	vadd.f32 v3, v0  }
0x323: {  	v1 =	vld.idx.msk [tilespmem:v1+s4+$0x0], $0xffff;
	v4 =	vadd.f32 v4, v0  }
0x324: {  	v2 =	vld.idx.msk [tilespmem:v2+s4+$0x0], $0xffff;
	[tilespmem:s9+$0xFFFFFFB0] =	vst v3  }
0x325: {  	[tilespmem:s9+$0xFFFFFEB0] =	vst v4;
	v3 =	vld [tilespmem:s16+$0xB0]  }
0x326: {  	s10 =	simm.s32 $0x189A0;
	v4 =	vld [tilespmem:s16+$0xFFFFFFB0]  }
0x327: {  	v5 =	vld [tilespmem:s10+$0x80]  }
0x328: {  	v6 =	vld [tilespmem:s10+$0xFFFFFF80];
	v1 =	vadd.f32 v1, v0  }
0x329: {  	v7 =	vld [tilespmem:s10+$0x0];
	v2 =	vadd.f32 v2, v0  }
0x32a: {  	v8 =	vld [tilespmem:s10+$0xFFFFFF00];
	[tilespmem:s9+$0xFFFFFF30] =	vst v1  }
0x32b: {  	[tilespmem:s9+$0xFFFFFE30] =	vst v2;
	v1 =	vld [tilespmem:s16+$0x30]  }
0x32c: {  	v2 =	vld [tilespmem:s16+$0xFFFFFF30]  }
0x32d: {  	v3 =	vld.idx.msk [tilespmem:v3+s4+$0x0], $0xffff  }
0x32e: {  	v4 =	vld.idx.msk [tilespmem:v4+s4+$0x0], $0xffff  }
0x32f: {  	v5 =	vld.idx.msk [tilespmem:v5+s4+$0x0], $0xffff  }
0x330: {  	v6 =	vld.idx.msk [tilespmem:v6+s4+$0x0], $0xffff  }
0x331: {  	v7 =	vld.idx.msk [tilespmem:v7+s4+$0x0], $0xffff  }
0x332: {  	v8 =	vld.idx.msk [tilespmem:v8+s4+$0x0], $0xffff;
	v3 =	vadd.f32 v3, v0  }
0x333: {  	v1 =	vld.idx.msk [tilespmem:v1+s4+$0x0], $0xffff;
	v4 =	vadd.f32 v4, v0  }
0x334: {  	v5 =	vadd.f32 v5, v0;
	v2 =	vld.idx.msk [tilespmem:v2+s4+$0x0], $0xffff;
	[tilespmem:s9+$0xFFFFFFC0] =	vst v3  }
0x335: {  	s11 =	simm.s32 $0x1AA90;
	v6 =	vadd.f32 v6, v0;
	[tilespmem:s9+$0xFFFFFEC0] =	vst v4;
	v3 =	vld [tilespmem:s16+$0xC0]  }
0x336: {  	v7 =	vadd.f32 v7, v0;
	[tilespmem:s11+$0xFFFFFF90] =	vst v5;
	v4 =	vld [tilespmem:s16+$0xFFFFFFC0]  }
0x337: {  	v5 =	vadd.f32 v8, v0;
	[tilespmem:s11+$0xFFFFFE90] =	vst v6  }
0x338: {  	[tilespmem:s11+$0xFFFFFF10] =	vst v7;
	v1 =	vadd.f32 v1, v0  }
0x339: {  	v6 =	vld [tilespmem:s10+$0x90];
	[tilespmem:s11+$0xFFFFFE10] =	vst v5;
	v2 =	vadd.f32 v2, v0  }
0x33a: {  	v7 =	vld [tilespmem:s10+$0xFFFFFF10];
	[tilespmem:s9+$0xFFFFFF40] =	vst v1  }
0x33b: {  	[tilespmem:s9+$0xFFFFFE40] =	vst v2;
	v1 =	vld [tilespmem:s16+$0x40]  }
0x33c: {  	v2 =	vld [tilespmem:s16+$0xFFFFFF40]  }
0x33d: {  	v3 =	vld.idx.msk [tilespmem:v3+s4+$0x0], $0xffff  }
0x33e: {  	v4 =	vld.idx.msk [tilespmem:v4+s4+$0x0], $0xffff  }
0x33f: {  	v8 =	vld [tilespmem:s10+$0xFFFFFF90]  }
0x340: {  	v5 =	vld [tilespmem:s10+$0x10]  }
0x341: {  	v6 =	vld.idx.msk [tilespmem:v6+s4+$0x0], $0xffff  }
0x342: {  	v7 =	vld.idx.msk [tilespmem:v7+s4+$0x0], $0xffff;
	v3 =	vadd.f32 v3, v0  }
0x343: {  	v1 =	vld.idx.msk [tilespmem:v1+s4+$0x0], $0xffff;
	v4 =	vadd.f32 v4, v0  }
0x344: {  	v2 =	vld.idx.msk [tilespmem:v2+s4+$0x0], $0xffff;
	[tilespmem:s9+$0xFFFFFFD0] =	vst v3  }
0x345: {  	[tilespmem:s9+$0xFFFFFED0] =	vst v4;
	v3 =	vld [tilespmem:s16+$0xD0]  }
0x346: {  	v4 =	vld [tilespmem:s16+$0xFFFFFFD0]  }
0x347: {  	v8 =	vld.idx.msk [tilespmem:v8+s4+$0x0], $0xffff;
	v6 =	vadd.f32 v6, v0  }
0x348: {  	v5 =	vld.idx.msk [tilespmem:v5+s4+$0x0], $0xffff;
	v1 =	vadd.f32 v1, v0  }
0x349: {  	[tilespmem:s11+$0xFFFFFFA0] =	vst v6;
	v2 =	vadd.f32 v2, v0  }
0x34a: {  	v6 =	vadd.f32 v7, v0;
	v7 =	vld [tilespmem:s10+$0xA0];
	[tilespmem:s9+$0xFFFFFF50] =	vst v1  }
0x34b: {  	[tilespmem:s9+$0xFFFFFE50] =	vst v2;
	v1 =	vld [tilespmem:s16+$0x50]  }
0x34c: {  	v8 =	vadd.f32 v8, v0;
	v2 =	vld [tilespmem:s16+$0xFFFFFF50]  }
0x34d: {  	v5 =	vadd.f32 v5, v0;
	v3 =	vld.idx.msk [tilespmem:v3+s4+$0x0], $0xffff  }
0x34e: {  	[tilespmem:s11+$0xFFFFFEA0] =	vst v8;
	v4 =	vld.idx.msk [tilespmem:v4+s4+$0x0], $0xffff  }
0x34f: {  	v8 =	vld [tilespmem:s10+$0xFFFFFFA0];
	[tilespmem:s11+$0xFFFFFF20] =	vst v5  }
0x350: {  	[tilespmem:s11+$0xFFFFFE20] =	vst v6;
	v5 =	vld [tilespmem:s10+$0x20]  }
0x351: {  	v6 =	vld [tilespmem:s10+$0xFFFFFF20]  }
0x352: {  	v7 =	vld.idx.msk [tilespmem:v7+s4+$0x0], $0xffff;
	v3 =	vadd.f32 v3, v0  }
0x353: {  	v1 =	vld.idx.msk [tilespmem:v1+s4+$0x0], $0xffff;
	v4 =	vadd.f32 v4, v0  }
0x354: {  	v2 =	vld.idx.msk [tilespmem:v2+s4+$0x0], $0xffff;
	[tilespmem:s9+$0xFFFFFFE0] =	vst v3  }
0x355: {  	[tilespmem:s9+$0xFFFFFEE0] =	vst v4;
	v3 =	vld [tilespmem:s16+$0xE0]  }
0x356: {  	v4 =	vld [tilespmem:s16+$0xFFFFFFE0]  }
0x357: {  	v8 =	vld.idx.msk [tilespmem:v8+s4+$0x0], $0xffff;
	v7 =	vadd.f32 v7, v0  }
0x358: {  	v5 =	vld.idx.msk [tilespmem:v5+s4+$0x0], $0xffff;
	v1 =	vadd.f32 v1, v0  }
0x359: {  	v6 =	vld.idx.msk [tilespmem:v6+s4+$0x0], $0xffff;
	[tilespmem:s11+$0xFFFFFFB0] =	vst v7;
	v2 =	vadd.f32 v2, v0  }
0x35a: {  	v7 =	vld [tilespmem:s10+$0xB0];
	[tilespmem:s9+$0xFFFFFF60] =	vst v1  }
0x35b: {  	[tilespmem:s9+$0xFFFFFE60] =	vst v2;
	v1 =	vld [tilespmem:s16+$0x60]  }
0x35c: {  	v8 =	vadd.f32 v8, v0;
	v2 =	vld [tilespmem:s16+$0xFFFFFF60]  }
0x35d: {  	v5 =	vadd.f32 v5, v0;
	v3 =	vld.idx.msk [tilespmem:v3+s4+$0x0], $0xffff  }
0x35e: {  	v6 =	vadd.f32 v6, v0;
	[tilespmem:s11+$0xFFFFFEB0] =	vst v8;
	v4 =	vld.idx.msk [tilespmem:v4+s4+$0x0], $0xffff  }
0x35f: {  	v9 =	vld [tilespmem:s10+$0xFFFFFFB0];
	[tilespmem:s11+$0xFFFFFF30] =	vst v5  }
0x360: {  	[tilespmem:s11+$0xFFFFFE30] =	vst v6;
	v5 =	vld [tilespmem:s10+$0x30]  }
0x361: {  	v10 =	vld [tilespmem:s10+$0xFFFFFF30]  }
0x362: {  	v3 =	vadd.f32 v3, v0  }
0x363: {  	v1 =	vld.idx.msk [tilespmem:v1+s4+$0x0], $0xffff;
	v4 =	vadd.f32 v4, v0  }
0x364: {  	v2 =	vld.idx.msk [tilespmem:v2+s4+$0x0], $0xffff;
	[tilespmem:s9+$0xFFFFFFF0] =	vst v3  }
0x365: {  	[tilespmem:s9+$0xFFFFFEF0] =	vst v4;
	v4 =	vld [tilespmem:s16+$0xF0]  }
0x366: {  	v8 =	vld.idx.msk [tilespmem:v7+s4+$0x0], $0xffff  }
0x367: {  	v6 =	vld.idx.msk [tilespmem:v9+s4+$0x0], $0xffff  }
0x368: {  	v5 =	vld.idx.msk [tilespmem:v5+s4+$0x0], $0xffff;
	v1 =	vadd.f32 v1, v0  }
0x369: {  	v7 =	vld.idx.msk [tilespmem:v10+s4+$0x0], $0xffff;
	v3 =	vadd.f32 v2, v0  }
0x36a: {  	v2 =	vld [tilespmem:s16+$0xFFFFFFF0];
	[tilespmem:s9+$0xFFFFFF70] =	vst v1  }
0x36b: {  	[tilespmem:s9+$0xFFFFFE70] =	vst v3;
	v1 =	vld [tilespmem:s16+$0x70]  }
0x36c: {  	v3 =	vld [tilespmem:s16+$0xFFFFFF70]  }
0x36d: {  	s13 =	simm.s32 $0x4;
	s12 =	simm.s32 $0x1AA90;
	s14 =	simm.s32 $0x18BA0;
	v4 =	vld.idx.msk [tilespmem:v4+s4+$0x0], $0xffff  }
.LBB2_11:
0x36e: {  	v9 =	vld [tilespmem:s14+$0x80];
	s13 =	sadd.s32 $0x4, s13  }
0x36f: {  	v8 =	vadd.f32 v8, v0;
	v10 =	vld [tilespmem:s14+$0xFFFFFF80];
	p1 =	slt.u32 s13, $0x1C  }
0x370: {  	v6 =	vadd.f32 v6, v0;
	v11 =	vld [tilespmem:s14+$0x0]  }
0x371: {  	v5 =	vadd.f32 v5, v0;
	v12 =	vld [tilespmem:s14+$0xFFFFFF00];
	[tilespmem:s11+$0xFFFFFFC0] =	vst v8  }
0x372: {  	v7 =	vadd.f32 v7, v0;
	[tilespmem:s11+$0xFFFFFEC0] =	vst v6;
	v6 =	vld [tilespmem:s10+$0xC0]  }
0x373: {  	v4 =	vadd.f32 v4, v0;
	v8 =	vld [tilespmem:s10+$0xFFFFFFC0];
	[tilespmem:s11+$0xFFFFFF40] =	vst v5  }
0x374: {  	[tilespmem:s11+$0xFFFFFE40] =	vst v7;
	v5 =	vld [tilespmem:s10+$0x40]  }
0x375: {  	v7 =	vld [tilespmem:s10+$0xFFFFFF40];
	[tilespmem:s9+$0x0] =	vst v4  }
0x376: {  	v4 =	vld.idx.msk [tilespmem:v9+s4+$0x0], $0xffff  }
0x377: {  	v9 =	vld.idx.msk [tilespmem:v10+s4+$0x0], $0xffff  }
0x378: {  	v10 =	vld.idx.msk [tilespmem:v11+s4+$0x0], $0xffff  }
0x379: {  	v11 =	vld.idx.msk [tilespmem:v12+s4+$0x0], $0xffff  }
0x37a: {  	v6 =	vld.idx.msk [tilespmem:v6+s4+$0x0], $0xffff  }
0x37b: {  	v8 =	vld.idx.msk [tilespmem:v8+s4+$0x0], $0xffff  }
0x37c: {  	v4 =	vadd.f32 v4, v0;
	v5 =	vld.idx.msk [tilespmem:v5+s4+$0x0], $0xffff  }
0x37d: {  	s11 =	sadd.s32 $0x200, s11;
	v9 =	vadd.f32 v9, v0;
	v7 =	vld.idx.msk [tilespmem:v7+s4+$0x0], $0xffff  }
0x37e: {  	v10 =	vadd.f32 v10, v0;
	[tilespmem:s11+$0xFFFFFF90] =	vst v4;
	v3 =	vld.idx.msk [tilespmem:v3+s4+$0x0], $0xffff  }
0x37f: {  	v4 =	vadd.f32 v11, v0;
	[tilespmem:s11+$0xFFFFFE90] =	vst v9;
	v9 =	vld [tilespmem:s14+$0x90]  }
0x380: {  	v6 =	vadd.f32 v6, v0;
	v11 =	vld [tilespmem:s14+$0xFFFFFF90];
	[tilespmem:s11+$0xFFFFFF10] =	vst v10  }
0x381: {  	v8 =	vadd.f32 v8, v0;
	[tilespmem:s11+$0xFFFFFE10] =	vst v4;
	v4 =	vld [tilespmem:s14+$0x10]  }
0x382: {  	v5 =	vadd.f32 v5, v0;
	v10 =	vld [tilespmem:s14+$0xFFFFFF10];
	[tilespmem:s12+$0xFFFFFFD0] =	vst v6  }
0x383: {  	v6 =	vadd.f32 v7, v0;
	[tilespmem:s12+$0xFFFFFED0] =	vst v8;
	v7 =	vld [tilespmem:s10+$0xD0]  }
0x384: {  	v3 =	vadd.f32 v3, v0;
	v8 =	vld [tilespmem:s10+$0xFFFFFFD0];
	[tilespmem:s12+$0xFFFFFF50] =	vst v5  }
0x385: {  	[tilespmem:s12+$0xFFFFFE50] =	vst v6;
	v5 =	vld [tilespmem:s10+$0x50]  }
0x386: {  	v6 =	vld [tilespmem:s10+$0xFFFFFF50];
	[tilespmem:s9+$0xFFFFFE80] =	vst v3  }
0x387: {  	v3 =	vld.idx.msk [tilespmem:v9+s4+$0x0], $0xffff  }
0x388: {  	v9 =	vld.idx.msk [tilespmem:v11+s4+$0x0], $0xffff  }
0x389: {  	v4 =	vld.idx.msk [tilespmem:v4+s4+$0x0], $0xffff  }
0x38a: {  	v10 =	vld.idx.msk [tilespmem:v10+s4+$0x0], $0xffff  }
0x38b: {  	v7 =	vld.idx.msk [tilespmem:v7+s4+$0x0], $0xffff  }
0x38c: {  	v8 =	vld.idx.msk [tilespmem:v8+s4+$0x0], $0xffff  }
0x38d: {  	v3 =	vadd.f32 v3, v0;
	v5 =	vld.idx.msk [tilespmem:v5+s4+$0x0], $0xffff  }
0x38e: {  	v9 =	vadd.f32 v9, v0;
	v6 =	vld.idx.msk [tilespmem:v6+s4+$0x0], $0xffff  }
0x38f: {  	v4 =	vadd.f32 v4, v0;
	[tilespmem:s11+$0xFFFFFFA0] =	vst v3;
	v2 =	vld.idx.msk [tilespmem:v2+s4+$0x0], $0xffff  }
0x390: {  	v3 =	vadd.f32 v10, v0;
	[tilespmem:s11+$0xFFFFFEA0] =	vst v9;
	v9 =	vld [tilespmem:s14+$0xA0]  }
0x391: {  	v10 =	vld [tilespmem:s14+$0xFFFFFFA0];
	[tilespmem:s11+$0xFFFFFF20] =	vst v4;
	v4 =	vadd.f32 v7, v0  }
0x392: {  	v7 =	vadd.f32 v8, v0;
	[tilespmem:s11+$0xFFFFFE20] =	vst v3;
	v3 =	vld [tilespmem:s14+$0x20]  }
0x393: {  	v5 =	vadd.f32 v5, v0;
	v8 =	vld [tilespmem:s14+$0xFFFFFF20];
	[tilespmem:s12+$0xFFFFFFE0] =	vst v4  }
0x394: {  	v4 =	vadd.f32 v6, v0;
	[tilespmem:s12+$0xFFFFFEE0] =	vst v7;
	v6 =	vld [tilespmem:s10+$0xE0]  }
0x395: {  	v2 =	vadd.f32 v2, v0;
	v7 =	vld [tilespmem:s10+$0xFFFFFFE0];
	[tilespmem:s12+$0xFFFFFF60] =	vst v5  }
0x396: {  	[tilespmem:s12+$0xFFFFFE60] =	vst v4;
	v4 =	vld [tilespmem:s10+$0x60]  }
0x397: {  	v5 =	vld [tilespmem:s10+$0xFFFFFF60];
	[tilespmem:s9+$0xFFFFFF00] =	vst v2  }
0x398: {  	v2 =	vld.idx.msk [tilespmem:v9+s4+$0x0], $0xffff  }
0x399: {  	v9 =	vld.idx.msk [tilespmem:v10+s4+$0x0], $0xffff  }
0x39a: {  	v3 =	vld.idx.msk [tilespmem:v3+s4+$0x0], $0xffff  }
0x39b: {  	v8 =	vld.idx.msk [tilespmem:v8+s4+$0x0], $0xffff  }
0x39c: {  	v6 =	vld.idx.msk [tilespmem:v6+s4+$0x0], $0xffff  }
0x39d: {  	v7 =	vld.idx.msk [tilespmem:v7+s4+$0x0], $0xffff  }
0x39e: {  	v2 =	vadd.f32 v2, v0;
	v4 =	vld.idx.msk [tilespmem:v4+s4+$0x0], $0xffff  }
0x39f: {  	v9 =	vadd.f32 v9, v0;
	v5 =	vld.idx.msk [tilespmem:v5+s4+$0x0], $0xffff  }
0x3a0: {  	v3 =	vadd.f32 v3, v0;
	[tilespmem:s11+$0xFFFFFFB0] =	vst v2;
	v1 =	vld.idx.msk [tilespmem:v1+s4+$0x0], $0xffff  }
0x3a1: {  	v2 =	vadd.f32 v8, v0;
	[tilespmem:s11+$0xFFFFFEB0] =	vst v9;
	v8 =	vld [tilespmem:s14+$0xB0]  }
0x3a2: {  	v9 =	vld [tilespmem:s14+$0xFFFFFFB0];
	[tilespmem:s11+$0xFFFFFF30] =	vst v3;
	v3 =	vadd.f32 v6, v0  }
0x3a3: {  	[tilespmem:s11+$0xFFFFFE30] =	vst v2;
	v10 =	vld [tilespmem:s14+$0x30];
	v2 =	vadd.f32 v7, v0  }
0x3a4: {  	v4 =	vadd.f32 v4, v0;
	v7 =	vld [tilespmem:s14+$0xFFFFFF30];
	[tilespmem:s12+$0xFFFFFFF0] =	vst v3  }
0x3a5: {  	v3 =	vadd.f32 v5, v0;
	[tilespmem:s12+$0xFFFFFEF0] =	vst v2;
	v11 =	vld [tilespmem:s10+$0xF0]  }
0x3a6: {  	v2 =	vld [tilespmem:s10+$0xFFFFFFF0];
	[tilespmem:s12+$0xFFFFFF70] =	vst v4;
	v4 =	vadd.f32 v1, v0  }
0x3a7: {  	[tilespmem:s12+$0xFFFFFE70] =	vst v3;
	v1 =	vld [tilespmem:s10+$0x70]  }
0x3a8: {  	v3 =	vld [tilespmem:s10+$0xFFFFFF70];
	[tilespmem:s9+$0xFFFFFF80] =	vst v4;
	s9 =	smov.u32 s12;
	s12 =	smov.u32 s11;
	s10 =	smov.u32 s14  }
.Ltmp4:
0x3a9: {  	v8 =	vld.idx.msk [tilespmem:v8+s4+$0x0], $0xffff;
	(pc) =	sbr.rel @p1 .LBB2_11-.Ltmp4, $4  }
0x3aa: {  	v6 =	vld.idx.msk [tilespmem:v9+s4+$0x0], $0xffff  }
0x3ab: {  	v5 =	vld.idx.msk [tilespmem:v10+s4+$0x0], $0xffff  }
0x3ac: {  	v7 =	vld.idx.msk [tilespmem:v7+s4+$0x0], $0xffff  }
0x3ad: {  	s14 =	sadd.s32 $0x200, s14;
	v4 =	vld.idx.msk [tilespmem:v11+s4+$0x0], $0xffff  }
0x3ae: {  	v8 =	vadd.f32 v8, v0  }
0x3af: {  	v6 =	vadd.f32 v6, v0  }
0x3b0: {  	[tilespmem:s11+$0xFFFFFFC0] =	vst v8;
	v5 =	vadd.f32 v5, v0  }
0x3b1: {  	v7 =	vadd.f32 v7, v0;
	v8 =	vld [tilespmem:s10+$0xC0];
	[tilespmem:s11+$0xFFFFFEC0] =	vst v6  }
0x3b2: {  	v58 =	vld [tilespmem:s10+$0xFFFFFFC0];
	[tilespmem:s11+$0xFFFFFF40] =	vst v5  }
0x3b3: {  	[tilespmem:s11+$0xFFFFFE40] =	vst v7;
	v5 =	vld [tilespmem:s10+$0x40]  }
0x3b4: {  	v57 =	vld [tilespmem:s10+$0xFFFFFF40];
	_ =	sdelay $0x4  }
0x3b5: {  	v8 =	vld.idx.msk [tilespmem:v8+s4+$0x0], $0xffff  }
0x3b6: {  	v7 =	vld.idx.msk [tilespmem:v58+s4+$0x0], $0xffff  }
0x3b7: {  	v5 =	vld.idx.msk [tilespmem:v5+s4+$0x0], $0xffff  }
0x3b8: {  	v6 =	vld.idx.msk [tilespmem:v57+s4+$0x0], $0xffff;
	_ =	sdelay $0x1  }
0x3b9: {  	v8 =	vadd.f32 v8, v0  }
0x3ba: {  	v7 =	vadd.f32 v7, v0  }
0x3bb: {  	[tilespmem:s12+$0xFFFFFFD0] =	vst v8;
	v5 =	vadd.f32 v5, v0  }
0x3bc: {  	v6 =	vadd.f32 v6, v0;
	v8 =	vld [tilespmem:s10+$0xD0];
	[tilespmem:s12+$0xFFFFFED0] =	vst v7  }
0x3bd: {  	v7 =	vld [tilespmem:s10+$0xFFFFFFD0];
	[tilespmem:s12+$0xFFFFFF50] =	vst v5  }
0x3be: {  	[tilespmem:s12+$0xFFFFFE50] =	vst v6;
	v5 =	vld [tilespmem:s10+$0x50]  }
0x3bf: {  	v6 =	vld [tilespmem:s10+$0xFFFFFF50];
	_ =	sdelay $0x4  }
0x3c0: {  	v8 =	vld.idx.msk [tilespmem:v8+s4+$0x0], $0xffff  }
0x3c1: {  	v7 =	vld.idx.msk [tilespmem:v7+s4+$0x0], $0xffff  }
0x3c2: {  	v5 =	vld.idx.msk [tilespmem:v5+s4+$0x0], $0xffff  }
0x3c3: {  	v6 =	vld.idx.msk [tilespmem:v6+s4+$0x0], $0xffff;
	_ =	sdelay $0x1  }
0x3c4: {  	v8 =	vadd.f32 v8, v0  }
0x3c5: {  	v7 =	vadd.f32 v7, v0  }
0x3c6: {  	[tilespmem:s12+$0xFFFFFFE0] =	vst v8;
	v5 =	vadd.f32 v5, v0  }
0x3c7: {  	v6 =	vadd.f32 v6, v0;
	v8 =	vld [tilespmem:s10+$0xE0];
	[tilespmem:s12+$0xFFFFFEE0] =	vst v7  }
0x3c8: {  	v7 =	vld [tilespmem:s10+$0xFFFFFFE0];
	[tilespmem:s12+$0xFFFFFF60] =	vst v5  }
0x3c9: {  	[tilespmem:s12+$0xFFFFFE60] =	vst v6;
	v5 =	vld [tilespmem:s10+$0x60]  }
0x3ca: {  	v6 =	vld [tilespmem:s10+$0xFFFFFF60];
	_ =	sdelay $0x4  }
0x3cb: {  	v8 =	vld.idx.msk [tilespmem:v8+s4+$0x0], $0xffff  }
0x3cc: {  	v7 =	vld.idx.msk [tilespmem:v7+s4+$0x0], $0xffff  }
0x3cd: {  	v5 =	vld.idx.msk [tilespmem:v5+s4+$0x0], $0xffff  }
0x3ce: {  	v6 =	vld.idx.msk [tilespmem:v6+s4+$0x0], $0xffff;
	_ =	sdelay $0x1  }
0x3cf: {  	v8 =	vadd.f32 v8, v0  }
0x3d0: {  	v7 =	vadd.f32 v7, v0  }
0x3d1: {  	[tilespmem:s12+$0xFFFFFFF0] =	vst v8;
	v5 =	vadd.f32 v5, v0  }
0x3d2: {  	v6 =	vadd.f32 v6, v0;
	v8 =	vld [tilespmem:s10+$0xF0];
	[tilespmem:s12+$0xFFFFFEF0] =	vst v7  }
0x3d3: {  	v7 =	vld [tilespmem:s10+$0xFFFFFFF0];
	[tilespmem:s12+$0xFFFFFF70] =	vst v5  }
0x3d4: {  	[tilespmem:s12+$0xFFFFFE70] =	vst v6;
	v5 =	vld [tilespmem:s10+$0x70]  }
0x3d5: {  	v6 =	vld [tilespmem:s10+$0xFFFFFF70];
	_ =	sdelay $0x1  }
0x3d6: {  	v3 =	vld.idx.msk [tilespmem:v3+s4+$0x0], $0xffff  }
0x3d7: {  	v2 =	vld.idx.msk [tilespmem:v2+s4+$0x0], $0xffff  }
0x3d8: {  	v1 =	vld.idx.msk [tilespmem:v1+s4+$0x0], $0xffff  }
0x3d9: {  	v8 =	vld.idx.msk [tilespmem:v8+s4+$0x0], $0xffff  }
0x3da: {  	v4 =	vadd.f32 v4, v0;
	v7 =	vld.idx.msk [tilespmem:v7+s4+$0x0], $0xffff  }
0x3db: {  	v3 =	vadd.f32 v3, v0;
	v59 =	vld.idx.msk [tilespmem:v5+s4+$0x0], $0xffff  }
0x3dc: {  	v2 =	vadd.f32 v2, v0;
	[tilespmem:s9+$0x0] =	vst v4;
	v6 =	vld.idx.msk [tilespmem:v6+s4+$0x0], $0xffff  }
0x3dd: {  	v1 =	vadd.f32 v1, v0;
	[tilespmem:s9+$0xFFFFFE80] =	vst v3  }
0x3de: {  	s6 =	sadd.s32 $0x1, s6;
	[tilespmem:s9+$0xFFFFFF00] =	vst v2;
	v60 =	vadd.f32 v8, v0  }
0x3df: {  	p1 =	sne.s32 s6, $0x19;
	[tilespmem:s9+$0xFFFFFF80] =	vst v1;
	v62 =	vadd.f32 v7, v0  }
.Ltmp5:
0x3e0: {  	s7 =	sshll.u32 s7, $0x11;
	[tilespmem:s12+$0x0] =	vst v60;
	v63 =	vadd.f32 v59, v0;
	(pc) =	sbr.rel @p1 .LBB2_8-.Ltmp5, $4  }
0x3e1: {  	s7 =	sor.u32 s18, s7;
	v61 =	vadd.f32 v6, v0;
	[tilespmem:s12+$0xFFFFFF00] =	vst v62  }
0x3e2: {  	s7 =	sshrl.u32 s7, $0x3;
	[tilespmem:s12+$0xFFFFFF80] =	vst v63  }
0x3e3: {  	s7 =	sadd.s32 s2, s7;
	[tilespmem:s12+$0xFFFFFE80] =	vst v61  }
0x3e4: {  	[hbm4b:s7+s24] =	stream.strided.scatter [tilespmem:s28], [sflag:$0x2], $0x1000, s25, s24, $0x38;
	[tilespmem:$0x1E968] =	vst v63  }
0x3e5: {  	[bflag:$0x0] =	sbarrier.arrive $0xFFFF  }
0x3e6: {  	s6 =	rddreg [dreg:$0xc]  }
0x3e7: {  	[spmem:s5], [sflag:s21] =	dma.local @p0 [hbm:s6], $0x600  }
0x3e8: {  	s6 =	simm.s32 @p0 $0x3  }
0x3e9: {  	_ =	swait.ge @p0 [sflag:s6], $0x600  }
0x3ea: {  	[sflag:s6] =	ssyncset.done @p0 $0x0  }
0x3eb: {  	[sflag:s6] =	ssyncadd.s32 @p0 $0xFFFFFA00;
	s6 =	rddreg [dreg:$0xb]  }
0x3ec: {  	[spmem:s0], [sflag:s1] =	dma.local @!p0 [hbm:s6], $0x800  }
0x3ed: {  	s6 =	simm.s32 @!p0 $0x3  }
0x3ee: {  	_ =	swait.ge @!p0 [sflag:s6], $0x800  }
0x3ef: {  	[sflag:s6] =	ssyncset.done @!p0 $0x0  }
0x3f0: {  	[sflag:s6] =	ssyncadd.s32 @!p0 $0xFFFFF800  }
0x3f1: {  	s6 =	simm.s32 $0x0;
	[bflag:$0x0] =	sbarrier.arrive $0xFFFF  }
.LBB2_14:
0x3f2: {  	_ =	swait.ge [sflag:s29], $0x1000;
	s7 =	sshll.u32 s6, $0xD  }
0x3f3: {  	[sflag:s29] =	ssyncset.done $0x0;
	s7 =	sand.u32 $0x3FFFE000, s7  }
0x3f4: {  	[sflag:s29] =	ssyncadd.s32 $0xFFFFF000;
	s9 =	sadd.s32 s7, s3  }
0x3f5: {  	[tilespmem:s23], [sflag:$0x3] =	stream.linear.gather [spmem:s9], $0x1000, $0x38;
	[tilespmem:$0x1E968] =	vst v63  }
0x3f6: {  	_ =	swait.ge [sflag:s19], $0x1000  }
0x3f7: {  	s7 =	sshll.u32 s6, $0x1;
	[sflag:s19] =	ssyncset.done $0x0  }
0x3f8: {  	s14 =	simm.s32 $0x187A0;
	s10 =	sadd.s32 $0x64, s7;
	[sflag:s19] =	ssyncadd.s32 $0xFFFFF000  }
0x3f9: {  	v0 =	vmov s10;
	v1 =	vld [tilespmem:s14+$0x80]  }
0x3fa: {  	v0 =	vbroadcast v0, $0x0;
	v2 =	vld [tilespmem:s14+$0xFFFFFF80];
	_ =	sdelay $0x1  }
0x3fb: {  	v4 =	vld [tilespmem:s14+$0xFFFFFF00]  }
0x3fc: {  	v3 =	vld [tilespmem:s14+$0x0];
	_ =	sdelay $0x2  }
0x3fd: {  	v0 =	vld.idx.msk [tilespmem:v0+s20+$0x0], $0xffff  }
0x3fe: {  	v1 =	vld.idx.msk [tilespmem:v1+s4+$0x0], $0xffff  }
0x3ff: {  	v2 =	vld.idx.msk [tilespmem:v2+s4+$0x0], $0xffff;
	_ =	sdelay $0x1  }
0x400: {  	v4 =	vld.idx.msk [tilespmem:v4+s4+$0x0], $0xffff  }
0x401: {  	v3 =	vld.idx.msk [tilespmem:v3+s4+$0x0], $0xffff  }
0x402: {  	v1 =	vadd.f32 v1, v0  }
0x403: {  	s11 =	simm.s32 $0x197A0;
	v2 =	vadd.f32 v2, v0  }
0x404: {  	[tilespmem:s11+$0x80] =	vst v1  }
0x405: {  	v1 =	vadd.f32 v4, v0;
	[tilespmem:s11+$0xFFFFFF80] =	vst v2;
	v2 =	vld [tilespmem:s14+$0x90]  }
0x406: {  	v3 =	vadd.f32 v3, v0;
	v4 =	vld [tilespmem:s14+$0xFFFFFF90]  }
0x407: {  	[tilespmem:s11+$0xFFFFFF00] =	vst v1  }
0x408: {  	[tilespmem:s11+$0x0] =	vst v3;
	v3 =	vld [tilespmem:s14+$0xFFFFFF10];
	_ =	sdelay $0x2  }
0x409: {  	v1 =	vld [tilespmem:s14+$0x10];
	_ =	sdelay $0x1  }
0x40a: {  	v2 =	vld.idx.msk [tilespmem:v2+s4+$0x0], $0xffff  }
0x40b: {  	v4 =	vld.idx.msk [tilespmem:v4+s4+$0x0], $0xffff;
	_ =	sdelay $0x1  }
0x40c: {  	v3 =	vld.idx.msk [tilespmem:v3+s4+$0x0], $0xffff;
	_ =	sdelay $0x1  }
0x40d: {  	v2 =	vadd.f32 v2, v0  }
0x40e: {  	v1 =	vld.idx.msk [tilespmem:v1+s4+$0x0], $0xffff;
	v4 =	vadd.f32 v4, v0  }
0x40f: {  	[tilespmem:s11+$0x90] =	vst v2  }
0x410: {  	v2 =	vadd.f32 v3, v0;
	[tilespmem:s11+$0xFFFFFF90] =	vst v4;
	v3 =	vld [tilespmem:s14+$0xA0]  }
0x411: {  	v4 =	vld [tilespmem:s14+$0xFFFFFFA0];
	_ =	sdelay $0x1  }
0x412: {  	v1 =	vadd.f32 v1, v0;
	_ =	sdelay $0x1  }
0x413: {  	[tilespmem:s11+$0x10] =	vst v1  }
0x414: {  	[tilespmem:s11+$0xFFFFFF10] =	vst v2;
	v1 =	vld [tilespmem:s14+$0x20]  }
0x415: {  	v2 =	vld [tilespmem:s14+$0xFFFFFF20]  }
0x416: {  	v3 =	vld.idx.msk [tilespmem:v3+s4+$0x0], $0xffff  }
0x417: {  	v4 =	vld.idx.msk [tilespmem:v4+s4+$0x0], $0xffff;
	_ =	sdelay $0x3  }
0x418: {  	v3 =	vadd.f32 v3, v0  }
0x419: {  	v1 =	vld.idx.msk [tilespmem:v1+s4+$0x0], $0xffff;
	v4 =	vadd.f32 v4, v0  }
0x41a: {  	v2 =	vld.idx.msk [tilespmem:v2+s4+$0x0], $0xffff;
	[tilespmem:s11+$0xA0] =	vst v3  }
0x41b: {  	[tilespmem:s11+$0xFFFFFFA0] =	vst v4;
	v3 =	vld [tilespmem:s14+$0xB0]  }
0x41c: {  	s12 =	simm.s32 $0x189A0;
	v4 =	vld [tilespmem:s14+$0xFFFFFFB0]  }
0x41d: {  	v5 =	vld [tilespmem:s12+$0x80]  }
0x41e: {  	v6 =	vld [tilespmem:s12+$0xFFFFFF80];
	v1 =	vadd.f32 v1, v0  }
0x41f: {  	v7 =	vld [tilespmem:s12+$0x0];
	v2 =	vadd.f32 v2, v0  }
0x420: {  	v8 =	vld [tilespmem:s12+$0xFFFFFF00];
	[tilespmem:s11+$0x20] =	vst v1  }
0x421: {  	[tilespmem:s11+$0xFFFFFF20] =	vst v2;
	v1 =	vld [tilespmem:s14+$0x30]  }
0x422: {  	v2 =	vld [tilespmem:s14+$0xFFFFFF30]  }
0x423: {  	v3 =	vld.idx.msk [tilespmem:v3+s4+$0x0], $0xffff  }
0x424: {  	v4 =	vld.idx.msk [tilespmem:v4+s4+$0x0], $0xffff  }
0x425: {  	v5 =	vld.idx.msk [tilespmem:v5+s4+$0x0], $0xffff  }
0x426: {  	v6 =	vld.idx.msk [tilespmem:v6+s4+$0x0], $0xffff  }
0x427: {  	v7 =	vld.idx.msk [tilespmem:v7+s4+$0x0], $0xffff  }
0x428: {  	v8 =	vld.idx.msk [tilespmem:v8+s4+$0x0], $0xffff;
	v3 =	vadd.f32 v3, v0  }
0x429: {  	v1 =	vld.idx.msk [tilespmem:v1+s4+$0x0], $0xffff;
	v4 =	vadd.f32 v4, v0  }
0x42a: {  	v5 =	vadd.f32 v5, v0;
	v2 =	vld.idx.msk [tilespmem:v2+s4+$0x0], $0xffff;
	[tilespmem:s11+$0xB0] =	vst v3  }
0x42b: {  	s13 =	simm.s32 $0x199A0;
	v6 =	vadd.f32 v6, v0;
	[tilespmem:s11+$0xFFFFFFB0] =	vst v4;
	v3 =	vld [tilespmem:s14+$0xC0]  }
0x42c: {  	v7 =	vadd.f32 v7, v0;
	[tilespmem:s13+$0x80] =	vst v5;
	v4 =	vld [tilespmem:s14+$0xFFFFFFC0]  }
0x42d: {  	v5 =	vadd.f32 v8, v0;
	[tilespmem:s13+$0xFFFFFF80] =	vst v6  }
0x42e: {  	[tilespmem:s13+$0x0] =	vst v7;
	v1 =	vadd.f32 v1, v0  }
0x42f: {  	v6 =	vld [tilespmem:s12+$0x90];
	[tilespmem:s13+$0xFFFFFF00] =	vst v5;
	v2 =	vadd.f32 v2, v0  }
0x430: {  	v7 =	vld [tilespmem:s12+$0xFFFFFF10];
	[tilespmem:s11+$0x30] =	vst v1  }
0x431: {  	[tilespmem:s11+$0xFFFFFF30] =	vst v2;
	v1 =	vld [tilespmem:s14+$0x40]  }
0x432: {  	v2 =	vld [tilespmem:s14+$0xFFFFFF40]  }
0x433: {  	v3 =	vld.idx.msk [tilespmem:v3+s4+$0x0], $0xffff  }
0x434: {  	v4 =	vld.idx.msk [tilespmem:v4+s4+$0x0], $0xffff  }
0x435: {  	v8 =	vld [tilespmem:s12+$0xFFFFFF90]  }
0x436: {  	v5 =	vld [tilespmem:s12+$0x10]  }
0x437: {  	v6 =	vld.idx.msk [tilespmem:v6+s4+$0x0], $0xffff  }
0x438: {  	v7 =	vld.idx.msk [tilespmem:v7+s4+$0x0], $0xffff;
	v3 =	vadd.f32 v3, v0  }
0x439: {  	v1 =	vld.idx.msk [tilespmem:v1+s4+$0x0], $0xffff;
	v4 =	vadd.f32 v4, v0  }
0x43a: {  	v2 =	vld.idx.msk [tilespmem:v2+s4+$0x0], $0xffff;
	[tilespmem:s11+$0xC0] =	vst v3  }
0x43b: {  	[tilespmem:s11+$0xFFFFFFC0] =	vst v4;
	v3 =	vld [tilespmem:s14+$0xD0]  }
0x43c: {  	v4 =	vld [tilespmem:s14+$0xFFFFFFD0]  }
0x43d: {  	v8 =	vld.idx.msk [tilespmem:v8+s4+$0x0], $0xffff;
	v6 =	vadd.f32 v6, v0  }
0x43e: {  	v5 =	vld.idx.msk [tilespmem:v5+s4+$0x0], $0xffff;
	v1 =	vadd.f32 v1, v0  }
0x43f: {  	[tilespmem:s13+$0x90] =	vst v6;
	v2 =	vadd.f32 v2, v0  }
0x440: {  	v6 =	vadd.f32 v7, v0;
	v7 =	vld [tilespmem:s12+$0xA0];
	[tilespmem:s11+$0x40] =	vst v1  }
0x441: {  	[tilespmem:s11+$0xFFFFFF40] =	vst v2;
	v1 =	vld [tilespmem:s14+$0x50]  }
0x442: {  	v8 =	vadd.f32 v8, v0;
	v2 =	vld [tilespmem:s14+$0xFFFFFF50]  }
0x443: {  	v5 =	vadd.f32 v5, v0;
	v3 =	vld.idx.msk [tilespmem:v3+s4+$0x0], $0xffff  }
0x444: {  	[tilespmem:s13+$0xFFFFFF90] =	vst v8;
	v4 =	vld.idx.msk [tilespmem:v4+s4+$0x0], $0xffff  }
0x445: {  	v8 =	vld [tilespmem:s12+$0xFFFFFFA0];
	[tilespmem:s13+$0x10] =	vst v5  }
0x446: {  	[tilespmem:s13+$0xFFFFFF10] =	vst v6;
	v5 =	vld [tilespmem:s12+$0x20]  }
0x447: {  	v6 =	vld [tilespmem:s12+$0xFFFFFF20]  }
0x448: {  	v7 =	vld.idx.msk [tilespmem:v7+s4+$0x0], $0xffff;
	v3 =	vadd.f32 v3, v0  }
0x449: {  	v1 =	vld.idx.msk [tilespmem:v1+s4+$0x0], $0xffff;
	v4 =	vadd.f32 v4, v0  }
0x44a: {  	v2 =	vld.idx.msk [tilespmem:v2+s4+$0x0], $0xffff;
	[tilespmem:s11+$0xD0] =	vst v3  }
0x44b: {  	[tilespmem:s11+$0xFFFFFFD0] =	vst v4;
	v3 =	vld [tilespmem:s14+$0xE0]  }
0x44c: {  	v4 =	vld [tilespmem:s14+$0xFFFFFFE0]  }
0x44d: {  	v8 =	vld.idx.msk [tilespmem:v8+s4+$0x0], $0xffff;
	v7 =	vadd.f32 v7, v0  }
0x44e: {  	v5 =	vld.idx.msk [tilespmem:v5+s4+$0x0], $0xffff;
	v1 =	vadd.f32 v1, v0  }
0x44f: {  	v6 =	vld.idx.msk [tilespmem:v6+s4+$0x0], $0xffff;
	[tilespmem:s13+$0xA0] =	vst v7;
	v2 =	vadd.f32 v2, v0  }
0x450: {  	v7 =	vld [tilespmem:s12+$0xB0];
	[tilespmem:s11+$0x50] =	vst v1  }
0x451: {  	[tilespmem:s11+$0xFFFFFF50] =	vst v2;
	v1 =	vld [tilespmem:s14+$0x60]  }
0x452: {  	v8 =	vadd.f32 v8, v0;
	v2 =	vld [tilespmem:s14+$0xFFFFFF60]  }
0x453: {  	v5 =	vadd.f32 v5, v0;
	v3 =	vld.idx.msk [tilespmem:v3+s4+$0x0], $0xffff  }
0x454: {  	v6 =	vadd.f32 v6, v0;
	[tilespmem:s13+$0xFFFFFFA0] =	vst v8;
	v4 =	vld.idx.msk [tilespmem:v4+s4+$0x0], $0xffff  }
0x455: {  	v9 =	vld [tilespmem:s12+$0xFFFFFFB0];
	[tilespmem:s13+$0x20] =	vst v5  }
0x456: {  	[tilespmem:s13+$0xFFFFFF20] =	vst v6;
	v5 =	vld [tilespmem:s12+$0x30]  }
0x457: {  	v10 =	vld [tilespmem:s12+$0xFFFFFF30]  }
0x458: {  	v3 =	vadd.f32 v3, v0  }
0x459: {  	v1 =	vld.idx.msk [tilespmem:v1+s4+$0x0], $0xffff;
	v4 =	vadd.f32 v4, v0  }
0x45a: {  	v2 =	vld.idx.msk [tilespmem:v2+s4+$0x0], $0xffff;
	[tilespmem:s11+$0xE0] =	vst v3  }
0x45b: {  	[tilespmem:s11+$0xFFFFFFE0] =	vst v4;
	v4 =	vld [tilespmem:s14+$0xF0]  }
0x45c: {  	v8 =	vld.idx.msk [tilespmem:v7+s4+$0x0], $0xffff  }
0x45d: {  	v6 =	vld.idx.msk [tilespmem:v9+s4+$0x0], $0xffff  }
0x45e: {  	v5 =	vld.idx.msk [tilespmem:v5+s4+$0x0], $0xffff;
	v1 =	vadd.f32 v1, v0  }
0x45f: {  	v7 =	vld.idx.msk [tilespmem:v10+s4+$0x0], $0xffff;
	v3 =	vadd.f32 v2, v0  }
0x460: {  	v2 =	vld [tilespmem:s14+$0xFFFFFFF0];
	[tilespmem:s11+$0x60] =	vst v1  }
0x461: {  	[tilespmem:s11+$0xFFFFFF60] =	vst v3;
	v1 =	vld [tilespmem:s14+$0x70]  }
0x462: {  	v3 =	vld [tilespmem:s14+$0xFFFFFF70]  }
0x463: {  	s15 =	simm.s32 $0x4;
	s16 =	simm.s32 $0x18BA0;
	s14 =	simm.s32 $0x199A0;
	v4 =	vld.idx.msk [tilespmem:v4+s4+$0x0], $0xffff  }
.LBB2_15:
0x464: {  	v9 =	vld [tilespmem:s16+$0x80];
	s15 =	sadd.s32 $0x4, s15  }
0x465: {  	v8 =	vadd.f32 v8, v0;
	v10 =	vld [tilespmem:s16+$0xFFFFFF80];
	p1 =	slt.u32 s15, $0x1C  }
0x466: {  	v6 =	vadd.f32 v6, v0;
	v11 =	vld [tilespmem:s16+$0x0]  }
0x467: {  	v5 =	vadd.f32 v5, v0;
	v12 =	vld [tilespmem:s16+$0xFFFFFF00];
	[tilespmem:s13+$0xB0] =	vst v8  }
0x468: {  	v7 =	vadd.f32 v7, v0;
	[tilespmem:s13+$0xFFFFFFB0] =	vst v6;
	v6 =	vld [tilespmem:s12+$0xC0]  }
0x469: {  	v4 =	vadd.f32 v4, v0;
	v8 =	vld [tilespmem:s12+$0xFFFFFFC0];
	[tilespmem:s13+$0x30] =	vst v5  }
0x46a: {  	[tilespmem:s13+$0xFFFFFF30] =	vst v7;
	v5 =	vld [tilespmem:s12+$0x40]  }
0x46b: {  	v7 =	vld [tilespmem:s12+$0xFFFFFF40];
	[tilespmem:s11+$0xF0] =	vst v4  }
0x46c: {  	v4 =	vld.idx.msk [tilespmem:v9+s4+$0x0], $0xffff  }
0x46d: {  	v9 =	vld.idx.msk [tilespmem:v10+s4+$0x0], $0xffff  }
0x46e: {  	v10 =	vld.idx.msk [tilespmem:v11+s4+$0x0], $0xffff  }
0x46f: {  	v11 =	vld.idx.msk [tilespmem:v12+s4+$0x0], $0xffff  }
0x470: {  	v6 =	vld.idx.msk [tilespmem:v6+s4+$0x0], $0xffff  }
0x471: {  	v8 =	vld.idx.msk [tilespmem:v8+s4+$0x0], $0xffff  }
0x472: {  	v4 =	vadd.f32 v4, v0;
	v5 =	vld.idx.msk [tilespmem:v5+s4+$0x0], $0xffff  }
0x473: {  	s13 =	sadd.s32 $0x200, s13;
	v9 =	vadd.f32 v9, v0;
	v7 =	vld.idx.msk [tilespmem:v7+s4+$0x0], $0xffff  }
0x474: {  	v10 =	vadd.f32 v10, v0;
	[tilespmem:s13+$0x80] =	vst v4;
	v3 =	vld.idx.msk [tilespmem:v3+s4+$0x0], $0xffff  }
0x475: {  	v4 =	vadd.f32 v11, v0;
	[tilespmem:s13+$0xFFFFFF80] =	vst v9;
	v9 =	vld [tilespmem:s16+$0x90]  }
0x476: {  	v6 =	vadd.f32 v6, v0;
	v11 =	vld [tilespmem:s16+$0xFFFFFF90];
	[tilespmem:s13+$0x0] =	vst v10  }
0x477: {  	v8 =	vadd.f32 v8, v0;
	[tilespmem:s13+$0xFFFFFF00] =	vst v4;
	v4 =	vld [tilespmem:s16+$0x10]  }
0x478: {  	v5 =	vadd.f32 v5, v0;
	v10 =	vld [tilespmem:s16+$0xFFFFFF10];
	[tilespmem:s14+$0xC0] =	vst v6  }
0x479: {  	v6 =	vadd.f32 v7, v0;
	[tilespmem:s14+$0xFFFFFFC0] =	vst v8;
	v7 =	vld [tilespmem:s12+$0xD0]  }
0x47a: {  	v3 =	vadd.f32 v3, v0;
	v8 =	vld [tilespmem:s12+$0xFFFFFFD0];
	[tilespmem:s14+$0x40] =	vst v5  }
0x47b: {  	[tilespmem:s14+$0xFFFFFF40] =	vst v6;
	v5 =	vld [tilespmem:s12+$0x50]  }
0x47c: {  	v6 =	vld [tilespmem:s12+$0xFFFFFF50];
	[tilespmem:s11+$0xFFFFFF70] =	vst v3  }
0x47d: {  	v3 =	vld.idx.msk [tilespmem:v9+s4+$0x0], $0xffff  }
0x47e: {  	v9 =	vld.idx.msk [tilespmem:v11+s4+$0x0], $0xffff  }
0x47f: {  	v4 =	vld.idx.msk [tilespmem:v4+s4+$0x0], $0xffff  }
0x480: {  	v10 =	vld.idx.msk [tilespmem:v10+s4+$0x0], $0xffff  }
0x481: {  	v7 =	vld.idx.msk [tilespmem:v7+s4+$0x0], $0xffff  }
0x482: {  	v8 =	vld.idx.msk [tilespmem:v8+s4+$0x0], $0xffff  }
0x483: {  	v3 =	vadd.f32 v3, v0;
	v5 =	vld.idx.msk [tilespmem:v5+s4+$0x0], $0xffff  }
0x484: {  	v9 =	vadd.f32 v9, v0;
	v6 =	vld.idx.msk [tilespmem:v6+s4+$0x0], $0xffff  }
0x485: {  	v4 =	vadd.f32 v4, v0;
	[tilespmem:s13+$0x90] =	vst v3;
	v2 =	vld.idx.msk [tilespmem:v2+s4+$0x0], $0xffff  }
0x486: {  	v3 =	vadd.f32 v10, v0;
	[tilespmem:s13+$0xFFFFFF90] =	vst v9;
	v9 =	vld [tilespmem:s16+$0xA0]  }
0x487: {  	v10 =	vld [tilespmem:s16+$0xFFFFFFA0];
	[tilespmem:s13+$0x10] =	vst v4;
	v4 =	vadd.f32 v7, v0  }
0x488: {  	v7 =	vadd.f32 v8, v0;
	[tilespmem:s13+$0xFFFFFF10] =	vst v3;
	v3 =	vld [tilespmem:s16+$0x20]  }
0x489: {  	v5 =	vadd.f32 v5, v0;
	v8 =	vld [tilespmem:s16+$0xFFFFFF20];
	[tilespmem:s14+$0xD0] =	vst v4  }
0x48a: {  	v4 =	vadd.f32 v6, v0;
	[tilespmem:s14+$0xFFFFFFD0] =	vst v7;
	v6 =	vld [tilespmem:s12+$0xE0]  }
0x48b: {  	v2 =	vadd.f32 v2, v0;
	v7 =	vld [tilespmem:s12+$0xFFFFFFE0];
	[tilespmem:s14+$0x50] =	vst v5  }
0x48c: {  	[tilespmem:s14+$0xFFFFFF50] =	vst v4;
	v4 =	vld [tilespmem:s12+$0x60]  }
0x48d: {  	v5 =	vld [tilespmem:s12+$0xFFFFFF60];
	[tilespmem:s11+$0xFFFFFFF0] =	vst v2  }
0x48e: {  	v2 =	vld.idx.msk [tilespmem:v9+s4+$0x0], $0xffff  }
0x48f: {  	v9 =	vld.idx.msk [tilespmem:v10+s4+$0x0], $0xffff  }
0x490: {  	v3 =	vld.idx.msk [tilespmem:v3+s4+$0x0], $0xffff  }
0x491: {  	v8 =	vld.idx.msk [tilespmem:v8+s4+$0x0], $0xffff  }
0x492: {  	v6 =	vld.idx.msk [tilespmem:v6+s4+$0x0], $0xffff  }
0x493: {  	v7 =	vld.idx.msk [tilespmem:v7+s4+$0x0], $0xffff  }
0x494: {  	v2 =	vadd.f32 v2, v0;
	v4 =	vld.idx.msk [tilespmem:v4+s4+$0x0], $0xffff  }
0x495: {  	v9 =	vadd.f32 v9, v0;
	v5 =	vld.idx.msk [tilespmem:v5+s4+$0x0], $0xffff  }
0x496: {  	v3 =	vadd.f32 v3, v0;
	[tilespmem:s13+$0xA0] =	vst v2;
	v1 =	vld.idx.msk [tilespmem:v1+s4+$0x0], $0xffff  }
0x497: {  	v2 =	vadd.f32 v8, v0;
	[tilespmem:s13+$0xFFFFFFA0] =	vst v9;
	v8 =	vld [tilespmem:s16+$0xB0]  }
0x498: {  	v9 =	vld [tilespmem:s16+$0xFFFFFFB0];
	[tilespmem:s13+$0x20] =	vst v3;
	v3 =	vadd.f32 v6, v0  }
0x499: {  	[tilespmem:s13+$0xFFFFFF20] =	vst v2;
	v10 =	vld [tilespmem:s16+$0x30];
	v2 =	vadd.f32 v7, v0  }
0x49a: {  	v4 =	vadd.f32 v4, v0;
	v7 =	vld [tilespmem:s16+$0xFFFFFF30];
	[tilespmem:s14+$0xE0] =	vst v3  }
0x49b: {  	v3 =	vadd.f32 v5, v0;
	[tilespmem:s14+$0xFFFFFFE0] =	vst v2;
	v11 =	vld [tilespmem:s12+$0xF0]  }
0x49c: {  	v2 =	vld [tilespmem:s12+$0xFFFFFFF0];
	[tilespmem:s14+$0x60] =	vst v4;
	v4 =	vadd.f32 v1, v0  }
0x49d: {  	[tilespmem:s14+$0xFFFFFF60] =	vst v3;
	v1 =	vld [tilespmem:s12+$0x70]  }
0x49e: {  	v3 =	vld [tilespmem:s12+$0xFFFFFF70];
	[tilespmem:s11+$0x70] =	vst v4;
	s11 =	smov.u32 s14;
	s14 =	smov.u32 s13;
	s12 =	smov.u32 s16  }
.Ltmp6:
0x49f: {  	v8 =	vld.idx.msk [tilespmem:v8+s4+$0x0], $0xffff;
	(pc) =	sbr.rel @p1 .LBB2_15-.Ltmp6, $4  }
0x4a0: {  	v6 =	vld.idx.msk [tilespmem:v9+s4+$0x0], $0xffff  }
0x4a1: {  	v5 =	vld.idx.msk [tilespmem:v10+s4+$0x0], $0xffff  }
0x4a2: {  	v7 =	vld.idx.msk [tilespmem:v7+s4+$0x0], $0xffff  }
0x4a3: {  	s16 =	sadd.s32 $0x200, s16;
	v4 =	vld.idx.msk [tilespmem:v11+s4+$0x0], $0xffff  }
0x4a4: {  	v8 =	vadd.f32 v8, v0;
	_ =	sdelay $0x1  }
0x4a5: {  	v6 =	vadd.f32 v6, v0;
	[tilespmem:s13+$0xB0] =	vst v8  }
0x4a6: {  	v7 =	vadd.f32 v7, v0;
	v8 =	vld [tilespmem:s12+$0xC0]  }
0x4a7: {  	v5 =	vadd.f32 v5, v0;
	[tilespmem:s13+$0xFFFFFFB0] =	vst v6  }
0x4a8: {  	[tilespmem:s13+$0xFFFFFF30] =	vst v7;
	v7 =	vld [tilespmem:s12+$0xFFFFFFC0]  }
0x4a9: {  	[tilespmem:s13+$0x30] =	vst v5;
	v6 =	vld [tilespmem:s12+$0xFFFFFF40]  }
0x4aa: {  	v5 =	vld [tilespmem:s12+$0x40];
	_ =	sdelay $0x3  }
0x4ab: {  	v8 =	vld.idx.msk [tilespmem:v8+s4+$0x0], $0xffff;
	_ =	sdelay $0x1  }
0x4ac: {  	v7 =	vld.idx.msk [tilespmem:v7+s4+$0x0], $0xffff  }
0x4ad: {  	v6 =	vld.idx.msk [tilespmem:v6+s4+$0x0], $0xffff  }
0x4ae: {  	v5 =	vld.idx.msk [tilespmem:v5+s4+$0x0], $0xffff  }
0x4af: {  	v8 =	vadd.f32 v8, v0;
	_ =	sdelay $0x1  }
0x4b0: {  	v7 =	vadd.f32 v7, v0;
	[tilespmem:s14+$0xC0] =	vst v8  }
0x4b1: {  	v6 =	vadd.f32 v6, v0;
	v8 =	vld [tilespmem:s12+$0xD0]  }
0x4b2: {  	v5 =	vadd.f32 v5, v0;
	[tilespmem:s14+$0xFFFFFFC0] =	vst v7  }
0x4b3: {  	[tilespmem:s14+$0xFFFFFF40] =	vst v6;
	v7 =	vld [tilespmem:s12+$0xFFFFFFD0]  }
0x4b4: {  	[tilespmem:s14+$0x40] =	vst v5;
	v6 =	vld [tilespmem:s12+$0xFFFFFF50]  }
0x4b5: {  	v5 =	vld [tilespmem:s12+$0x50];
	_ =	sdelay $0x3  }
0x4b6: {  	v8 =	vld.idx.msk [tilespmem:v8+s4+$0x0], $0xffff;
	_ =	sdelay $0x1  }
0x4b7: {  	v7 =	vld.idx.msk [tilespmem:v7+s4+$0x0], $0xffff  }
0x4b8: {  	v6 =	vld.idx.msk [tilespmem:v6+s4+$0x0], $0xffff  }
0x4b9: {  	v5 =	vld.idx.msk [tilespmem:v5+s4+$0x0], $0xffff  }
0x4ba: {  	v8 =	vadd.f32 v8, v0;
	_ =	sdelay $0x1  }
0x4bb: {  	v7 =	vadd.f32 v7, v0;
	[tilespmem:s14+$0xD0] =	vst v8  }
0x4bc: {  	v6 =	vadd.f32 v6, v0;
	v8 =	vld [tilespmem:s12+$0xE0]  }
0x4bd: {  	v5 =	vadd.f32 v5, v0;
	[tilespmem:s14+$0xFFFFFFD0] =	vst v7  }
0x4be: {  	[tilespmem:s14+$0xFFFFFF50] =	vst v6;
	v7 =	vld [tilespmem:s12+$0xFFFFFFE0]  }
0x4bf: {  	[tilespmem:s14+$0x50] =	vst v5;
	v6 =	vld [tilespmem:s12+$0xFFFFFF60]  }
0x4c0: {  	v5 =	vld [tilespmem:s12+$0x60];
	_ =	sdelay $0x3  }
0x4c1: {  	v8 =	vld.idx.msk [tilespmem:v8+s4+$0x0], $0xffff;
	_ =	sdelay $0x1  }
0x4c2: {  	v7 =	vld.idx.msk [tilespmem:v7+s4+$0x0], $0xffff  }
0x4c3: {  	v6 =	vld.idx.msk [tilespmem:v6+s4+$0x0], $0xffff  }
0x4c4: {  	v5 =	vld.idx.msk [tilespmem:v5+s4+$0x0], $0xffff  }
0x4c5: {  	v8 =	vadd.f32 v8, v0;
	_ =	sdelay $0x1  }
0x4c6: {  	v7 =	vadd.f32 v7, v0;
	[tilespmem:s14+$0xE0] =	vst v8  }
0x4c7: {  	v6 =	vadd.f32 v6, v0;
	v8 =	vld [tilespmem:s12+$0xF0]  }
0x4c8: {  	v5 =	vadd.f32 v5, v0;
	[tilespmem:s14+$0xFFFFFFE0] =	vst v7  }
0x4c9: {  	[tilespmem:s14+$0xFFFFFF60] =	vst v6;
	v7 =	vld [tilespmem:s12+$0xFFFFFFF0]  }
0x4ca: {  	[tilespmem:s14+$0x60] =	vst v5;
	v6 =	vld [tilespmem:s12+$0xFFFFFF70]  }
0x4cb: {  	v5 =	vld [tilespmem:s12+$0x70];
	_ =	sdelay $0x1  }
0x4cc: {  	v2 =	vld.idx.msk [tilespmem:v2+s4+$0x0], $0xffff  }
0x4cd: {  	v3 =	vld.idx.msk [tilespmem:v3+s4+$0x0], $0xffff  }
0x4ce: {  	v8 =	vld.idx.msk [tilespmem:v8+s4+$0x0], $0xffff  }
0x4cf: {  	v1 =	vld.idx.msk [tilespmem:v1+s4+$0x0], $0xffff  }
0x4d0: {  	v4 =	vadd.f32 v4, v0;
	v7 =	vld.idx.msk [tilespmem:v7+s4+$0x0], $0xffff  }
0x4d1: {  	v2 =	vadd.f32 v2, v0;
	v6 =	vld.idx.msk [tilespmem:v6+s4+$0x0], $0xffff  }
0x4d2: {  	v3 =	vadd.f32 v3, v0;
	[tilespmem:s11+$0xF0] =	vst v4;
	v4 =	vld.idx.msk [tilespmem:v5+s4+$0x0], $0xffff  }
0x4d3: {  	[tilespmem:s11+$0xFFFFFFF0] =	vst v2;
	v2 =	vadd.f32 v8, v0  }
0x4d4: {  	v1 =	vadd.f32 v1, v0;
	[tilespmem:s11+$0xFFFFFF70] =	vst v3  }
0x4d5: {  	[tilespmem:s14+$0xF0] =	vst v2;
	v2 =	vadd.f32 v7, v0  }
0x4d6: {  	s10 =	sshll.u32 s10, $0x11;
	[tilespmem:s11+$0x70] =	vst v1;
	v1 =	vadd.f32 v6, v0  }
0x4d7: {  	s10 =	sor.u32 s18, s10;
	v0 =	vadd.f32 v4, v0;
	[tilespmem:s14+$0xFFFFFFF0] =	vst v2  }
0x4d8: {  	s10 =	sshrl.u32 s10, $0x3;
	[tilespmem:s14+$0xFFFFFF70] =	vst v1  }
0x4d9: {  	s10 =	sadd.s32 s2, s10;
	[tilespmem:s14+$0x70] =	vst v0  }
0x4da: {  	[hbm4b:s10+s24] =	stream.strided.scatter [tilespmem:s26], [sflag:$0x1], $0x1000, s25, s24, $0x38;
	[tilespmem:$0x1E968] =	vst v63  }
0x4db: {  	_ =	swait.ge [sflag:s30], $0x1000  }
0x4dc: {  	[sflag:s30] =	ssyncset.done $0x0  }
0x4dd: {  	s9 =	sadd.s32 $0x1000, s9;
	[sflag:s30] =	ssyncadd.s32 $0xFFFFF000  }
0x4de: {  	[tilespmem:s23], [sflag:$0x3] =	stream.linear.gather [spmem:s9], $0x1000, $0x38;
	[tilespmem:$0x1E968] =	vst v63  }
0x4df: {  	_ =	swait.ge [sflag:s19], $0x1000  }
0x4e0: {  	[sflag:s19] =	ssyncset.done $0x0  }
0x4e1: {  	s16 =	simm.s32 $0x187A0;
	[sflag:s19] =	ssyncadd.s32 $0xFFFFF000  }
0x4e2: {  	v1 =	vld [tilespmem:s16+$0x80]  }
0x4e3: {  	s7 =	sadd.s32 $0x65, s7;
	v2 =	vld [tilespmem:s16+$0xFFFFFF80]  }
0x4e4: {  	v0 =	vmov s7  }
0x4e5: {  	v4 =	vld [tilespmem:s16+$0xFFFFFF00]  }
0x4e6: {  	v3 =	vld [tilespmem:s16+$0x0];
	_ =	sdelay $0x2  }
0x4e7: {  	v0 =	vld.idx.msk [tilespmem:v0+s20+$0x0], $0xffff  }
0x4e8: {  	v1 =	vld.idx.msk [tilespmem:v1+s4+$0x0], $0xffff  }
0x4e9: {  	v2 =	vld.idx.msk [tilespmem:v2+s4+$0x0], $0xffff;
	_ =	sdelay $0x1  }
0x4ea: {  	v4 =	vld.idx.msk [tilespmem:v4+s4+$0x0], $0xffff  }
0x4eb: {  	v3 =	vld.idx.msk [tilespmem:v3+s4+$0x0], $0xffff  }
0x4ec: {  	v1 =	vadd.f32 v1, v0  }
0x4ed: {  	s9 =	simm.s32 $0x1A890;
	v2 =	vadd.f32 v2, v0  }
0x4ee: {  	[tilespmem:s9+$0xFFFFFF90] =	vst v1  }
0x4ef: {  	v1 =	vadd.f32 v4, v0;
	[tilespmem:s9+$0xFFFFFE90] =	vst v2;
	v2 =	vld [tilespmem:s16+$0x90]  }
0x4f0: {  	v3 =	vadd.f32 v3, v0;
	v4 =	vld [tilespmem:s16+$0xFFFFFF90]  }
0x4f1: {  	[tilespmem:s9+$0xFFFFFE10] =	vst v1  }
0x4f2: {  	[tilespmem:s9+$0xFFFFFF10] =	vst v3;
	v3 =	vld [tilespmem:s16+$0xFFFFFF10];
	_ =	sdelay $0x2  }
0x4f3: {  	v1 =	vld [tilespmem:s16+$0x10];
	_ =	sdelay $0x1  }
0x4f4: {  	v2 =	vld.idx.msk [tilespmem:v2+s4+$0x0], $0xffff  }
0x4f5: {  	v4 =	vld.idx.msk [tilespmem:v4+s4+$0x0], $0xffff;
	_ =	sdelay $0x1  }
0x4f6: {  	v3 =	vld.idx.msk [tilespmem:v3+s4+$0x0], $0xffff;
	_ =	sdelay $0x1  }
0x4f7: {  	v2 =	vadd.f32 v2, v0  }
0x4f8: {  	v1 =	vld.idx.msk [tilespmem:v1+s4+$0x0], $0xffff;
	v4 =	vadd.f32 v4, v0  }
0x4f9: {  	[tilespmem:s9+$0xFFFFFFA0] =	vst v2  }
0x4fa: {  	v2 =	vadd.f32 v3, v0;
	[tilespmem:s9+$0xFFFFFEA0] =	vst v4;
	v3 =	vld [tilespmem:s16+$0xA0]  }
0x4fb: {  	v4 =	vld [tilespmem:s16+$0xFFFFFFA0];
	_ =	sdelay $0x1  }
0x4fc: {  	v1 =	vadd.f32 v1, v0;
	_ =	sdelay $0x1  }
0x4fd: {  	[tilespmem:s9+$0xFFFFFF20] =	vst v1  }
0x4fe: {  	[tilespmem:s9+$0xFFFFFE20] =	vst v2;
	v1 =	vld [tilespmem:s16+$0x20]  }
0x4ff: {  	v2 =	vld [tilespmem:s16+$0xFFFFFF20]  }
0x500: {  	v3 =	vld.idx.msk [tilespmem:v3+s4+$0x0], $0xffff  }
0x501: {  	v4 =	vld.idx.msk [tilespmem:v4+s4+$0x0], $0xffff;
	_ =	sdelay $0x3  }
0x502: {  	v3 =	vadd.f32 v3, v0  }
0x503: {  	v1 =	vld.idx.msk [tilespmem:v1+s4+$0x0], $0xffff;
	v4 =	vadd.f32 v4, v0  }
0x504: {  	v2 =	vld.idx.msk [tilespmem:v2+s4+$0x0], $0xffff;
	[tilespmem:s9+$0xFFFFFFB0] =	vst v3  }
0x505: {  	[tilespmem:s9+$0xFFFFFEB0] =	vst v4;
	v3 =	vld [tilespmem:s16+$0xB0]  }
0x506: {  	s10 =	simm.s32 $0x189A0;
	v4 =	vld [tilespmem:s16+$0xFFFFFFB0]  }
0x507: {  	v5 =	vld [tilespmem:s10+$0x80]  }
0x508: {  	v6 =	vld [tilespmem:s10+$0xFFFFFF80];
	v1 =	vadd.f32 v1, v0  }
0x509: {  	v7 =	vld [tilespmem:s10+$0x0];
	v2 =	vadd.f32 v2, v0  }
0x50a: {  	v8 =	vld [tilespmem:s10+$0xFFFFFF00];
	[tilespmem:s9+$0xFFFFFF30] =	vst v1  }
0x50b: {  	[tilespmem:s9+$0xFFFFFE30] =	vst v2;
	v1 =	vld [tilespmem:s16+$0x30]  }
0x50c: {  	v2 =	vld [tilespmem:s16+$0xFFFFFF30]  }
0x50d: {  	v3 =	vld.idx.msk [tilespmem:v3+s4+$0x0], $0xffff  }
0x50e: {  	v4 =	vld.idx.msk [tilespmem:v4+s4+$0x0], $0xffff  }
0x50f: {  	v5 =	vld.idx.msk [tilespmem:v5+s4+$0x0], $0xffff  }
0x510: {  	v6 =	vld.idx.msk [tilespmem:v6+s4+$0x0], $0xffff  }
0x511: {  	v7 =	vld.idx.msk [tilespmem:v7+s4+$0x0], $0xffff  }
0x512: {  	v8 =	vld.idx.msk [tilespmem:v8+s4+$0x0], $0xffff;
	v3 =	vadd.f32 v3, v0  }
0x513: {  	v1 =	vld.idx.msk [tilespmem:v1+s4+$0x0], $0xffff;
	v4 =	vadd.f32 v4, v0  }
0x514: {  	v5 =	vadd.f32 v5, v0;
	v2 =	vld.idx.msk [tilespmem:v2+s4+$0x0], $0xffff;
	[tilespmem:s9+$0xFFFFFFC0] =	vst v3  }
0x515: {  	s11 =	simm.s32 $0x1AA90;
	v6 =	vadd.f32 v6, v0;
	[tilespmem:s9+$0xFFFFFEC0] =	vst v4;
	v3 =	vld [tilespmem:s16+$0xC0]  }
0x516: {  	v7 =	vadd.f32 v7, v0;
	[tilespmem:s11+$0xFFFFFF90] =	vst v5;
	v4 =	vld [tilespmem:s16+$0xFFFFFFC0]  }
0x517: {  	v5 =	vadd.f32 v8, v0;
	[tilespmem:s11+$0xFFFFFE90] =	vst v6  }
0x518: {  	[tilespmem:s11+$0xFFFFFF10] =	vst v7;
	v1 =	vadd.f32 v1, v0  }
0x519: {  	v6 =	vld [tilespmem:s10+$0x90];
	[tilespmem:s11+$0xFFFFFE10] =	vst v5;
	v2 =	vadd.f32 v2, v0  }
0x51a: {  	v7 =	vld [tilespmem:s10+$0xFFFFFF10];
	[tilespmem:s9+$0xFFFFFF40] =	vst v1  }
0x51b: {  	[tilespmem:s9+$0xFFFFFE40] =	vst v2;
	v1 =	vld [tilespmem:s16+$0x40]  }
0x51c: {  	v2 =	vld [tilespmem:s16+$0xFFFFFF40]  }
0x51d: {  	v3 =	vld.idx.msk [tilespmem:v3+s4+$0x0], $0xffff  }
0x51e: {  	v4 =	vld.idx.msk [tilespmem:v4+s4+$0x0], $0xffff  }
0x51f: {  	v8 =	vld [tilespmem:s10+$0xFFFFFF90]  }
0x520: {  	v5 =	vld [tilespmem:s10+$0x10]  }
0x521: {  	v6 =	vld.idx.msk [tilespmem:v6+s4+$0x0], $0xffff  }
0x522: {  	v7 =	vld.idx.msk [tilespmem:v7+s4+$0x0], $0xffff;
	v3 =	vadd.f32 v3, v0  }
0x523: {  	v1 =	vld.idx.msk [tilespmem:v1+s4+$0x0], $0xffff;
	v4 =	vadd.f32 v4, v0  }
0x524: {  	v2 =	vld.idx.msk [tilespmem:v2+s4+$0x0], $0xffff;
	[tilespmem:s9+$0xFFFFFFD0] =	vst v3  }
0x525: {  	[tilespmem:s9+$0xFFFFFED0] =	vst v4;
	v3 =	vld [tilespmem:s16+$0xD0]  }
0x526: {  	v4 =	vld [tilespmem:s16+$0xFFFFFFD0]  }
0x527: {  	v8 =	vld.idx.msk [tilespmem:v8+s4+$0x0], $0xffff;
	v6 =	vadd.f32 v6, v0  }
0x528: {  	v5 =	vld.idx.msk [tilespmem:v5+s4+$0x0], $0xffff;
	v1 =	vadd.f32 v1, v0  }
0x529: {  	[tilespmem:s11+$0xFFFFFFA0] =	vst v6;
	v2 =	vadd.f32 v2, v0  }
0x52a: {  	v6 =	vadd.f32 v7, v0;
	v7 =	vld [tilespmem:s10+$0xA0];
	[tilespmem:s9+$0xFFFFFF50] =	vst v1  }
0x52b: {  	[tilespmem:s9+$0xFFFFFE50] =	vst v2;
	v1 =	vld [tilespmem:s16+$0x50]  }
0x52c: {  	v8 =	vadd.f32 v8, v0;
	v2 =	vld [tilespmem:s16+$0xFFFFFF50]  }
0x52d: {  	v5 =	vadd.f32 v5, v0;
	v3 =	vld.idx.msk [tilespmem:v3+s4+$0x0], $0xffff  }
0x52e: {  	[tilespmem:s11+$0xFFFFFEA0] =	vst v8;
	v4 =	vld.idx.msk [tilespmem:v4+s4+$0x0], $0xffff  }
0x52f: {  	v8 =	vld [tilespmem:s10+$0xFFFFFFA0];
	[tilespmem:s11+$0xFFFFFF20] =	vst v5  }
0x530: {  	[tilespmem:s11+$0xFFFFFE20] =	vst v6;
	v5 =	vld [tilespmem:s10+$0x20]  }
0x531: {  	v6 =	vld [tilespmem:s10+$0xFFFFFF20]  }
0x532: {  	v7 =	vld.idx.msk [tilespmem:v7+s4+$0x0], $0xffff;
	v3 =	vadd.f32 v3, v0  }
0x533: {  	v1 =	vld.idx.msk [tilespmem:v1+s4+$0x0], $0xffff;
	v4 =	vadd.f32 v4, v0  }
0x534: {  	v2 =	vld.idx.msk [tilespmem:v2+s4+$0x0], $0xffff;
	[tilespmem:s9+$0xFFFFFFE0] =	vst v3  }
0x535: {  	[tilespmem:s9+$0xFFFFFEE0] =	vst v4;
	v3 =	vld [tilespmem:s16+$0xE0]  }
0x536: {  	v4 =	vld [tilespmem:s16+$0xFFFFFFE0]  }
0x537: {  	v8 =	vld.idx.msk [tilespmem:v8+s4+$0x0], $0xffff;
	v7 =	vadd.f32 v7, v0  }
0x538: {  	v5 =	vld.idx.msk [tilespmem:v5+s4+$0x0], $0xffff;
	v1 =	vadd.f32 v1, v0  }
0x539: {  	v6 =	vld.idx.msk [tilespmem:v6+s4+$0x0], $0xffff;
	[tilespmem:s11+$0xFFFFFFB0] =	vst v7;
	v2 =	vadd.f32 v2, v0  }
0x53a: {  	v7 =	vld [tilespmem:s10+$0xB0];
	[tilespmem:s9+$0xFFFFFF60] =	vst v1  }
0x53b: {  	[tilespmem:s9+$0xFFFFFE60] =	vst v2;
	v1 =	vld [tilespmem:s16+$0x60]  }
0x53c: {  	v8 =	vadd.f32 v8, v0;
	v2 =	vld [tilespmem:s16+$0xFFFFFF60]  }
0x53d: {  	v5 =	vadd.f32 v5, v0;
	v3 =	vld.idx.msk [tilespmem:v3+s4+$0x0], $0xffff  }
0x53e: {  	v6 =	vadd.f32 v6, v0;
	[tilespmem:s11+$0xFFFFFEB0] =	vst v8;
	v4 =	vld.idx.msk [tilespmem:v4+s4+$0x0], $0xffff  }
0x53f: {  	v9 =	vld [tilespmem:s10+$0xFFFFFFB0];
	[tilespmem:s11+$0xFFFFFF30] =	vst v5  }
0x540: {  	[tilespmem:s11+$0xFFFFFE30] =	vst v6;
	v5 =	vld [tilespmem:s10+$0x30]  }
0x541: {  	v10 =	vld [tilespmem:s10+$0xFFFFFF30]  }
0x542: {  	v3 =	vadd.f32 v3, v0  }
0x543: {  	v1 =	vld.idx.msk [tilespmem:v1+s4+$0x0], $0xffff;
	v4 =	vadd.f32 v4, v0  }
0x544: {  	v2 =	vld.idx.msk [tilespmem:v2+s4+$0x0], $0xffff;
	[tilespmem:s9+$0xFFFFFFF0] =	vst v3  }
0x545: {  	[tilespmem:s9+$0xFFFFFEF0] =	vst v4;
	v4 =	vld [tilespmem:s16+$0xF0]  }
0x546: {  	v8 =	vld.idx.msk [tilespmem:v7+s4+$0x0], $0xffff  }
0x547: {  	v6 =	vld.idx.msk [tilespmem:v9+s4+$0x0], $0xffff  }
0x548: {  	v5 =	vld.idx.msk [tilespmem:v5+s4+$0x0], $0xffff;
	v1 =	vadd.f32 v1, v0  }
0x549: {  	v7 =	vld.idx.msk [tilespmem:v10+s4+$0x0], $0xffff;
	v3 =	vadd.f32 v2, v0  }
0x54a: {  	v2 =	vld [tilespmem:s16+$0xFFFFFFF0];
	[tilespmem:s9+$0xFFFFFF70] =	vst v1  }
0x54b: {  	[tilespmem:s9+$0xFFFFFE70] =	vst v3;
	v1 =	vld [tilespmem:s16+$0x70]  }
0x54c: {  	v3 =	vld [tilespmem:s16+$0xFFFFFF70]  }
0x54d: {  	s13 =	simm.s32 $0x4;
	s12 =	simm.s32 $0x1AA90;
	s14 =	simm.s32 $0x18BA0;
	v4 =	vld.idx.msk [tilespmem:v4+s4+$0x0], $0xffff  }
.LBB2_17:
0x54e: {  	v9 =	vld [tilespmem:s14+$0x80];
	s13 =	sadd.s32 $0x4, s13  }
0x54f: {  	v8 =	vadd.f32 v8, v0;
	v10 =	vld [tilespmem:s14+$0xFFFFFF80];
	p1 =	slt.u32 s13, $0x1C  }
0x550: {  	v6 =	vadd.f32 v6, v0;
	v11 =	vld [tilespmem:s14+$0x0]  }
0x551: {  	v5 =	vadd.f32 v5, v0;
	v12 =	vld [tilespmem:s14+$0xFFFFFF00];
	[tilespmem:s11+$0xFFFFFFC0] =	vst v8  }
0x552: {  	v7 =	vadd.f32 v7, v0;
	[tilespmem:s11+$0xFFFFFEC0] =	vst v6;
	v6 =	vld [tilespmem:s10+$0xC0]  }
0x553: {  	v4 =	vadd.f32 v4, v0;
	v8 =	vld [tilespmem:s10+$0xFFFFFFC0];
	[tilespmem:s11+$0xFFFFFF40] =	vst v5  }
0x554: {  	[tilespmem:s11+$0xFFFFFE40] =	vst v7;
	v5 =	vld [tilespmem:s10+$0x40]  }
0x555: {  	v7 =	vld [tilespmem:s10+$0xFFFFFF40];
	[tilespmem:s9+$0x0] =	vst v4  }
0x556: {  	v4 =	vld.idx.msk [tilespmem:v9+s4+$0x0], $0xffff  }
0x557: {  	v9 =	vld.idx.msk [tilespmem:v10+s4+$0x0], $0xffff  }
0x558: {  	v10 =	vld.idx.msk [tilespmem:v11+s4+$0x0], $0xffff  }
0x559: {  	v11 =	vld.idx.msk [tilespmem:v12+s4+$0x0], $0xffff  }
0x55a: {  	v6 =	vld.idx.msk [tilespmem:v6+s4+$0x0], $0xffff  }
0x55b: {  	v8 =	vld.idx.msk [tilespmem:v8+s4+$0x0], $0xffff  }
0x55c: {  	v4 =	vadd.f32 v4, v0;
	v5 =	vld.idx.msk [tilespmem:v5+s4+$0x0], $0xffff  }
0x55d: {  	s11 =	sadd.s32 $0x200, s11;
	v9 =	vadd.f32 v9, v0;
	v7 =	vld.idx.msk [tilespmem:v7+s4+$0x0], $0xffff  }
0x55e: {  	v10 =	vadd.f32 v10, v0;
	[tilespmem:s11+$0xFFFFFF90] =	vst v4;
	v3 =	vld.idx.msk [tilespmem:v3+s4+$0x0], $0xffff  }
0x55f: {  	v4 =	vadd.f32 v11, v0;
	[tilespmem:s11+$0xFFFFFE90] =	vst v9;
	v9 =	vld [tilespmem:s14+$0x90]  }
0x560: {  	v6 =	vadd.f32 v6, v0;
	v11 =	vld [tilespmem:s14+$0xFFFFFF90];
	[tilespmem:s11+$0xFFFFFF10] =	vst v10  }
0x561: {  	v8 =	vadd.f32 v8, v0;
	[tilespmem:s11+$0xFFFFFE10] =	vst v4;
	v4 =	vld [tilespmem:s14+$0x10]  }
0x562: {  	v5 =	vadd.f32 v5, v0;
	v10 =	vld [tilespmem:s14+$0xFFFFFF10];
	[tilespmem:s12+$0xFFFFFFD0] =	vst v6  }
0x563: {  	v6 =	vadd.f32 v7, v0;
	[tilespmem:s12+$0xFFFFFED0] =	vst v8;
	v7 =	vld [tilespmem:s10+$0xD0]  }
0x564: {  	v3 =	vadd.f32 v3, v0;
	v8 =	vld [tilespmem:s10+$0xFFFFFFD0];
	[tilespmem:s12+$0xFFFFFF50] =	vst v5  }
0x565: {  	[tilespmem:s12+$0xFFFFFE50] =	vst v6;
	v5 =	vld [tilespmem:s10+$0x50]  }
0x566: {  	v6 =	vld [tilespmem:s10+$0xFFFFFF50];
	[tilespmem:s9+$0xFFFFFE80] =	vst v3  }
0x567: {  	v3 =	vld.idx.msk [tilespmem:v9+s4+$0x0], $0xffff  }
0x568: {  	v9 =	vld.idx.msk [tilespmem:v11+s4+$0x0], $0xffff  }
0x569: {  	v4 =	vld.idx.msk [tilespmem:v4+s4+$0x0], $0xffff  }
0x56a: {  	v10 =	vld.idx.msk [tilespmem:v10+s4+$0x0], $0xffff  }
0x56b: {  	v7 =	vld.idx.msk [tilespmem:v7+s4+$0x0], $0xffff  }
0x56c: {  	v8 =	vld.idx.msk [tilespmem:v8+s4+$0x0], $0xffff  }
0x56d: {  	v3 =	vadd.f32 v3, v0;
	v5 =	vld.idx.msk [tilespmem:v5+s4+$0x0], $0xffff  }
0x56e: {  	v9 =	vadd.f32 v9, v0;
	v6 =	vld.idx.msk [tilespmem:v6+s4+$0x0], $0xffff  }
0x56f: {  	v4 =	vadd.f32 v4, v0;
	[tilespmem:s11+$0xFFFFFFA0] =	vst v3;
	v2 =	vld.idx.msk [tilespmem:v2+s4+$0x0], $0xffff  }
0x570: {  	v3 =	vadd.f32 v10, v0;
	[tilespmem:s11+$0xFFFFFEA0] =	vst v9;
	v9 =	vld [tilespmem:s14+$0xA0]  }
0x571: {  	v10 =	vld [tilespmem:s14+$0xFFFFFFA0];
	[tilespmem:s11+$0xFFFFFF20] =	vst v4;
	v4 =	vadd.f32 v7, v0  }
0x572: {  	v7 =	vadd.f32 v8, v0;
	[tilespmem:s11+$0xFFFFFE20] =	vst v3;
	v3 =	vld [tilespmem:s14+$0x20]  }
0x573: {  	v5 =	vadd.f32 v5, v0;
	v8 =	vld [tilespmem:s14+$0xFFFFFF20];
	[tilespmem:s12+$0xFFFFFFE0] =	vst v4  }
0x574: {  	v4 =	vadd.f32 v6, v0;
	[tilespmem:s12+$0xFFFFFEE0] =	vst v7;
	v6 =	vld [tilespmem:s10+$0xE0]  }
0x575: {  	v2 =	vadd.f32 v2, v0;
	v7 =	vld [tilespmem:s10+$0xFFFFFFE0];
	[tilespmem:s12+$0xFFFFFF60] =	vst v5  }
0x576: {  	[tilespmem:s12+$0xFFFFFE60] =	vst v4;
	v4 =	vld [tilespmem:s10+$0x60]  }
0x577: {  	v5 =	vld [tilespmem:s10+$0xFFFFFF60];
	[tilespmem:s9+$0xFFFFFF00] =	vst v2  }
0x578: {  	v2 =	vld.idx.msk [tilespmem:v9+s4+$0x0], $0xffff  }
0x579: {  	v9 =	vld.idx.msk [tilespmem:v10+s4+$0x0], $0xffff  }
0x57a: {  	v3 =	vld.idx.msk [tilespmem:v3+s4+$0x0], $0xffff  }
0x57b: {  	v8 =	vld.idx.msk [tilespmem:v8+s4+$0x0], $0xffff  }
0x57c: {  	v6 =	vld.idx.msk [tilespmem:v6+s4+$0x0], $0xffff  }
0x57d: {  	v7 =	vld.idx.msk [tilespmem:v7+s4+$0x0], $0xffff  }
0x57e: {  	v2 =	vadd.f32 v2, v0;
	v4 =	vld.idx.msk [tilespmem:v4+s4+$0x0], $0xffff  }
0x57f: {  	v9 =	vadd.f32 v9, v0;
	v5 =	vld.idx.msk [tilespmem:v5+s4+$0x0], $0xffff  }
0x580: {  	v3 =	vadd.f32 v3, v0;
	[tilespmem:s11+$0xFFFFFFB0] =	vst v2;
	v1 =	vld.idx.msk [tilespmem:v1+s4+$0x0], $0xffff  }
0x581: {  	v2 =	vadd.f32 v8, v0;
	[tilespmem:s11+$0xFFFFFEB0] =	vst v9;
	v8 =	vld [tilespmem:s14+$0xB0]  }
0x582: {  	v9 =	vld [tilespmem:s14+$0xFFFFFFB0];
	[tilespmem:s11+$0xFFFFFF30] =	vst v3;
	v3 =	vadd.f32 v6, v0  }
0x583: {  	[tilespmem:s11+$0xFFFFFE30] =	vst v2;
	v10 =	vld [tilespmem:s14+$0x30];
	v2 =	vadd.f32 v7, v0  }
0x584: {  	v4 =	vadd.f32 v4, v0;
	v7 =	vld [tilespmem:s14+$0xFFFFFF30];
	[tilespmem:s12+$0xFFFFFFF0] =	vst v3  }
0x585: {  	v3 =	vadd.f32 v5, v0;
	[tilespmem:s12+$0xFFFFFEF0] =	vst v2;
	v11 =	vld [tilespmem:s10+$0xF0]  }
0x586: {  	v2 =	vld [tilespmem:s10+$0xFFFFFFF0];
	[tilespmem:s12+$0xFFFFFF70] =	vst v4;
	v4 =	vadd.f32 v1, v0  }
0x587: {  	[tilespmem:s12+$0xFFFFFE70] =	vst v3;
	v1 =	vld [tilespmem:s10+$0x70]  }
0x588: {  	v3 =	vld [tilespmem:s10+$0xFFFFFF70];
	[tilespmem:s9+$0xFFFFFF80] =	vst v4;
	s9 =	smov.u32 s12;
	s12 =	smov.u32 s11;
	s10 =	smov.u32 s14  }
.Ltmp7:
0x589: {  	v8 =	vld.idx.msk [tilespmem:v8+s4+$0x0], $0xffff;
	(pc) =	sbr.rel @p1 .LBB2_17-.Ltmp7, $4  }
0x58a: {  	v6 =	vld.idx.msk [tilespmem:v9+s4+$0x0], $0xffff  }
0x58b: {  	v5 =	vld.idx.msk [tilespmem:v10+s4+$0x0], $0xffff  }
0x58c: {  	v7 =	vld.idx.msk [tilespmem:v7+s4+$0x0], $0xffff  }
0x58d: {  	s14 =	sadd.s32 $0x200, s14;
	v4 =	vld.idx.msk [tilespmem:v11+s4+$0x0], $0xffff  }
0x58e: {  	v8 =	vadd.f32 v8, v0  }
0x58f: {  	v6 =	vadd.f32 v6, v0  }
0x590: {  	[tilespmem:s11+$0xFFFFFFC0] =	vst v8;
	v5 =	vadd.f32 v5, v0  }
0x591: {  	v7 =	vadd.f32 v7, v0;
	v8 =	vld [tilespmem:s10+$0xC0];
	[tilespmem:s11+$0xFFFFFEC0] =	vst v6  }
0x592: {  	v58 =	vld [tilespmem:s10+$0xFFFFFFC0];
	[tilespmem:s11+$0xFFFFFF40] =	vst v5  }
0x593: {  	[tilespmem:s11+$0xFFFFFE40] =	vst v7;
	v5 =	vld [tilespmem:s10+$0x40]  }
0x594: {  	v57 =	vld [tilespmem:s10+$0xFFFFFF40];
	_ =	sdelay $0x4  }
0x595: {  	v8 =	vld.idx.msk [tilespmem:v8+s4+$0x0], $0xffff  }
0x596: {  	v7 =	vld.idx.msk [tilespmem:v58+s4+$0x0], $0xffff  }
0x597: {  	v5 =	vld.idx.msk [tilespmem:v5+s4+$0x0], $0xffff  }
0x598: {  	v6 =	vld.idx.msk [tilespmem:v57+s4+$0x0], $0xffff;
	_ =	sdelay $0x1  }
0x599: {  	v8 =	vadd.f32 v8, v0  }
0x59a: {  	v7 =	vadd.f32 v7, v0  }
0x59b: {  	[tilespmem:s12+$0xFFFFFFD0] =	vst v8;
	v5 =	vadd.f32 v5, v0  }
0x59c: {  	v6 =	vadd.f32 v6, v0;
	v8 =	vld [tilespmem:s10+$0xD0];
	[tilespmem:s12+$0xFFFFFED0] =	vst v7  }
0x59d: {  	v7 =	vld [tilespmem:s10+$0xFFFFFFD0];
	[tilespmem:s12+$0xFFFFFF50] =	vst v5  }
0x59e: {  	[tilespmem:s12+$0xFFFFFE50] =	vst v6;
	v5 =	vld [tilespmem:s10+$0x50]  }
0x59f: {  	v6 =	vld [tilespmem:s10+$0xFFFFFF50];
	_ =	sdelay $0x4  }
0x5a0: {  	v8 =	vld.idx.msk [tilespmem:v8+s4+$0x0], $0xffff  }
0x5a1: {  	v7 =	vld.idx.msk [tilespmem:v7+s4+$0x0], $0xffff  }
0x5a2: {  	v5 =	vld.idx.msk [tilespmem:v5+s4+$0x0], $0xffff  }
0x5a3: {  	v6 =	vld.idx.msk [tilespmem:v6+s4+$0x0], $0xffff;
	_ =	sdelay $0x1  }
0x5a4: {  	v8 =	vadd.f32 v8, v0  }
0x5a5: {  	v7 =	vadd.f32 v7, v0  }
0x5a6: {  	[tilespmem:s12+$0xFFFFFFE0] =	vst v8;
	v5 =	vadd.f32 v5, v0  }
0x5a7: {  	v6 =	vadd.f32 v6, v0;
	v8 =	vld [tilespmem:s10+$0xE0];
	[tilespmem:s12+$0xFFFFFEE0] =	vst v7  }
0x5a8: {  	v7 =	vld [tilespmem:s10+$0xFFFFFFE0];
	[tilespmem:s12+$0xFFFFFF60] =	vst v5  }
0x5a9: {  	[tilespmem:s12+$0xFFFFFE60] =	vst v6;
	v5 =	vld [tilespmem:s10+$0x60]  }
0x5aa: {  	v6 =	vld [tilespmem:s10+$0xFFFFFF60];
	_ =	sdelay $0x4  }
0x5ab: {  	v8 =	vld.idx.msk [tilespmem:v8+s4+$0x0], $0xffff  }
0x5ac: {  	v7 =	vld.idx.msk [tilespmem:v7+s4+$0x0], $0xffff  }
0x5ad: {  	v5 =	vld.idx.msk [tilespmem:v5+s4+$0x0], $0xffff  }
0x5ae: {  	v6 =	vld.idx.msk [tilespmem:v6+s4+$0x0], $0xffff;
	_ =	sdelay $0x1  }
0x5af: {  	v8 =	vadd.f32 v8, v0  }
0x5b0: {  	v7 =	vadd.f32 v7, v0  }
0x5b1: {  	[tilespmem:s12+$0xFFFFFFF0] =	vst v8;
	v5 =	vadd.f32 v5, v0  }
0x5b2: {  	v6 =	vadd.f32 v6, v0;
	v8 =	vld [tilespmem:s10+$0xF0];
	[tilespmem:s12+$0xFFFFFEF0] =	vst v7  }
0x5b3: {  	v7 =	vld [tilespmem:s10+$0xFFFFFFF0];
	[tilespmem:s12+$0xFFFFFF70] =	vst v5  }
0x5b4: {  	[tilespmem:s12+$0xFFFFFE70] =	vst v6;
	v5 =	vld [tilespmem:s10+$0x70]  }
0x5b5: {  	v6 =	vld [tilespmem:s10+$0xFFFFFF70];
	_ =	sdelay $0x1  }
0x5b6: {  	v3 =	vld.idx.msk [tilespmem:v3+s4+$0x0], $0xffff  }
0x5b7: {  	v2 =	vld.idx.msk [tilespmem:v2+s4+$0x0], $0xffff  }
0x5b8: {  	v1 =	vld.idx.msk [tilespmem:v1+s4+$0x0], $0xffff  }
0x5b9: {  	v8 =	vld.idx.msk [tilespmem:v8+s4+$0x0], $0xffff  }
0x5ba: {  	v4 =	vadd.f32 v4, v0;
	v7 =	vld.idx.msk [tilespmem:v7+s4+$0x0], $0xffff  }
0x5bb: {  	v3 =	vadd.f32 v3, v0;
	v59 =	vld.idx.msk [tilespmem:v5+s4+$0x0], $0xffff  }
0x5bc: {  	v2 =	vadd.f32 v2, v0;
	[tilespmem:s9+$0x0] =	vst v4;
	v6 =	vld.idx.msk [tilespmem:v6+s4+$0x0], $0xffff  }
0x5bd: {  	v1 =	vadd.f32 v1, v0;
	[tilespmem:s9+$0xFFFFFE80] =	vst v3  }
0x5be: {  	s6 =	sadd.s32 $0x1, s6;
	[tilespmem:s9+$0xFFFFFF00] =	vst v2;
	v60 =	vadd.f32 v8, v0  }
0x5bf: {  	p1 =	sne.s32 s6, $0x19;
	[tilespmem:s9+$0xFFFFFF80] =	vst v1;
	v62 =	vadd.f32 v7, v0  }
.Ltmp8:
0x5c0: {  	s7 =	sshll.u32 s7, $0x11;
	[tilespmem:s12+$0x0] =	vst v60;
	v63 =	vadd.f32 v59, v0;
	(pc) =	sbr.rel @p1 .LBB2_14-.Ltmp8, $4  }
0x5c1: {  	s7 =	sor.u32 s18, s7;
	v61 =	vadd.f32 v6, v0;
	[tilespmem:s12+$0xFFFFFF00] =	vst v62  }
0x5c2: {  	s7 =	sshrl.u32 s7, $0x3;
	[tilespmem:s12+$0xFFFFFF80] =	vst v63  }
0x5c3: {  	s7 =	sadd.s32 s2, s7;
	[tilespmem:s12+$0xFFFFFE80] =	vst v61  }
0x5c4: {  	[hbm4b:s7+s24] =	stream.strided.scatter [tilespmem:s28], [sflag:$0x2], $0x1000, s25, s24, $0x38;
	[tilespmem:$0x1E968] =	vst v63  }
0x5c5: {  	[bflag:$0x0] =	sbarrier.arrive $0xFFFF  }
0x5c6: {  	s6 =	rddreg [dreg:$0xe]  }
0x5c7: {  	[spmem:s5], [sflag:s21] =	dma.local @p0 [hbm:s6], $0x600  }
0x5c8: {  	s5 =	simm.s32 @p0 $0x3  }
0x5c9: {  	_ =	swait.ge @p0 [sflag:s5], $0x600  }
0x5ca: {  	[sflag:s5] =	ssyncset.done @p0 $0x0  }
0x5cb: {  	[sflag:s5] =	ssyncadd.s32 @p0 $0xFFFFFA00;
	s5 =	rddreg [dreg:$0xd]  }
0x5cc: {  	[spmem:s0], [sflag:s1] =	dma.local @!p0 [hbm:s5], $0x800  }
0x5cd: {  	s0 =	simm.s32 @!p0 $0x3  }
0x5ce: {  	_ =	swait.ge @!p0 [sflag:s0], $0x800  }
0x5cf: {  	[sflag:s0] =	ssyncset.done @!p0 $0x0  }
0x5d0: {  	[sflag:s0] =	ssyncadd.s32 @!p0 $0xFFFFF800  }
0x5d1: {  	s0 =	simm.s32 $0x0;
	[bflag:$0x0] =	sbarrier.arrive $0xFFFF  }
.LBB2_20:
0x5d2: {  	_ =	swait.ge [sflag:s29], $0x1000;
	s1 =	sshll.u32 s0, $0xD  }
0x5d3: {  	[sflag:s29] =	ssyncset.done $0x0;
	s1 =	sand.u32 $0x3FFFE000, s1  }
0x5d4: {  	[sflag:s29] =	ssyncadd.s32 $0xFFFFF000;
	s5 =	sadd.s32 s1, s3  }
0x5d5: {  	[tilespmem:s23], [sflag:$0x3] =	stream.linear.gather [spmem:s5], $0x1000, $0x38;
	[tilespmem:$0x1E968] =	vst v63  }
0x5d6: {  	_ =	swait.ge [sflag:s19], $0x1000  }
0x5d7: {  	s1 =	sshll.u32 s0, $0x1;
	[sflag:s19] =	ssyncset.done $0x0  }
0x5d8: {  	s11 =	simm.s32 $0x187A0;
	s6 =	sadd.s32 $0x96, s1;
	[sflag:s19] =	ssyncadd.s32 $0xFFFFF000  }
0x5d9: {  	v0 =	vmov s6;
	v1 =	vld [tilespmem:s11+$0x80]  }
0x5da: {  	v0 =	vbroadcast v0, $0x0;
	v2 =	vld [tilespmem:s11+$0xFFFFFF80];
	_ =	sdelay $0x1  }
0x5db: {  	v4 =	vld [tilespmem:s11+$0xFFFFFF00]  }
0x5dc: {  	v3 =	vld [tilespmem:s11+$0x0];
	_ =	sdelay $0x2  }
0x5dd: {  	v0 =	vld.idx.msk [tilespmem:v0+s20+$0x0], $0xffff  }
0x5de: {  	v1 =	vld.idx.msk [tilespmem:v1+s4+$0x0], $0xffff  }
0x5df: {  	v2 =	vld.idx.msk [tilespmem:v2+s4+$0x0], $0xffff;
	_ =	sdelay $0x1  }
0x5e0: {  	v4 =	vld.idx.msk [tilespmem:v4+s4+$0x0], $0xffff  }
0x5e1: {  	v3 =	vld.idx.msk [tilespmem:v3+s4+$0x0], $0xffff  }
0x5e2: {  	v1 =	vadd.f32 v1, v0  }
0x5e3: {  	s7 =	simm.s32 $0x197A0;
	v2 =	vadd.f32 v2, v0  }
0x5e4: {  	[tilespmem:s7+$0x80] =	vst v1  }
0x5e5: {  	v1 =	vadd.f32 v4, v0;
	[tilespmem:s7+$0xFFFFFF80] =	vst v2;
	v2 =	vld [tilespmem:s11+$0x90]  }
0x5e6: {  	v3 =	vadd.f32 v3, v0;
	v4 =	vld [tilespmem:s11+$0xFFFFFF90]  }
0x5e7: {  	[tilespmem:s7+$0xFFFFFF00] =	vst v1  }
0x5e8: {  	[tilespmem:s7+$0x0] =	vst v3;
	v3 =	vld [tilespmem:s11+$0xFFFFFF10];
	_ =	sdelay $0x2  }
0x5e9: {  	v1 =	vld [tilespmem:s11+$0x10];
	_ =	sdelay $0x1  }
0x5ea: {  	v2 =	vld.idx.msk [tilespmem:v2+s4+$0x0], $0xffff  }
0x5eb: {  	v4 =	vld.idx.msk [tilespmem:v4+s4+$0x0], $0xffff;
	_ =	sdelay $0x1  }
0x5ec: {  	v3 =	vld.idx.msk [tilespmem:v3+s4+$0x0], $0xffff;
	_ =	sdelay $0x1  }
0x5ed: {  	v2 =	vadd.f32 v2, v0  }
0x5ee: {  	v1 =	vld.idx.msk [tilespmem:v1+s4+$0x0], $0xffff;
	v4 =	vadd.f32 v4, v0  }
0x5ef: {  	[tilespmem:s7+$0x90] =	vst v2  }
0x5f0: {  	v2 =	vadd.f32 v3, v0;
	[tilespmem:s7+$0xFFFFFF90] =	vst v4;
	v3 =	vld [tilespmem:s11+$0xA0]  }
0x5f1: {  	v4 =	vld [tilespmem:s11+$0xFFFFFFA0];
	_ =	sdelay $0x1  }
0x5f2: {  	v1 =	vadd.f32 v1, v0;
	_ =	sdelay $0x1  }
0x5f3: {  	[tilespmem:s7+$0x10] =	vst v1  }
0x5f4: {  	[tilespmem:s7+$0xFFFFFF10] =	vst v2;
	v1 =	vld [tilespmem:s11+$0x20]  }
0x5f5: {  	v2 =	vld [tilespmem:s11+$0xFFFFFF20]  }
0x5f6: {  	v3 =	vld.idx.msk [tilespmem:v3+s4+$0x0], $0xffff  }
0x5f7: {  	v4 =	vld.idx.msk [tilespmem:v4+s4+$0x0], $0xffff;
	_ =	sdelay $0x3  }
0x5f8: {  	v3 =	vadd.f32 v3, v0  }
0x5f9: {  	v1 =	vld.idx.msk [tilespmem:v1+s4+$0x0], $0xffff;
	v4 =	vadd.f32 v4, v0  }
0x5fa: {  	v2 =	vld.idx.msk [tilespmem:v2+s4+$0x0], $0xffff;
	[tilespmem:s7+$0xA0] =	vst v3  }
0x5fb: {  	[tilespmem:s7+$0xFFFFFFA0] =	vst v4;
	v3 =	vld [tilespmem:s11+$0xB0]  }
0x5fc: {  	s9 =	simm.s32 $0x189A0;
	v4 =	vld [tilespmem:s11+$0xFFFFFFB0]  }
0x5fd: {  	v5 =	vld [tilespmem:s9+$0x80]  }
0x5fe: {  	v6 =	vld [tilespmem:s9+$0xFFFFFF80];
	v1 =	vadd.f32 v1, v0  }
0x5ff: {  	v7 =	vld [tilespmem:s9+$0x0];
	v2 =	vadd.f32 v2, v0  }
0x600: {  	v8 =	vld [tilespmem:s9+$0xFFFFFF00];
	[tilespmem:s7+$0x20] =	vst v1  }
0x601: {  	[tilespmem:s7+$0xFFFFFF20] =	vst v2;
	v1 =	vld [tilespmem:s11+$0x30]  }
0x602: {  	v2 =	vld [tilespmem:s11+$0xFFFFFF30]  }
0x603: {  	v3 =	vld.idx.msk [tilespmem:v3+s4+$0x0], $0xffff  }
0x604: {  	v4 =	vld.idx.msk [tilespmem:v4+s4+$0x0], $0xffff  }
0x605: {  	v5 =	vld.idx.msk [tilespmem:v5+s4+$0x0], $0xffff  }
0x606: {  	v6 =	vld.idx.msk [tilespmem:v6+s4+$0x0], $0xffff  }
0x607: {  	v7 =	vld.idx.msk [tilespmem:v7+s4+$0x0], $0xffff  }
0x608: {  	v8 =	vld.idx.msk [tilespmem:v8+s4+$0x0], $0xffff;
	v3 =	vadd.f32 v3, v0  }
0x609: {  	v1 =	vld.idx.msk [tilespmem:v1+s4+$0x0], $0xffff;
	v4 =	vadd.f32 v4, v0  }
0x60a: {  	v5 =	vadd.f32 v5, v0;
	v2 =	vld.idx.msk [tilespmem:v2+s4+$0x0], $0xffff;
	[tilespmem:s7+$0xB0] =	vst v3  }
0x60b: {  	s10 =	simm.s32 $0x199A0;
	v6 =	vadd.f32 v6, v0;
	[tilespmem:s7+$0xFFFFFFB0] =	vst v4;
	v3 =	vld [tilespmem:s11+$0xC0]  }
0x60c: {  	v7 =	vadd.f32 v7, v0;
	[tilespmem:s10+$0x80] =	vst v5;
	v4 =	vld [tilespmem:s11+$0xFFFFFFC0]  }
0x60d: {  	v5 =	vadd.f32 v8, v0;
	[tilespmem:s10+$0xFFFFFF80] =	vst v6  }
0x60e: {  	[tilespmem:s10+$0x0] =	vst v7;
	v1 =	vadd.f32 v1, v0  }
0x60f: {  	v6 =	vld [tilespmem:s9+$0x90];
	[tilespmem:s10+$0xFFFFFF00] =	vst v5;
	v2 =	vadd.f32 v2, v0  }
0x610: {  	v7 =	vld [tilespmem:s9+$0xFFFFFF10];
	[tilespmem:s7+$0x30] =	vst v1  }
0x611: {  	[tilespmem:s7+$0xFFFFFF30] =	vst v2;
	v1 =	vld [tilespmem:s11+$0x40]  }
0x612: {  	v2 =	vld [tilespmem:s11+$0xFFFFFF40]  }
0x613: {  	v3 =	vld.idx.msk [tilespmem:v3+s4+$0x0], $0xffff  }
0x614: {  	v4 =	vld.idx.msk [tilespmem:v4+s4+$0x0], $0xffff  }
0x615: {  	v8 =	vld [tilespmem:s9+$0xFFFFFF90]  }
0x616: {  	v5 =	vld [tilespmem:s9+$0x10]  }
0x617: {  	v6 =	vld.idx.msk [tilespmem:v6+s4+$0x0], $0xffff  }
0x618: {  	v7 =	vld.idx.msk [tilespmem:v7+s4+$0x0], $0xffff;
	v3 =	vadd.f32 v3, v0  }
0x619: {  	v1 =	vld.idx.msk [tilespmem:v1+s4+$0x0], $0xffff;
	v4 =	vadd.f32 v4, v0  }
0x61a: {  	v2 =	vld.idx.msk [tilespmem:v2+s4+$0x0], $0xffff;
	[tilespmem:s7+$0xC0] =	vst v3  }
0x61b: {  	[tilespmem:s7+$0xFFFFFFC0] =	vst v4;
	v3 =	vld [tilespmem:s11+$0xD0]  }
0x61c: {  	v4 =	vld [tilespmem:s11+$0xFFFFFFD0]  }
0x61d: {  	v8 =	vld.idx.msk [tilespmem:v8+s4+$0x0], $0xffff;
	v6 =	vadd.f32 v6, v0  }
0x61e: {  	v5 =	vld.idx.msk [tilespmem:v5+s4+$0x0], $0xffff;
	v1 =	vadd.f32 v1, v0  }
0x61f: {  	[tilespmem:s10+$0x90] =	vst v6;
	v2 =	vadd.f32 v2, v0  }
0x620: {  	v6 =	vadd.f32 v7, v0;
	v7 =	vld [tilespmem:s9+$0xA0];
	[tilespmem:s7+$0x40] =	vst v1  }
0x621: {  	[tilespmem:s7+$0xFFFFFF40] =	vst v2;
	v1 =	vld [tilespmem:s11+$0x50]  }
0x622: {  	v8 =	vadd.f32 v8, v0;
	v2 =	vld [tilespmem:s11+$0xFFFFFF50]  }
0x623: {  	v5 =	vadd.f32 v5, v0;
	v3 =	vld.idx.msk [tilespmem:v3+s4+$0x0], $0xffff  }
0x624: {  	[tilespmem:s10+$0xFFFFFF90] =	vst v8;
	v4 =	vld.idx.msk [tilespmem:v4+s4+$0x0], $0xffff  }
0x625: {  	v8 =	vld [tilespmem:s9+$0xFFFFFFA0];
	[tilespmem:s10+$0x10] =	vst v5  }
0x626: {  	[tilespmem:s10+$0xFFFFFF10] =	vst v6;
	v5 =	vld [tilespmem:s9+$0x20]  }
0x627: {  	v6 =	vld [tilespmem:s9+$0xFFFFFF20]  }
0x628: {  	v7 =	vld.idx.msk [tilespmem:v7+s4+$0x0], $0xffff;
	v3 =	vadd.f32 v3, v0  }
0x629: {  	v1 =	vld.idx.msk [tilespmem:v1+s4+$0x0], $0xffff;
	v4 =	vadd.f32 v4, v0  }
0x62a: {  	v2 =	vld.idx.msk [tilespmem:v2+s4+$0x0], $0xffff;
	[tilespmem:s7+$0xD0] =	vst v3  }
0x62b: {  	[tilespmem:s7+$0xFFFFFFD0] =	vst v4;
	v3 =	vld [tilespmem:s11+$0xE0]  }
0x62c: {  	v4 =	vld [tilespmem:s11+$0xFFFFFFE0]  }
0x62d: {  	v8 =	vld.idx.msk [tilespmem:v8+s4+$0x0], $0xffff;
	v7 =	vadd.f32 v7, v0  }
0x62e: {  	v5 =	vld.idx.msk [tilespmem:v5+s4+$0x0], $0xffff;
	v1 =	vadd.f32 v1, v0  }
0x62f: {  	v6 =	vld.idx.msk [tilespmem:v6+s4+$0x0], $0xffff;
	[tilespmem:s10+$0xA0] =	vst v7;
	v2 =	vadd.f32 v2, v0  }
0x630: {  	v7 =	vld [tilespmem:s9+$0xB0];
	[tilespmem:s7+$0x50] =	vst v1  }
0x631: {  	[tilespmem:s7+$0xFFFFFF50] =	vst v2;
	v1 =	vld [tilespmem:s11+$0x60]  }
0x632: {  	v8 =	vadd.f32 v8, v0;
	v2 =	vld [tilespmem:s11+$0xFFFFFF60]  }
0x633: {  	v5 =	vadd.f32 v5, v0;
	v3 =	vld.idx.msk [tilespmem:v3+s4+$0x0], $0xffff  }
0x634: {  	v6 =	vadd.f32 v6, v0;
	[tilespmem:s10+$0xFFFFFFA0] =	vst v8;
	v4 =	vld.idx.msk [tilespmem:v4+s4+$0x0], $0xffff  }
0x635: {  	v9 =	vld [tilespmem:s9+$0xFFFFFFB0];
	[tilespmem:s10+$0x20] =	vst v5  }
0x636: {  	[tilespmem:s10+$0xFFFFFF20] =	vst v6;
	v5 =	vld [tilespmem:s9+$0x30]  }
0x637: {  	v10 =	vld [tilespmem:s9+$0xFFFFFF30]  }
0x638: {  	v3 =	vadd.f32 v3, v0  }
0x639: {  	v1 =	vld.idx.msk [tilespmem:v1+s4+$0x0], $0xffff;
	v4 =	vadd.f32 v4, v0  }
0x63a: {  	v2 =	vld.idx.msk [tilespmem:v2+s4+$0x0], $0xffff;
	[tilespmem:s7+$0xE0] =	vst v3  }
0x63b: {  	[tilespmem:s7+$0xFFFFFFE0] =	vst v4;
	v4 =	vld [tilespmem:s11+$0xF0]  }
0x63c: {  	v8 =	vld.idx.msk [tilespmem:v7+s4+$0x0], $0xffff  }
0x63d: {  	v6 =	vld.idx.msk [tilespmem:v9+s4+$0x0], $0xffff  }
0x63e: {  	v5 =	vld.idx.msk [tilespmem:v5+s4+$0x0], $0xffff;
	v1 =	vadd.f32 v1, v0  }
0x63f: {  	v7 =	vld.idx.msk [tilespmem:v10+s4+$0x0], $0xffff;
	v3 =	vadd.f32 v2, v0  }
0x640: {  	v2 =	vld [tilespmem:s11+$0xFFFFFFF0];
	[tilespmem:s7+$0x60] =	vst v1  }
0x641: {  	[tilespmem:s7+$0xFFFFFF60] =	vst v3;
	v1 =	vld [tilespmem:s11+$0x70]  }
0x642: {  	v3 =	vld [tilespmem:s11+$0xFFFFFF70]  }
0x643: {  	s12 =	simm.s32 $0x4;
	s13 =	simm.s32 $0x18BA0;
	s11 =	simm.s32 $0x199A0;
	v4 =	vld.idx.msk [tilespmem:v4+s4+$0x0], $0xffff  }
.LBB2_21:
0x644: {  	v9 =	vld [tilespmem:s13+$0x80];
	s12 =	sadd.s32 $0x4, s12  }
0x645: {  	v8 =	vadd.f32 v8, v0;
	v10 =	vld [tilespmem:s13+$0xFFFFFF80];
	p1 =	slt.u32 s12, $0x1C  }
0x646: {  	v6 =	vadd.f32 v6, v0;
	v11 =	vld [tilespmem:s13+$0x0]  }
0x647: {  	v5 =	vadd.f32 v5, v0;
	v12 =	vld [tilespmem:s13+$0xFFFFFF00];
	[tilespmem:s10+$0xB0] =	vst v8  }
0x648: {  	v7 =	vadd.f32 v7, v0;
	[tilespmem:s10+$0xFFFFFFB0] =	vst v6;
	v6 =	vld [tilespmem:s9+$0xC0]  }
0x649: {  	v4 =	vadd.f32 v4, v0;
	v8 =	vld [tilespmem:s9+$0xFFFFFFC0];
	[tilespmem:s10+$0x30] =	vst v5  }
0x64a: {  	[tilespmem:s10+$0xFFFFFF30] =	vst v7;
	v5 =	vld [tilespmem:s9+$0x40]  }
0x64b: {  	v7 =	vld [tilespmem:s9+$0xFFFFFF40];
	[tilespmem:s7+$0xF0] =	vst v4  }
0x64c: {  	v4 =	vld.idx.msk [tilespmem:v9+s4+$0x0], $0xffff  }
0x64d: {  	v9 =	vld.idx.msk [tilespmem:v10+s4+$0x0], $0xffff  }
0x64e: {  	v10 =	vld.idx.msk [tilespmem:v11+s4+$0x0], $0xffff  }
0x64f: {  	v11 =	vld.idx.msk [tilespmem:v12+s4+$0x0], $0xffff  }
0x650: {  	v6 =	vld.idx.msk [tilespmem:v6+s4+$0x0], $0xffff  }
0x651: {  	v8 =	vld.idx.msk [tilespmem:v8+s4+$0x0], $0xffff  }
0x652: {  	v4 =	vadd.f32 v4, v0;
	v5 =	vld.idx.msk [tilespmem:v5+s4+$0x0], $0xffff  }
0x653: {  	s10 =	sadd.s32 $0x200, s10;
	v9 =	vadd.f32 v9, v0;
	v7 =	vld.idx.msk [tilespmem:v7+s4+$0x0], $0xffff  }
0x654: {  	v10 =	vadd.f32 v10, v0;
	[tilespmem:s10+$0x80] =	vst v4;
	v3 =	vld.idx.msk [tilespmem:v3+s4+$0x0], $0xffff  }
0x655: {  	v4 =	vadd.f32 v11, v0;
	[tilespmem:s10+$0xFFFFFF80] =	vst v9;
	v9 =	vld [tilespmem:s13+$0x90]  }
0x656: {  	v6 =	vadd.f32 v6, v0;
	v11 =	vld [tilespmem:s13+$0xFFFFFF90];
	[tilespmem:s10+$0x0] =	vst v10  }
0x657: {  	v8 =	vadd.f32 v8, v0;
	[tilespmem:s10+$0xFFFFFF00] =	vst v4;
	v4 =	vld [tilespmem:s13+$0x10]  }
0x658: {  	v5 =	vadd.f32 v5, v0;
	v10 =	vld [tilespmem:s13+$0xFFFFFF10];
	[tilespmem:s11+$0xC0] =	vst v6  }
0x659: {  	v6 =	vadd.f32 v7, v0;
	[tilespmem:s11+$0xFFFFFFC0] =	vst v8;
	v7 =	vld [tilespmem:s9+$0xD0]  }
0x65a: {  	v3 =	vadd.f32 v3, v0;
	v8 =	vld [tilespmem:s9+$0xFFFFFFD0];
	[tilespmem:s11+$0x40] =	vst v5  }
0x65b: {  	[tilespmem:s11+$0xFFFFFF40] =	vst v6;
	v5 =	vld [tilespmem:s9+$0x50]  }
0x65c: {  	v6 =	vld [tilespmem:s9+$0xFFFFFF50];
	[tilespmem:s7+$0xFFFFFF70] =	vst v3  }
0x65d: {  	v3 =	vld.idx.msk [tilespmem:v9+s4+$0x0], $0xffff  }
0x65e: {  	v9 =	vld.idx.msk [tilespmem:v11+s4+$0x0], $0xffff  }
0x65f: {  	v4 =	vld.idx.msk [tilespmem:v4+s4+$0x0], $0xffff  }
0x660: {  	v10 =	vld.idx.msk [tilespmem:v10+s4+$0x0], $0xffff  }
0x661: {  	v7 =	vld.idx.msk [tilespmem:v7+s4+$0x0], $0xffff  }
0x662: {  	v8 =	vld.idx.msk [tilespmem:v8+s4+$0x0], $0xffff  }
0x663: {  	v3 =	vadd.f32 v3, v0;
	v5 =	vld.idx.msk [tilespmem:v5+s4+$0x0], $0xffff  }
0x664: {  	v9 =	vadd.f32 v9, v0;
	v6 =	vld.idx.msk [tilespmem:v6+s4+$0x0], $0xffff  }
0x665: {  	v4 =	vadd.f32 v4, v0;
	[tilespmem:s10+$0x90] =	vst v3;
	v2 =	vld.idx.msk [tilespmem:v2+s4+$0x0], $0xffff  }
0x666: {  	v3 =	vadd.f32 v10, v0;
	[tilespmem:s10+$0xFFFFFF90] =	vst v9;
	v9 =	vld [tilespmem:s13+$0xA0]  }
0x667: {  	v10 =	vld [tilespmem:s13+$0xFFFFFFA0];
	[tilespmem:s10+$0x10] =	vst v4;
	v4 =	vadd.f32 v7, v0  }
0x668: {  	v7 =	vadd.f32 v8, v0;
	[tilespmem:s10+$0xFFFFFF10] =	vst v3;
	v3 =	vld [tilespmem:s13+$0x20]  }
0x669: {  	v5 =	vadd.f32 v5, v0;
	v8 =	vld [tilespmem:s13+$0xFFFFFF20];
	[tilespmem:s11+$0xD0] =	vst v4  }
0x66a: {  	v4 =	vadd.f32 v6, v0;
	[tilespmem:s11+$0xFFFFFFD0] =	vst v7;
	v6 =	vld [tilespmem:s9+$0xE0]  }
0x66b: {  	v2 =	vadd.f32 v2, v0;
	v7 =	vld [tilespmem:s9+$0xFFFFFFE0];
	[tilespmem:s11+$0x50] =	vst v5  }
0x66c: {  	[tilespmem:s11+$0xFFFFFF50] =	vst v4;
	v4 =	vld [tilespmem:s9+$0x60]  }
0x66d: {  	v5 =	vld [tilespmem:s9+$0xFFFFFF60];
	[tilespmem:s7+$0xFFFFFFF0] =	vst v2  }
0x66e: {  	v2 =	vld.idx.msk [tilespmem:v9+s4+$0x0], $0xffff  }
0x66f: {  	v9 =	vld.idx.msk [tilespmem:v10+s4+$0x0], $0xffff  }
0x670: {  	v3 =	vld.idx.msk [tilespmem:v3+s4+$0x0], $0xffff  }
0x671: {  	v8 =	vld.idx.msk [tilespmem:v8+s4+$0x0], $0xffff  }
0x672: {  	v6 =	vld.idx.msk [tilespmem:v6+s4+$0x0], $0xffff  }
0x673: {  	v7 =	vld.idx.msk [tilespmem:v7+s4+$0x0], $0xffff  }
0x674: {  	v2 =	vadd.f32 v2, v0;
	v4 =	vld.idx.msk [tilespmem:v4+s4+$0x0], $0xffff  }
0x675: {  	v9 =	vadd.f32 v9, v0;
	v5 =	vld.idx.msk [tilespmem:v5+s4+$0x0], $0xffff  }
0x676: {  	v3 =	vadd.f32 v3, v0;
	[tilespmem:s10+$0xA0] =	vst v2;
	v1 =	vld.idx.msk [tilespmem:v1+s4+$0x0], $0xffff  }
0x677: {  	v2 =	vadd.f32 v8, v0;
	[tilespmem:s10+$0xFFFFFFA0] =	vst v9;
	v8 =	vld [tilespmem:s13+$0xB0]  }
0x678: {  	v9 =	vld [tilespmem:s13+$0xFFFFFFB0];
	[tilespmem:s10+$0x20] =	vst v3;
	v3 =	vadd.f32 v6, v0  }
0x679: {  	[tilespmem:s10+$0xFFFFFF20] =	vst v2;
	v10 =	vld [tilespmem:s13+$0x30];
	v2 =	vadd.f32 v7, v0  }
0x67a: {  	v4 =	vadd.f32 v4, v0;
	v7 =	vld [tilespmem:s13+$0xFFFFFF30];
	[tilespmem:s11+$0xE0] =	vst v3  }
0x67b: {  	v3 =	vadd.f32 v5, v0;
	[tilespmem:s11+$0xFFFFFFE0] =	vst v2;
	v11 =	vld [tilespmem:s9+$0xF0]  }
0x67c: {  	v2 =	vld [tilespmem:s9+$0xFFFFFFF0];
	[tilespmem:s11+$0x60] =	vst v4;
	v4 =	vadd.f32 v1, v0  }
0x67d: {  	[tilespmem:s11+$0xFFFFFF60] =	vst v3;
	v1 =	vld [tilespmem:s9+$0x70]  }
0x67e: {  	v3 =	vld [tilespmem:s9+$0xFFFFFF70];
	[tilespmem:s7+$0x70] =	vst v4;
	s7 =	smov.u32 s11;
	s11 =	smov.u32 s10;
	s9 =	smov.u32 s13  }
.Ltmp9:
0x67f: {  	v8 =	vld.idx.msk [tilespmem:v8+s4+$0x0], $0xffff;
	(pc) =	sbr.rel @p1 .LBB2_21-.Ltmp9, $4  }
0x680: {  	v6 =	vld.idx.msk [tilespmem:v9+s4+$0x0], $0xffff  }
0x681: {  	v5 =	vld.idx.msk [tilespmem:v10+s4+$0x0], $0xffff  }
0x682: {  	v7 =	vld.idx.msk [tilespmem:v7+s4+$0x0], $0xffff  }
0x683: {  	s13 =	sadd.s32 $0x200, s13;
	v4 =	vld.idx.msk [tilespmem:v11+s4+$0x0], $0xffff  }
0x684: {  	v8 =	vadd.f32 v8, v0;
	_ =	sdelay $0x1  }
0x685: {  	v6 =	vadd.f32 v6, v0;
	[tilespmem:s10+$0xB0] =	vst v8  }
0x686: {  	v7 =	vadd.f32 v7, v0;
	v8 =	vld [tilespmem:s9+$0xC0]  }
0x687: {  	v5 =	vadd.f32 v5, v0;
	[tilespmem:s10+$0xFFFFFFB0] =	vst v6  }
0x688: {  	[tilespmem:s10+$0xFFFFFF30] =	vst v7;
	v7 =	vld [tilespmem:s9+$0xFFFFFFC0]  }
0x689: {  	[tilespmem:s10+$0x30] =	vst v5;
	v6 =	vld [tilespmem:s9+$0xFFFFFF40]  }
0x68a: {  	v5 =	vld [tilespmem:s9+$0x40];
	_ =	sdelay $0x3  }
0x68b: {  	v8 =	vld.idx.msk [tilespmem:v8+s4+$0x0], $0xffff;
	_ =	sdelay $0x1  }
0x68c: {  	v7 =	vld.idx.msk [tilespmem:v7+s4+$0x0], $0xffff  }
0x68d: {  	v6 =	vld.idx.msk [tilespmem:v6+s4+$0x0], $0xffff  }
0x68e: {  	v5 =	vld.idx.msk [tilespmem:v5+s4+$0x0], $0xffff  }
0x68f: {  	v8 =	vadd.f32 v8, v0;
	_ =	sdelay $0x1  }
0x690: {  	v7 =	vadd.f32 v7, v0;
	[tilespmem:s11+$0xC0] =	vst v8  }
0x691: {  	v6 =	vadd.f32 v6, v0;
	v8 =	vld [tilespmem:s9+$0xD0]  }
0x692: {  	v5 =	vadd.f32 v5, v0;
	[tilespmem:s11+$0xFFFFFFC0] =	vst v7  }
0x693: {  	[tilespmem:s11+$0xFFFFFF40] =	vst v6;
	v7 =	vld [tilespmem:s9+$0xFFFFFFD0]  }
0x694: {  	[tilespmem:s11+$0x40] =	vst v5;
	v6 =	vld [tilespmem:s9+$0xFFFFFF50]  }
0x695: {  	v5 =	vld [tilespmem:s9+$0x50];
	_ =	sdelay $0x3  }
0x696: {  	v8 =	vld.idx.msk [tilespmem:v8+s4+$0x0], $0xffff;
	_ =	sdelay $0x1  }
0x697: {  	v7 =	vld.idx.msk [tilespmem:v7+s4+$0x0], $0xffff  }
0x698: {  	v6 =	vld.idx.msk [tilespmem:v6+s4+$0x0], $0xffff  }
0x699: {  	v5 =	vld.idx.msk [tilespmem:v5+s4+$0x0], $0xffff  }
0x69a: {  	v8 =	vadd.f32 v8, v0;
	_ =	sdelay $0x1  }
0x69b: {  	v7 =	vadd.f32 v7, v0;
	[tilespmem:s11+$0xD0] =	vst v8  }
0x69c: {  	v6 =	vadd.f32 v6, v0;
	v8 =	vld [tilespmem:s9+$0xE0]  }
0x69d: {  	v5 =	vadd.f32 v5, v0;
	[tilespmem:s11+$0xFFFFFFD0] =	vst v7  }
0x69e: {  	[tilespmem:s11+$0xFFFFFF50] =	vst v6;
	v7 =	vld [tilespmem:s9+$0xFFFFFFE0]  }
0x69f: {  	[tilespmem:s11+$0x50] =	vst v5;
	v6 =	vld [tilespmem:s9+$0xFFFFFF60]  }
0x6a0: {  	v5 =	vld [tilespmem:s9+$0x60];
	_ =	sdelay $0x3  }
0x6a1: {  	v8 =	vld.idx.msk [tilespmem:v8+s4+$0x0], $0xffff;
	_ =	sdelay $0x1  }
0x6a2: {  	v7 =	vld.idx.msk [tilespmem:v7+s4+$0x0], $0xffff  }
0x6a3: {  	v6 =	vld.idx.msk [tilespmem:v6+s4+$0x0], $0xffff  }
0x6a4: {  	v5 =	vld.idx.msk [tilespmem:v5+s4+$0x0], $0xffff  }
0x6a5: {  	v8 =	vadd.f32 v8, v0;
	_ =	sdelay $0x1  }
0x6a6: {  	v7 =	vadd.f32 v7, v0;
	[tilespmem:s11+$0xE0] =	vst v8  }
0x6a7: {  	v6 =	vadd.f32 v6, v0;
	v8 =	vld [tilespmem:s9+$0xF0]  }
0x6a8: {  	v5 =	vadd.f32 v5, v0;
	[tilespmem:s11+$0xFFFFFFE0] =	vst v7  }
0x6a9: {  	[tilespmem:s11+$0xFFFFFF60] =	vst v6;
	v7 =	vld [tilespmem:s9+$0xFFFFFFF0]  }
0x6aa: {  	[tilespmem:s11+$0x60] =	vst v5;
	v6 =	vld [tilespmem:s9+$0xFFFFFF70]  }
0x6ab: {  	v5 =	vld [tilespmem:s9+$0x70];
	_ =	sdelay $0x1  }
0x6ac: {  	v2 =	vld.idx.msk [tilespmem:v2+s4+$0x0], $0xffff  }
0x6ad: {  	v3 =	vld.idx.msk [tilespmem:v3+s4+$0x0], $0xffff  }
0x6ae: {  	v8 =	vld.idx.msk [tilespmem:v8+s4+$0x0], $0xffff  }
0x6af: {  	v1 =	vld.idx.msk [tilespmem:v1+s4+$0x0], $0xffff  }
0x6b0: {  	v4 =	vadd.f32 v4, v0;
	v7 =	vld.idx.msk [tilespmem:v7+s4+$0x0], $0xffff  }
0x6b1: {  	v2 =	vadd.f32 v2, v0;
	v6 =	vld.idx.msk [tilespmem:v6+s4+$0x0], $0xffff  }
0x6b2: {  	v3 =	vadd.f32 v3, v0;
	[tilespmem:s7+$0xF0] =	vst v4;
	v4 =	vld.idx.msk [tilespmem:v5+s4+$0x0], $0xffff  }
0x6b3: {  	[tilespmem:s7+$0xFFFFFFF0] =	vst v2;
	v2 =	vadd.f32 v8, v0  }
0x6b4: {  	v1 =	vadd.f32 v1, v0;
	[tilespmem:s7+$0xFFFFFF70] =	vst v3  }
0x6b5: {  	[tilespmem:s11+$0xF0] =	vst v2;
	v2 =	vadd.f32 v7, v0  }
0x6b6: {  	s6 =	sshll.u32 s6, $0x11;
	[tilespmem:s7+$0x70] =	vst v1;
	v1 =	vadd.f32 v6, v0  }
0x6b7: {  	s6 =	sor.u32 s18, s6;
	v0 =	vadd.f32 v4, v0;
	[tilespmem:s11+$0xFFFFFFF0] =	vst v2  }
0x6b8: {  	s6 =	sshrl.u32 s6, $0x3;
	[tilespmem:s11+$0xFFFFFF70] =	vst v1  }
0x6b9: {  	s6 =	sadd.s32 s2, s6;
	[tilespmem:s11+$0x70] =	vst v0  }
0x6ba: {  	[hbm4b:s6+s24] =	stream.strided.scatter [tilespmem:s26], [sflag:$0x1], $0x1000, s25, s24, $0x38;
	[tilespmem:$0x1E968] =	vst v63  }
0x6bb: {  	_ =	swait.ge [sflag:s30], $0x1000  }
0x6bc: {  	[sflag:s30] =	ssyncset.done $0x0  }
0x6bd: {  	s5 =	sadd.s32 $0x1000, s5;
	[sflag:s30] =	ssyncadd.s32 $0xFFFFF000  }
0x6be: {  	[tilespmem:s23], [sflag:$0x3] =	stream.linear.gather [spmem:s5], $0x1000, $0x38;
	[tilespmem:$0x1E968] =	vst v63  }
0x6bf: {  	_ =	swait.ge [sflag:s19], $0x1000  }
0x6c0: {  	[sflag:s19] =	ssyncset.done $0x0  }
0x6c1: {  	s16 =	simm.s32 $0x187A0;
	[sflag:s19] =	ssyncadd.s32 $0xFFFFF000  }
0x6c2: {  	v1 =	vld [tilespmem:s16+$0x80]  }
0x6c3: {  	s1 =	sadd.s32 $0x97, s1;
	v2 =	vld [tilespmem:s16+$0xFFFFFF80]  }
0x6c4: {  	v0 =	vmov s1  }
0x6c5: {  	v4 =	vld [tilespmem:s16+$0xFFFFFF00]  }
0x6c6: {  	v3 =	vld [tilespmem:s16+$0x0];
	_ =	sdelay $0x2  }
0x6c7: {  	v0 =	vld.idx.msk [tilespmem:v0+s20+$0x0], $0xffff  }
0x6c8: {  	v1 =	vld.idx.msk [tilespmem:v1+s4+$0x0], $0xffff  }
0x6c9: {  	v2 =	vld.idx.msk [tilespmem:v2+s4+$0x0], $0xffff;
	_ =	sdelay $0x1  }
0x6ca: {  	v4 =	vld.idx.msk [tilespmem:v4+s4+$0x0], $0xffff  }
0x6cb: {  	v3 =	vld.idx.msk [tilespmem:v3+s4+$0x0], $0xffff  }
0x6cc: {  	v1 =	vadd.f32 v1, v0  }
0x6cd: {  	s5 =	simm.s32 $0x1A890;
	v2 =	vadd.f32 v2, v0  }
0x6ce: {  	[tilespmem:s5+$0xFFFFFF90] =	vst v1  }
0x6cf: {  	v1 =	vadd.f32 v4, v0;
	[tilespmem:s5+$0xFFFFFE90] =	vst v2;
	v2 =	vld [tilespmem:s16+$0x90]  }
0x6d0: {  	v3 =	vadd.f32 v3, v0;
	v4 =	vld [tilespmem:s16+$0xFFFFFF90]  }
0x6d1: {  	[tilespmem:s5+$0xFFFFFE10] =	vst v1  }
0x6d2: {  	[tilespmem:s5+$0xFFFFFF10] =	vst v3;
	v3 =	vld [tilespmem:s16+$0xFFFFFF10];
	_ =	sdelay $0x2  }
0x6d3: {  	v1 =	vld [tilespmem:s16+$0x10];
	_ =	sdelay $0x1  }
0x6d4: {  	v2 =	vld.idx.msk [tilespmem:v2+s4+$0x0], $0xffff  }
0x6d5: {  	v4 =	vld.idx.msk [tilespmem:v4+s4+$0x0], $0xffff;
	_ =	sdelay $0x1  }
0x6d6: {  	v3 =	vld.idx.msk [tilespmem:v3+s4+$0x0], $0xffff;
	_ =	sdelay $0x1  }
0x6d7: {  	v2 =	vadd.f32 v2, v0  }
0x6d8: {  	v1 =	vld.idx.msk [tilespmem:v1+s4+$0x0], $0xffff;
	v4 =	vadd.f32 v4, v0  }
0x6d9: {  	[tilespmem:s5+$0xFFFFFFA0] =	vst v2  }
0x6da: {  	v2 =	vadd.f32 v3, v0;
	[tilespmem:s5+$0xFFFFFEA0] =	vst v4;
	v3 =	vld [tilespmem:s16+$0xA0]  }
0x6db: {  	v4 =	vld [tilespmem:s16+$0xFFFFFFA0];
	_ =	sdelay $0x1  }
0x6dc: {  	v1 =	vadd.f32 v1, v0;
	_ =	sdelay $0x1  }
0x6dd: {  	[tilespmem:s5+$0xFFFFFF20] =	vst v1  }
0x6de: {  	[tilespmem:s5+$0xFFFFFE20] =	vst v2;
	v1 =	vld [tilespmem:s16+$0x20]  }
0x6df: {  	v2 =	vld [tilespmem:s16+$0xFFFFFF20]  }
0x6e0: {  	v3 =	vld.idx.msk [tilespmem:v3+s4+$0x0], $0xffff  }
0x6e1: {  	v4 =	vld.idx.msk [tilespmem:v4+s4+$0x0], $0xffff;
	_ =	sdelay $0x3  }
0x6e2: {  	v3 =	vadd.f32 v3, v0  }
0x6e3: {  	v1 =	vld.idx.msk [tilespmem:v1+s4+$0x0], $0xffff;
	v4 =	vadd.f32 v4, v0  }
0x6e4: {  	v2 =	vld.idx.msk [tilespmem:v2+s4+$0x0], $0xffff;
	[tilespmem:s5+$0xFFFFFFB0] =	vst v3  }
0x6e5: {  	[tilespmem:s5+$0xFFFFFEB0] =	vst v4;
	v3 =	vld [tilespmem:s16+$0xB0]  }
0x6e6: {  	s6 =	simm.s32 $0x189A0;
	v4 =	vld [tilespmem:s16+$0xFFFFFFB0]  }
0x6e7: {  	v5 =	vld [tilespmem:s6+$0x80]  }
0x6e8: {  	v6 =	vld [tilespmem:s6+$0xFFFFFF80];
	v1 =	vadd.f32 v1, v0  }
0x6e9: {  	v7 =	vld [tilespmem:s6+$0x0];
	v2 =	vadd.f32 v2, v0  }
0x6ea: {  	v8 =	vld [tilespmem:s6+$0xFFFFFF00];
	[tilespmem:s5+$0xFFFFFF30] =	vst v1  }
0x6eb: {  	[tilespmem:s5+$0xFFFFFE30] =	vst v2;
	v1 =	vld [tilespmem:s16+$0x30]  }
0x6ec: {  	v2 =	vld [tilespmem:s16+$0xFFFFFF30]  }
0x6ed: {  	v3 =	vld.idx.msk [tilespmem:v3+s4+$0x0], $0xffff  }
0x6ee: {  	v4 =	vld.idx.msk [tilespmem:v4+s4+$0x0], $0xffff  }
0x6ef: {  	v5 =	vld.idx.msk [tilespmem:v5+s4+$0x0], $0xffff  }
0x6f0: {  	v6 =	vld.idx.msk [tilespmem:v6+s4+$0x0], $0xffff  }
0x6f1: {  	v7 =	vld.idx.msk [tilespmem:v7+s4+$0x0], $0xffff  }
0x6f2: {  	v8 =	vld.idx.msk [tilespmem:v8+s4+$0x0], $0xffff;
	v3 =	vadd.f32 v3, v0  }
0x6f3: {  	v1 =	vld.idx.msk [tilespmem:v1+s4+$0x0], $0xffff;
	v4 =	vadd.f32 v4, v0  }
0x6f4: {  	v5 =	vadd.f32 v5, v0;
	v2 =	vld.idx.msk [tilespmem:v2+s4+$0x0], $0xffff;
	[tilespmem:s5+$0xFFFFFFC0] =	vst v3  }
0x6f5: {  	s7 =	simm.s32 $0x1AA90;
	v6 =	vadd.f32 v6, v0;
	[tilespmem:s5+$0xFFFFFEC0] =	vst v4;
	v3 =	vld [tilespmem:s16+$0xC0]  }
0x6f6: {  	v7 =	vadd.f32 v7, v0;
	[tilespmem:s7+$0xFFFFFF90] =	vst v5;
	v4 =	vld [tilespmem:s16+$0xFFFFFFC0]  }
0x6f7: {  	v5 =	vadd.f32 v8, v0;
	[tilespmem:s7+$0xFFFFFE90] =	vst v6  }
0x6f8: {  	[tilespmem:s7+$0xFFFFFF10] =	vst v7;
	v1 =	vadd.f32 v1, v0  }
0x6f9: {  	v6 =	vld [tilespmem:s6+$0x90];
	[tilespmem:s7+$0xFFFFFE10] =	vst v5;
	v2 =	vadd.f32 v2, v0  }
0x6fa: {  	v7 =	vld [tilespmem:s6+$0xFFFFFF10];
	[tilespmem:s5+$0xFFFFFF40] =	vst v1  }
0x6fb: {  	[tilespmem:s5+$0xFFFFFE40] =	vst v2;
	v1 =	vld [tilespmem:s16+$0x40]  }
0x6fc: {  	v2 =	vld [tilespmem:s16+$0xFFFFFF40]  }
0x6fd: {  	v3 =	vld.idx.msk [tilespmem:v3+s4+$0x0], $0xffff  }
0x6fe: {  	v4 =	vld.idx.msk [tilespmem:v4+s4+$0x0], $0xffff  }
0x6ff: {  	v8 =	vld [tilespmem:s6+$0xFFFFFF90]  }
0x700: {  	v5 =	vld [tilespmem:s6+$0x10]  }
0x701: {  	v6 =	vld.idx.msk [tilespmem:v6+s4+$0x0], $0xffff  }
0x702: {  	v7 =	vld.idx.msk [tilespmem:v7+s4+$0x0], $0xffff;
	v3 =	vadd.f32 v3, v0  }
0x703: {  	v1 =	vld.idx.msk [tilespmem:v1+s4+$0x0], $0xffff;
	v4 =	vadd.f32 v4, v0  }
0x704: {  	v2 =	vld.idx.msk [tilespmem:v2+s4+$0x0], $0xffff;
	[tilespmem:s5+$0xFFFFFFD0] =	vst v3  }
0x705: {  	[tilespmem:s5+$0xFFFFFED0] =	vst v4;
	v3 =	vld [tilespmem:s16+$0xD0]  }
0x706: {  	v4 =	vld [tilespmem:s16+$0xFFFFFFD0]  }
0x707: {  	v8 =	vld.idx.msk [tilespmem:v8+s4+$0x0], $0xffff;
	v6 =	vadd.f32 v6, v0  }
0x708: {  	v5 =	vld.idx.msk [tilespmem:v5+s4+$0x0], $0xffff;
	v1 =	vadd.f32 v1, v0  }
0x709: {  	[tilespmem:s7+$0xFFFFFFA0] =	vst v6;
	v2 =	vadd.f32 v2, v0  }
0x70a: {  	v6 =	vadd.f32 v7, v0;
	v7 =	vld [tilespmem:s6+$0xA0];
	[tilespmem:s5+$0xFFFFFF50] =	vst v1  }
0x70b: {  	[tilespmem:s5+$0xFFFFFE50] =	vst v2;
	v1 =	vld [tilespmem:s16+$0x50]  }
0x70c: {  	v8 =	vadd.f32 v8, v0;
	v2 =	vld [tilespmem:s16+$0xFFFFFF50]  }
0x70d: {  	v5 =	vadd.f32 v5, v0;
	v3 =	vld.idx.msk [tilespmem:v3+s4+$0x0], $0xffff  }
0x70e: {  	[tilespmem:s7+$0xFFFFFEA0] =	vst v8;
	v4 =	vld.idx.msk [tilespmem:v4+s4+$0x0], $0xffff  }
0x70f: {  	v8 =	vld [tilespmem:s6+$0xFFFFFFA0];
	[tilespmem:s7+$0xFFFFFF20] =	vst v5  }
0x710: {  	[tilespmem:s7+$0xFFFFFE20] =	vst v6;
	v5 =	vld [tilespmem:s6+$0x20]  }
0x711: {  	v6 =	vld [tilespmem:s6+$0xFFFFFF20]  }
0x712: {  	v7 =	vld.idx.msk [tilespmem:v7+s4+$0x0], $0xffff;
	v3 =	vadd.f32 v3, v0  }
0x713: {  	v1 =	vld.idx.msk [tilespmem:v1+s4+$0x0], $0xffff;
	v4 =	vadd.f32 v4, v0  }
0x714: {  	v2 =	vld.idx.msk [tilespmem:v2+s4+$0x0], $0xffff;
	[tilespmem:s5+$0xFFFFFFE0] =	vst v3  }
0x715: {  	[tilespmem:s5+$0xFFFFFEE0] =	vst v4;
	v3 =	vld [tilespmem:s16+$0xE0]  }
0x716: {  	v4 =	vld [tilespmem:s16+$0xFFFFFFE0]  }
0x717: {  	v8 =	vld.idx.msk [tilespmem:v8+s4+$0x0], $0xffff;
	v7 =	vadd.f32 v7, v0  }
0x718: {  	v5 =	vld.idx.msk [tilespmem:v5+s4+$0x0], $0xffff;
	v1 =	vadd.f32 v1, v0  }
0x719: {  	v6 =	vld.idx.msk [tilespmem:v6+s4+$0x0], $0xffff;
	[tilespmem:s7+$0xFFFFFFB0] =	vst v7;
	v2 =	vadd.f32 v2, v0  }
0x71a: {  	v7 =	vld [tilespmem:s6+$0xB0];
	[tilespmem:s5+$0xFFFFFF60] =	vst v1  }
0x71b: {  	[tilespmem:s5+$0xFFFFFE60] =	vst v2;
	v1 =	vld [tilespmem:s16+$0x60]  }
0x71c: {  	v8 =	vadd.f32 v8, v0;
	v2 =	vld [tilespmem:s16+$0xFFFFFF60]  }
0x71d: {  	v5 =	vadd.f32 v5, v0;
	v3 =	vld.idx.msk [tilespmem:v3+s4+$0x0], $0xffff  }
0x71e: {  	v6 =	vadd.f32 v6, v0;
	[tilespmem:s7+$0xFFFFFEB0] =	vst v8;
	v4 =	vld.idx.msk [tilespmem:v4+s4+$0x0], $0xffff  }
0x71f: {  	v9 =	vld [tilespmem:s6+$0xFFFFFFB0];
	[tilespmem:s7+$0xFFFFFF30] =	vst v5  }
0x720: {  	[tilespmem:s7+$0xFFFFFE30] =	vst v6;
	v5 =	vld [tilespmem:s6+$0x30]  }
0x721: {  	v10 =	vld [tilespmem:s6+$0xFFFFFF30]  }
0x722: {  	v3 =	vadd.f32 v3, v0  }
0x723: {  	v1 =	vld.idx.msk [tilespmem:v1+s4+$0x0], $0xffff;
	v4 =	vadd.f32 v4, v0  }
0x724: {  	v2 =	vld.idx.msk [tilespmem:v2+s4+$0x0], $0xffff;
	[tilespmem:s5+$0xFFFFFFF0] =	vst v3  }
0x725: {  	[tilespmem:s5+$0xFFFFFEF0] =	vst v4;
	v4 =	vld [tilespmem:s16+$0xF0]  }
0x726: {  	v8 =	vld.idx.msk [tilespmem:v7+s4+$0x0], $0xffff  }
0x727: {  	v6 =	vld.idx.msk [tilespmem:v9+s4+$0x0], $0xffff  }
0x728: {  	v5 =	vld.idx.msk [tilespmem:v5+s4+$0x0], $0xffff;
	v1 =	vadd.f32 v1, v0  }
0x729: {  	v7 =	vld.idx.msk [tilespmem:v10+s4+$0x0], $0xffff;
	v3 =	vadd.f32 v2, v0  }
0x72a: {  	v2 =	vld [tilespmem:s16+$0xFFFFFFF0];
	[tilespmem:s5+$0xFFFFFF70] =	vst v1  }
0x72b: {  	[tilespmem:s5+$0xFFFFFE70] =	vst v3;
	v1 =	vld [tilespmem:s16+$0x70]  }
0x72c: {  	v3 =	vld [tilespmem:s16+$0xFFFFFF70]  }
0x72d: {  	s10 =	simm.s32 $0x4;
	s9 =	simm.s32 $0x1AA90;
	s11 =	simm.s32 $0x18BA0;
	v4 =	vld.idx.msk [tilespmem:v4+s4+$0x0], $0xffff  }
.LBB2_23:
0x72e: {  	v9 =	vld [tilespmem:s11+$0x80];
	s10 =	sadd.s32 $0x4, s10  }
0x72f: {  	v8 =	vadd.f32 v8, v0;
	v10 =	vld [tilespmem:s11+$0xFFFFFF80];
	p1 =	slt.u32 s10, $0x1C  }
0x730: {  	v6 =	vadd.f32 v6, v0;
	v11 =	vld [tilespmem:s11+$0x0]  }
0x731: {  	v5 =	vadd.f32 v5, v0;
	v12 =	vld [tilespmem:s11+$0xFFFFFF00];
	[tilespmem:s7+$0xFFFFFFC0] =	vst v8  }
0x732: {  	v7 =	vadd.f32 v7, v0;
	[tilespmem:s7+$0xFFFFFEC0] =	vst v6;
	v6 =	vld [tilespmem:s6+$0xC0]  }
0x733: {  	v4 =	vadd.f32 v4, v0;
	v8 =	vld [tilespmem:s6+$0xFFFFFFC0];
	[tilespmem:s7+$0xFFFFFF40] =	vst v5  }
0x734: {  	[tilespmem:s7+$0xFFFFFE40] =	vst v7;
	v5 =	vld [tilespmem:s6+$0x40]  }
0x735: {  	v7 =	vld [tilespmem:s6+$0xFFFFFF40];
	[tilespmem:s5+$0x0] =	vst v4  }
0x736: {  	v4 =	vld.idx.msk [tilespmem:v9+s4+$0x0], $0xffff  }
0x737: {  	v9 =	vld.idx.msk [tilespmem:v10+s4+$0x0], $0xffff  }
0x738: {  	v10 =	vld.idx.msk [tilespmem:v11+s4+$0x0], $0xffff  }
0x739: {  	v11 =	vld.idx.msk [tilespmem:v12+s4+$0x0], $0xffff  }
0x73a: {  	v6 =	vld.idx.msk [tilespmem:v6+s4+$0x0], $0xffff  }
0x73b: {  	v8 =	vld.idx.msk [tilespmem:v8+s4+$0x0], $0xffff  }
0x73c: {  	v4 =	vadd.f32 v4, v0;
	v5 =	vld.idx.msk [tilespmem:v5+s4+$0x0], $0xffff  }
0x73d: {  	s7 =	sadd.s32 $0x200, s7;
	v9 =	vadd.f32 v9, v0;
	v7 =	vld.idx.msk [tilespmem:v7+s4+$0x0], $0xffff  }
0x73e: {  	v10 =	vadd.f32 v10, v0;
	[tilespmem:s7+$0xFFFFFF90] =	vst v4;
	v3 =	vld.idx.msk [tilespmem:v3+s4+$0x0], $0xffff  }
0x73f: {  	v4 =	vadd.f32 v11, v0;
	[tilespmem:s7+$0xFFFFFE90] =	vst v9;
	v9 =	vld [tilespmem:s11+$0x90]  }
0x740: {  	v6 =	vadd.f32 v6, v0;
	v11 =	vld [tilespmem:s11+$0xFFFFFF90];
	[tilespmem:s7+$0xFFFFFF10] =	vst v10  }
0x741: {  	v8 =	vadd.f32 v8, v0;
	[tilespmem:s7+$0xFFFFFE10] =	vst v4;
	v4 =	vld [tilespmem:s11+$0x10]  }
0x742: {  	v5 =	vadd.f32 v5, v0;
	v10 =	vld [tilespmem:s11+$0xFFFFFF10];
	[tilespmem:s9+$0xFFFFFFD0] =	vst v6  }
0x743: {  	v6 =	vadd.f32 v7, v0;
	[tilespmem:s9+$0xFFFFFED0] =	vst v8;
	v7 =	vld [tilespmem:s6+$0xD0]  }
0x744: {  	v3 =	vadd.f32 v3, v0;
	v8 =	vld [tilespmem:s6+$0xFFFFFFD0];
	[tilespmem:s9+$0xFFFFFF50] =	vst v5  }
0x745: {  	[tilespmem:s9+$0xFFFFFE50] =	vst v6;
	v5 =	vld [tilespmem:s6+$0x50]  }
0x746: {  	v6 =	vld [tilespmem:s6+$0xFFFFFF50];
	[tilespmem:s5+$0xFFFFFE80] =	vst v3  }
0x747: {  	v3 =	vld.idx.msk [tilespmem:v9+s4+$0x0], $0xffff  }
0x748: {  	v9 =	vld.idx.msk [tilespmem:v11+s4+$0x0], $0xffff  }
0x749: {  	v4 =	vld.idx.msk [tilespmem:v4+s4+$0x0], $0xffff  }
0x74a: {  	v10 =	vld.idx.msk [tilespmem:v10+s4+$0x0], $0xffff  }
0x74b: {  	v7 =	vld.idx.msk [tilespmem:v7+s4+$0x0], $0xffff  }
0x74c: {  	v8 =	vld.idx.msk [tilespmem:v8+s4+$0x0], $0xffff  }
0x74d: {  	v3 =	vadd.f32 v3, v0;
	v5 =	vld.idx.msk [tilespmem:v5+s4+$0x0], $0xffff  }
0x74e: {  	v9 =	vadd.f32 v9, v0;
	v6 =	vld.idx.msk [tilespmem:v6+s4+$0x0], $0xffff  }
0x74f: {  	v4 =	vadd.f32 v4, v0;
	[tilespmem:s7+$0xFFFFFFA0] =	vst v3;
	v2 =	vld.idx.msk [tilespmem:v2+s4+$0x0], $0xffff  }
0x750: {  	v3 =	vadd.f32 v10, v0;
	[tilespmem:s7+$0xFFFFFEA0] =	vst v9;
	v9 =	vld [tilespmem:s11+$0xA0]  }
0x751: {  	v10 =	vld [tilespmem:s11+$0xFFFFFFA0];
	[tilespmem:s7+$0xFFFFFF20] =	vst v4;
	v4 =	vadd.f32 v7, v0  }
0x752: {  	v7 =	vadd.f32 v8, v0;
	[tilespmem:s7+$0xFFFFFE20] =	vst v3;
	v3 =	vld [tilespmem:s11+$0x20]  }
0x753: {  	v5 =	vadd.f32 v5, v0;
	v8 =	vld [tilespmem:s11+$0xFFFFFF20];
	[tilespmem:s9+$0xFFFFFFE0] =	vst v4  }
0x754: {  	v4 =	vadd.f32 v6, v0;
	[tilespmem:s9+$0xFFFFFEE0] =	vst v7;
	v6 =	vld [tilespmem:s6+$0xE0]  }
0x755: {  	v2 =	vadd.f32 v2, v0;
	v7 =	vld [tilespmem:s6+$0xFFFFFFE0];
	[tilespmem:s9+$0xFFFFFF60] =	vst v5  }
0x756: {  	[tilespmem:s9+$0xFFFFFE60] =	vst v4;
	v4 =	vld [tilespmem:s6+$0x60]  }
0x757: {  	v5 =	vld [tilespmem:s6+$0xFFFFFF60];
	[tilespmem:s5+$0xFFFFFF00] =	vst v2  }
0x758: {  	v2 =	vld.idx.msk [tilespmem:v9+s4+$0x0], $0xffff  }
0x759: {  	v9 =	vld.idx.msk [tilespmem:v10+s4+$0x0], $0xffff  }
0x75a: {  	v3 =	vld.idx.msk [tilespmem:v3+s4+$0x0], $0xffff  }
0x75b: {  	v8 =	vld.idx.msk [tilespmem:v8+s4+$0x0], $0xffff  }
0x75c: {  	v6 =	vld.idx.msk [tilespmem:v6+s4+$0x0], $0xffff  }
0x75d: {  	v7 =	vld.idx.msk [tilespmem:v7+s4+$0x0], $0xffff  }
0x75e: {  	v2 =	vadd.f32 v2, v0;
	v4 =	vld.idx.msk [tilespmem:v4+s4+$0x0], $0xffff  }
0x75f: {  	v9 =	vadd.f32 v9, v0;
	v5 =	vld.idx.msk [tilespmem:v5+s4+$0x0], $0xffff  }
0x760: {  	v3 =	vadd.f32 v3, v0;
	[tilespmem:s7+$0xFFFFFFB0] =	vst v2;
	v1 =	vld.idx.msk [tilespmem:v1+s4+$0x0], $0xffff  }
0x761: {  	v2 =	vadd.f32 v8, v0;
	[tilespmem:s7+$0xFFFFFEB0] =	vst v9;
	v8 =	vld [tilespmem:s11+$0xB0]  }
0x762: {  	v9 =	vld [tilespmem:s11+$0xFFFFFFB0];
	[tilespmem:s7+$0xFFFFFF30] =	vst v3;
	v3 =	vadd.f32 v6, v0  }
0x763: {  	[tilespmem:s7+$0xFFFFFE30] =	vst v2;
	v10 =	vld [tilespmem:s11+$0x30];
	v2 =	vadd.f32 v7, v0  }
0x764: {  	v4 =	vadd.f32 v4, v0;
	v7 =	vld [tilespmem:s11+$0xFFFFFF30];
	[tilespmem:s9+$0xFFFFFFF0] =	vst v3  }
0x765: {  	v3 =	vadd.f32 v5, v0;
	[tilespmem:s9+$0xFFFFFEF0] =	vst v2;
	v11 =	vld [tilespmem:s6+$0xF0]  }
0x766: {  	v2 =	vld [tilespmem:s6+$0xFFFFFFF0];
	[tilespmem:s9+$0xFFFFFF70] =	vst v4;
	v4 =	vadd.f32 v1, v0  }
0x767: {  	[tilespmem:s9+$0xFFFFFE70] =	vst v3;
	v1 =	vld [tilespmem:s6+$0x70]  }
0x768: {  	v3 =	vld [tilespmem:s6+$0xFFFFFF70];
	[tilespmem:s5+$0xFFFFFF80] =	vst v4;
	s5 =	smov.u32 s9;
	s9 =	smov.u32 s7;
	s6 =	smov.u32 s11  }
.Ltmp10:
0x769: {  	v8 =	vld.idx.msk [tilespmem:v8+s4+$0x0], $0xffff;
	(pc) =	sbr.rel @p1 .LBB2_23-.Ltmp10, $4  }
0x76a: {  	v6 =	vld.idx.msk [tilespmem:v9+s4+$0x0], $0xffff  }
0x76b: {  	v5 =	vld.idx.msk [tilespmem:v10+s4+$0x0], $0xffff  }
0x76c: {  	v7 =	vld.idx.msk [tilespmem:v7+s4+$0x0], $0xffff  }
0x76d: {  	s11 =	sadd.s32 $0x200, s11;
	v4 =	vld.idx.msk [tilespmem:v11+s4+$0x0], $0xffff  }
0x76e: {  	v8 =	vadd.f32 v8, v0  }
0x76f: {  	v6 =	vadd.f32 v6, v0  }
0x770: {  	[tilespmem:s7+$0xFFFFFFC0] =	vst v8;
	v5 =	vadd.f32 v5, v0  }
0x771: {  	v7 =	vadd.f32 v7, v0;
	v8 =	vld [tilespmem:s6+$0xC0];
	[tilespmem:s7+$0xFFFFFEC0] =	vst v6  }
0x772: {  	v58 =	vld [tilespmem:s6+$0xFFFFFFC0];
	[tilespmem:s7+$0xFFFFFF40] =	vst v5  }
0x773: {  	[tilespmem:s7+$0xFFFFFE40] =	vst v7;
	v5 =	vld [tilespmem:s6+$0x40]  }
0x774: {  	v57 =	vld [tilespmem:s6+$0xFFFFFF40];
	_ =	sdelay $0x4  }
0x775: {  	v8 =	vld.idx.msk [tilespmem:v8+s4+$0x0], $0xffff  }
0x776: {  	v7 =	vld.idx.msk [tilespmem:v58+s4+$0x0], $0xffff  }
0x777: {  	v5 =	vld.idx.msk [tilespmem:v5+s4+$0x0], $0xffff  }
0x778: {  	v6 =	vld.idx.msk [tilespmem:v57+s4+$0x0], $0xffff;
	_ =	sdelay $0x1  }
0x779: {  	v8 =	vadd.f32 v8, v0  }
0x77a: {  	v7 =	vadd.f32 v7, v0  }
0x77b: {  	[tilespmem:s9+$0xFFFFFFD0] =	vst v8;
	v5 =	vadd.f32 v5, v0  }
0x77c: {  	v6 =	vadd.f32 v6, v0;
	v8 =	vld [tilespmem:s6+$0xD0];
	[tilespmem:s9+$0xFFFFFED0] =	vst v7  }
0x77d: {  	v7 =	vld [tilespmem:s6+$0xFFFFFFD0];
	[tilespmem:s9+$0xFFFFFF50] =	vst v5  }
0x77e: {  	[tilespmem:s9+$0xFFFFFE50] =	vst v6;
	v5 =	vld [tilespmem:s6+$0x50]  }
0x77f: {  	v6 =	vld [tilespmem:s6+$0xFFFFFF50];
	_ =	sdelay $0x4  }
0x780: {  	v8 =	vld.idx.msk [tilespmem:v8+s4+$0x0], $0xffff  }
0x781: {  	v7 =	vld.idx.msk [tilespmem:v7+s4+$0x0], $0xffff  }
0x782: {  	v5 =	vld.idx.msk [tilespmem:v5+s4+$0x0], $0xffff  }
0x783: {  	v6 =	vld.idx.msk [tilespmem:v6+s4+$0x0], $0xffff;
	_ =	sdelay $0x1  }
0x784: {  	v8 =	vadd.f32 v8, v0  }
0x785: {  	v7 =	vadd.f32 v7, v0  }
0x786: {  	[tilespmem:s9+$0xFFFFFFE0] =	vst v8;
	v5 =	vadd.f32 v5, v0  }
0x787: {  	v6 =	vadd.f32 v6, v0;
	v8 =	vld [tilespmem:s6+$0xE0];
	[tilespmem:s9+$0xFFFFFEE0] =	vst v7  }
0x788: {  	v7 =	vld [tilespmem:s6+$0xFFFFFFE0];
	[tilespmem:s9+$0xFFFFFF60] =	vst v5  }
0x789: {  	[tilespmem:s9+$0xFFFFFE60] =	vst v6;
	v5 =	vld [tilespmem:s6+$0x60]  }
0x78a: {  	v6 =	vld [tilespmem:s6+$0xFFFFFF60];
	_ =	sdelay $0x4  }
0x78b: {  	v8 =	vld.idx.msk [tilespmem:v8+s4+$0x0], $0xffff  }
0x78c: {  	v7 =	vld.idx.msk [tilespmem:v7+s4+$0x0], $0xffff  }
0x78d: {  	v5 =	vld.idx.msk [tilespmem:v5+s4+$0x0], $0xffff  }
0x78e: {  	v6 =	vld.idx.msk [tilespmem:v6+s4+$0x0], $0xffff;
	_ =	sdelay $0x1  }
0x78f: {  	v8 =	vadd.f32 v8, v0  }
0x790: {  	v7 =	vadd.f32 v7, v0  }
0x791: {  	[tilespmem:s9+$0xFFFFFFF0] =	vst v8;
	v5 =	vadd.f32 v5, v0  }
0x792: {  	v6 =	vadd.f32 v6, v0;
	v8 =	vld [tilespmem:s6+$0xF0];
	[tilespmem:s9+$0xFFFFFEF0] =	vst v7  }
0x793: {  	v7 =	vld [tilespmem:s6+$0xFFFFFFF0];
	[tilespmem:s9+$0xFFFFFF70] =	vst v5  }
0x794: {  	[tilespmem:s9+$0xFFFFFE70] =	vst v6;
	v5 =	vld [tilespmem:s6+$0x70]  }
0x795: {  	v6 =	vld [tilespmem:s6+$0xFFFFFF70];
	_ =	sdelay $0x1  }
0x796: {  	v3 =	vld.idx.msk [tilespmem:v3+s4+$0x0], $0xffff  }
0x797: {  	v2 =	vld.idx.msk [tilespmem:v2+s4+$0x0], $0xffff  }
0x798: {  	v1 =	vld.idx.msk [tilespmem:v1+s4+$0x0], $0xffff  }
0x799: {  	v8 =	vld.idx.msk [tilespmem:v8+s4+$0x0], $0xffff  }
0x79a: {  	v4 =	vadd.f32 v4, v0;
	v7 =	vld.idx.msk [tilespmem:v7+s4+$0x0], $0xffff  }
0x79b: {  	v3 =	vadd.f32 v3, v0;
	v59 =	vld.idx.msk [tilespmem:v5+s4+$0x0], $0xffff  }
0x79c: {  	v2 =	vadd.f32 v2, v0;
	[tilespmem:s5+$0x0] =	vst v4;
	v6 =	vld.idx.msk [tilespmem:v6+s4+$0x0], $0xffff  }
0x79d: {  	v1 =	vadd.f32 v1, v0;
	[tilespmem:s5+$0xFFFFFE80] =	vst v3  }
0x79e: {  	s0 =	sadd.s32 $0x1, s0;
	[tilespmem:s5+$0xFFFFFF00] =	vst v2;
	v60 =	vadd.f32 v8, v0  }
0x79f: {  	p1 =	sne.s32 s0, $0x19;
	[tilespmem:s5+$0xFFFFFF80] =	vst v1;
	v62 =	vadd.f32 v7, v0  }
.Ltmp11:
0x7a0: {  	s1 =	sshll.u32 s1, $0x11;
	[tilespmem:s9+$0x0] =	vst v60;
	v63 =	vadd.f32 v59, v0;
	(pc) =	sbr.rel @p1 .LBB2_20-.Ltmp11, $4  }
0x7a1: {  	s1 =	sor.u32 s18, s1;
	v61 =	vadd.f32 v6, v0;
	[tilespmem:s9+$0xFFFFFF00] =	vst v62  }
0x7a2: {  	s1 =	sshrl.u32 s1, $0x3;
	[tilespmem:s9+$0xFFFFFF80] =	vst v63  }
0x7a3: {  	s1 =	sadd.s32 s2, s1;
	[tilespmem:s9+$0xFFFFFE80] =	vst v61  }
0x7a4: {  	[hbm4b:s1+s24] =	stream.strided.scatter [tilespmem:s28], [sflag:$0x2], $0x1000, s25, s24, $0x38;
	[tilespmem:$0x1E968] =	vst v63  }
0x7a5: {  	[bflag:$0x0] =	sbarrier.arrive $0xFFFF;
	s31 =	sadd.s32 $0x1, s31  }
0x7a6: {  	_ =	swait.ge [sflag:s29], $0x1000;
	p1 =	sne.s32 s31, s17  }
.Ltmp12:
0x7a7: {  	[sflag:s29] =	ssyncset.done $0x0;
	(pc) =	sbr.rel @p1 .LBB2_1-.Ltmp12, $4  }
0x7a8: {  	[sflag:s29] =	ssyncadd.s32 $0xFFFFF000  }
0x7a9: {  	_ =	swait.ge [sflag:s30], $0x1000  }
0x7aa: {  	[sflag:s30] =	ssyncset.done $0x0  }
0x7ab: {  	[sflag:s30] =	ssyncadd.s32 $0xFFFFF000  }
0x7ac: {  	_ =	sfence.sel $0x180000  }
0x7ad: {  	[bflag:$0x0] =	sbarrier.arrive $0xFFFF  }
0x7ae: {  	_ =	strace $0x90000047  }
0x7af: {  	s0 =	stileid.u32;
	[bflag:$0x2] =	sbarrier.arrive $0xFFFF  }
0x7b0: {  	p0 =	sne.s32 s0, $0x0;
	s0 =	rddreg [dreg:$0x3]  }
0x7b1: {  	s0 =	sadd.s32 @!p0 $0x100000, s0  }
0x7b2: {  	[sflag:s0] =	ssyncadd.tile.s32 @!p0 $0x1;
	_ =	shalt  }
.Lfunc_end2:
_tile_overlayer_lowered:
.L_overlay_start_2:
0x7b3: {  	(tag) =	ssettag $0x2  }
0x7b4: {  	s0 =	rddreg [dreg:$0x0];
	s2 =	stileid.u32  }
0x7b5: {  	s1 =	rddreg [dreg:$0x1];
	p0 =	sne.s32 s2, $0x0  }
0x7b6: {  	s3 =	rddreg [dreg:$0x2];
	[bflag:$0x3] =	sbarrier.arrive $0xFFFF;
	s2 =	simm.s32 @!p0 $0x1C03  }
0x7b7: {  	[timem:s3], [sflag:s2] =	dma.local @!p0 [hbm:s0], s1  }
0x7b8: {  	s0 =	simm.s32 @!p0 $0x3  }
0x7b9: {  	_ =	swait.ge @!p0 [sflag:s0], s1  }
0x7ba: {  	s1 =	ssub.s32 @!p0 $0x0, s1;
	[sflag:s0] =	ssyncset.done @!p0 $0x0  }
0x7bb: {  	[sflag:s0] =	ssyncadd.s32 @!p0 s1  }
0x7bc: {  	[bflag:$0x3] =	sbarrier.arrive $0xFFFF  }
0x7bd: {  	_ =	shalt  }

</sc_bundles>
